<compile_context>
chip_gen: v7x
topology: tpu7x:2x2x1
jax: 0.10.2.dev20260603
libtpu: 0.0.44.dev20260713+nightly
codegen_flags: <defaults>
</compile_context>

<pallas_src>
import jax
import jax.numpy as jnp
from jax import lax
from jax.experimental import pallas as pl
from jax.experimental.pallas import tpu as pltpu
from jax.experimental.pallas import tpu_sc as plsc

R = 128
N = 10000
E = 320000
NC = 2
NS = 16
L = 16
RB = 8
EH = E // NC
CH = 1280
NCH = EH // CH


def _body(mp_hbm, idx_hbm, out_hbm,
          rows, ipkA, ipkB, obA, obB,
          isemA, isemB, osemA, osemB):
    grp = lax.axis_index("s")
    half = lax.axis_index("c")
    r0 = pl.multiple_of(grp * RB, 8)
    ebase = pl.multiple_of(half * EH, 128)

    for r in range(RB):
        pltpu.sync_copy(mp_hbm.at[pl.ds((r0 + r) * N, N)],
                        rows.at[pl.ds(r * N, N)])

    def compute_chunk(ipk, ob):
        @plsc.parallel_loop(0, CH, step=L, unroll=2)
        def vec_body(s):
            iv = ipk[pl.ds(s, L)]
            ia = iv & 0xFFFF
            ib = lax.shift_right_logical(iv, 16)
            for r in range(RB):
                row = rows.at[pl.ds(r * N, N)]
                w1 = plsc.load_gather(row, [ia])
                w2 = plsc.load_gather(row, [ib])
                m1 = plsc.bitcast(w1, jnp.float32)
                p1 = plsc.bitcast(lax.shift_left(w1, 16), jnp.float32)
                m2 = plsc.bitcast(w2, jnp.float32)
                p2 = plsc.bitcast(lax.shift_left(w2, 16), jnp.float32)
                t1 = m1 * p2
                t2 = m2 * p1
                ob[r, pl.ds(s, L)] = (t1 * t2) / (t1 + t2)

    def phase(k, ipkX, isemX, obX, osemX, ipkY, isemY, pre_c, pre_ok):
        @pl.when(pre_ok)
        def _():
            pltpu.async_copy(idx_hbm.at[pl.ds(ebase + pre_c * CH, CH)],
                             ipkY, isemY)

        pltpu.make_async_copy(idx_hbm.at[pl.ds(0, CH)], ipkX, isemX).wait()

        @pl.when(k >= 2)
        def _():
            pltpu.make_async_copy(
                obX, out_hbm.at[pl.ds(0, RB), pl.ds(0, CH)], osemX).wait()

        compute_chunk(ipkX, obX)

        pltpu.async_copy(
            obX,
            out_hbm.at[pl.ds(r0, RB), pl.ds(ebase + k * CH, CH)], osemX)

    pltpu.async_copy(idx_hbm.at[pl.ds(ebase, CH)], ipkA, isemA)

    def pair_body(j, carry):
        k = 2 * j
        phase(k, ipkA, isemA, obA, osemA, ipkB, isemB, k + 1, k + 1 < NCH)
        phase(k + 1, ipkB, isemB, obB, osemB, ipkA, isemA, k + 2, k + 2 < NCH)
        return carry

    lax.fori_loop(0, NCH // 2, pair_body, 0)
    phase(NCH - 1, ipkA, isemA, obA, osemA, ipkB, isemB, 0, False)

    pltpu.make_async_copy(
        obA, out_hbm.at[pl.ds(0, RB), pl.ds(0, CH)], osemA).wait()
    pltpu.make_async_copy(
        obB, out_hbm.at[pl.ds(0, RB), pl.ds(0, CH)], osemB).wait()


def kernel(m, polar, indices):
    mb = lax.bitcast_convert_type(
        m.astype(jnp.bfloat16), jnp.uint16).astype(jnp.uint32)
    pb = lax.bitcast_convert_type(
        polar.astype(jnp.bfloat16), jnp.uint16).astype(jnp.uint32)
    mp = lax.bitcast_convert_type((mb << 16) | pb, jnp.int32).reshape(-1)
    ipk = indices[0] | (indices[1] << 16)

    mesh = plsc.VectorSubcoreMesh(core_axis_name="c", subcore_axis_name="s")
    f = pl.kernel(
        _body,
        out_type=jax.ShapeDtypeStruct((R, E), jnp.float32),
        mesh=mesh,
        compiler_params=pltpu.CompilerParams(needs_layout_passes=False),
        scratch_types=[
            pltpu.VMEM((RB * N,), jnp.int32),
            pltpu.VMEM((CH,), jnp.int32),
            pltpu.VMEM((CH,), jnp.int32),
            pltpu.VMEM((RB, CH), jnp.float32),
            pltpu.VMEM((RB, CH), jnp.float32),
            pltpu.SemaphoreType.DMA,
            pltpu.SemaphoreType.DMA,
            pltpu.SemaphoreType.DMA,
            pltpu.SemaphoreType.DMA,
        ],
    )
    return f(mp, ipk)

# --- scband reference (transcript-rebuilt; emitter-appended) ---
"""Pipeline reference for scband-c6-combine-layer-10402410791128 (READ-ONLY COPY).

The authoritative reference and input builder live on the scoring server;
editing this copy changes nothing except your own understanding.
"""

import jax, jax.numpy as jnp
import numpy as np


def setup_inputs(seed: int = 0) -> dict:
    key = jax.random.key(seed)
    k1, k2, k3 = jax.random.split(key, 3)
    m = jax.random.uniform(k1, (128, 10000), dtype=jnp.float32)
    polar = jax.random.uniform(k2, (128, 10000), dtype=jnp.float32)
    indices = jax.random.randint(k3, (2, 320000), 0, 10000, dtype=jnp.int32)
    return {"m": m, "polar": polar, "indices": indices}


def reference(m, polar, indices):
    ind1 = indices[0, :]
    ind2 = indices[1, :]
    m1 = jnp.take(m, ind1, axis=1)
    m2 = jnp.take(m, ind2, axis=1)
    polar1 = jnp.take(polar, ind1, axis=1)
    polar2 = jnp.take(polar, ind2, axis=1)
    return m1 * m2 / (m1 / polar1 + m2 / polar2)

if __name__ == "__main__":
    import jax
    _d = setup_inputs()
    print(jax.jit(kernel)(*tuple(_d.values())))

</pallas_src>

<mosaic_0001>
#map = affine_map<(d0, d1) -> (0)>
#map1 = affine_map<(d0, d1) -> (0, 0)>
module attributes {stable_mosaic.version = 14 : i64} {
  func.func @_body(%arg0: i32, %arg1: i32, %arg2: memref<1280000xi32, #tpu.memory_space<hbm>>, %arg3: memref<320000xi32, #tpu.memory_space<hbm>>, %arg4: memref<128x320000xf32, #tpu.memory_space<hbm>>, %arg5: memref<80000xi32, #tpu.memory_space<vmem>>, %arg6: memref<1280xi32, #tpu.memory_space<vmem>>, %arg7: memref<1280xi32, #tpu.memory_space<vmem>>, %arg8: memref<8x1280xf32, #tpu.memory_space<vmem>>, %arg9: memref<8x1280xf32, #tpu.memory_space<vmem>>, %arg10: memref<!tpu.dma_semaphore, #tpu.memory_space<semaphore_mem>>, %arg11: memref<!tpu.dma_semaphore, #tpu.memory_space<semaphore_mem>>, %arg12: memref<!tpu.dma_semaphore, #tpu.memory_space<semaphore_mem>>, %arg13: memref<!tpu.dma_semaphore, #tpu.memory_space<semaphore_mem>>) attributes {dimension_semantics = [#tpu.dimension_semantics<core_parallel>, #tpu.dimension_semantics<subcore_parallel>], iteration_bounds = array<i64: 2, 16>, scalar_prefetch = 0 : i64, scratch_operands = 9 : i64, tpu.core_type = #tpu.core_type<sc_vector_subcore>, window_params = [{transform_indices = #map}, {transform_indices = #map}, {transform_indices = #map1}]} {
    %mul3A = arith.constant 8 : i32
    %mul3A_0 = arith.muli %arg1, %mul3A : i32
    %multiple_of3A = tpu.assume_multiple %mul3A_0, 8 : i32
    %mul3A_1 = arith.constant 160000 : i32
    %mul3A_2 = arith.muli %arg0, %mul3A_1 : i32
    %multiple_of3A_3 = tpu.assume_multiple %mul3A_2, 128 : i32
    %add3A = arith.constant 0 : i32
    %add3A_4 = arith.addi %multiple_of3A, %add3A : i32
    %mul3A_5 = arith.constant 10000 : i32
    %mul3A_6 = arith.muli %add3A_4, %mul3A_5 : i32
    "tpu.region"() ({
      %run_scoped3A = tpu.sem_alloc : memref<!tpu.dma_semaphore, #tpu.memory_space<semaphore_mem>>
      %dma_start3A_68 = arith.constant 0 : i32
      %dma_start3A_69 = tpu.memref_slice %arg5[%dma_start3A_68] : memref<80000xi32, #tpu.memory_space<vmem>> -> memref<10000xi32, #tpu.memory_space<vmem>>
      %dma_start3A_70 = tpu.memref_slice %arg2[%mul3A_6] : memref<1280000xi32, #tpu.memory_space<hbm>> -> memref<10000xi32, #tpu.memory_space<hbm>>
      %dma_start3A_71 = arith.constant 0 : i32
      %dma_start3A_72 = tpu.memref_slice %arg5[%dma_start3A_71] : memref<80000xi32, #tpu.memory_space<vmem>> -> memref<10000xi32, #tpu.memory_space<vmem>>
      %dma_start3A_73 = tpu.memref_slice %arg2[%mul3A_6] : memref<1280000xi32, #tpu.memory_space<hbm>> -> memref<10000xi32, #tpu.memory_space<hbm>>
      tpu.enqueue_dma source(%dma_start3A_73 : memref<10000xi32, #tpu.memory_space<hbm>>) target(%dma_start3A_72 : memref<10000xi32, #tpu.memory_space<vmem>>) target_semaphore(%run_scoped3A : memref<!tpu.dma_semaphore, #tpu.memory_space<semaphore_mem>>)
      %dma_wait3A_74 = arith.constant 0 : i32
      %dma_wait3A_75 = tpu.memref_slice %arg5[%dma_wait3A_74] : memref<80000xi32, #tpu.memory_space<vmem>> -> memref<10000xi32, #tpu.memory_space<vmem>>
      %dma_wait3A_76 = tpu.memref_slice %arg2[%mul3A_6] : memref<1280000xi32, #tpu.memory_space<hbm>> -> memref<10000xi32, #tpu.memory_space<hbm>>
      %dma_wait3A_77 = arith.constant 0 : i32
      %dma_wait3A_78 = tpu.memref_slice %arg5[%dma_wait3A_77] : memref<80000xi32, #tpu.memory_space<vmem>> -> memref<10000xi32, #tpu.memory_space<vmem>>
      %dma_wait3A_79 = tpu.memref_slice %arg2[%mul3A_6] : memref<1280000xi32, #tpu.memory_space<hbm>> -> memref<10000xi32, #tpu.memory_space<hbm>>
      tpu.wait_dma2 semaphore(%run_scoped3A : memref<!tpu.dma_semaphore, #tpu.memory_space<semaphore_mem>>) src(%dma_wait3A_79 : memref<10000xi32, #tpu.memory_space<hbm>>) dst(%dma_wait3A_78 : memref<10000xi32, #tpu.memory_space<vmem>>)
      tpu.yield
    }) : () -> ()
    %add3A_7 = arith.constant 1 : i32
    %add3A_8 = arith.addi %multiple_of3A, %add3A_7 : i32
    %mul3A_9 = arith.constant 10000 : i32
    %mul3A_10 = arith.muli %add3A_8, %mul3A_9 : i32
    "tpu.region"() ({
      %run_scoped3A = tpu.sem_alloc : memref<!tpu.dma_semaphore, #tpu.memory_space<semaphore_mem>>
      %dma_start3A_68 = arith.constant 10000 : i32
      %dma_start3A_69 = tpu.memref_slice %arg5[%dma_start3A_68] : memref<80000xi32, #tpu.memory_space<vmem>> -> memref<10000xi32, #tpu.memory_space<vmem>>
      %dma_start3A_70 = tpu.memref_slice %arg2[%mul3A_10] : memref<1280000xi32, #tpu.memory_space<hbm>> -> memref<10000xi32, #tpu.memory_space<hbm>>
      %dma_start3A_71 = arith.constant 10000 : i32
      %dma_start3A_72 = tpu.memref_slice %arg5[%dma_start3A_71] : memref<80000xi32, #tpu.memory_space<vmem>> -> memref<10000xi32, #tpu.memory_space<vmem>>
      %dma_start3A_73 = tpu.memref_slice %arg2[%mul3A_10] : memref<1280000xi32, #tpu.memory_space<hbm>> -> memref<10000xi32, #tpu.memory_space<hbm>>
      tpu.enqueue_dma source(%dma_start3A_73 : memref<10000xi32, #tpu.memory_space<hbm>>) target(%dma_start3A_72 : memref<10000xi32, #tpu.memory_space<vmem>>) target_semaphore(%run_scoped3A : memref<!tpu.dma_semaphore, #tpu.memory_space<semaphore_mem>>)
      %dma_wait3A_74 = arith.constant 10000 : i32
      %dma_wait3A_75 = tpu.memref_slice %arg5[%dma_wait3A_74] : memref<80000xi32, #tpu.memory_space<vmem>> -> memref<10000xi32, #tpu.memory_space<vmem>>
      %dma_wait3A_76 = tpu.memref_slice %arg2[%mul3A_10] : memref<1280000xi32, #tpu.memory_space<hbm>> -> memref<10000xi32, #tpu.memory_space<hbm>>
      %dma_wait3A_77 = arith.constant 10000 : i32
      %dma_wait3A_78 = tpu.memref_slice %arg5[%dma_wait3A_77] : memref<80000xi32, #tpu.memory_space<vmem>> -> memref<10000xi32, #tpu.memory_space<vmem>>
      %dma_wait3A_79 = tpu.memref_slice %arg2[%mul3A_10] : memref<1280000xi32, #tpu.memory_space<hbm>> -> memref<10000xi32, #tpu.memory_space<hbm>>
      tpu.wait_dma2 semaphore(%run_scoped3A : memref<!tpu.dma_semaphore, #tpu.memory_space<semaphore_mem>>) src(%dma_wait3A_79 : memref<10000xi32, #tpu.memory_space<hbm>>) dst(%dma_wait3A_78 : memref<10000xi32, #tpu.memory_space<vmem>>)
      tpu.yield
    }) : () -> ()
    %add3A_11 = arith.constant 2 : i32
    %add3A_12 = arith.addi %multiple_of3A, %add3A_11 : i32
    %mul3A_13 = arith.constant 10000 : i32
    %mul3A_14 = arith.muli %add3A_12, %mul3A_13 : i32
    "tpu.region"() ({
      %run_scoped3A = tpu.sem_alloc : memref<!tpu.dma_semaphore, #tpu.memory_space<semaphore_mem>>
      %dma_start3A_68 = arith.constant 20000 : i32
      %dma_start3A_69 = tpu.memref_slice %arg5[%dma_start3A_68] : memref<80000xi32, #tpu.memory_space<vmem>> -> memref<10000xi32, #tpu.memory_space<vmem>>
      %dma_start3A_70 = tpu.memref_slice %arg2[%mul3A_14] : memref<1280000xi32, #tpu.memory_space<hbm>> -> memref<10000xi32, #tpu.memory_space<hbm>>
      %dma_start3A_71 = arith.constant 20000 : i32
      %dma_start3A_72 = tpu.memref_slice %arg5[%dma_start3A_71] : memref<80000xi32, #tpu.memory_space<vmem>> -> memref<10000xi32, #tpu.memory_space<vmem>>
      %dma_start3A_73 = tpu.memref_slice %arg2[%mul3A_14] : memref<1280000xi32, #tpu.memory_space<hbm>> -> memref<10000xi32, #tpu.memory_space<hbm>>
      tpu.enqueue_dma source(%dma_start3A_73 : memref<10000xi32, #tpu.memory_space<hbm>>) target(%dma_start3A_72 : memref<10000xi32, #tpu.memory_space<vmem>>) target_semaphore(%run_scoped3A : memref<!tpu.dma_semaphore, #tpu.memory_space<semaphore_mem>>)
      %dma_wait3A_74 = arith.constant 20000 : i32
      %dma_wait3A_75 = tpu.memref_slice %arg5[%dma_wait3A_74] : memref<80000xi32, #tpu.memory_space<vmem>> -> memref<10000xi32, #tpu.memory_space<vmem>>
      %dma_wait3A_76 = tpu.memref_slice %arg2[%mul3A_14] : memref<1280000xi32, #tpu.memory_space<hbm>> -> memref<10000xi32, #tpu.memory_space<hbm>>
      %dma_wait3A_77 = arith.constant 20000 : i32
      %dma_wait3A_78 = tpu.memref_slice %arg5[%dma_wait3A_77] : memref<80000xi32, #tpu.memory_space<vmem>> -> memref<10000xi32, #tpu.memory_space<vmem>>
      %dma_wait3A_79 = tpu.memref_slice %arg2[%mul3A_14] : memref<1280000xi32, #tpu.memory_space<hbm>> -> memref<10000xi32, #tpu.memory_space<hbm>>
      tpu.wait_dma2 semaphore(%run_scoped3A : memref<!tpu.dma_semaphore, #tpu.memory_space<semaphore_mem>>) src(%dma_wait3A_79 : memref<10000xi32, #tpu.memory_space<hbm>>) dst(%dma_wait3A_78 : memref<10000xi32, #tpu.memory_space<vmem>>)
      tpu.yield
    }) : () -> ()
    %add3A_15 = arith.constant 3 : i32
    %add3A_16 = arith.addi %multiple_of3A, %add3A_15 : i32
    %mul3A_17 = arith.constant 10000 : i32
    %mul3A_18 = arith.muli %add3A_16, %mul3A_17 : i32
    "tpu.region"() ({
      %run_scoped3A = tpu.sem_alloc : memref<!tpu.dma_semaphore, #tpu.memory_space<semaphore_mem>>
      %dma_start3A_68 = arith.constant 30000 : i32
      %dma_start3A_69 = tpu.memref_slice %arg5[%dma_start3A_68] : memref<80000xi32, #tpu.memory_space<vmem>> -> memref<10000xi32, #tpu.memory_space<vmem>>
      %dma_start3A_70 = tpu.memref_slice %arg2[%mul3A_18] : memref<1280000xi32, #tpu.memory_space<hbm>> -> memref<10000xi32, #tpu.memory_space<hbm>>
      %dma_start3A_71 = arith.constant 30000 : i32
      %dma_start3A_72 = tpu.memref_slice %arg5[%dma_start3A_71] : memref<80000xi32, #tpu.memory_space<vmem>> -> memref<10000xi32, #tpu.memory_space<vmem>>
      %dma_start3A_73 = tpu.memref_slice %arg2[%mul3A_18] : memref<1280000xi32, #tpu.memory_space<hbm>> -> memref<10000xi32, #tpu.memory_space<hbm>>
      tpu.enqueue_dma source(%dma_start3A_73 : memref<10000xi32, #tpu.memory_space<hbm>>) target(%dma_start3A_72 : memref<10000xi32, #tpu.memory_space<vmem>>) target_semaphore(%run_scoped3A : memref<!tpu.dma_semaphore, #tpu.memory_space<semaphore_mem>>)
      %dma_wait3A_74 = arith.constant 30000 : i32
      %dma_wait3A_75 = tpu.memref_slice %arg5[%dma_wait3A_74] : memref<80000xi32, #tpu.memory_space<vmem>> -> memref<10000xi32, #tpu.memory_space<vmem>>
      %dma_wait3A_76 = tpu.memref_slice %arg2[%mul3A_18] : memref<1280000xi32, #tpu.memory_space<hbm>> -> memref<10000xi32, #tpu.memory_space<hbm>>
      %dma_wait3A_77 = arith.constant 30000 : i32
      %dma_wait3A_78 = tpu.memref_slice %arg5[%dma_wait3A_77] : memref<80000xi32, #tpu.memory_space<vmem>> -> memref<10000xi32, #tpu.memory_space<vmem>>
      %dma_wait3A_79 = tpu.memref_slice %arg2[%mul3A_18] : memref<1280000xi32, #tpu.memory_space<hbm>> -> memref<10000xi32, #tpu.memory_space<hbm>>
      tpu.wait_dma2 semaphore(%run_scoped3A : memref<!tpu.dma_semaphore, #tpu.memory_space<semaphore_mem>>) src(%dma_wait3A_79 : memref<10000xi32, #tpu.memory_space<hbm>>) dst(%dma_wait3A_78 : memref<10000xi32, #tpu.memory_space<vmem>>)
      tpu.yield
    }) : () -> ()
    %add3A_19 = arith.constant 4 : i32
    %add3A_20 = arith.addi %multiple_of3A, %add3A_19 : i32
    %mul3A_21 = arith.constant 10000 : i32
    %mul3A_22 = arith.muli %add3A_20, %mul3A_21 : i32
    "tpu.region"() ({
      %run_scoped3A = tpu.sem_alloc : memref<!tpu.dma_semaphore, #tpu.memory_space<semaphore_mem>>
      %dma_start3A_68 = arith.constant 40000 : i32
      %dma_start3A_69 = tpu.memref_slice %arg5[%dma_start3A_68] : memref<80000xi32, #tpu.memory_space<vmem>> -> memref<10000xi32, #tpu.memory_space<vmem>>
      %dma_start3A_70 = tpu.memref_slice %arg2[%mul3A_22] : memref<1280000xi32, #tpu.memory_space<hbm>> -> memref<10000xi32, #tpu.memory_space<hbm>>
      %dma_start3A_71 = arith.constant 40000 : i32
      %dma_start3A_72 = tpu.memref_slice %arg5[%dma_start3A_71] : memref<80000xi32, #tpu.memory_space<vmem>> -> memref<10000xi32, #tpu.memory_space<vmem>>
      %dma_start3A_73 = tpu.memref_slice %arg2[%mul3A_22] : memref<1280000xi32, #tpu.memory_space<hbm>> -> memref<10000xi32, #tpu.memory_space<hbm>>
      tpu.enqueue_dma source(%dma_start3A_73 : memref<10000xi32, #tpu.memory_space<hbm>>) target(%dma_start3A_72 : memref<10000xi32, #tpu.memory_space<vmem>>) target_semaphore(%run_scoped3A : memref<!tpu.dma_semaphore, #tpu.memory_space<semaphore_mem>>)
      %dma_wait3A_74 = arith.constant 40000 : i32
      %dma_wait3A_75 = tpu.memref_slice %arg5[%dma_wait3A_74] : memref<80000xi32, #tpu.memory_space<vmem>> -> memref<10000xi32, #tpu.memory_space<vmem>>
      %dma_wait3A_76 = tpu.memref_slice %arg2[%mul3A_22] : memref<1280000xi32, #tpu.memory_space<hbm>> -> memref<10000xi32, #tpu.memory_space<hbm>>
      %dma_wait3A_77 = arith.constant 40000 : i32
      %dma_wait3A_78 = tpu.memref_slice %arg5[%dma_wait3A_77] : memref<80000xi32, #tpu.memory_space<vmem>> -> memref<10000xi32, #tpu.memory_space<vmem>>
      %dma_wait3A_79 = tpu.memref_slice %arg2[%mul3A_22] : memref<1280000xi32, #tpu.memory_space<hbm>> -> memref<10000xi32, #tpu.memory_space<hbm>>
      tpu.wait_dma2 semaphore(%run_scoped3A : memref<!tpu.dma_semaphore, #tpu.memory_space<semaphore_mem>>) src(%dma_wait3A_79 : memref<10000xi32, #tpu.memory_space<hbm>>) dst(%dma_wait3A_78 : memref<10000xi32, #tpu.memory_space<vmem>>)
      tpu.yield
    }) : () -> ()
    %add3A_23 = arith.constant 5 : i32
    %add3A_24 = arith.addi %multiple_of3A, %add3A_23 : i32
    %mul3A_25 = arith.constant 10000 : i32
    %mul3A_26 = arith.muli %add3A_24, %mul3A_25 : i32
    "tpu.region"() ({
      %run_scoped3A = tpu.sem_alloc : memref<!tpu.dma_semaphore, #tpu.memory_space<semaphore_mem>>
      %dma_start3A_68 = arith.constant 50000 : i32
      %dma_start3A_69 = tpu.memref_slice %arg5[%dma_start3A_68] : memref<80000xi32, #tpu.memory_space<vmem>> -> memref<10000xi32, #tpu.memory_space<vmem>>
      %dma_start3A_70 = tpu.memref_slice %arg2[%mul3A_26] : memref<1280000xi32, #tpu.memory_space<hbm>> -> memref<10000xi32, #tpu.memory_space<hbm>>
      %dma_start3A_71 = arith.constant 50000 : i32
      %dma_start3A_72 = tpu.memref_slice %arg5[%dma_start3A_71] : memref<80000xi32, #tpu.memory_space<vmem>> -> memref<10000xi32, #tpu.memory_space<vmem>>
      %dma_start3A_73 = tpu.memref_slice %arg2[%mul3A_26] : memref<1280000xi32, #tpu.memory_space<hbm>> -> memref<10000xi32, #tpu.memory_space<hbm>>
      tpu.enqueue_dma source(%dma_start3A_73 : memref<10000xi32, #tpu.memory_space<hbm>>) target(%dma_start3A_72 : memref<10000xi32, #tpu.memory_space<vmem>>) target_semaphore(%run_scoped3A : memref<!tpu.dma_semaphore, #tpu.memory_space<semaphore_mem>>)
      %dma_wait3A_74 = arith.constant 50000 : i32
      %dma_wait3A_75 = tpu.memref_slice %arg5[%dma_wait3A_74] : memref<80000xi32, #tpu.memory_space<vmem>> -> memref<10000xi32, #tpu.memory_space<vmem>>
      %dma_wait3A_76 = tpu.memref_slice %arg2[%mul3A_26] : memref<1280000xi32, #tpu.memory_space<hbm>> -> memref<10000xi32, #tpu.memory_space<hbm>>
      %dma_wait3A_77 = arith.constant 50000 : i32
      %dma_wait3A_78 = tpu.memref_slice %arg5[%dma_wait3A_77] : memref<80000xi32, #tpu.memory_space<vmem>> -> memref<10000xi32, #tpu.memory_space<vmem>>
      %dma_wait3A_79 = tpu.memref_slice %arg2[%mul3A_26] : memref<1280000xi32, #tpu.memory_space<hbm>> -> memref<10000xi32, #tpu.memory_space<hbm>>
      tpu.wait_dma2 semaphore(%run_scoped3A : memref<!tpu.dma_semaphore, #tpu.memory_space<semaphore_mem>>) src(%dma_wait3A_79 : memref<10000xi32, #tpu.memory_space<hbm>>) dst(%dma_wait3A_78 : memref<10000xi32, #tpu.memory_space<vmem>>)
      tpu.yield
    }) : () -> ()
    %add3A_27 = arith.constant 6 : i32
    %add3A_28 = arith.addi %multiple_of3A, %add3A_27 : i32
    %mul3A_29 = arith.constant 10000 : i32
    %mul3A_30 = arith.muli %add3A_28, %mul3A_29 : i32
    "tpu.region"() ({
      %run_scoped3A = tpu.sem_alloc : memref<!tpu.dma_semaphore, #tpu.memory_space<semaphore_mem>>
      %dma_start3A_68 = arith.constant 60000 : i32
      %dma_start3A_69 = tpu.memref_slice %arg5[%dma_start3A_68] : memref<80000xi32, #tpu.memory_space<vmem>> -> memref<10000xi32, #tpu.memory_space<vmem>>
      %dma_start3A_70 = tpu.memref_slice %arg2[%mul3A_30] : memref<1280000xi32, #tpu.memory_space<hbm>> -> memref<10000xi32, #tpu.memory_space<hbm>>
      %dma_start3A_71 = arith.constant 60000 : i32
      %dma_start3A_72 = tpu.memref_slice %arg5[%dma_start3A_71] : memref<80000xi32, #tpu.memory_space<vmem>> -> memref<10000xi32, #tpu.memory_space<vmem>>
      %dma_start3A_73 = tpu.memref_slice %arg2[%mul3A_30] : memref<1280000xi32, #tpu.memory_space<hbm>> -> memref<10000xi32, #tpu.memory_space<hbm>>
      tpu.enqueue_dma source(%dma_start3A_73 : memref<10000xi32, #tpu.memory_space<hbm>>) target(%dma_start3A_72 : memref<10000xi32, #tpu.memory_space<vmem>>) target_semaphore(%run_scoped3A : memref<!tpu.dma_semaphore, #tpu.memory_space<semaphore_mem>>)
      %dma_wait3A_74 = arith.constant 60000 : i32
      %dma_wait3A_75 = tpu.memref_slice %arg5[%dma_wait3A_74] : memref<80000xi32, #tpu.memory_space<vmem>> -> memref<10000xi32, #tpu.memory_space<vmem>>
      %dma_wait3A_76 = tpu.memref_slice %arg2[%mul3A_30] : memref<1280000xi32, #tpu.memory_space<hbm>> -> memref<10000xi32, #tpu.memory_space<hbm>>
      %dma_wait3A_77 = arith.constant 60000 : i32
      %dma_wait3A_78 = tpu.memref_slice %arg5[%dma_wait3A_77] : memref<80000xi32, #tpu.memory_space<vmem>> -> memref<10000xi32, #tpu.memory_space<vmem>>
      %dma_wait3A_79 = tpu.memref_slice %arg2[%mul3A_30] : memref<1280000xi32, #tpu.memory_space<hbm>> -> memref<10000xi32, #tpu.memory_space<hbm>>
      tpu.wait_dma2 semaphore(%run_scoped3A : memref<!tpu.dma_semaphore, #tpu.memory_space<semaphore_mem>>) src(%dma_wait3A_79 : memref<10000xi32, #tpu.memory_space<hbm>>) dst(%dma_wait3A_78 : memref<10000xi32, #tpu.memory_space<vmem>>)
      tpu.yield
    }) : () -> ()
    %add3A_31 = arith.constant 7 : i32
    %add3A_32 = arith.addi %multiple_of3A, %add3A_31 : i32
    %mul3A_33 = arith.constant 10000 : i32
    %mul3A_34 = arith.muli %add3A_32, %mul3A_33 : i32
    "tpu.region"() ({
      %run_scoped3A = tpu.sem_alloc : memref<!tpu.dma_semaphore, #tpu.memory_space<semaphore_mem>>
      %dma_start3A_68 = arith.constant 70000 : i32
      %dma_start3A_69 = tpu.memref_slice %arg5[%dma_start3A_68] : memref<80000xi32, #tpu.memory_space<vmem>> -> memref<10000xi32, #tpu.memory_space<vmem>>
      %dma_start3A_70 = tpu.memref_slice %arg2[%mul3A_34] : memref<1280000xi32, #tpu.memory_space<hbm>> -> memref<10000xi32, #tpu.memory_space<hbm>>
      %dma_start3A_71 = arith.constant 70000 : i32
      %dma_start3A_72 = tpu.memref_slice %arg5[%dma_start3A_71] : memref<80000xi32, #tpu.memory_space<vmem>> -> memref<10000xi32, #tpu.memory_space<vmem>>
      %dma_start3A_73 = tpu.memref_slice %arg2[%mul3A_34] : memref<1280000xi32, #tpu.memory_space<hbm>> -> memref<10000xi32, #tpu.memory_space<hbm>>
      tpu.enqueue_dma source(%dma_start3A_73 : memref<10000xi32, #tpu.memory_space<hbm>>) target(%dma_start3A_72 : memref<10000xi32, #tpu.memory_space<vmem>>) target_semaphore(%run_scoped3A : memref<!tpu.dma_semaphore, #tpu.memory_space<semaphore_mem>>)
      %dma_wait3A_74 = arith.constant 70000 : i32
      %dma_wait3A_75 = tpu.memref_slice %arg5[%dma_wait3A_74] : memref<80000xi32, #tpu.memory_space<vmem>> -> memref<10000xi32, #tpu.memory_space<vmem>>
      %dma_wait3A_76 = tpu.memref_slice %arg2[%mul3A_34] : memref<1280000xi32, #tpu.memory_space<hbm>> -> memref<10000xi32, #tpu.memory_space<hbm>>
      %dma_wait3A_77 = arith.constant 70000 : i32
      %dma_wait3A_78 = tpu.memref_slice %arg5[%dma_wait3A_77] : memref<80000xi32, #tpu.memory_space<vmem>> -> memref<10000xi32, #tpu.memory_space<vmem>>
      %dma_wait3A_79 = tpu.memref_slice %arg2[%mul3A_34] : memref<1280000xi32, #tpu.memory_space<hbm>> -> memref<10000xi32, #tpu.memory_space<hbm>>
      tpu.wait_dma2 semaphore(%run_scoped3A : memref<!tpu.dma_semaphore, #tpu.memory_space<semaphore_mem>>) src(%dma_wait3A_79 : memref<10000xi32, #tpu.memory_space<hbm>>) dst(%dma_wait3A_78 : memref<10000xi32, #tpu.memory_space<vmem>>)
      tpu.yield
    }) : () -> ()
    %dma_start3A = tpu.memref_slice %arg3[%multiple_of3A_3] : memref<320000xi32, #tpu.memory_space<hbm>> -> memref<1280xi32, #tpu.memory_space<hbm>>
    %dma_start3A_35 = tpu.memref_slice %arg3[%multiple_of3A_3] : memref<320000xi32, #tpu.memory_space<hbm>> -> memref<1280xi32, #tpu.memory_space<hbm>>
    tpu.enqueue_dma source(%dma_start3A_35 : memref<1280xi32, #tpu.memory_space<hbm>>) target(%arg6 : memref<1280xi32, #tpu.memory_space<vmem>>) target_semaphore(%arg10 : memref<!tpu.dma_semaphore, #tpu.memory_space<semaphore_mem>>)
    %scan3A = arith.constant 0 : i32
    %scan3A_36 = arith.constant 0 : i32
    %scan3A_37 = arith.constant 62 : i32
    %scan3A_38 = arith.addi %scan3A_36, %scan3A_37 : i32
    %scan3A_39 = arith.constant 1 : i32
    scf.for %scan3A_68 = %scan3A_36 to %scan3A_38 step %scan3A_39  : i32 {
      %mul3A_69 = arith.constant 2 : i32
      %mul3A_70 = arith.muli %mul3A_69, %scan3A_68 : i32
      %add3A_71 = arith.constant 1 : i32
      %add3A_72 = arith.addi %mul3A_70, %add3A_71 : i32
      %add3A_73 = arith.constant 1 : i32
      %add3A_74 = arith.addi %mul3A_70, %add3A_73 : i32
      %lt3A = arith.constant 125 : i32
      %lt3A_75 = arith.cmpi slt, %add3A_74, %lt3A : i32
      %convert_element_type3A = arith.extui %lt3A_75 : i1 to i32
      %cond3A = arith.constant 0 : i32
      %cond3A_76 = arith.cmpi ne, %convert_element_type3A, %cond3A : i32
      scf.if %cond3A_76 {
        %mul3A_121 = arith.constant 1280 : i32
        %mul3A_122 = arith.muli %add3A_72, %mul3A_121 : i32
        %add3A_123 = arith.addi %multiple_of3A_3, %mul3A_122 : i32
        %dma_start3A_124 = tpu.memref_slice %arg3[%add3A_123] : memref<320000xi32, #tpu.memory_space<hbm>> -> memref<1280xi32, #tpu.memory_space<hbm>>
        %dma_start3A_125 = tpu.memref_slice %arg3[%add3A_123] : memref<320000xi32, #tpu.memory_space<hbm>> -> memref<1280xi32, #tpu.memory_space<hbm>>
        tpu.enqueue_dma source(%dma_start3A_125 : memref<1280xi32, #tpu.memory_space<hbm>>) target(%arg7 : memref<1280xi32, #tpu.memory_space<vmem>>) target_semaphore(%arg11 : memref<!tpu.dma_semaphore, #tpu.memory_space<semaphore_mem>>)
      } else {
      }
      %dma_wait3A_77 = arith.constant 0 : i32
      %dma_wait3A_78 = tpu.memref_slice %arg3[%dma_wait3A_77] : memref<320000xi32, #tpu.memory_space<hbm>> -> memref<1280xi32, #tpu.memory_space<hbm>>
      %dma_wait3A_79 = arith.constant 0 : i32
      %dma_wait3A_80 = tpu.memref_slice %arg3[%dma_wait3A_79] : memref<320000xi32, #tpu.memory_space<hbm>> -> memref<1280xi32, #tpu.memory_space<hbm>>
      tpu.wait_dma2 semaphore(%arg10 : memref<!tpu.dma_semaphore, #tpu.memory_space<semaphore_mem>>) src(%dma_wait3A_80 : memref<1280xi32, #tpu.memory_space<hbm>>) dst(%arg6 : memref<1280xi32, #tpu.memory_space<vmem>>)
      %ge3A = arith.constant 2 : i32
      %ge3A_81 = arith.cmpi sge, %mul3A_70, %ge3A : i32
      %convert_element_type3A_82 = arith.extui %ge3A_81 : i1 to i32
      %cond3A_83 = arith.constant 0 : i32
      %cond3A_84 = arith.cmpi ne, %convert_element_type3A_82, %cond3A_83 : i32
      scf.if %cond3A_84 {
        %dma_wait3A_121 = arith.constant 0 : i32
        %dma_wait3A_122 = arith.constant 0 : i32
        %dma_wait3A_123 = tpu.memref_slice %arg4[%dma_wait3A_121, %dma_wait3A_122] : memref<128x320000xf32, #tpu.memory_space<hbm>> -> memref<8x1280xf32, #tpu.memory_space<hbm>>
        %dma_wait3A_124 = arith.constant 0 : i32
        %dma_wait3A_125 = arith.constant 0 : i32
        %dma_wait3A_126 = tpu.memref_slice %arg4[%dma_wait3A_124, %dma_wait3A_125] : memref<128x320000xf32, #tpu.memory_space<hbm>> -> memref<8x1280xf32, #tpu.memory_space<hbm>>
        tpu.wait_dma2 semaphore(%arg12 : memref<!tpu.dma_semaphore, #tpu.memory_space<semaphore_mem>>) src(%arg8 : memref<8x1280xf32, #tpu.memory_space<vmem>>) dst(%dma_wait3A_126 : memref<8x1280xf32, #tpu.memory_space<hbm>>)
      } else {
      }
      %parallel_loop3A_85 = arith.constant 0 : i32
      %parallel_loop3A_86 = arith.constant 1280 : i32
      %parallel_loop3A_87 = arith.constant 16 : i32
      scf.for %parallel_loop3A_121 = %parallel_loop3A_85 to %parallel_loop3A_86 step %parallel_loop3A_87  : i32 {
        %parallel_loop3A_122 = arith.index_cast %parallel_loop3A_121 : i32 to index
        %parallel_loop3A_123 = tpu.vector_load %arg6[%parallel_loop3A_122] {strides = array<i32>} : memref<1280xi32, #tpu.memory_space<vmem>>, vector<16xi32>,
        %parallel_loop3A_124 = arith.constant 65535 : i32
        %parallel_loop3A_125 = vector.broadcast %parallel_loop3A_124 : i32 to vector<16xi32>
        %parallel_loop3A_126 = arith.andi %parallel_loop3A_123, %parallel_loop3A_125 : vector<16xi32>
        %parallel_loop3A_127 = arith.constant 16 : i32
        %parallel_loop3A_128 = vector.broadcast %parallel_loop3A_127 : i32 to vector<16xi32>
        %parallel_loop3A_129 = arith.shrui %parallel_loop3A_123, %parallel_loop3A_128 : vector<16xi32>
        %parallel_loop3A_130 = arith.constant 0 : i32
        %parallel_loop3A_131 = tpu.memref_slice %arg5[%parallel_loop3A_130] : memref<80000xi32, #tpu.memory_space<vmem>> -> memref<10000xi32, #tpu.memory_space<vmem>>
        %parallel_loop3A_132 = tpu.vector_load_idx %parallel_loop3A_131[%parallel_loop3A_126] : memref<10000xi32, #tpu.memory_space<vmem>>[vector<16xi32>], vector<16xi32>,
        %parallel_loop3A_133 = arith.constant 0 : i32
        %parallel_loop3A_134 = tpu.memref_slice %arg5[%parallel_loop3A_133] : memref<80000xi32, #tpu.memory_space<vmem>> -> memref<10000xi32, #tpu.memory_space<vmem>>
        %parallel_loop3A_135 = tpu.vector_load_idx %parallel_loop3A_134[%parallel_loop3A_129] : memref<10000xi32, #tpu.memory_space<vmem>>[vector<16xi32>], vector<16xi32>,
        %parallel_loop3A_136 = vector.bitcast %parallel_loop3A_132 : vector<16xi32> to vector<16xf32>
        %parallel_loop3A_137 = arith.constant 16 : i32
        %parallel_loop3A_138 = vector.broadcast %parallel_loop3A_137 : i32 to vector<16xi32>
        %parallel_loop3A_139 = arith.shli %parallel_loop3A_132, %parallel_loop3A_138 : vector<16xi32>
        %parallel_loop3A_140 = vector.bitcast %parallel_loop3A_139 : vector<16xi32> to vector<16xf32>
        %parallel_loop3A_141 = vector.bitcast %parallel_loop3A_135 : vector<16xi32> to vector<16xf32>
        %parallel_loop3A_142 = arith.constant 16 : i32
        %parallel_loop3A_143 = vector.broadcast %parallel_loop3A_142 : i32 to vector<16xi32>
        %parallel_loop3A_144 = arith.shli %parallel_loop3A_135, %parallel_loop3A_143 : vector<16xi32>
        %parallel_loop3A_145 = vector.bitcast %parallel_loop3A_144 : vector<16xi32> to vector<16xf32>
        %parallel_loop3A_146 = arith.mulf %parallel_loop3A_136, %parallel_loop3A_145 : vector<16xf32>
        %parallel_loop3A_147 = arith.mulf %parallel_loop3A_141, %parallel_loop3A_140 : vector<16xf32>
        %parallel_loop3A_148 = arith.mulf %parallel_loop3A_146, %parallel_loop3A_147 : vector<16xf32>
        %parallel_loop3A_149 = arith.addf %parallel_loop3A_146, %parallel_loop3A_147 : vector<16xf32>
        %parallel_loop3A_150 = arith.divf %parallel_loop3A_148, %parallel_loop3A_149 : vector<16xf32>
        %parallel_loop3A_151 = arith.constant 0 : i32
        %parallel_loop3A_152 = arith.index_cast %parallel_loop3A_151 : i32 to index
        %parallel_loop3A_153 = arith.index_cast %parallel_loop3A_121 : i32 to index
        %parallel_loop3A_154 = tpu.vector_load %arg8[%parallel_loop3A_152, %parallel_loop3A_153] {strides = array<i32>} : memref<8x1280xf32, #tpu.memory_space<vmem>>, vector<16xf32>,
        tpu.vector_store %arg8[%parallel_loop3A_152, %parallel_loop3A_153], %parallel_loop3A_150 {strides = array<i32>} : memref<8x1280xf32, #tpu.memory_space<vmem>>, vector<16xf32>,
        %parallel_loop3A_155 = arith.constant 10000 : i32
        %parallel_loop3A_156 = tpu.memref_slice %arg5[%parallel_loop3A_155] : memref<80000xi32, #tpu.memory_space<vmem>> -> memref<10000xi32, #tpu.memory_space<vmem>>
        %parallel_loop3A_157 = tpu.vector_load_idx %parallel_loop3A_156[%parallel_loop3A_126] : memref<10000xi32, #tpu.memory_space<vmem>>[vector<16xi32>], vector<16xi32>,
        %parallel_loop3A_158 = arith.constant 10000 : i32
        %parallel_loop3A_159 = tpu.memref_slice %arg5[%parallel_loop3A_158] : memref<80000xi32, #tpu.memory_space<vmem>> -> memref<10000xi32, #tpu.memory_space<vmem>>
        %parallel_loop3A_160 = tpu.vector_load_idx %parallel_loop3A_159[%parallel_loop3A_129] : memref<10000xi32, #tpu.memory_space<vmem>>[vector<16xi32>], vector<16xi32>,
        %parallel_loop3A_161 = vector.bitcast %parallel_loop3A_157 : vector<16xi32> to vector<16xf32>
        %parallel_loop3A_162 = arith.constant 16 : i32
        %parallel_loop3A_163 = vector.broadcast %parallel_loop3A_162 : i32 to vector<16xi32>
        %parallel_loop3A_164 = arith.shli %parallel_loop3A_157, %parallel_loop3A_163 : vector<16xi32>
        %parallel_loop3A_165 = vector.bitcast %parallel_loop3A_164 : vector<16xi32> to vector<16xf32>
        %parallel_loop3A_166 = vector.bitcast %parallel_loop3A_160 : vector<16xi32> to vector<16xf32>
        %parallel_loop3A_167 = arith.constant 16 : i32
        %parallel_loop3A_168 = vector.broadcast %parallel_loop3A_167 : i32 to vector<16xi32>
        %parallel_loop3A_169 = arith.shli %parallel_loop3A_160, %parallel_loop3A_168 : vector<16xi32>
        %parallel_loop3A_170 = vector.bitcast %parallel_loop3A_169 : vector<16xi32> to vector<16xf32>
        %parallel_loop3A_171 = arith.mulf %parallel_loop3A_161, %parallel_loop3A_170 : vector<16xf32>
        %parallel_loop3A_172 = arith.mulf %parallel_loop3A_166, %parallel_loop3A_165 : vector<16xf32>
        %parallel_loop3A_173 = arith.mulf %parallel_loop3A_171, %parallel_loop3A_172 : vector<16xf32>
        %parallel_loop3A_174 = arith.addf %parallel_loop3A_171, %parallel_loop3A_172 : vector<16xf32>
        %parallel_loop3A_175 = arith.divf %parallel_loop3A_173, %parallel_loop3A_174 : vector<16xf32>
        %parallel_loop3A_176 = arith.constant 1 : i32
        %parallel_loop3A_177 = arith.index_cast %parallel_loop3A_176 : i32 to index
        %parallel_loop3A_178 = arith.index_cast %parallel_loop3A_121 : i32 to index
        %parallel_loop3A_179 = tpu.vector_load %arg8[%parallel_loop3A_177, %parallel_loop3A_178] {strides = array<i32>} : memref<8x1280xf32, #tpu.memory_space<vmem>>, vector<16xf32>,
        tpu.vector_store %arg8[%parallel_loop3A_177, %parallel_loop3A_178], %parallel_loop3A_175 {strides = array<i32>} : memref<8x1280xf32, #tpu.memory_space<vmem>>, vector<16xf32>,
        %parallel_loop3A_180 = arith.constant 20000 : i32
        %parallel_loop3A_181 = tpu.memref_slice %arg5[%parallel_loop3A_180] : memref<80000xi32, #tpu.memory_space<vmem>> -> memref<10000xi32, #tpu.memory_space<vmem>>
        %parallel_loop3A_182 = tpu.vector_load_idx %parallel_loop3A_181[%parallel_loop3A_126] : memref<10000xi32, #tpu.memory_space<vmem>>[vector<16xi32>], vector<16xi32>,
        %parallel_loop3A_183 = arith.constant 20000 : i32
        %parallel_loop3A_184 = tpu.memref_slice %arg5[%parallel_loop3A_183] : memref<80000xi32, #tpu.memory_space<vmem>> -> memref<10000xi32, #tpu.memory_space<vmem>>
        %parallel_loop3A_185 = tpu.vector_load_idx %parallel_loop3A_184[%parallel_loop3A_129] : memref<10000xi32, #tpu.memory_space<vmem>>[vector<16xi32>], vector<16xi32>,
        %parallel_loop3A_186 = vector.bitcast %parallel_loop3A_182 : vector<16xi32> to vector<16xf32>
        %parallel_loop3A_187 = arith.constant 16 : i32
        %parallel_loop3A_188 = vector.broadcast %parallel_loop3A_187 : i32 to vector<16xi32>
        %parallel_loop3A_189 = arith.shli %parallel_loop3A_182, %parallel_loop3A_188 : vector<16xi32>
        %parallel_loop3A_190 = vector.bitcast %parallel_loop3A_189 : vector<16xi32> to vector<16xf32>
        %parallel_loop3A_191 = vector.bitcast %parallel_loop3A_185 : vector<16xi32> to vector<16xf32>
        %parallel_loop3A_192 = arith.constant 16 : i32
        %parallel_loop3A_193 = vector.broadcast %parallel_loop3A_192 : i32 to vector<16xi32>
        %parallel_loop3A_194 = arith.shli %parallel_loop3A_185, %parallel_loop3A_193 : vector<16xi32>
        %parallel_loop3A_195 = vector.bitcast %parallel_loop3A_194 : vector<16xi32> to vector<16xf32>
        %parallel_loop3A_196 = arith.mulf %parallel_loop3A_186, %parallel_loop3A_195 : vector<16xf32>
        %parallel_loop3A_197 = arith.mulf %parallel_loop3A_191, %parallel_loop3A_190 : vector<16xf32>
        %parallel_loop3A_198 = arith.mulf %parallel_loop3A_196, %parallel_loop3A_197 : vector<16xf32>
        %parallel_loop3A_199 = arith.addf %parallel_loop3A_196, %parallel_loop3A_197 : vector<16xf32>
        %parallel_loop3A_200 = arith.divf %parallel_loop3A_198, %parallel_loop3A_199 : vector<16xf32>
        %parallel_loop3A_201 = arith.constant 2 : i32
        %parallel_loop3A_202 = arith.index_cast %parallel_loop3A_201 : i32 to index
        %parallel_loop3A_203 = arith.index_cast %parallel_loop3A_121 : i32 to index
        %parallel_loop3A_204 = tpu.vector_load %arg8[%parallel_loop3A_202, %parallel_loop3A_203] {strides = array<i32>} : memref<8x1280xf32, #tpu.memory_space<vmem>>, vector<16xf32>,
        tpu.vector_store %arg8[%parallel_loop3A_202, %parallel_loop3A_203], %parallel_loop3A_200 {strides = array<i32>} : memref<8x1280xf32, #tpu.memory_space<vmem>>, vector<16xf32>,
        %parallel_loop3A_205 = arith.constant 30000 : i32
        %parallel_loop3A_206 = tpu.memref_slice %arg5[%parallel_loop3A_205] : memref<80000xi32, #tpu.memory_space<vmem>> -> memref<10000xi32, #tpu.memory_space<vmem>>
        %parallel_loop3A_207 = tpu.vector_load_idx %parallel_loop3A_206[%parallel_loop3A_126] : memref<10000xi32, #tpu.memory_space<vmem>>[vector<16xi32>], vector<16xi32>,
        %parallel_loop3A_208 = arith.constant 30000 : i32
        %parallel_loop3A_209 = tpu.memref_slice %arg5[%parallel_loop3A_208] : memref<80000xi32, #tpu.memory_space<vmem>> -> memref<10000xi32, #tpu.memory_space<vmem>>
        %parallel_loop3A_210 = tpu.vector_load_idx %parallel_loop3A_209[%parallel_loop3A_129] : memref<10000xi32, #tpu.memory_space<vmem>>[vector<16xi32>], vector<16xi32>,
        %parallel_loop3A_211 = vector.bitcast %parallel_loop3A_207 : vector<16xi32> to vector<16xf32>
        %parallel_loop3A_212 = arith.constant 16 : i32
        %parallel_loop3A_213 = vector.broadcast %parallel_loop3A_212 : i32 to vector<16xi32>
        %parallel_loop3A_214 = arith.shli %parallel_loop3A_207, %parallel_loop3A_213 : vector<16xi32>
        %parallel_loop3A_215 = vector.bitcast %parallel_loop3A_214 : vector<16xi32> to vector<16xf32>
        %parallel_loop3A_216 = vector.bitcast %parallel_loop3A_210 : vector<16xi32> to vector<16xf32>
        %parallel_loop3A_217 = arith.constant 16 : i32
        %parallel_loop3A_218 = vector.broadcast %parallel_loop3A_217 : i32 to vector<16xi32>
        %parallel_loop3A_219 = arith.shli %parallel_loop3A_210, %parallel_loop3A_218 : vector<16xi32>
        %parallel_loop3A_220 = vector.bitcast %parallel_loop3A_219 : vector<16xi32> to vector<16xf32>
        %parallel_loop3A_221 = arith.mulf %parallel_loop3A_211, %parallel_loop3A_220 : vector<16xf32>
        %parallel_loop3A_222 = arith.mulf %parallel_loop3A_216, %parallel_loop3A_215 : vector<16xf32>
        %parallel_loop3A_223 = arith.mulf %parallel_loop3A_221, %parallel_loop3A_222 : vector<16xf32>
        %parallel_loop3A_224 = arith.addf %parallel_loop3A_221, %parallel_loop3A_222 : vector<16xf32>
        %parallel_loop3A_225 = arith.divf %parallel_loop3A_223, %parallel_loop3A_224 : vector<16xf32>
        %parallel_loop3A_226 = arith.constant 3 : i32
        %parallel_loop3A_227 = arith.index_cast %parallel_loop3A_226 : i32 to index
        %parallel_loop3A_228 = arith.index_cast %parallel_loop3A_121 : i32 to index
        %parallel_loop3A_229 = tpu.vector_load %arg8[%parallel_loop3A_227, %parallel_loop3A_228] {strides = array<i32>} : memref<8x1280xf32, #tpu.memory_space<vmem>>, vector<16xf32>,
        tpu.vector_store %arg8[%parallel_loop3A_227, %parallel_loop3A_228], %parallel_loop3A_225 {strides = array<i32>} : memref<8x1280xf32, #tpu.memory_space<vmem>>, vector<16xf32>,
        %parallel_loop3A_230 = arith.constant 40000 : i32
        %parallel_loop3A_231 = tpu.memref_slice %arg5[%parallel_loop3A_230] : memref<80000xi32, #tpu.memory_space<vmem>> -> memref<10000xi32, #tpu.memory_space<vmem>>
        %parallel_loop3A_232 = tpu.vector_load_idx %parallel_loop3A_231[%parallel_loop3A_126] : memref<10000xi32, #tpu.memory_space<vmem>>[vector<16xi32>], vector<16xi32>,
        %parallel_loop3A_233 = arith.constant 40000 : i32
        %parallel_loop3A_234 = tpu.memref_slice %arg5[%parallel_loop3A_233] : memref<80000xi32, #tpu.memory_space<vmem>> -> memref<10000xi32, #tpu.memory_space<vmem>>
        %parallel_loop3A_235 = tpu.vector_load_idx %parallel_loop3A_234[%parallel_loop3A_129] : memref<10000xi32, #tpu.memory_space<vmem>>[vector<16xi32>], vector<16xi32>,
        %parallel_loop3A_236 = vector.bitcast %parallel_loop3A_232 : vector<16xi32> to vector<16xf32>
        %parallel_loop3A_237 = arith.constant 16 : i32
        %parallel_loop3A_238 = vector.broadcast %parallel_loop3A_237 : i32 to vector<16xi32>
        %parallel_loop3A_239 = arith.shli %parallel_loop3A_232, %parallel_loop3A_238 : vector<16xi32>
        %parallel_loop3A_240 = vector.bitcast %parallel_loop3A_239 : vector<16xi32> to vector<16xf32>
        %parallel_loop3A_241 = vector.bitcast %parallel_loop3A_235 : vector<16xi32> to vector<16xf32>
        %parallel_loop3A_242 = arith.constant 16 : i32
        %parallel_loop3A_243 = vector.broadcast %parallel_loop3A_242 : i32 to vector<16xi32>
        %parallel_loop3A_244 = arith.shli %parallel_loop3A_235, %parallel_loop3A_243 : vector<16xi32>
        %parallel_loop3A_245 = vector.bitcast %parallel_loop3A_244 : vector<16xi32> to vector<16xf32>
        %parallel_loop3A_246 = arith.mulf %parallel_loop3A_236, %parallel_loop3A_245 : vector<16xf32>
        %parallel_loop3A_247 = arith.mulf %parallel_loop3A_241, %parallel_loop3A_240 : vector<16xf32>
        %parallel_loop3A_248 = arith.mulf %parallel_loop3A_246, %parallel_loop3A_247 : vector<16xf32>
        %parallel_loop3A_249 = arith.addf %parallel_loop3A_246, %parallel_loop3A_247 : vector<16xf32>
        %parallel_loop3A_250 = arith.divf %parallel_loop3A_248, %parallel_loop3A_249 : vector<16xf32>
        %parallel_loop3A_251 = arith.constant 4 : i32
        %parallel_loop3A_252 = arith.index_cast %parallel_loop3A_251 : i32 to index
        %parallel_loop3A_253 = arith.index_cast %parallel_loop3A_121 : i32 to index
        %parallel_loop3A_254 = tpu.vector_load %arg8[%parallel_loop3A_252, %parallel_loop3A_253] {strides = array<i32>} : memref<8x1280xf32, #tpu.memory_space<vmem>>, vector<16xf32>,
        tpu.vector_store %arg8[%parallel_loop3A_252, %parallel_loop3A_253], %parallel_loop3A_250 {strides = array<i32>} : memref<8x1280xf32, #tpu.memory_space<vmem>>, vector<16xf32>,
        %parallel_loop3A_255 = arith.constant 50000 : i32
        %parallel_loop3A_256 = tpu.memref_slice %arg5[%parallel_loop3A_255] : memref<80000xi32, #tpu.memory_space<vmem>> -> memref<10000xi32, #tpu.memory_space<vmem>>
        %parallel_loop3A_257 = tpu.vector_load_idx %parallel_loop3A_256[%parallel_loop3A_126] : memref<10000xi32, #tpu.memory_space<vmem>>[vector<16xi32>], vector<16xi32>,
        %parallel_loop3A_258 = arith.constant 50000 : i32
        %parallel_loop3A_259 = tpu.memref_slice %arg5[%parallel_loop3A_258] : memref<80000xi32, #tpu.memory_space<vmem>> -> memref<10000xi32, #tpu.memory_space<vmem>>
        %parallel_loop3A_260 = tpu.vector_load_idx %parallel_loop3A_259[%parallel_loop3A_129] : memref<10000xi32, #tpu.memory_space<vmem>>[vector<16xi32>], vector<16xi32>,
        %parallel_loop3A_261 = vector.bitcast %parallel_loop3A_257 : vector<16xi32> to vector<16xf32>
        %parallel_loop3A_262 = arith.constant 16 : i32
        %parallel_loop3A_263 = vector.broadcast %parallel_loop3A_262 : i32 to vector<16xi32>
        %parallel_loop3A_264 = arith.shli %parallel_loop3A_257, %parallel_loop3A_263 : vector<16xi32>
        %parallel_loop3A_265 = vector.bitcast %parallel_loop3A_264 : vector<16xi32> to vector<16xf32>
        %parallel_loop3A_266 = vector.bitcast %parallel_loop3A_260 : vector<16xi32> to vector<16xf32>
        %parallel_loop3A_267 = arith.constant 16 : i32
        %parallel_loop3A_268 = vector.broadcast %parallel_loop3A_267 : i32 to vector<16xi32>
        %parallel_loop3A_269 = arith.shli %parallel_loop3A_260, %parallel_loop3A_268 : vector<16xi32>
        %parallel_loop3A_270 = vector.bitcast %parallel_loop3A_269 : vector<16xi32> to vector<16xf32>
        %parallel_loop3A_271 = arith.mulf %parallel_loop3A_261, %parallel_loop3A_270 : vector<16xf32>
        %parallel_loop3A_272 = arith.mulf %parallel_loop3A_266, %parallel_loop3A_265 : vector<16xf32>
        %parallel_loop3A_273 = arith.mulf %parallel_loop3A_271, %parallel_loop3A_272 : vector<16xf32>
        %parallel_loop3A_274 = arith.addf %parallel_loop3A_271, %parallel_loop3A_272 : vector<16xf32>
        %parallel_loop3A_275 = arith.divf %parallel_loop3A_273, %parallel_loop3A_274 : vector<16xf32>
        %parallel_loop3A_276 = arith.constant 5 : i32
        %parallel_loop3A_277 = arith.index_cast %parallel_loop3A_276 : i32 to index
        %parallel_loop3A_278 = arith.index_cast %parallel_loop3A_121 : i32 to index
        %parallel_loop3A_279 = tpu.vector_load %arg8[%parallel_loop3A_277, %parallel_loop3A_278] {strides = array<i32>} : memref<8x1280xf32, #tpu.memory_space<vmem>>, vector<16xf32>,
        tpu.vector_store %arg8[%parallel_loop3A_277, %parallel_loop3A_278], %parallel_loop3A_275 {strides = array<i32>} : memref<8x1280xf32, #tpu.memory_space<vmem>>, vector<16xf32>,
        %parallel_loop3A_280 = arith.constant 60000 : i32
        %parallel_loop3A_281 = tpu.memref_slice %arg5[%parallel_loop3A_280] : memref<80000xi32, #tpu.memory_space<vmem>> -> memref<10000xi32, #tpu.memory_space<vmem>>
        %parallel_loop3A_282 = tpu.vector_load_idx %parallel_loop3A_281[%parallel_loop3A_126] : memref<10000xi32, #tpu.memory_space<vmem>>[vector<16xi32>], vector<16xi32>,
        %parallel_loop3A_283 = arith.constant 60000 : i32
        %parallel_loop3A_284 = tpu.memref_slice %arg5[%parallel_loop3A_283] : memref<80000xi32, #tpu.memory_space<vmem>> -> memref<10000xi32, #tpu.memory_space<vmem>>
        %parallel_loop3A_285 = tpu.vector_load_idx %parallel_loop3A_284[%parallel_loop3A_129] : memref<10000xi32, #tpu.memory_space<vmem>>[vector<16xi32>], vector<16xi32>,
        %parallel_loop3A_286 = vector.bitcast %parallel_loop3A_282 : vector<16xi32> to vector<16xf32>
        %parallel_loop3A_287 = arith.constant 16 : i32
        %parallel_loop3A_288 = vector.broadcast %parallel_loop3A_287 : i32 to vector<16xi32>
        %parallel_loop3A_289 = arith.shli %parallel_loop3A_282, %parallel_loop3A_288 : vector<16xi32>
        %parallel_loop3A_290 = vector.bitcast %parallel_loop3A_289 : vector<16xi32> to vector<16xf32>
        %parallel_loop3A_291 = vector.bitcast %parallel_loop3A_285 : vector<16xi32> to vector<16xf32>
        %parallel_loop3A_292 = arith.constant 16 : i32
        %parallel_loop3A_293 = vector.broadcast %parallel_loop3A_292 : i32 to vector<16xi32>
        %parallel_loop3A_294 = arith.shli %parallel_loop3A_285, %parallel_loop3A_293 : vector<16xi32>
        %parallel_loop3A_295 = vector.bitcast %parallel_loop3A_294 : vector<16xi32> to vector<16xf32>
        %parallel_loop3A_296 = arith.mulf %parallel_loop3A_286, %parallel_loop3A_295 : vector<16xf32>
        %parallel_loop3A_297 = arith.mulf %parallel_loop3A_291, %parallel_loop3A_290 : vector<16xf32>
        %parallel_loop3A_298 = arith.mulf %parallel_loop3A_296, %parallel_loop3A_297 : vector<16xf32>
        %parallel_loop3A_299 = arith.addf %parallel_loop3A_296, %parallel_loop3A_297 : vector<16xf32>
        %parallel_loop3A_300 = arith.divf %parallel_loop3A_298, %parallel_loop3A_299 : vector<16xf32>
        %parallel_loop3A_301 = arith.constant 6 : i32
        %parallel_loop3A_302 = arith.index_cast %parallel_loop3A_301 : i32 to index
        %parallel_loop3A_303 = arith.index_cast %parallel_loop3A_121 : i32 to index
        %parallel_loop3A_304 = tpu.vector_load %arg8[%parallel_loop3A_302, %parallel_loop3A_303] {strides = array<i32>} : memref<8x1280xf32, #tpu.memory_space<vmem>>, vector<16xf32>,
        tpu.vector_store %arg8[%parallel_loop3A_302, %parallel_loop3A_303], %parallel_loop3A_300 {strides = array<i32>} : memref<8x1280xf32, #tpu.memory_space<vmem>>, vector<16xf32>,
        %parallel_loop3A_305 = arith.constant 70000 : i32
        %parallel_loop3A_306 = tpu.memref_slice %arg5[%parallel_loop3A_305] : memref<80000xi32, #tpu.memory_space<vmem>> -> memref<10000xi32, #tpu.memory_space<vmem>>
        %parallel_loop3A_307 = tpu.vector_load_idx %parallel_loop3A_306[%parallel_loop3A_126] : memref<10000xi32, #tpu.memory_space<vmem>>[vector<16xi32>], vector<16xi32>,
        %parallel_loop3A_308 = arith.constant 70000 : i32
        %parallel_loop3A_309 = tpu.memref_slice %arg5[%parallel_loop3A_308] : memref<80000xi32, #tpu.memory_space<vmem>> -> memref<10000xi32, #tpu.memory_space<vmem>>
        %parallel_loop3A_310 = tpu.vector_load_idx %parallel_loop3A_309[%parallel_loop3A_129] : memref<10000xi32, #tpu.memory_space<vmem>>[vector<16xi32>], vector<16xi32>,
        %parallel_loop3A_311 = vector.bitcast %parallel_loop3A_307 : vector<16xi32> to vector<16xf32>
        %parallel_loop3A_312 = arith.constant 16 : i32
        %parallel_loop3A_313 = vector.broadcast %parallel_loop3A_312 : i32 to vector<16xi32>
        %parallel_loop3A_314 = arith.shli %parallel_loop3A_307, %parallel_loop3A_313 : vector<16xi32>
        %parallel_loop3A_315 = vector.bitcast %parallel_loop3A_314 : vector<16xi32> to vector<16xf32>
        %parallel_loop3A_316 = vector.bitcast %parallel_loop3A_310 : vector<16xi32> to vector<16xf32>
        %parallel_loop3A_317 = arith.constant 16 : i32
        %parallel_loop3A_318 = vector.broadcast %parallel_loop3A_317 : i32 to vector<16xi32>
        %parallel_loop3A_319 = arith.shli %parallel_loop3A_310, %parallel_loop3A_318 : vector<16xi32>
        %parallel_loop3A_320 = vector.bitcast %parallel_loop3A_319 : vector<16xi32> to vector<16xf32>
        %parallel_loop3A_321 = arith.mulf %parallel_loop3A_311, %parallel_loop3A_320 : vector<16xf32>
        %parallel_loop3A_322 = arith.mulf %parallel_loop3A_316, %parallel_loop3A_315 : vector<16xf32>
        %parallel_loop3A_323 = arith.mulf %parallel_loop3A_321, %parallel_loop3A_322 : vector<16xf32>
        %parallel_loop3A_324 = arith.addf %parallel_loop3A_321, %parallel_loop3A_322 : vector<16xf32>
        %parallel_loop3A_325 = arith.divf %parallel_loop3A_323, %parallel_loop3A_324 : vector<16xf32>
        %parallel_loop3A_326 = arith.constant 7 : i32
        %parallel_loop3A_327 = arith.index_cast %parallel_loop3A_326 : i32 to index
        %parallel_loop3A_328 = arith.index_cast %parallel_loop3A_121 : i32 to index
        %parallel_loop3A_329 = tpu.vector_load %arg8[%parallel_loop3A_327, %parallel_loop3A_328] {strides = array<i32>} : memref<8x1280xf32, #tpu.memory_space<vmem>>, vector<16xf32>,
        tpu.vector_store %arg8[%parallel_loop3A_327, %parallel_loop3A_328], %parallel_loop3A_325 {strides = array<i32>} : memref<8x1280xf32, #tpu.memory_space<vmem>>, vector<16xf32>,
      } {sc.loop_unroll_factor = 2 : i64, sc.parallel_access}
      %mul3A_88 = arith.constant 1280 : i32
      %mul3A_89 = arith.muli %mul3A_70, %mul3A_88 : i32
      %add3A_90 = arith.addi %multiple_of3A_3, %mul3A_89 : i32
      %dma_start3A_91 = tpu.memref_slice %arg4[%multiple_of3A, %add3A_90] : memref<128x320000xf32, #tpu.memory_space<hbm>> -> memref<8x1280xf32, #tpu.memory_space<hbm>>
      %dma_start3A_92 = tpu.memref_slice %arg4[%multiple_of3A, %add3A_90] : memref<128x320000xf32, #tpu.memory_space<hbm>> -> memref<8x1280xf32, #tpu.memory_space<hbm>>
      tpu.enqueue_dma source(%arg8 : memref<8x1280xf32, #tpu.memory_space<vmem>>) target(%dma_start3A_92 : memref<8x1280xf32, #tpu.memory_space<hbm>>) target_semaphore(%arg12 : memref<!tpu.dma_semaphore, #tpu.memory_space<semaphore_mem>>)
      %add3A_93 = arith.constant 1 : i32
      %add3A_94 = arith.addi %mul3A_70, %add3A_93 : i32
      %add3A_95 = arith.constant 2 : i32
      %add3A_96 = arith.addi %mul3A_70, %add3A_95 : i32
      %add3A_97 = arith.constant 2 : i32
      %add3A_98 = arith.addi %mul3A_70, %add3A_97 : i32
      %lt3A_99 = arith.constant 125 : i32
      %lt3A_100 = arith.cmpi slt, %add3A_98, %lt3A_99 : i32
      %convert_element_type3A_101 = arith.extui %lt3A_100 : i1 to i32
      %cond3A_102 = arith.constant 0 : i32
      %cond3A_103 = arith.cmpi ne, %convert_element_type3A_101, %cond3A_102 : i32
      scf.if %cond3A_103 {
        %mul3A_121 = arith.constant 1280 : i32
        %mul3A_122 = arith.muli %add3A_96, %mul3A_121 : i32
        %add3A_123 = arith.addi %multiple_of3A_3, %mul3A_122 : i32
        %dma_start3A_124 = tpu.memref_slice %arg3[%add3A_123] : memref<320000xi32, #tpu.memory_space<hbm>> -> memref<1280xi32, #tpu.memory_space<hbm>>
        %dma_start3A_125 = tpu.memref_slice %arg3[%add3A_123] : memref<320000xi32, #tpu.memory_space<hbm>> -> memref<1280xi32, #tpu.memory_space<hbm>>
        tpu.enqueue_dma source(%dma_start3A_125 : memref<1280xi32, #tpu.memory_space<hbm>>) target(%arg6 : memref<1280xi32, #tpu.memory_space<vmem>>) target_semaphore(%arg10 : memref<!tpu.dma_semaphore, #tpu.memory_space<semaphore_mem>>)
      } else {
      }
      %dma_wait3A_104 = arith.constant 0 : i32
      %dma_wait3A_105 = tpu.memref_slice %arg3[%dma_wait3A_104] : memref<320000xi32, #tpu.memory_space<hbm>> -> memref<1280xi32, #tpu.memory_space<hbm>>
      %dma_wait3A_106 = arith.constant 0 : i32
      %dma_wait3A_107 = tpu.memref_slice %arg3[%dma_wait3A_106] : memref<320000xi32, #tpu.memory_space<hbm>> -> memref<1280xi32, #tpu.memory_space<hbm>>
      tpu.wait_dma2 semaphore(%arg11 : memref<!tpu.dma_semaphore, #tpu.memory_space<semaphore_mem>>) src(%dma_wait3A_107 : memref<1280xi32, #tpu.memory_space<hbm>>) dst(%arg7 : memref<1280xi32, #tpu.memory_space<vmem>>)
      %ge3A_108 = arith.constant 2 : i32
      %ge3A_109 = arith.cmpi sge, %add3A_94, %ge3A_108 : i32
      %convert_element_type3A_110 = arith.extui %ge3A_109 : i1 to i32
      %cond3A_111 = arith.constant 0 : i32
      %cond3A_112 = arith.cmpi ne, %convert_element_type3A_110, %cond3A_111 : i32
      scf.if %cond3A_112 {
        %dma_wait3A_121 = arith.constant 0 : i32
        %dma_wait3A_122 = arith.constant 0 : i32
        %dma_wait3A_123 = tpu.memref_slice %arg4[%dma_wait3A_121, %dma_wait3A_122] : memref<128x320000xf32, #tpu.memory_space<hbm>> -> memref<8x1280xf32, #tpu.memory_space<hbm>>
        %dma_wait3A_124 = arith.constant 0 : i32
        %dma_wait3A_125 = arith.constant 0 : i32
        %dma_wait3A_126 = tpu.memref_slice %arg4[%dma_wait3A_124, %dma_wait3A_125] : memref<128x320000xf32, #tpu.memory_space<hbm>> -> memref<8x1280xf32, #tpu.memory_space<hbm>>
        tpu.wait_dma2 semaphore(%arg13 : memref<!tpu.dma_semaphore, #tpu.memory_space<semaphore_mem>>) src(%arg9 : memref<8x1280xf32, #tpu.memory_space<vmem>>) dst(%dma_wait3A_126 : memref<8x1280xf32, #tpu.memory_space<hbm>>)
      } else {
      }
      %parallel_loop3A_113 = arith.constant 0 : i32
      %parallel_loop3A_114 = arith.constant 1280 : i32
      %parallel_loop3A_115 = arith.constant 16 : i32
      scf.for %parallel_loop3A_121 = %parallel_loop3A_113 to %parallel_loop3A_114 step %parallel_loop3A_115  : i32 {
        %parallel_loop3A_122 = arith.index_cast %parallel_loop3A_121 : i32 to index
        %parallel_loop3A_123 = tpu.vector_load %arg7[%parallel_loop3A_122] {strides = array<i32>} : memref<1280xi32, #tpu.memory_space<vmem>>, vector<16xi32>,
        %parallel_loop3A_124 = arith.constant 65535 : i32
        %parallel_loop3A_125 = vector.broadcast %parallel_loop3A_124 : i32 to vector<16xi32>
        %parallel_loop3A_126 = arith.andi %parallel_loop3A_123, %parallel_loop3A_125 : vector<16xi32>
        %parallel_loop3A_127 = arith.constant 16 : i32
        %parallel_loop3A_128 = vector.broadcast %parallel_loop3A_127 : i32 to vector<16xi32>
        %parallel_loop3A_129 = arith.shrui %parallel_loop3A_123, %parallel_loop3A_128 : vector<16xi32>
        %parallel_loop3A_130 = arith.constant 0 : i32
        %parallel_loop3A_131 = tpu.memref_slice %arg5[%parallel_loop3A_130] : memref<80000xi32, #tpu.memory_space<vmem>> -> memref<10000xi32, #tpu.memory_space<vmem>>
        %parallel_loop3A_132 = tpu.vector_load_idx %parallel_loop3A_131[%parallel_loop3A_126] : memref<10000xi32, #tpu.memory_space<vmem>>[vector<16xi32>], vector<16xi32>,
        %parallel_loop3A_133 = arith.constant 0 : i32
        %parallel_loop3A_134 = tpu.memref_slice %arg5[%parallel_loop3A_133] : memref<80000xi32, #tpu.memory_space<vmem>> -> memref<10000xi32, #tpu.memory_space<vmem>>
        %parallel_loop3A_135 = tpu.vector_load_idx %parallel_loop3A_134[%parallel_loop3A_129] : memref<10000xi32, #tpu.memory_space<vmem>>[vector<16xi32>], vector<16xi32>,
        %parallel_loop3A_136 = vector.bitcast %parallel_loop3A_132 : vector<16xi32> to vector<16xf32>
        %parallel_loop3A_137 = arith.constant 16 : i32
        %parallel_loop3A_138 = vector.broadcast %parallel_loop3A_137 : i32 to vector<16xi32>
        %parallel_loop3A_139 = arith.shli %parallel_loop3A_132, %parallel_loop3A_138 : vector<16xi32>
        %parallel_loop3A_140 = vector.bitcast %parallel_loop3A_139 : vector<16xi32> to vector<16xf32>
        %parallel_loop3A_141 = vector.bitcast %parallel_loop3A_135 : vector<16xi32> to vector<16xf32>
        %parallel_loop3A_142 = arith.constant 16 : i32
        %parallel_loop3A_143 = vector.broadcast %parallel_loop3A_142 : i32 to vector<16xi32>
        %parallel_loop3A_144 = arith.shli %parallel_loop3A_135, %parallel_loop3A_143 : vector<16xi32>
        %parallel_loop3A_145 = vector.bitcast %parallel_loop3A_144 : vector<16xi32> to vector<16xf32>
        %parallel_loop3A_146 = arith.mulf %parallel_loop3A_136, %parallel_loop3A_145 : vector<16xf32>
        %parallel_loop3A_147 = arith.mulf %parallel_loop3A_141, %parallel_loop3A_140 : vector<16xf32>
        %parallel_loop3A_148 = arith.mulf %parallel_loop3A_146, %parallel_loop3A_147 : vector<16xf32>
        %parallel_loop3A_149 = arith.addf %parallel_loop3A_146, %parallel_loop3A_147 : vector<16xf32>
        %parallel_loop3A_150 = arith.divf %parallel_loop3A_148, %parallel_loop3A_149 : vector<16xf32>
        %parallel_loop3A_151 = arith.constant 0 : i32
        %parallel_loop3A_152 = arith.index_cast %parallel_loop3A_151 : i32 to index
        %parallel_loop3A_153 = arith.index_cast %parallel_loop3A_121 : i32 to index
        %parallel_loop3A_154 = tpu.vector_load %arg9[%parallel_loop3A_152, %parallel_loop3A_153] {strides = array<i32>} : memref<8x1280xf32, #tpu.memory_space<vmem>>, vector<16xf32>,
        tpu.vector_store %arg9[%parallel_loop3A_152, %parallel_loop3A_153], %parallel_loop3A_150 {strides = array<i32>} : memref<8x1280xf32, #tpu.memory_space<vmem>>, vector<16xf32>,
        %parallel_loop3A_155 = arith.constant 10000 : i32
        %parallel_loop3A_156 = tpu.memref_slice %arg5[%parallel_loop3A_155] : memref<80000xi32, #tpu.memory_space<vmem>> -> memref<10000xi32, #tpu.memory_space<vmem>>
        %parallel_loop3A_157 = tpu.vector_load_idx %parallel_loop3A_156[%parallel_loop3A_126] : memref<10000xi32, #tpu.memory_space<vmem>>[vector<16xi32>], vector<16xi32>,
        %parallel_loop3A_158 = arith.constant 10000 : i32
        %parallel_loop3A_159 = tpu.memref_slice %arg5[%parallel_loop3A_158] : memref<80000xi32, #tpu.memory_space<vmem>> -> memref<10000xi32, #tpu.memory_space<vmem>>
        %parallel_loop3A_160 = tpu.vector_load_idx %parallel_loop3A_159[%parallel_loop3A_129] : memref<10000xi32, #tpu.memory_space<vmem>>[vector<16xi32>], vector<16xi32>,
        %parallel_loop3A_161 = vector.bitcast %parallel_loop3A_157 : vector<16xi32> to vector<16xf32>
        %parallel_loop3A_162 = arith.constant 16 : i32
        %parallel_loop3A_163 = vector.broadcast %parallel_loop3A_162 : i32 to vector<16xi32>
        %parallel_loop3A_164 = arith.shli %parallel_loop3A_157, %parallel_loop3A_163 : vector<16xi32>
        %parallel_loop3A_165 = vector.bitcast %parallel_loop3A_164 : vector<16xi32> to vector<16xf32>
        %parallel_loop3A_166 = vector.bitcast %parallel_loop3A_160 : vector<16xi32> to vector<16xf32>
        %parallel_loop3A_167 = arith.constant 16 : i32
        %parallel_loop3A_168 = vector.broadcast %parallel_loop3A_167 : i32 to vector<16xi32>
        %parallel_loop3A_169 = arith.shli %parallel_loop3A_160, %parallel_loop3A_168 : vector<16xi32>
        %parallel_loop3A_170 = vector.bitcast %parallel_loop3A_169 : vector<16xi32> to vector<16xf32>
        %parallel_loop3A_171 = arith.mulf %parallel_loop3A_161, %parallel_loop3A_170 : vector<16xf32>
        %parallel_loop3A_172 = arith.mulf %parallel_loop3A_166, %parallel_loop3A_165 : vector<16xf32>
        %parallel_loop3A_173 = arith.mulf %parallel_loop3A_171, %parallel_loop3A_172 : vector<16xf32>
        %parallel_loop3A_174 = arith.addf %parallel_loop3A_171, %parallel_loop3A_172 : vector<16xf32>
        %parallel_loop3A_175 = arith.divf %parallel_loop3A_173, %parallel_loop3A_174 : vector<16xf32>
        %parallel_loop3A_176 = arith.constant 1 : i32
        %parallel_loop3A_177 = arith.index_cast %parallel_loop3A_176 : i32 to index
        %parallel_loop3A_178 = arith.index_cast %parallel_loop3A_121 : i32 to index
        %parallel_loop3A_179 = tpu.vector_load %arg9[%parallel_loop3A_177, %parallel_loop3A_178] {strides = array<i32>} : memref<8x1280xf32, #tpu.memory_space<vmem>>, vector<16xf32>,
        tpu.vector_store %arg9[%parallel_loop3A_177, %parallel_loop3A_178], %parallel_loop3A_175 {strides = array<i32>} : memref<8x1280xf32, #tpu.memory_space<vmem>>, vector<16xf32>,
        %parallel_loop3A_180 = arith.constant 20000 : i32
        %parallel_loop3A_181 = tpu.memref_slice %arg5[%parallel_loop3A_180] : memref<80000xi32, #tpu.memory_space<vmem>> -> memref<10000xi32, #tpu.memory_space<vmem>>
        %parallel_loop3A_182 = tpu.vector_load_idx %parallel_loop3A_181[%parallel_loop3A_126] : memref<10000xi32, #tpu.memory_space<vmem>>[vector<16xi32>], vector<16xi32>,
        %parallel_loop3A_183 = arith.constant 20000 : i32
        %parallel_loop3A_184 = tpu.memref_slice %arg5[%parallel_loop3A_183] : memref<80000xi32, #tpu.memory_space<vmem>> -> memref<10000xi32, #tpu.memory_space<vmem>>
        %parallel_loop3A_185 = tpu.vector_load_idx %parallel_loop3A_184[%parallel_loop3A_129] : memref<10000xi32, #tpu.memory_space<vmem>>[vector<16xi32>], vector<16xi32>,
        %parallel_loop3A_186 = vector.bitcast %parallel_loop3A_182 : vector<16xi32> to vector<16xf32>
        %parallel_loop3A_187 = arith.constant 16 : i32
        %parallel_loop3A_188 = vector.broadcast %parallel_loop3A_187 : i32 to vector<16xi32>
        %parallel_loop3A_189 = arith.shli %parallel_loop3A_182, %parallel_loop3A_188 : vector<16xi32>
        %parallel_loop3A_190 = vector.bitcast %parallel_loop3A_189 : vector<16xi32> to vector<16xf32>
        %parallel_loop3A_191 = vector.bitcast %parallel_loop3A_185 : vector<16xi32> to vector<16xf32>
        %parallel_loop3A_192 = arith.constant 16 : i32
        %parallel_loop3A_193 = vector.broadcast %parallel_loop3A_192 : i32 to vector<16xi32>
        %parallel_loop3A_194 = arith.shli %parallel_loop3A_185, %parallel_loop3A_193 : vector<16xi32>
        %parallel_loop3A_195 = vector.bitcast %parallel_loop3A_194 : vector<16xi32> to vector<16xf32>
        %parallel_loop3A_196 = arith.mulf %parallel_loop3A_186, %parallel_loop3A_195 : vector<16xf32>
        %parallel_loop3A_197 = arith.mulf %parallel_loop3A_191, %parallel_loop3A_190 : vector<16xf32>
        %parallel_loop3A_198 = arith.mulf %parallel_loop3A_196, %parallel_loop3A_197 : vector<16xf32>
        %parallel_loop3A_199 = arith.addf %parallel_loop3A_196, %parallel_loop3A_197 : vector<16xf32>
        %parallel_loop3A_200 = arith.divf %parallel_loop3A_198, %parallel_loop3A_199 : vector<16xf32>
        %parallel_loop3A_201 = arith.constant 2 : i32
        %parallel_loop3A_202 = arith.index_cast %parallel_loop3A_201 : i32 to index
        %parallel_loop3A_203 = arith.index_cast %parallel_loop3A_121 : i32 to index
        %parallel_loop3A_204 = tpu.vector_load %arg9[%parallel_loop3A_202, %parallel_loop3A_203] {strides = array<i32>} : memref<8x1280xf32, #tpu.memory_space<vmem>>, vector<16xf32>,
        tpu.vector_store %arg9[%parallel_loop3A_202, %parallel_loop3A_203], %parallel_loop3A_200 {strides = array<i32>} : memref<8x1280xf32, #tpu.memory_space<vmem>>, vector<16xf32>,
        %parallel_loop3A_205 = arith.constant 30000 : i32
        %parallel_loop3A_206 = tpu.memref_slice %arg5[%parallel_loop3A_205] : memref<80000xi32, #tpu.memory_space<vmem>> -> memref<10000xi32, #tpu.memory_space<vmem>>
        %parallel_loop3A_207 = tpu.vector_load_idx %parallel_loop3A_206[%parallel_loop3A_126] : memref<10000xi32, #tpu.memory_space<vmem>>[vector<16xi32>], vector<16xi32>,
        %parallel_loop3A_208 = arith.constant 30000 : i32
        %parallel_loop3A_209 = tpu.memref_slice %arg5[%parallel_loop3A_208] : memref<80000xi32, #tpu.memory_space<vmem>> -> memref<10000xi32, #tpu.memory_space<vmem>>
        %parallel_loop3A_210 = tpu.vector_load_idx %parallel_loop3A_209[%parallel_loop3A_129] : memref<10000xi32, #tpu.memory_space<vmem>>[vector<16xi32>], vector<16xi32>,
        %parallel_loop3A_211 = vector.bitcast %parallel_loop3A_207 : vector<16xi32> to vector<16xf32>
        %parallel_loop3A_212 = arith.constant 16 : i32
        %parallel_loop3A_213 = vector.broadcast %parallel_loop3A_212 : i32 to vector<16xi32>
        %parallel_loop3A_214 = arith.shli %parallel_loop3A_207, %parallel_loop3A_213 : vector<16xi32>
        %parallel_loop3A_215 = vector.bitcast %parallel_loop3A_214 : vector<16xi32> to vector<16xf32>
        %parallel_loop3A_216 = vector.bitcast %parallel_loop3A_210 : vector<16xi32> to vector<16xf32>
        %parallel_loop3A_217 = arith.constant 16 : i32
        %parallel_loop3A_218 = vector.broadcast %parallel_loop3A_217 : i32 to vector<16xi32>
        %parallel_loop3A_219 = arith.shli %parallel_loop3A_210, %parallel_loop3A_218 : vector<16xi32>
        %parallel_loop3A_220 = vector.bitcast %parallel_loop3A_219 : vector<16xi32> to vector<16xf32>
        %parallel_loop3A_221 = arith.mulf %parallel_loop3A_211, %parallel_loop3A_220 : vector<16xf32>
        %parallel_loop3A_222 = arith.mulf %parallel_loop3A_216, %parallel_loop3A_215 : vector<16xf32>
        %parallel_loop3A_223 = arith.mulf %parallel_loop3A_221, %parallel_loop3A_222 : vector<16xf32>
        %parallel_loop3A_224 = arith.addf %parallel_loop3A_221, %parallel_loop3A_222 : vector<16xf32>
        %parallel_loop3A_225 = arith.divf %parallel_loop3A_223, %parallel_loop3A_224 : vector<16xf32>
        %parallel_loop3A_226 = arith.constant 3 : i32
        %parallel_loop3A_227 = arith.index_cast %parallel_loop3A_226 : i32 to index
        %parallel_loop3A_228 = arith.index_cast %parallel_loop3A_121 : i32 to index
        %parallel_loop3A_229 = tpu.vector_load %arg9[%parallel_loop3A_227, %parallel_loop3A_228] {strides = array<i32>} : memref<8x1280xf32, #tpu.memory_space<vmem>>, vector<16xf32>,
        tpu.vector_store %arg9[%parallel_loop3A_227, %parallel_loop3A_228], %parallel_loop3A_225 {strides = array<i32>} : memref<8x1280xf32, #tpu.memory_space<vmem>>, vector<16xf32>,
        %parallel_loop3A_230 = arith.constant 40000 : i32
        %parallel_loop3A_231 = tpu.memref_slice %arg5[%parallel_loop3A_230] : memref<80000xi32, #tpu.memory_space<vmem>> -> memref<10000xi32, #tpu.memory_space<vmem>>
        %parallel_loop3A_232 = tpu.vector_load_idx %parallel_loop3A_231[%parallel_loop3A_126] : memref<10000xi32, #tpu.memory_space<vmem>>[vector<16xi32>], vector<16xi32>,
        %parallel_loop3A_233 = arith.constant 40000 : i32
        %parallel_loop3A_234 = tpu.memref_slice %arg5[%parallel_loop3A_233] : memref<80000xi32, #tpu.memory_space<vmem>> -> memref<10000xi32, #tpu.memory_space<vmem>>
        %parallel_loop3A_235 = tpu.vector_load_idx %parallel_loop3A_234[%parallel_loop3A_129] : memref<10000xi32, #tpu.memory_space<vmem>>[vector<16xi32>], vector<16xi32>,
        %parallel_loop3A_236 = vector.bitcast %parallel_loop3A_232 : vector<16xi32> to vector<16xf32>
        %parallel_loop3A_237 = arith.constant 16 : i32
        %parallel_loop3A_238 = vector.broadcast %parallel_loop3A_237 : i32 to vector<16xi32>
        %parallel_loop3A_239 = arith.shli %parallel_loop3A_232, %parallel_loop3A_238 : vector<16xi32>
        %parallel_loop3A_240 = vector.bitcast %parallel_loop3A_239 : vector<16xi32> to vector<16xf32>
        %parallel_loop3A_241 = vector.bitcast %parallel_loop3A_235 : vector<16xi32> to vector<16xf32>
        %parallel_loop3A_242 = arith.constant 16 : i32
        %parallel_loop3A_243 = vector.broadcast %parallel_loop3A_242 : i32 to vector<16xi32>
        %parallel_loop3A_244 = arith.shli %parallel_loop3A_235, %parallel_loop3A_243 : vector<16xi32>
        %parallel_loop3A_245 = vector.bitcast %parallel_loop3A_244 : vector<16xi32> to vector<16xf32>
        %parallel_loop3A_246 = arith.mulf %parallel_loop3A_236, %parallel_loop3A_245 : vector<16xf32>
        %parallel_loop3A_247 = arith.mulf %parallel_loop3A_241, %parallel_loop3A_240 : vector<16xf32>
        %parallel_loop3A_248 = arith.mulf %parallel_loop3A_246, %parallel_loop3A_247 : vector<16xf32>
        %parallel_loop3A_249 = arith.addf %parallel_loop3A_246, %parallel_loop3A_247 : vector<16xf32>
        %parallel_loop3A_250 = arith.divf %parallel_loop3A_248, %parallel_loop3A_249 : vector<16xf32>
        %parallel_loop3A_251 = arith.constant 4 : i32
        %parallel_loop3A_252 = arith.index_cast %parallel_loop3A_251 : i32 to index
        %parallel_loop3A_253 = arith.index_cast %parallel_loop3A_121 : i32 to index
        %parallel_loop3A_254 = tpu.vector_load %arg9[%parallel_loop3A_252, %parallel_loop3A_253] {strides = array<i32>} : memref<8x1280xf32, #tpu.memory_space<vmem>>, vector<16xf32>,
        tpu.vector_store %arg9[%parallel_loop3A_252, %parallel_loop3A_253], %parallel_loop3A_250 {strides = array<i32>} : memref<8x1280xf32, #tpu.memory_space<vmem>>, vector<16xf32>,
        %parallel_loop3A_255 = arith.constant 50000 : i32
        %parallel_loop3A_256 = tpu.memref_slice %arg5[%parallel_loop3A_255] : memref<80000xi32, #tpu.memory_space<vmem>> -> memref<10000xi32, #tpu.memory_space<vmem>>
        %parallel_loop3A_257 = tpu.vector_load_idx %parallel_loop3A_256[%parallel_loop3A_126] : memref<10000xi32, #tpu.memory_space<vmem>>[vector<16xi32>], vector<16xi32>,
        %parallel_loop3A_258 = arith.constant 50000 : i32
        %parallel_loop3A_259 = tpu.memref_slice %arg5[%parallel_loop3A_258] : memref<80000xi32, #tpu.memory_space<vmem>> -> memref<10000xi32, #tpu.memory_space<vmem>>
        %parallel_loop3A_260 = tpu.vector_load_idx %parallel_loop3A_259[%parallel_loop3A_129] : memref<10000xi32, #tpu.memory_space<vmem>>[vector<16xi32>], vector<16xi32>,
        %parallel_loop3A_261 = vector.bitcast %parallel_loop3A_257 : vector<16xi32> to vector<16xf32>
        %parallel_loop3A_262 = arith.constant 16 : i32
        %parallel_loop3A_263 = vector.broadcast %parallel_loop3A_262 : i32 to vector<16xi32>
        %parallel_loop3A_264 = arith.shli %parallel_loop3A_257, %parallel_loop3A_263 : vector<16xi32>
        %parallel_loop3A_265 = vector.bitcast %parallel_loop3A_264 : vector<16xi32> to vector<16xf32>
        %parallel_loop3A_266 = vector.bitcast %parallel_loop3A_260 : vector<16xi32> to vector<16xf32>
        %parallel_loop3A_267 = arith.constant 16 : i32
        %parallel_loop3A_268 = vector.broadcast %parallel_loop3A_267 : i32 to vector<16xi32>
        %parallel_loop3A_269 = arith.shli %parallel_loop3A_260, %parallel_loop3A_268 : vector<16xi32>
        %parallel_loop3A_270 = vector.bitcast %parallel_loop3A_269 : vector<16xi32> to vector<16xf32>
        %parallel_loop3A_271 = arith.mulf %parallel_loop3A_261, %parallel_loop3A_270 : vector<16xf32>
        %parallel_loop3A_272 = arith.mulf %parallel_loop3A_266, %parallel_loop3A_265 : vector<16xf32>
        %parallel_loop3A_273 = arith.mulf %parallel_loop3A_271, %parallel_loop3A_272 : vector<16xf32>
        %parallel_loop3A_274 = arith.addf %parallel_loop3A_271, %parallel_loop3A_272 : vector<16xf32>
        %parallel_loop3A_275 = arith.divf %parallel_loop3A_273, %parallel_loop3A_274 : vector<16xf32>
        %parallel_loop3A_276 = arith.constant 5 : i32
        %parallel_loop3A_277 = arith.index_cast %parallel_loop3A_276 : i32 to index
        %parallel_loop3A_278 = arith.index_cast %parallel_loop3A_121 : i32 to index
        %parallel_loop3A_279 = tpu.vector_load %arg9[%parallel_loop3A_277, %parallel_loop3A_278] {strides = array<i32>} : memref<8x1280xf32, #tpu.memory_space<vmem>>, vector<16xf32>,
        tpu.vector_store %arg9[%parallel_loop3A_277, %parallel_loop3A_278], %parallel_loop3A_275 {strides = array<i32>} : memref<8x1280xf32, #tpu.memory_space<vmem>>, vector<16xf32>,
        %parallel_loop3A_280 = arith.constant 60000 : i32
        %parallel_loop3A_281 = tpu.memref_slice %arg5[%parallel_loop3A_280] : memref<80000xi32, #tpu.memory_space<vmem>> -> memref<10000xi32, #tpu.memory_space<vmem>>
        %parallel_loop3A_282 = tpu.vector_load_idx %parallel_loop3A_281[%parallel_loop3A_126] : memref<10000xi32, #tpu.memory_space<vmem>>[vector<16xi32>], vector<16xi32>,
        %parallel_loop3A_283 = arith.constant 60000 : i32
        %parallel_loop3A_284 = tpu.memref_slice %arg5[%parallel_loop3A_283] : memref<80000xi32, #tpu.memory_space<vmem>> -> memref<10000xi32, #tpu.memory_space<vmem>>
        %parallel_loop3A_285 = tpu.vector_load_idx %parallel_loop3A_284[%parallel_loop3A_129] : memref<10000xi32, #tpu.memory_space<vmem>>[vector<16xi32>], vector<16xi32>,
        %parallel_loop3A_286 = vector.bitcast %parallel_loop3A_282 : vector<16xi32> to vector<16xf32>
        %parallel_loop3A_287 = arith.constant 16 : i32
        %parallel_loop3A_288 = vector.broadcast %parallel_loop3A_287 : i32 to vector<16xi32>
        %parallel_loop3A_289 = arith.shli %parallel_loop3A_282, %parallel_loop3A_288 : vector<16xi32>
        %parallel_loop3A_290 = vector.bitcast %parallel_loop3A_289 : vector<16xi32> to vector<16xf32>
        %parallel_loop3A_291 = vector.bitcast %parallel_loop3A_285 : vector<16xi32> to vector<16xf32>
        %parallel_loop3A_292 = arith.constant 16 : i32
        %parallel_loop3A_293 = vector.broadcast %parallel_loop3A_292 : i32 to vector<16xi32>
        %parallel_loop3A_294 = arith.shli %parallel_loop3A_285, %parallel_loop3A_293 : vector<16xi32>
        %parallel_loop3A_295 = vector.bitcast %parallel_loop3A_294 : vector<16xi32> to vector<16xf32>
        %parallel_loop3A_296 = arith.mulf %parallel_loop3A_286, %parallel_loop3A_295 : vector<16xf32>
        %parallel_loop3A_297 = arith.mulf %parallel_loop3A_291, %parallel_loop3A_290 : vector<16xf32>
        %parallel_loop3A_298 = arith.mulf %parallel_loop3A_296, %parallel_loop3A_297 : vector<16xf32>
        %parallel_loop3A_299 = arith.addf %parallel_loop3A_296, %parallel_loop3A_297 : vector<16xf32>
        %parallel_loop3A_300 = arith.divf %parallel_loop3A_298, %parallel_loop3A_299 : vector<16xf32>
        %parallel_loop3A_301 = arith.constant 6 : i32
        %parallel_loop3A_302 = arith.index_cast %parallel_loop3A_301 : i32 to index
        %parallel_loop3A_303 = arith.index_cast %parallel_loop3A_121 : i32 to index
        %parallel_loop3A_304 = tpu.vector_load %arg9[%parallel_loop3A_302, %parallel_loop3A_303] {strides = array<i32>} : memref<8x1280xf32, #tpu.memory_space<vmem>>, vector<16xf32>,
        tpu.vector_store %arg9[%parallel_loop3A_302, %parallel_loop3A_303], %parallel_loop3A_300 {strides = array<i32>} : memref<8x1280xf32, #tpu.memory_space<vmem>>, vector<16xf32>,
        %parallel_loop3A_305 = arith.constant 70000 : i32
        %parallel_loop3A_306 = tpu.memref_slice %arg5[%parallel_loop3A_305] : memref<80000xi32, #tpu.memory_space<vmem>> -> memref<10000xi32, #tpu.memory_space<vmem>>
        %parallel_loop3A_307 = tpu.vector_load_idx %parallel_loop3A_306[%parallel_loop3A_126] : memref<10000xi32, #tpu.memory_space<vmem>>[vector<16xi32>], vector<16xi32>,
        %parallel_loop3A_308 = arith.constant 70000 : i32
        %parallel_loop3A_309 = tpu.memref_slice %arg5[%parallel_loop3A_308] : memref<80000xi32, #tpu.memory_space<vmem>> -> memref<10000xi32, #tpu.memory_space<vmem>>
        %parallel_loop3A_310 = tpu.vector_load_idx %parallel_loop3A_309[%parallel_loop3A_129] : memref<10000xi32, #tpu.memory_space<vmem>>[vector<16xi32>], vector<16xi32>,
        %parallel_loop3A_311 = vector.bitcast %parallel_loop3A_307 : vector<16xi32> to vector<16xf32>
        %parallel_loop3A_312 = arith.constant 16 : i32
        %parallel_loop3A_313 = vector.broadcast %parallel_loop3A_312 : i32 to vector<16xi32>
        %parallel_loop3A_314 = arith.shli %parallel_loop3A_307, %parallel_loop3A_313 : vector<16xi32>
        %parallel_loop3A_315 = vector.bitcast %parallel_loop3A_314 : vector<16xi32> to vector<16xf32>
        %parallel_loop3A_316 = vector.bitcast %parallel_loop3A_310 : vector<16xi32> to vector<16xf32>
        %parallel_loop3A_317 = arith.constant 16 : i32
        %parallel_loop3A_318 = vector.broadcast %parallel_loop3A_317 : i32 to vector<16xi32>
        %parallel_loop3A_319 = arith.shli %parallel_loop3A_310, %parallel_loop3A_318 : vector<16xi32>
        %parallel_loop3A_320 = vector.bitcast %parallel_loop3A_319 : vector<16xi32> to vector<16xf32>
        %parallel_loop3A_321 = arith.mulf %parallel_loop3A_311, %parallel_loop3A_320 : vector<16xf32>
        %parallel_loop3A_322 = arith.mulf %parallel_loop3A_316, %parallel_loop3A_315 : vector<16xf32>
        %parallel_loop3A_323 = arith.mulf %parallel_loop3A_321, %parallel_loop3A_322 : vector<16xf32>
        %parallel_loop3A_324 = arith.addf %parallel_loop3A_321, %parallel_loop3A_322 : vector<16xf32>
        %parallel_loop3A_325 = arith.divf %parallel_loop3A_323, %parallel_loop3A_324 : vector<16xf32>
        %parallel_loop3A_326 = arith.constant 7 : i32
        %parallel_loop3A_327 = arith.index_cast %parallel_loop3A_326 : i32 to index
        %parallel_loop3A_328 = arith.index_cast %parallel_loop3A_121 : i32 to index
        %parallel_loop3A_329 = tpu.vector_load %arg9[%parallel_loop3A_327, %parallel_loop3A_328] {strides = array<i32>} : memref<8x1280xf32, #tpu.memory_space<vmem>>, vector<16xf32>,
        tpu.vector_store %arg9[%parallel_loop3A_327, %parallel_loop3A_328], %parallel_loop3A_325 {strides = array<i32>} : memref<8x1280xf32, #tpu.memory_space<vmem>>, vector<16xf32>,
      } {sc.loop_unroll_factor = 2 : i64, sc.parallel_access}
      %mul3A_116 = arith.constant 1280 : i32
      %mul3A_117 = arith.muli %add3A_94, %mul3A_116 : i32
      %add3A_118 = arith.addi %multiple_of3A_3, %mul3A_117 : i32
      %dma_start3A_119 = tpu.memref_slice %arg4[%multiple_of3A, %add3A_118] : memref<128x320000xf32, #tpu.memory_space<hbm>> -> memref<8x1280xf32, #tpu.memory_space<hbm>>
      %dma_start3A_120 = tpu.memref_slice %arg4[%multiple_of3A, %add3A_118] : memref<128x320000xf32, #tpu.memory_space<hbm>> -> memref<8x1280xf32, #tpu.memory_space<hbm>>
      tpu.enqueue_dma source(%arg9 : memref<8x1280xf32, #tpu.memory_space<vmem>>) target(%dma_start3A_120 : memref<8x1280xf32, #tpu.memory_space<hbm>>) target_semaphore(%arg13 : memref<!tpu.dma_semaphore, #tpu.memory_space<semaphore_mem>>)
    }
    %scan3A_40 = arith.constant 62 : i32
    %dma_wait3A = arith.constant 0 : i32
    %dma_wait3A_41 = tpu.memref_slice %arg3[%dma_wait3A] : memref<320000xi32, #tpu.memory_space<hbm>> -> memref<1280xi32, #tpu.memory_space<hbm>>
    %dma_wait3A_42 = arith.constant 0 : i32
    %dma_wait3A_43 = tpu.memref_slice %arg3[%dma_wait3A_42] : memref<320000xi32, #tpu.memory_space<hbm>> -> memref<1280xi32, #tpu.memory_space<hbm>>
    tpu.wait_dma2 semaphore(%arg10 : memref<!tpu.dma_semaphore, #tpu.memory_space<semaphore_mem>>) src(%dma_wait3A_43 : memref<1280xi32, #tpu.memory_space<hbm>>) dst(%arg6 : memref<1280xi32, #tpu.memory_space<vmem>>)
    %dma_wait3A_44 = arith.constant 0 : i32
    %dma_wait3A_45 = arith.constant 0 : i32
    %dma_wait3A_46 = tpu.memref_slice %arg4[%dma_wait3A_44, %dma_wait3A_45] : memref<128x320000xf32, #tpu.memory_space<hbm>> -> memref<8x1280xf32, #tpu.memory_space<hbm>>
    %dma_wait3A_47 = arith.constant 0 : i32
    %dma_wait3A_48 = arith.constant 0 : i32
    %dma_wait3A_49 = tpu.memref_slice %arg4[%dma_wait3A_47, %dma_wait3A_48] : memref<128x320000xf32, #tpu.memory_space<hbm>> -> memref<8x1280xf32, #tpu.memory_space<hbm>>
    tpu.wait_dma2 semaphore(%arg12 : memref<!tpu.dma_semaphore, #tpu.memory_space<semaphore_mem>>) src(%arg8 : memref<8x1280xf32, #tpu.memory_space<vmem>>) dst(%dma_wait3A_49 : memref<8x1280xf32, #tpu.memory_space<hbm>>)
    %parallel_loop3A = arith.constant 0 : i32
    %parallel_loop3A_50 = arith.constant 1280 : i32
    %parallel_loop3A_51 = arith.constant 16 : i32
    scf.for %parallel_loop3A_68 = %parallel_loop3A to %parallel_loop3A_50 step %parallel_loop3A_51  : i32 {
      %parallel_loop3A_69 = arith.index_cast %parallel_loop3A_68 : i32 to index
      %parallel_loop3A_70 = tpu.vector_load %arg6[%parallel_loop3A_69] {strides = array<i32>} : memref<1280xi32, #tpu.memory_space<vmem>>, vector<16xi32>,
      %parallel_loop3A_71 = arith.constant 65535 : i32
      %parallel_loop3A_72 = vector.broadcast %parallel_loop3A_71 : i32 to vector<16xi32>
      %parallel_loop3A_73 = arith.andi %parallel_loop3A_70, %parallel_loop3A_72 : vector<16xi32>
      %parallel_loop3A_74 = arith.constant 16 : i32
      %parallel_loop3A_75 = vector.broadcast %parallel_loop3A_74 : i32 to vector<16xi32>
      %parallel_loop3A_76 = arith.shrui %parallel_loop3A_70, %parallel_loop3A_75 : vector<16xi32>
      %parallel_loop3A_77 = arith.constant 0 : i32
      %parallel_loop3A_78 = tpu.memref_slice %arg5[%parallel_loop3A_77] : memref<80000xi32, #tpu.memory_space<vmem>> -> memref<10000xi32, #tpu.memory_space<vmem>>
      %parallel_loop3A_79 = tpu.vector_load_idx %parallel_loop3A_78[%parallel_loop3A_73] : memref<10000xi32, #tpu.memory_space<vmem>>[vector<16xi32>], vector<16xi32>,
      %parallel_loop3A_80 = arith.constant 0 : i32
      %parallel_loop3A_81 = tpu.memref_slice %arg5[%parallel_loop3A_80] : memref<80000xi32, #tpu.memory_space<vmem>> -> memref<10000xi32, #tpu.memory_space<vmem>>
      %parallel_loop3A_82 = tpu.vector_load_idx %parallel_loop3A_81[%parallel_loop3A_76] : memref<10000xi32, #tpu.memory_space<vmem>>[vector<16xi32>], vector<16xi32>,
      %parallel_loop3A_83 = vector.bitcast %parallel_loop3A_79 : vector<16xi32> to vector<16xf32>
      %parallel_loop3A_84 = arith.constant 16 : i32
      %parallel_loop3A_85 = vector.broadcast %parallel_loop3A_84 : i32 to vector<16xi32>
      %parallel_loop3A_86 = arith.shli %parallel_loop3A_79, %parallel_loop3A_85 : vector<16xi32>
      %parallel_loop3A_87 = vector.bitcast %parallel_loop3A_86 : vector<16xi32> to vector<16xf32>
      %parallel_loop3A_88 = vector.bitcast %parallel_loop3A_82 : vector<16xi32> to vector<16xf32>
      %parallel_loop3A_89 = arith.constant 16 : i32
      %parallel_loop3A_90 = vector.broadcast %parallel_loop3A_89 : i32 to vector<16xi32>
      %parallel_loop3A_91 = arith.shli %parallel_loop3A_82, %parallel_loop3A_90 : vector<16xi32>
      %parallel_loop3A_92 = vector.bitcast %parallel_loop3A_91 : vector<16xi32> to vector<16xf32>
      %parallel_loop3A_93 = arith.mulf %parallel_loop3A_83, %parallel_loop3A_92 : vector<16xf32>
      %parallel_loop3A_94 = arith.mulf %parallel_loop3A_88, %parallel_loop3A_87 : vector<16xf32>
      %parallel_loop3A_95 = arith.mulf %parallel_loop3A_93, %parallel_loop3A_94 : vector<16xf32>
      %parallel_loop3A_96 = arith.addf %parallel_loop3A_93, %parallel_loop3A_94 : vector<16xf32>
      %parallel_loop3A_97 = arith.divf %parallel_loop3A_95, %parallel_loop3A_96 : vector<16xf32>
      %parallel_loop3A_98 = arith.constant 0 : i32
      %parallel_loop3A_99 = arith.index_cast %parallel_loop3A_98 : i32 to index
      %parallel_loop3A_100 = arith.index_cast %parallel_loop3A_68 : i32 to index
      %parallel_loop3A_101 = tpu.vector_load %arg8[%parallel_loop3A_99, %parallel_loop3A_100] {strides = array<i32>} : memref<8x1280xf32, #tpu.memory_space<vmem>>, vector<16xf32>,
      tpu.vector_store %arg8[%parallel_loop3A_99, %parallel_loop3A_100], %parallel_loop3A_97 {strides = array<i32>} : memref<8x1280xf32, #tpu.memory_space<vmem>>, vector<16xf32>,
      %parallel_loop3A_102 = arith.constant 10000 : i32
      %parallel_loop3A_103 = tpu.memref_slice %arg5[%parallel_loop3A_102] : memref<80000xi32, #tpu.memory_space<vmem>> -> memref<10000xi32, #tpu.memory_space<vmem>>
      %parallel_loop3A_104 = tpu.vector_load_idx %parallel_loop3A_103[%parallel_loop3A_73] : memref<10000xi32, #tpu.memory_space<vmem>>[vector<16xi32>], vector<16xi32>,
      %parallel_loop3A_105 = arith.constant 10000 : i32
      %parallel_loop3A_106 = tpu.memref_slice %arg5[%parallel_loop3A_105] : memref<80000xi32, #tpu.memory_space<vmem>> -> memref<10000xi32, #tpu.memory_space<vmem>>
      %parallel_loop3A_107 = tpu.vector_load_idx %parallel_loop3A_106[%parallel_loop3A_76] : memref<10000xi32, #tpu.memory_space<vmem>>[vector<16xi32>], vector<16xi32>,
      %parallel_loop3A_108 = vector.bitcast %parallel_loop3A_104 : vector<16xi32> to vector<16xf32>
      %parallel_loop3A_109 = arith.constant 16 : i32
      %parallel_loop3A_110 = vector.broadcast %parallel_loop3A_109 : i32 to vector<16xi32>
      %parallel_loop3A_111 = arith.shli %parallel_loop3A_104, %parallel_loop3A_110 : vector<16xi32>
      %parallel_loop3A_112 = vector.bitcast %parallel_loop3A_111 : vector<16xi32> to vector<16xf32>
      %parallel_loop3A_113 = vector.bitcast %parallel_loop3A_107 : vector<16xi32> to vector<16xf32>
      %parallel_loop3A_114 = arith.constant 16 : i32
      %parallel_loop3A_115 = vector.broadcast %parallel_loop3A_114 : i32 to vector<16xi32>
      %parallel_loop3A_116 = arith.shli %parallel_loop3A_107, %parallel_loop3A_115 : vector<16xi32>
      %parallel_loop3A_117 = vector.bitcast %parallel_loop3A_116 : vector<16xi32> to vector<16xf32>
      %parallel_loop3A_118 = arith.mulf %parallel_loop3A_108, %parallel_loop3A_117 : vector<16xf32>
      %parallel_loop3A_119 = arith.mulf %parallel_loop3A_113, %parallel_loop3A_112 : vector<16xf32>
      %parallel_loop3A_120 = arith.mulf %parallel_loop3A_118, %parallel_loop3A_119 : vector<16xf32>
      %parallel_loop3A_121 = arith.addf %parallel_loop3A_118, %parallel_loop3A_119 : vector<16xf32>
      %parallel_loop3A_122 = arith.divf %parallel_loop3A_120, %parallel_loop3A_121 : vector<16xf32>
      %parallel_loop3A_123 = arith.constant 1 : i32
      %parallel_loop3A_124 = arith.index_cast %parallel_loop3A_123 : i32 to index
      %parallel_loop3A_125 = arith.index_cast %parallel_loop3A_68 : i32 to index
      %parallel_loop3A_126 = tpu.vector_load %arg8[%parallel_loop3A_124, %parallel_loop3A_125] {strides = array<i32>} : memref<8x1280xf32, #tpu.memory_space<vmem>>, vector<16xf32>,
      tpu.vector_store %arg8[%parallel_loop3A_124, %parallel_loop3A_125], %parallel_loop3A_122 {strides = array<i32>} : memref<8x1280xf32, #tpu.memory_space<vmem>>, vector<16xf32>,
      %parallel_loop3A_127 = arith.constant 20000 : i32
      %parallel_loop3A_128 = tpu.memref_slice %arg5[%parallel_loop3A_127] : memref<80000xi32, #tpu.memory_space<vmem>> -> memref<10000xi32, #tpu.memory_space<vmem>>
      %parallel_loop3A_129 = tpu.vector_load_idx %parallel_loop3A_128[%parallel_loop3A_73] : memref<10000xi32, #tpu.memory_space<vmem>>[vector<16xi32>], vector<16xi32>,
      %parallel_loop3A_130 = arith.constant 20000 : i32
      %parallel_loop3A_131 = tpu.memref_slice %arg5[%parallel_loop3A_130] : memref<80000xi32, #tpu.memory_space<vmem>> -> memref<10000xi32, #tpu.memory_space<vmem>>
      %parallel_loop3A_132 = tpu.vector_load_idx %parallel_loop3A_131[%parallel_loop3A_76] : memref<10000xi32, #tpu.memory_space<vmem>>[vector<16xi32>], vector<16xi32>,
      %parallel_loop3A_133 = vector.bitcast %parallel_loop3A_129 : vector<16xi32> to vector<16xf32>
      %parallel_loop3A_134 = arith.constant 16 : i32
      %parallel_loop3A_135 = vector.broadcast %parallel_loop3A_134 : i32 to vector<16xi32>
      %parallel_loop3A_136 = arith.shli %parallel_loop3A_129, %parallel_loop3A_135 : vector<16xi32>
      %parallel_loop3A_137 = vector.bitcast %parallel_loop3A_136 : vector<16xi32> to vector<16xf32>
      %parallel_loop3A_138 = vector.bitcast %parallel_loop3A_132 : vector<16xi32> to vector<16xf32>
      %parallel_loop3A_139 = arith.constant 16 : i32
      %parallel_loop3A_140 = vector.broadcast %parallel_loop3A_139 : i32 to vector<16xi32>
      %parallel_loop3A_141 = arith.shli %parallel_loop3A_132, %parallel_loop3A_140 : vector<16xi32>
      %parallel_loop3A_142 = vector.bitcast %parallel_loop3A_141 : vector<16xi32> to vector<16xf32>
      %parallel_loop3A_143 = arith.mulf %parallel_loop3A_133, %parallel_loop3A_142 : vector<16xf32>
      %parallel_loop3A_144 = arith.mulf %parallel_loop3A_138, %parallel_loop3A_137 : vector<16xf32>
      %parallel_loop3A_145 = arith.mulf %parallel_loop3A_143, %parallel_loop3A_144 : vector<16xf32>
      %parallel_loop3A_146 = arith.addf %parallel_loop3A_143, %parallel_loop3A_144 : vector<16xf32>
      %parallel_loop3A_147 = arith.divf %parallel_loop3A_145, %parallel_loop3A_146 : vector<16xf32>
      %parallel_loop3A_148 = arith.constant 2 : i32
      %parallel_loop3A_149 = arith.index_cast %parallel_loop3A_148 : i32 to index
      %parallel_loop3A_150 = arith.index_cast %parallel_loop3A_68 : i32 to index
      %parallel_loop3A_151 = tpu.vector_load %arg8[%parallel_loop3A_149, %parallel_loop3A_150] {strides = array<i32>} : memref<8x1280xf32, #tpu.memory_space<vmem>>, vector<16xf32>,
      tpu.vector_store %arg8[%parallel_loop3A_149, %parallel_loop3A_150], %parallel_loop3A_147 {strides = array<i32>} : memref<8x1280xf32, #tpu.memory_space<vmem>>, vector<16xf32>,
      %parallel_loop3A_152 = arith.constant 30000 : i32
      %parallel_loop3A_153 = tpu.memref_slice %arg5[%parallel_loop3A_152] : memref<80000xi32, #tpu.memory_space<vmem>> -> memref<10000xi32, #tpu.memory_space<vmem>>
      %parallel_loop3A_154 = tpu.vector_load_idx %parallel_loop3A_153[%parallel_loop3A_73] : memref<10000xi32, #tpu.memory_space<vmem>>[vector<16xi32>], vector<16xi32>,
      %parallel_loop3A_155 = arith.constant 30000 : i32
      %parallel_loop3A_156 = tpu.memref_slice %arg5[%parallel_loop3A_155] : memref<80000xi32, #tpu.memory_space<vmem>> -> memref<10000xi32, #tpu.memory_space<vmem>>
      %parallel_loop3A_157 = tpu.vector_load_idx %parallel_loop3A_156[%parallel_loop3A_76] : memref<10000xi32, #tpu.memory_space<vmem>>[vector<16xi32>], vector<16xi32>,
      %parallel_loop3A_158 = vector.bitcast %parallel_loop3A_154 : vector<16xi32> to vector<16xf32>
      %parallel_loop3A_159 = arith.constant 16 : i32
      %parallel_loop3A_160 = vector.broadcast %parallel_loop3A_159 : i32 to vector<16xi32>
      %parallel_loop3A_161 = arith.shli %parallel_loop3A_154, %parallel_loop3A_160 : vector<16xi32>
      %parallel_loop3A_162 = vector.bitcast %parallel_loop3A_161 : vector<16xi32> to vector<16xf32>
      %parallel_loop3A_163 = vector.bitcast %parallel_loop3A_157 : vector<16xi32> to vector<16xf32>
      %parallel_loop3A_164 = arith.constant 16 : i32
      %parallel_loop3A_165 = vector.broadcast %parallel_loop3A_164 : i32 to vector<16xi32>
      %parallel_loop3A_166 = arith.shli %parallel_loop3A_157, %parallel_loop3A_165 : vector<16xi32>
      %parallel_loop3A_167 = vector.bitcast %parallel_loop3A_166 : vector<16xi32> to vector<16xf32>
      %parallel_loop3A_168 = arith.mulf %parallel_loop3A_158, %parallel_loop3A_167 : vector<16xf32>
      %parallel_loop3A_169 = arith.mulf %parallel_loop3A_163, %parallel_loop3A_162 : vector<16xf32>
      %parallel_loop3A_170 = arith.mulf %parallel_loop3A_168, %parallel_loop3A_169 : vector<16xf32>
      %parallel_loop3A_171 = arith.addf %parallel_loop3A_168, %parallel_loop3A_169 : vector<16xf32>
      %parallel_loop3A_172 = arith.divf %parallel_loop3A_170, %parallel_loop3A_171 : vector<16xf32>
      %parallel_loop3A_173 = arith.constant 3 : i32
      %parallel_loop3A_174 = arith.index_cast %parallel_loop3A_173 : i32 to index
      %parallel_loop3A_175 = arith.index_cast %parallel_loop3A_68 : i32 to index
      %parallel_loop3A_176 = tpu.vector_load %arg8[%parallel_loop3A_174, %parallel_loop3A_175] {strides = array<i32>} : memref<8x1280xf32, #tpu.memory_space<vmem>>, vector<16xf32>,
      tpu.vector_store %arg8[%parallel_loop3A_174, %parallel_loop3A_175], %parallel_loop3A_172 {strides = array<i32>} : memref<8x1280xf32, #tpu.memory_space<vmem>>, vector<16xf32>,
      %parallel_loop3A_177 = arith.constant 40000 : i32
      %parallel_loop3A_178 = tpu.memref_slice %arg5[%parallel_loop3A_177] : memref<80000xi32, #tpu.memory_space<vmem>> -> memref<10000xi32, #tpu.memory_space<vmem>>
      %parallel_loop3A_179 = tpu.vector_load_idx %parallel_loop3A_178[%parallel_loop3A_73] : memref<10000xi32, #tpu.memory_space<vmem>>[vector<16xi32>], vector<16xi32>,
      %parallel_loop3A_180 = arith.constant 40000 : i32
      %parallel_loop3A_181 = tpu.memref_slice %arg5[%parallel_loop3A_180] : memref<80000xi32, #tpu.memory_space<vmem>> -> memref<10000xi32, #tpu.memory_space<vmem>>
      %parallel_loop3A_182 = tpu.vector_load_idx %parallel_loop3A_181[%parallel_loop3A_76] : memref<10000xi32, #tpu.memory_space<vmem>>[vector<16xi32>], vector<16xi32>,
      %parallel_loop3A_183 = vector.bitcast %parallel_loop3A_179 : vector<16xi32> to vector<16xf32>
      %parallel_loop3A_184 = arith.constant 16 : i32
      %parallel_loop3A_185 = vector.broadcast %parallel_loop3A_184 : i32 to vector<16xi32>
      %parallel_loop3A_186 = arith.shli %parallel_loop3A_179, %parallel_loop3A_185 : vector<16xi32>
      %parallel_loop3A_187 = vector.bitcast %parallel_loop3A_186 : vector<16xi32> to vector<16xf32>
      %parallel_loop3A_188 = vector.bitcast %parallel_loop3A_182 : vector<16xi32> to vector<16xf32>
      %parallel_loop3A_189 = arith.constant 16 : i32
      %parallel_loop3A_190 = vector.broadcast %parallel_loop3A_189 : i32 to vector<16xi32>
      %parallel_loop3A_191 = arith.shli %parallel_loop3A_182, %parallel_loop3A_190 : vector<16xi32>
      %parallel_loop3A_192 = vector.bitcast %parallel_loop3A_191 : vector<16xi32> to vector<16xf32>
      %parallel_loop3A_193 = arith.mulf %parallel_loop3A_183, %parallel_loop3A_192 : vector<16xf32>
      %parallel_loop3A_194 = arith.mulf %parallel_loop3A_188, %parallel_loop3A_187 : vector<16xf32>
      %parallel_loop3A_195 = arith.mulf %parallel_loop3A_193, %parallel_loop3A_194 : vector<16xf32>
      %parallel_loop3A_196 = arith.addf %parallel_loop3A_193, %parallel_loop3A_194 : vector<16xf32>
      %parallel_loop3A_197 = arith.divf %parallel_loop3A_195, %parallel_loop3A_196 : vector<16xf32>
      %parallel_loop3A_198 = arith.constant 4 : i32
      %parallel_loop3A_199 = arith.index_cast %parallel_loop3A_198 : i32 to index
      %parallel_loop3A_200 = arith.index_cast %parallel_loop3A_68 : i32 to index
      %parallel_loop3A_201 = tpu.vector_load %arg8[%parallel_loop3A_199, %parallel_loop3A_200] {strides = array<i32>} : memref<8x1280xf32, #tpu.memory_space<vmem>>, vector<16xf32>,
      tpu.vector_store %arg8[%parallel_loop3A_199, %parallel_loop3A_200], %parallel_loop3A_197 {strides = array<i32>} : memref<8x1280xf32, #tpu.memory_space<vmem>>, vector<16xf32>,
      %parallel_loop3A_202 = arith.constant 50000 : i32
      %parallel_loop3A_203 = tpu.memref_slice %arg5[%parallel_loop3A_202] : memref<80000xi32, #tpu.memory_space<vmem>> -> memref<10000xi32, #tpu.memory_space<vmem>>
      %parallel_loop3A_204 = tpu.vector_load_idx %parallel_loop3A_203[%parallel_loop3A_73] : memref<10000xi32, #tpu.memory_space<vmem>>[vector<16xi32>], vector<16xi32>,
      %parallel_loop3A_205 = arith.constant 50000 : i32
      %parallel_loop3A_206 = tpu.memref_slice %arg5[%parallel_loop3A_205] : memref<80000xi32, #tpu.memory_space<vmem>> -> memref<10000xi32, #tpu.memory_space<vmem>>
      %parallel_loop3A_207 = tpu.vector_load_idx %parallel_loop3A_206[%parallel_loop3A_76] : memref<10000xi32, #tpu.memory_space<vmem>>[vector<16xi32>], vector<16xi32>,
      %parallel_loop3A_208 = vector.bitcast %parallel_loop3A_204 : vector<16xi32> to vector<16xf32>
      %parallel_loop3A_209 = arith.constant 16 : i32
      %parallel_loop3A_210 = vector.broadcast %parallel_loop3A_209 : i32 to vector<16xi32>
      %parallel_loop3A_211 = arith.shli %parallel_loop3A_204, %parallel_loop3A_210 : vector<16xi32>
      %parallel_loop3A_212 = vector.bitcast %parallel_loop3A_211 : vector<16xi32> to vector<16xf32>
      %parallel_loop3A_213 = vector.bitcast %parallel_loop3A_207 : vector<16xi32> to vector<16xf32>
      %parallel_loop3A_214 = arith.constant 16 : i32
      %parallel_loop3A_215 = vector.broadcast %parallel_loop3A_214 : i32 to vector<16xi32>
      %parallel_loop3A_216 = arith.shli %parallel_loop3A_207, %parallel_loop3A_215 : vector<16xi32>
      %parallel_loop3A_217 = vector.bitcast %parallel_loop3A_216 : vector<16xi32> to vector<16xf32>
      %parallel_loop3A_218 = arith.mulf %parallel_loop3A_208, %parallel_loop3A_217 : vector<16xf32>
      %parallel_loop3A_219 = arith.mulf %parallel_loop3A_213, %parallel_loop3A_212 : vector<16xf32>
      %parallel_loop3A_220 = arith.mulf %parallel_loop3A_218, %parallel_loop3A_219 : vector<16xf32>
      %parallel_loop3A_221 = arith.addf %parallel_loop3A_218, %parallel_loop3A_219 : vector<16xf32>
      %parallel_loop3A_222 = arith.divf %parallel_loop3A_220, %parallel_loop3A_221 : vector<16xf32>
      %parallel_loop3A_223 = arith.constant 5 : i32
      %parallel_loop3A_224 = arith.index_cast %parallel_loop3A_223 : i32 to index
      %parallel_loop3A_225 = arith.index_cast %parallel_loop3A_68 : i32 to index
      %parallel_loop3A_226 = tpu.vector_load %arg8[%parallel_loop3A_224, %parallel_loop3A_225] {strides = array<i32>} : memref<8x1280xf32, #tpu.memory_space<vmem>>, vector<16xf32>,
      tpu.vector_store %arg8[%parallel_loop3A_224, %parallel_loop3A_225], %parallel_loop3A_222 {strides = array<i32>} : memref<8x1280xf32, #tpu.memory_space<vmem>>, vector<16xf32>,
      %parallel_loop3A_227 = arith.constant 60000 : i32
      %parallel_loop3A_228 = tpu.memref_slice %arg5[%parallel_loop3A_227] : memref<80000xi32, #tpu.memory_space<vmem>> -> memref<10000xi32, #tpu.memory_space<vmem>>
      %parallel_loop3A_229 = tpu.vector_load_idx %parallel_loop3A_228[%parallel_loop3A_73] : memref<10000xi32, #tpu.memory_space<vmem>>[vector<16xi32>], vector<16xi32>,
      %parallel_loop3A_230 = arith.constant 60000 : i32
      %parallel_loop3A_231 = tpu.memref_slice %arg5[%parallel_loop3A_230] : memref<80000xi32, #tpu.memory_space<vmem>> -> memref<10000xi32, #tpu.memory_space<vmem>>
      %parallel_loop3A_232 = tpu.vector_load_idx %parallel_loop3A_231[%parallel_loop3A_76] : memref<10000xi32, #tpu.memory_space<vmem>>[vector<16xi32>], vector<16xi32>,
      %parallel_loop3A_233 = vector.bitcast %parallel_loop3A_229 : vector<16xi32> to vector<16xf32>
      %parallel_loop3A_234 = arith.constant 16 : i32
      %parallel_loop3A_235 = vector.broadcast %parallel_loop3A_234 : i32 to vector<16xi32>
      %parallel_loop3A_236 = arith.shli %parallel_loop3A_229, %parallel_loop3A_235 : vector<16xi32>
      %parallel_loop3A_237 = vector.bitcast %parallel_loop3A_236 : vector<16xi32> to vector<16xf32>
      %parallel_loop3A_238 = vector.bitcast %parallel_loop3A_232 : vector<16xi32> to vector<16xf32>
      %parallel_loop3A_239 = arith.constant 16 : i32
      %parallel_loop3A_240 = vector.broadcast %parallel_loop3A_239 : i32 to vector<16xi32>
      %parallel_loop3A_241 = arith.shli %parallel_loop3A_232, %parallel_loop3A_240 : vector<16xi32>
      %parallel_loop3A_242 = vector.bitcast %parallel_loop3A_241 : vector<16xi32> to vector<16xf32>
      %parallel_loop3A_243 = arith.mulf %parallel_loop3A_233, %parallel_loop3A_242 : vector<16xf32>
      %parallel_loop3A_244 = arith.mulf %parallel_loop3A_238, %parallel_loop3A_237 : vector<16xf32>
      %parallel_loop3A_245 = arith.mulf %parallel_loop3A_243, %parallel_loop3A_244 : vector<16xf32>
      %parallel_loop3A_246 = arith.addf %parallel_loop3A_243, %parallel_loop3A_244 : vector<16xf32>
      %parallel_loop3A_247 = arith.divf %parallel_loop3A_245, %parallel_loop3A_246 : vector<16xf32>
      %parallel_loop3A_248 = arith.constant 6 : i32
      %parallel_loop3A_249 = arith.index_cast %parallel_loop3A_248 : i32 to index
      %parallel_loop3A_250 = arith.index_cast %parallel_loop3A_68 : i32 to index
      %parallel_loop3A_251 = tpu.vector_load %arg8[%parallel_loop3A_249, %parallel_loop3A_250] {strides = array<i32>} : memref<8x1280xf32, #tpu.memory_space<vmem>>, vector<16xf32>,
      tpu.vector_store %arg8[%parallel_loop3A_249, %parallel_loop3A_250], %parallel_loop3A_247 {strides = array<i32>} : memref<8x1280xf32, #tpu.memory_space<vmem>>, vector<16xf32>,
      %parallel_loop3A_252 = arith.constant 70000 : i32
      %parallel_loop3A_253 = tpu.memref_slice %arg5[%parallel_loop3A_252] : memref<80000xi32, #tpu.memory_space<vmem>> -> memref<10000xi32, #tpu.memory_space<vmem>>
      %parallel_loop3A_254 = tpu.vector_load_idx %parallel_loop3A_253[%parallel_loop3A_73] : memref<10000xi32, #tpu.memory_space<vmem>>[vector<16xi32>], vector<16xi32>,
      %parallel_loop3A_255 = arith.constant 70000 : i32
      %parallel_loop3A_256 = tpu.memref_slice %arg5[%parallel_loop3A_255] : memref<80000xi32, #tpu.memory_space<vmem>> -> memref<10000xi32, #tpu.memory_space<vmem>>
      %parallel_loop3A_257 = tpu.vector_load_idx %parallel_loop3A_256[%parallel_loop3A_76] : memref<10000xi32, #tpu.memory_space<vmem>>[vector<16xi32>], vector<16xi32>,
      %parallel_loop3A_258 = vector.bitcast %parallel_loop3A_254 : vector<16xi32> to vector<16xf32>
      %parallel_loop3A_259 = arith.constant 16 : i32
      %parallel_loop3A_260 = vector.broadcast %parallel_loop3A_259 : i32 to vector<16xi32>
      %parallel_loop3A_261 = arith.shli %parallel_loop3A_254, %parallel_loop3A_260 : vector<16xi32>
      %parallel_loop3A_262 = vector.bitcast %parallel_loop3A_261 : vector<16xi32> to vector<16xf32>
      %parallel_loop3A_263 = vector.bitcast %parallel_loop3A_257 : vector<16xi32> to vector<16xf32>
      %parallel_loop3A_264 = arith.constant 16 : i32
      %parallel_loop3A_265 = vector.broadcast %parallel_loop3A_264 : i32 to vector<16xi32>
      %parallel_loop3A_266 = arith.shli %parallel_loop3A_257, %parallel_loop3A_265 : vector<16xi32>
      %parallel_loop3A_267 = vector.bitcast %parallel_loop3A_266 : vector<16xi32> to vector<16xf32>
      %parallel_loop3A_268 = arith.mulf %parallel_loop3A_258, %parallel_loop3A_267 : vector<16xf32>
      %parallel_loop3A_269 = arith.mulf %parallel_loop3A_263, %parallel_loop3A_262 : vector<16xf32>
      %parallel_loop3A_270 = arith.mulf %parallel_loop3A_268, %parallel_loop3A_269 : vector<16xf32>
      %parallel_loop3A_271 = arith.addf %parallel_loop3A_268, %parallel_loop3A_269 : vector<16xf32>
      %parallel_loop3A_272 = arith.divf %parallel_loop3A_270, %parallel_loop3A_271 : vector<16xf32>
      %parallel_loop3A_273 = arith.constant 7 : i32
      %parallel_loop3A_274 = arith.index_cast %parallel_loop3A_273 : i32 to index
      %parallel_loop3A_275 = arith.index_cast %parallel_loop3A_68 : i32 to index
      %parallel_loop3A_276 = tpu.vector_load %arg8[%parallel_loop3A_274, %parallel_loop3A_275] {strides = array<i32>} : memref<8x1280xf32, #tpu.memory_space<vmem>>, vector<16xf32>,
      tpu.vector_store %arg8[%parallel_loop3A_274, %parallel_loop3A_275], %parallel_loop3A_272 {strides = array<i32>} : memref<8x1280xf32, #tpu.memory_space<vmem>>, vector<16xf32>,
    } {sc.loop_unroll_factor = 2 : i64, sc.parallel_access}
    %add3A_52 = arith.constant 158720 : i32
    %add3A_53 = arith.addi %multiple_of3A_3, %add3A_52 : i32
    %dma_start3A_54 = tpu.memref_slice %arg4[%multiple_of3A, %add3A_53] : memref<128x320000xf32, #tpu.memory_space<hbm>> -> memref<8x1280xf32, #tpu.memory_space<hbm>>
    %dma_start3A_55 = tpu.memref_slice %arg4[%multiple_of3A, %add3A_53] : memref<128x320000xf32, #tpu.memory_space<hbm>> -> memref<8x1280xf32, #tpu.memory_space<hbm>>
    tpu.enqueue_dma source(%arg8 : memref<8x1280xf32, #tpu.memory_space<vmem>>) target(%dma_start3A_55 : memref<8x1280xf32, #tpu.memory_space<hbm>>) target_semaphore(%arg12 : memref<!tpu.dma_semaphore, #tpu.memory_space<semaphore_mem>>)
    %dma_wait3A_56 = arith.constant 0 : i32
    %dma_wait3A_57 = arith.constant 0 : i32
    %dma_wait3A_58 = tpu.memref_slice %arg4[%dma_wait3A_56, %dma_wait3A_57] : memref<128x320000xf32, #tpu.memory_space<hbm>> -> memref<8x1280xf32, #tpu.memory_space<hbm>>
    %dma_wait3A_59 = arith.constant 0 : i32
    %dma_wait3A_60 = arith.constant 0 : i32
    %dma_wait3A_61 = tpu.memref_slice %arg4[%dma_wait3A_59, %dma_wait3A_60] : memref<128x320000xf32, #tpu.memory_space<hbm>> -> memref<8x1280xf32, #tpu.memory_space<hbm>>
    tpu.wait_dma2 semaphore(%arg12 : memref<!tpu.dma_semaphore, #tpu.memory_space<semaphore_mem>>) src(%arg8 : memref<8x1280xf32, #tpu.memory_space<vmem>>) dst(%dma_wait3A_61 : memref<8x1280xf32, #tpu.memory_space<hbm>>)
    %dma_wait3A_62 = arith.constant 0 : i32
    %dma_wait3A_63 = arith.constant 0 : i32
    %dma_wait3A_64 = tpu.memref_slice %arg4[%dma_wait3A_62, %dma_wait3A_63] : memref<128x320000xf32, #tpu.memory_space<hbm>> -> memref<8x1280xf32, #tpu.memory_space<hbm>>
    %dma_wait3A_65 = arith.constant 0 : i32
    %dma_wait3A_66 = arith.constant 0 : i32
    %dma_wait3A_67 = tpu.memref_slice %arg4[%dma_wait3A_65, %dma_wait3A_66] : memref<128x320000xf32, #tpu.memory_space<hbm>> -> memref<8x1280xf32, #tpu.memory_space<hbm>>
    tpu.wait_dma2 semaphore(%arg13 : memref<!tpu.dma_semaphore, #tpu.memory_space<semaphore_mem>>) src(%arg9 : memref<8x1280xf32, #tpu.memory_space<vmem>>) dst(%dma_wait3A_67 : memref<8x1280xf32, #tpu.memory_space<hbm>>)
    return
  }
}

</mosaic_0001>

<sc_bundles>
// kernel: kernel.3.cloned.1.call-start
scs
__scs_entry_jumppad:
0x0: {  	(pc) =	sbr.rel $0x88, $3  }
0x1: {  	(tag) =	ssettag $0x0;
	lr =	simm.s32 $0x1  }
0x2: {  	[smem:$0x3F9E] =	sst lr;
	_ =	strace $0xD0000000  }
0x3: {  	_ = 	snop  }
0x4: {  	_ = 	snop  }
0x5: {  	_ = 	snop  }
0x6: {  	_ = 	snop  }
0x7: {  	_ = 	snop  }
__scs_overlays_trampoline_lowered:
0x8: {  	[smem:$0x3FAD] =	sst s0  }
0x9: {  	[smem:$0x3FAE] =	sst s1  }
0xa: {  	[smem:$0x3FAF] =	sst s2  }
0xb: {  	[smem:$0x3FB0] =	sst s3  }
0xc: {  	[smem:$0x3FB1] =	sst s4  }
0xd: {  	[smem:$0x3FB2] =	sst s5  }
0xe: {  	[smem:$0x3FB3] =	sst s6  }
0xf: {  	[smem:$0x3FB4] =	sst s7  }
0x10: {  	[smem:$0x3FB5] =	sst s8  }
0x11: {  	[smem:$0x3FB6] =	sst s9;
	s0 =	simm.s32 @!p0 $0x0  }
0x12: {  	s1 =	sld [smem:$0x3F9C];
	s0 =	simm.s32 @p0 $0x1  }
0x13: {  	[smem:$0x3FB7] =	sst s0;
	s0 =	simm.s32 @!p1 $0x0  }
0x14: {  	s2 =	sld [smem:$0x3F9B];
	s0 =	simm.s32 @p1 $0x1  }
0x15: {  	[smem:$0x3FB8] =	sst s0;
	s0 =	simm.s32 @!p2 $0x0  }
0x16: {  	s3 =	sld [smem:$0x3FDB];
	s0 =	simm.s32 @p2 $0x1  }
0x17: {  	s4 =	simm.s32 $0x1BF5;
	[smem:$0x3FBA] =	sst s0  }
0x18: {  	s0 =	sld [smem:$0x3F9D];
	_ =	swait.ge [sflag:s4], $0x0  }
0x19: {  	s7 =	sld [smem:$0x3F9E]  }
0x1a: {  	s8 =	sadd.s32 $0xFFFFE003, lr  }
0x1b: {  	s9 =	sadd.s32 $0xFFFFFEF7, lr;
	s5 =	simm.s32 $0xFFFFFFFF;
	p2 =	slt.u32 s8, $0xFFFFF086  }
0x1c: {  	p1 =	slt.u32 s9, $0xF7A;
	s5 =	simm.s32 @!p2 $0x0  }
0x1d: {  	s5 =	simm.s32 @p1 $0x1;
	p0 =	seq.s32 s7, s2  }
0x1e: {  	s7 =	smul.u32 @!p0 $0xF7A, s2;
	p2 =	seq.s32 @!p0 s5, $0x0  }
0x1f: {  	s9 =	smul.u32 $0xF7A, s1;
	s8 =	simm.s32 @!p0 $0x1BF5;
	p2 =	por !p2, p0  }
0x20: {  	[sflag:s8] =	ssyncset.s32 @!p0 $0xFFFFF086;
	s6 =	sadd.s32 @!p0 s3, s7;
	s7 =	simm.s32 @!p0 $0x108  }
0x21: {  	s3 =	sadd.s32 s3, s9;
	s6 =	sadd.s32 @!p0 $0x88, s6;
	s7 =	simm.s32 @p2 $0x1082  }
0x22: {  	[simem:s7], [sflag:s8] =	dma.local @!p0 [hbm:s6], $0xF7A  }
0x23: {  	s9 =	sor.u32 $0xD0000000, s2;
	s6 =	simm.s32 $0x108;
	_ =	swait.ge @!p0 [sflag:s8], $0x0  }
0x24: {  	s3 =	sadd.s32 $0x88, s3;
	s6 =	simm.s32 @!p1 $0x1082;
	[sflag:s4] =	ssyncset.s32 $0xFFFFF086  }
0x25: {  	[simem:s6], [sflag:s4] =	dma.local [hbm:s3], $0xF7A  }
0x26: {  	[smem:$0x3F9E] =	sst s1;
	(tag) =	ssettag s2;
	_ =	strace s9  }
0x27: {  	s1 =	sld [smem:$0x3FAE]  }
0x28: {  	s2 =	sld [smem:$0x3FAF]  }
0x29: {  	s4 =	sld [smem:$0x3FB1]  }
0x2a: {  	p0 =	seq.s32 s5, $0x0;
	s5 =	sld [smem:$0x3FB2]  }
0x2b: {  	s6 =	sld [smem:$0x3FB3]  }
0x2c: {  	s7 =	sld [smem:$0x3FB4]  }
0x2d: {  	s3 =	simm.s32 $0x108;
	s8 =	sld [smem:$0x3FB5]  }
0x2e: {  	s3 =	simm.s32 @!p0 $0x1082;
	s9 =	sld [smem:$0x3FB6]  }
0x2f: {  	lr =	sadd.s32 s0, s3;
	s0 =	sld [smem:$0x3FAD]  }
0x30: {  	s3 =	sld [smem:$0x3FB0]  }
0x31: {  	[smem:$0x3FB9] =	sst s10  }
0x32: {  	s10 =	sld [smem:$0x3FB7];
	_ =	sdelay $0x3  }
0x33: {  	p0 =	seq.s32 s10, $0x1;
	s10 =	sld [smem:$0x3FB9];
	_ =	sdelay $0x3  }
0x34: {  	[smem:$0x3FB9] =	sst s10  }
0x35: {  	s10 =	sld [smem:$0x3FB8];
	_ =	sdelay $0x3  }
0x36: {  	p1 =	seq.s32 s10, $0x1;
	s10 =	sld [smem:$0x3FB9];
	_ =	sdelay $0x3  }
0x37: {  	[smem:$0x3FB9] =	sst s10  }
0x38: {  	s10 =	sld [smem:$0x3FBA]  }
0x39: {  	_ = 	snop;
	(pc) =	sbr.ind lr, $3  }
0x3a: {  	_ = 	snop  }
0x3b: {  	_ = 	snop  }
0x3c: {  	p2 =	seq.s32 s10, $0x1;
	s10 =	sld [smem:$0x3FB9]  }
0x3d: {  	_ =	shalt  }
0x3e: {  	_ =	shalt  }
0x3f: {  	_ =	shalt  }
0x40: {  	_ =	shalt  }
0x41: {  	_ =	shalt  }
0x42: {  	_ =	shalt  }
0x43: {  	_ =	shalt  }
0x44: {  	_ =	shalt  }
0x45: {  	_ =	shalt  }
0x46: {  	_ =	shalt  }
0x47: {  	_ =	shalt  }
0x48: {  	_ =	shalt  }
0x49: {  	_ =	shalt  }
0x4a: {  	_ =	shalt  }
0x4b: {  	_ =	shalt  }
0x4c: {  	_ =	shalt  }
0x4d: {  	_ =	shalt  }
0x4e: {  	_ =	shalt  }
0x4f: {  	_ =	shalt  }
0x50: {  	_ =	shalt  }
0x51: {  	_ =	shalt  }
0x52: {  	_ =	shalt  }
0x53: {  	_ =	shalt  }
0x54: {  	_ =	shalt  }
0x55: {  	_ =	shalt  }
0x56: {  	_ =	shalt  }
0x57: {  	_ =	shalt  }
0x58: {  	_ =	shalt  }
0x59: {  	_ =	shalt  }
0x5a: {  	_ =	shalt  }
0x5b: {  	_ =	shalt  }
0x5c: {  	_ =	shalt  }
0x5d: {  	_ =	shalt  }
0x5e: {  	_ =	shalt  }
0x5f: {  	_ =	shalt  }
0x60: {  	_ =	shalt  }
0x61: {  	_ =	shalt  }
0x62: {  	_ =	shalt  }
0x63: {  	_ =	shalt  }
0x64: {  	_ =	shalt  }
0x65: {  	_ =	shalt  }
0x66: {  	_ =	shalt  }
0x67: {  	_ =	shalt  }
0x68: {  	_ =	shalt  }
0x69: {  	_ =	shalt  }
0x6a: {  	_ =	shalt  }
0x6b: {  	_ =	shalt  }
0x6c: {  	_ =	shalt  }
0x6d: {  	_ =	shalt  }
0x6e: {  	_ =	shalt  }
0x6f: {  	_ =	shalt  }
0x70: {  	_ =	shalt  }
0x71: {  	_ =	shalt  }
0x72: {  	_ =	shalt  }
0x73: {  	_ =	shalt  }
0x74: {  	_ =	shalt  }
0x75: {  	_ =	shalt  }
0x76: {  	_ =	shalt  }
0x77: {  	_ =	shalt  }
0x78: {  	_ =	shalt  }
0x79: {  	_ =	shalt  }
0x7a: {  	_ =	shalt  }
0x7b: {  	_ =	shalt  }
0x7c: {  	_ =	shalt  }
0x7d: {  	_ =	shalt  }
0x7e: {  	_ =	shalt  }
0x7f: {  	_ =	shalt  }
0x80: {  	_ =	shalt  }
0x81: {  	_ =	shalt  }
0x82: {  	_ =	shalt  }
0x83: {  	_ =	shalt  }
0x84: {  	_ =	shalt  }
0x85: {  	_ =	shalt  }
0x86: {  	_ =	shalt  }
0x87: {  	_ =	shalt  }
.Lfunc_end0:
.L_simem_size_0:
called_computation_lowered:
.L_overlay_start_0:
0x88: {  	s2 =	sld [smem:$0x3FD9]  }
0x89: {  	s3 =	sld [smem:$0x3FFE];
	_ =	sdelay $0x1  }
0x8a: {  	s1 =	srdreg.scid  }
0x8b: {  	s0 =	sand.u32 $0x1, s1  }
0x8c: {  	s17 =	sshll.u32 s0, $0xA;
	s2 =	sadd.s32 s3, s2  }
0x8d: {  	s2 =	sadd.s32 s2, s17  }
0x8e: {  	[smem:$0x3FC5] =	sst s2  }
0x8f: {  	_ = 	snop  }
0x90: {  	s2 =	sld [smem:$0x3FD0];
	(tm) =	ssettm $0x1  }
0x91: {  	s18 =	sld [smem:$0x3FFB];
	_ =	sdelay $0x3  }
0x92: {  	_ =	strace s18  }
0x93: {  	s3 =	sld [smem:$0x3FFC];
	_ =	sdelay $0x3  }
0x94: {  	_ =	strace s3  }
0x95: {  	s3 =	sld [smem:$0x3FFD];
	_ =	sdelay $0x3  }
0x96: {  	_ =	strace s3  }
0x97: {  	_ =	strace $0x8FFFFFFF  }
0x98: {  	s19 =	sld [smem:$0x3FDB];
	_ =	sdelay $0x1  }
0x99: {  	s4 =	simm.s32 $_scs_section_size  }
0x9a: {  	s5 =	simm.s32 $_size__tile_overlayer_lowered;
	s6 =	simm.s32 $_tile_overlayer_lowered  }
0x9b: {  	s22 =	simm.s32 $0x1BFF;
	s21 =	sshll.u32 s6, $0x1;
	s3 =	sadd.s32 s4, s19  }
0x9c: {  	s7 =	simm.s32 $0x0;
	s20 =	sshll.u32 s5, $0x1;
	s5 =	sadd.s32 s21, s3  }
0x9d: {  	[timem:s7], [sflag:s22] =	dma.local [hbm:s5], s20  }
0x9e: {  	_ =	swait.ge [sflag:s22], s20  }
0x9f: {  	s4 =	ssub.s32 $0x0, s20;
	[sflag:s22] =	ssyncset.done $0x0  }
0xa0: {  	[sflag:s22] =	ssyncadd.s32 s4;
	_ =	sdelay $0x1  }
0xa1: {  	s23 =	simm.s32 $0x1B8B  }
0xa2: {  	_ =	swait.ge [sflag:s23], $0x1  }
0xa3: {  	[sflag:s23] =	ssyncset.done $0x0  }
0xa4: {  	s25 =	simm.s32 $0x1B8E;
	s24 =	sld [smem:$0x3FFE];
	[sflag:s23] =	ssyncadd.s32 $0xFFFFFFFF  }
0xa5: {  	s26 =	simm.s32 $execute0_lowered;
	[smem:$0x3FD2] =	sst s25  }
0xa6: {  	s5 =	sshll.u32 s26, $0x1;
	_ =	strace $0x80000046;
	[dreg:$0x1] =	wrdreg $0xFFFFFFFF  }
0xa7: {  	s28 =	simm.s32 $_size_execute0_lowered;
	s3 =	sadd.s32 s3, s5;
	[dreg:$0x0] =	wrdreg $0x0  }
0xa8: {  	s5 =	sshll.u32 s28, $0x1;
	[dreg:$0x2] =	wrdreg s3  }
0xa9: {  	[dreg:$0x3] =	wrdreg s5  }
0xaa: {  	[dreg:$0x4] =	wrdreg $0xC0  }
0xab: {  	_ =	task [dreg:s7], $0x5FFFF  }
0xac: {  	[dreg:$0x1] =	wrdreg $0xFFFFFFFF  }
0xad: {  	[dreg:$0x0] =	wrdreg $0x60  }
0xae: {  	[dreg:$0x2] =	wrdreg s24  }
0xaf: {  	[dreg:$0x3] =	wrdreg s2  }
0xb0: {  	[dreg:$0x4] =	wrdreg $0x9  }
0xb1: {  	_ =	task.clear_ibuf [dreg:s7], $0x5FFFF;
	_ =	strace $0x90000046  }
0xb2: {  	s29 =	simm.s32 $0x9;
	_ =	strace $0x80000048  }
0xb3: {  	_ =	swait.ge [sflag:s29], $0x1  }
0xb4: {  	[sflag:s29] =	ssyncadd.s32 $0xFFFFFFFF  }
0xb5: {  	_ =	strace $0x90000048  }
0xb6: {  	_ =	sfence  }
0xb7: {  	s30 =	sld [smem:$0x0];
	_ =	sdelay $0x2  }
0xb8: {  	s31 =	sshll.u32 s1, $0xD;
	s1 =	sshrl.u32 s1, $0x2  }
0xb9: {  	s3 =	sand.u32 $0x4000, s31;
	s1 =	sadd.s32 s1, s30  }
0xba: {  	s0 =	sor.u32 s3, s0;
	s1 =	sshll.u32 s1, $0x11  }
0xbb: {  	s0 =	sor.u32 s1, s0  }
0xbc: {  	s0 =	sadd.s32 $0x8F2B, s0  }
0xbd: {  	[sflag:s0] =	ssyncadd.remote.s32 $0x1  }
0xbe: {  	_ =	sfence.sel $0xFFFF  }
0xbf: {  	[dreg:$0x0] =	wrdreg $0xFFFFFFFF;
	(pc) =	sbr.abs _section_cstart, $3  }
0xc0: {  	[dreg:$0x1] =	wrdreg $0xFFFFFFFF  }
0xc1: {  	_ =	task.clear_ibuf [dreg:s7], $0x2FFFF;
	_ =	strace $0x9FFFFFFF  }
0xc2: {  	(tm) =	ssettm $0x7FFFFFFF  }
0xc3: {  	_ =	shalt  }
tec
execute0_lowered:
.L_overlay_start_1:
0x0: {  	(tag) =	ssettag $0x1  }
0x1: {  	s8 =	rddreg [dreg:$0x0];
	s9 =	stileid.u32  }
0x2: {  	s0 =	rddreg [dreg:$0x1];
	s4 =	smul.u32 $0x13880, s9  }
0x3: {  	s3 =	simm.s32 $0x0;
	s1 =	srdreg.scid;
	s7 =	smul.u32 $0x2710, s9  }
0x4: {  	[smem:$0x7FF] =	sst s3;
	s18 =	smul.u32 $0x271000, s9  }
0x5: {  	s1 =	sand.u32 $0x1, s1;
	s5 =	sadd.s32 $0x9E00, s8;
	s26 =	smul.u32 $0x4E200, s9  }
0x6: {  	_ =	strace $0x80000047;
	s17 =	smul.u32 $0x27100, s1;
	s7 =	sadd.s32 s5, s7  }
0x7: {  	s2 =	ssub.s32 $0x2, s1;
	s4 =	sshrl.u32 s4, $0x3;
	[dreg:$0x4] =	wrdreg s7  }
0x8: {  	s4 =	sadd.s32 s5, s4;
	[dreg:$0x3] =	wrdreg s17;
	s30 =	sadd.s32 $0xA00, s17  }
0x9: {  	s1 =	smul.u32 $0x138800, s1;
	s19 =	sadd.s32 $0x4E2, s4;
	[dreg:$0xe] =	wrdreg s30  }
0xa: {  	s6 =	sshrl.u32 s2, $0x1;
	s20 =	sadd.s32 $0x9C4, s4;
	[dreg:$0x5] =	wrdreg s19  }
0xb: {  	s2 =	ssub.s32 s2, s6;
	s21 =	sadd.s32 $0xEA6, s4;
	[dreg:$0x6] =	wrdreg s20  }
0xc: {  	s1 =	sadd.s32 s18, s1;
	s22 =	sadd.s32 $0x1388, s4;
	[dreg:$0x7] =	wrdreg s21  }
0xd: {  	s25 =	sshrl.u32 s17, $0x3;
	s23 =	sadd.s32 $0x186A, s4;
	[dreg:$0x8] =	wrdreg s22  }
0xe: {  	s28 =	sadd.s32 s0, s17;
	s24 =	sadd.s32 $0x1D4C, s4;
	[dreg:$0x9] =	wrdreg s23  }
0xf: {  	s4 =	sadd.s32 $0x222E, s4;
	s1 =	sshrl.u32 s1, $0x3;
	[dreg:$0xa] =	wrdreg s24  }
0x10: {  	s29 =	sadd.s32 s26, s28;
	s31 =	smax.u32 s2, $0x1;
	[dreg:$0xb] =	wrdreg s4  }
0x11: {  	s2 =	simm.s32 $0x0;
	s4 =	sadd.s32 s8, s25;
	[dreg:$0xd] =	wrdreg s29  }
0x12: {  	s0 =	sadd.s32 s0, s1;
	[dreg:$0x10] =	wrdreg s31;
	s19 =	simm.s32 $0x2710  }
0x13: {  	s20 =	simm.s32 $0x4E20;
	s21 =	simm.s32 $0x7530;
	s22 =	simm.s32 $0x9C40  }
0x14: {  	s23 =	simm.s32 $0xC350;
	[dreg:$0xc] =	wrdreg s4;
	s0 =	sadd.s32 $0x26C00, s0  }
0x15: {  	s24 =	simm.s32 $0xEA60;
	s25 =	simm.s32 $0x11170;
	[dreg:$0xf] =	wrdreg s0  }
.LBB2_1:
0x16: {  	[dreg:$0x11] =	wrdreg s2  }
0x17: {  	s0 =	rddreg [dreg:$0x4];
	s1 =	simm.s32 $0x5  }
0x18: {  	[tilespmem:s3], [sflag:$0x5] =	stream.linear.gather [hbm4b:s0+s3], $0x2710, $0x38;
	[tilespmem:$0x19280] =	vst v63  }
0x19: {  	_ =	swait.ge [sflag:s1], $0x2710  }
0x1a: {  	[sflag:s1] =	ssyncset.done $0x0  }
0x1b: {  	s15 =	rddreg [dreg:$0x5];
	[sflag:s1] =	ssyncadd.s32 $0xFFFFD8F0  }
0x1c: {  	[tilespmem:s19], [sflag:$0x5] =	stream.linear.gather [hbm4b:s15+s3], $0x2710, $0x38;
	[tilespmem:$0x19280] =	vst v63  }
0x1d: {  	_ =	swait.ge [sflag:s1], $0x2710  }
0x1e: {  	[sflag:s1] =	ssyncset.done $0x0  }
0x1f: {  	s16 =	rddreg [dreg:$0x6];
	[sflag:s1] =	ssyncadd.s32 $0xFFFFD8F0  }
0x20: {  	[tilespmem:s20], [sflag:$0x5] =	stream.linear.gather [hbm4b:s16+s3], $0x2710, $0x38;
	[tilespmem:$0x19280] =	vst v63  }
0x21: {  	_ =	swait.ge [sflag:s1], $0x2710  }
0x22: {  	[sflag:s1] =	ssyncset.done $0x0  }
0x23: {  	s17 =	rddreg [dreg:$0x7];
	[sflag:s1] =	ssyncadd.s32 $0xFFFFD8F0  }
0x24: {  	[tilespmem:s21], [sflag:$0x5] =	stream.linear.gather [hbm4b:s17+s3], $0x2710, $0x38;
	[tilespmem:$0x19280] =	vst v63  }
0x25: {  	_ =	swait.ge [sflag:s1], $0x2710  }
0x26: {  	[sflag:s1] =	ssyncset.done $0x0  }
0x27: {  	s18 =	rddreg [dreg:$0x8];
	[sflag:s1] =	ssyncadd.s32 $0xFFFFD8F0  }
0x28: {  	[tilespmem:s22], [sflag:$0x5] =	stream.linear.gather [hbm4b:s18+s3], $0x2710, $0x38;
	[tilespmem:$0x19280] =	vst v63  }
0x29: {  	_ =	swait.ge [sflag:s1], $0x2710  }
0x2a: {  	[sflag:s1] =	ssyncset.done $0x0  }
0x2b: {  	s26 =	rddreg [dreg:$0x9];
	[sflag:s1] =	ssyncadd.s32 $0xFFFFD8F0  }
0x2c: {  	[tilespmem:s23], [sflag:$0x5] =	stream.linear.gather [hbm4b:s26+s3], $0x2710, $0x38;
	[tilespmem:$0x19280] =	vst v63  }
0x2d: {  	_ =	swait.ge [sflag:s1], $0x2710  }
0x2e: {  	[sflag:s1] =	ssyncset.done $0x0  }
0x2f: {  	s28 =	rddreg [dreg:$0xa];
	[sflag:s1] =	ssyncadd.s32 $0xFFFFD8F0  }
0x30: {  	[tilespmem:s24], [sflag:$0x5] =	stream.linear.gather [hbm4b:s28+s3], $0x2710, $0x38;
	[tilespmem:$0x19280] =	vst v63  }
0x31: {  	_ =	swait.ge [sflag:s1], $0x2710  }
0x32: {  	[sflag:s1] =	ssyncset.done $0x0  }
0x33: {  	s29 =	rddreg [dreg:$0xb];
	[sflag:s1] =	ssyncadd.s32 $0xFFFFD8F0  }
0x34: {  	[tilespmem:s25], [sflag:$0x5] =	stream.linear.gather [hbm4b:s29+s3], $0x2710, $0x38;
	[tilespmem:$0x19280] =	vst v63  }
0x35: {  	_ =	swait.ge [sflag:s1], $0x2710  }
0x36: {  	s31 =	simm.s32 $0x13880;
	[sflag:s1] =	ssyncset.done $0x0  }
0x37: {  	s2 =	simm.s32 $0x0;
	s30 =	rddreg [dreg:$0xc];
	[sflag:s1] =	ssyncadd.s32 $0xFFFFD8F0  }
0x38: {  	[tilespmem:s31], [sflag:$0x1] =	stream.linear.gather [hbm4b:s30+s3], $0x500, $0x38;
	[tilespmem:$0x19280] =	vst v63  }
.LBB2_2:
0x39: {  	s0 =	smul.u32 $0xA00, s2;
	_ =	sdelay $0x1  }
0x3a: {  	s12 =	rddreg [dreg:$0x3];
	s1 =	sadd.s32 $0x500, s0  }
0x3b: {  	[dreg:$0x14] =	wrdreg s0;
	s0 =	sadd.s32 s12, s1  }
0x3c: {  	s13 =	rddreg [dreg:$0x0];
	s14 =	simm.s32 $0x13D80;
	s0 =	sshrl.u32 s0, $0x3  }
0x3d: {  	s15 =	simm.s32 $0x1;
	[dreg:$0x13] =	wrdreg s1;
	s0 =	sadd.s32 s13, s0  }
0x3e: {  	[tilespmem:s14], [sflag:$0x2] =	stream.linear.gather [hbm4b:s0+s3], $0x500, $0x38;
	[tilespmem:$0x19280] =	vst v63  }
0x3f: {  	_ =	swait.ge [sflag:s15], $0x500  }
0x40: {  	p0 =	seq.s32 s2, $0x0;
	[sflag:s15] =	ssyncset.done $0x0  }
0x41: {  	s0 =	simm.s32 @!p0 $0x3;
	[dreg:$0x12] =	wrdreg s2;
	[sflag:s15] =	ssyncadd.s32 $0xFFFFFB00  }
0x42: {  	_ =	swait.ge @!p0 [sflag:s0], $0x2800  }
0x43: {  	s16 =	simm.s32 $0x0;
	[sflag:s0] =	ssyncset.done @!p0 $0x0  }
0x44: {  	s17 =	simm.s32 $0x13880;
	s4 =	sand.u32 $0x60, s16;
	[sflag:s0] =	ssyncadd.s32 @!p0 $0xFFFFD800  }
0x45: {  	s18 =	sor.u32 $0x10, s4;
	s1 =	sand.u32 $0x780, s16;
	v0 =	vld [tilespmem:s17+$0x0]  }
0x46: {  	s1 =	sor.u32 s18, s1  }
0x47: {  	v1 =	vld [tilespmem:s1+$0x13880];
	_ =	sdelay $0x2  }
0x48: {  	v18 =	vand.u32 $0xFFFF, v0  }
0x49: {  	v19 =	vshrl.u32 v0, $0x10  }
0x4a: {  	v10 =	vand.u32 $0xFFFF, v1  }
0x4b: {  	v7 =	vshrl.u32 v1, $0x10;
	_ =	sdelay $0x1  }
0x4c: {  	v0 =	vld.idx.msk [tilespmem:v18+s3+$0x0], $0xffff  }
0x4d: {  	v1 =	vld.idx.msk [tilespmem:v19+s3+$0x0], $0xffff  }
0x4e: {  	v2 =	vld.idx.msk [tilespmem:v10+s3+$0x0], $0xffff  }
0x4f: {  	v3 =	vld.idx.msk [tilespmem:v7+s3+$0x0], $0xffff;
	_ =	sdelay $0x2  }
0x50: {  	v4 =	vshll.u32 v1, $0x10  }
0x51: {  	v5 =	vshll.u32 v0, $0x10;
	v0 =	vmul.f32 v4, v0  }
0x52: {  	v1 =	vmul.f32 v5, v1;
	v4 =	vshll.u32 v2, $0x10;
	v5 =	vshll.u32 v3, $0x10  }
0x53: {  	v2 =	vmul.f32 v5, v2;
	v3 =	vmul.f32 v4, v3  }
0x54: {  	v4 =	vadd.f32 v0, v1  }
0x55: {  	v5 =	vadd.f32 v2, v3  }
0x56: {  	(erf) = vrcp.f32 v4  }
0x57: {  	(erf) = vrcp.f32 v5;
	_ =	sdelay $0x7  }
0x58: {  	s6 =	simm.s32 $0x0;
	v2 =	vmul.f32 v2, v3;
	v4 =	vpop (erf)  }
0x59: {  	s26 =	sand.u32 $0x3C00, s6;
	v3 =	vpop (erf)  }
0x5a: {  	s5 =	sor.u32 $0x14280, s26;
	v2 =	vmul.f32 v3, v2  }
0x5b: {  	s2 =	sor.u32 s18, s5  }
0x5c: {  	[tilespmem:s2+$0x0] =	vst v2  }
0x5d: {  	v2 =	vld.idx.msk [tilespmem:v10+s19+$0x0], $0xffff  }
0x5e: {  	v3 =	vld.idx.msk [tilespmem:v7+s19+$0x0], $0xffff;
	_ =	sdelay $0x4  }
0x5f: {  	v5 =	vshll.u32 v2, $0x10;
	v6 =	vshll.u32 v3, $0x10  }
0x60: {  	v2 =	vmul.f32 v6, v2;
	v3 =	vmul.f32 v5, v3  }
0x61: {  	s8 =	simm.s32 $0x20  }
0x62: {  	s7 =	sand.u32 $0x60, s8;
	s0 =	simm.s32 $0x138A0;
	v5 =	vadd.f32 v2, v3  }
0x63: {  	s8 =	sand.u32 $0x780, s8;
	s11 =	sor.u32 $0x10, s7;
	v6 =	vld [tilespmem:s0+$0x0]  }
0x64: {  	s8 =	sor.u32 s11, s8;
	v0 =	vmul.f32 v0, v1;
	(erf) = vrcp.f32 v5  }
0x65: {  	v1 =	vld [tilespmem:s8+$0x13880]  }
0x66: {  	v0 =	vmul.f32 v4, v0  }
0x67: {  	s5 =	sor.u32 s4, s5  }
0x68: {  	[tilespmem:s5+$0x0] =	vst v0;
	v5 =	vand.u32 $0xFFFF, v6;
	v6 =	vshrl.u32 v6, $0x10  }
0x69: {  	v0 =	vld.idx.msk [tilespmem:v18+s19+$0x0], $0xffff  }
0x6a: {  	v14 =	vshrl.u32 v1, $0x10;
	v4 =	vld.idx.msk [tilespmem:v19+s19+$0x0], $0xffff  }
0x6b: {  	v15 =	vand.u32 $0xFFFF, v1  }
0x6c: {  	v1 =	vmul.f32 v2, v3  }
0x6d: {  	v8 =	vld.idx.msk [tilespmem:v6+s3+$0x0], $0xffff;
	v3 =	vpop (erf)  }
0x6e: {  	v2 =	vld.idx.msk [tilespmem:v5+s3+$0x0], $0xffff;
	v1 =	vmul.f32 v3, v1  }
0x6f: {  	v12 =	vld.idx.msk [tilespmem:v14+s3+$0x0], $0xffff;
	v9 =	vshll.u32 v0, $0x10;
	v11 =	vshll.u32 v4, $0x10  }
0x70: {  	v0 =	vmul.f32 v11, v0;
	v3 =	vld.idx.msk [tilespmem:v15+s3+$0x0], $0xffff;
	[tilespmem:s2+$0x80] =	vst v1;
	v1 =	vmul.f32 v9, v4;
	_ =	sdelay $0x1  }
0x71: {  	v13 =	vshll.u32 v8, $0x10;
	v4 =	vld.idx.msk [tilespmem:v10+s20+$0x0], $0xffff;
	v16 =	vadd.f32 v0, v1  }
0x72: {  	v11 =	vshll.u32 v2, $0x10;
	v2 =	vmul.f32 v13, v2;
	v9 =	vld.idx.msk [tilespmem:v7+s20+$0x0], $0xffff  }
0x73: {  	v8 =	vmul.f32 v11, v8;
	(erf) = vrcp.f32 v16  }
0x74: {  	v13 =	vshll.u32 v12, $0x10;
	v11 =	vshll.u32 v3, $0x10  }
0x75: {  	v3 =	vmul.f32 v13, v3;
	v11 =	vmul.f32 v11, v12;
	v12 =	vadd.f32 v2, v8  }
0x76: {  	v13 =	vshll.u32 v4, $0x10  }
0x77: {  	v16 =	vshll.u32 v9, $0x10;
	v17 =	vadd.f32 v3, v11;
	(erf) = vrcp.f32 v12  }
0x78: {  	v4 =	vmul.f32 v16, v4;
	v9 =	vmul.f32 v13, v9  }
0x79: {  	(erf) = vrcp.f32 v17  }
0x7a: {  	v12 =	vadd.f32 v4, v9  }
0x7b: {  	v0 =	vmul.f32 v0, v1  }
0x7c: {  	(erf) = vrcp.f32 v12;
	v1 =	vpop (erf)  }
0x7d: {  	v0 =	vmul.f32 v1, v0;
	_ =	sdelay $0x2  }
0x7e: {  	[tilespmem:s5+$0x80] =	vst v0  }
0x7f: {  	s12 =	simm.s32 $0x100;
	v3 =	vmul.f32 v3, v11;
	v1 =	vld.idx.msk [tilespmem:v18+s20+$0x0], $0xffff;
	v0 =	vpop (erf)  }
0x80: {  	s4 =	sand.u32 $0x3C00, s12;
	v11 =	vld.idx.msk [tilespmem:v19+s20+$0x0], $0xffff;
	v12 =	vpop (erf)  }
0x81: {  	s9 =	sor.u32 $0x14280, s4;
	v3 =	vmul.f32 v12, v3  }
0x82: {  	s4 =	sor.u32 s11, s9;
	v4 =	vmul.f32 v4, v9  }
0x83: {  	v9 =	vpop (erf);
	[tilespmem:s4+$0x0] =	vst v3  }
0x84: {  	v3 =	vmul.f32 v9, v4;
	v4 =	vld.idx.msk [tilespmem:v15+s19+$0x0], $0xffff  }
0x85: {  	v9 =	vshll.u32 v1, $0x10;
	v12 =	vshll.u32 v11, $0x10;
	v13 =	vld.idx.msk [tilespmem:v14+s19+$0x0], $0xffff  }
0x86: {  	[tilespmem:s2+$0x100] =	vst v3;
	v3 =	vmul.f32 v9, v11;
	v9 =	vmul.f32 v12, v1  }
0x87: {  	v1 =	vld.idx.msk [tilespmem:v10+s21+$0x0], $0xffff  }
0x88: {  	v11 =	vld.idx.msk [tilespmem:v7+s21+$0x0], $0xffff;
	v12 =	vadd.f32 v9, v3  }
0x89: {  	s13 =	simm.s32 $0x138C0  }
0x8a: {  	v16 =	vld [tilespmem:s13+$0x0];
	(erf) = vrcp.f32 v12;
	v12 =	vshll.u32 v4, $0x10;
	v17 =	vshll.u32 v13, $0x10  }
0x8b: {  	v4 =	vmul.f32 v17, v4;
	v12 =	vmul.f32 v12, v13  }
0x8c: {  	s10 =	simm.s32 $0x40;
	v2 =	vmul.f32 v2, v8  }
0x8d: {  	s14 =	sand.u32 $0x60, s10;
	v8 =	vshll.u32 v1, $0x10;
	v13 =	vshll.u32 v11, $0x10;
	v17 =	vadd.f32 v4, v12  }
0x8e: {  	s10 =	sand.u32 $0x780, s10;
	s15 =	sor.u32 $0x10, s14;
	v13 =	vmul.f32 v13, v1;
	v8 =	vmul.f32 v8, v11  }
0x8f: {  	s10 =	sor.u32 s15, s10;
	v0 =	vmul.f32 v0, v2;
	v2 =	vshrl.u32 v16, $0x10;
	(erf) = vrcp.f32 v17  }
0x90: {  	s0 =	sor.u32 s7, s9;
	v1 =	vand.u32 $0xFFFF, v16;
	v11 =	vld [tilespmem:s10+$0x13880];
	v16 =	vadd.f32 v13, v8  }
0x91: {  	[tilespmem:s0+$0x0] =	vst v0  }
0x92: {  	v0 =	vld.idx.msk [tilespmem:v5+s19+$0x0], $0xffff;
	(erf) = vrcp.f32 v16  }
0x93: {  	v3 =	vmul.f32 v9, v3;
	v16 =	vld.idx.msk [tilespmem:v6+s19+$0x0], $0xffff  }
0x94: {  	v9 =	vld.idx.msk [tilespmem:v2+s3+$0x0], $0xffff;
	v20 =	vpop (erf)  }
0x95: {  	v17 =	vld.idx.msk [tilespmem:v1+s3+$0x0], $0xffff;
	v21 =	vand.u32 $0xFFFF, v11;
	v3 =	vmul.f32 v20, v3  }
0x96: {  	v20 =	vshrl.u32 v11, $0x10  }
0x97: {  	v11 =	vshll.u32 v0, $0x10;
	[tilespmem:s5+$0x100] =	vst v3;
	v3 =	vmul.f32 v4, v12  }
0x98: {  	v22 =	vshll.u32 v16, $0x10;
	v11 =	vmul.f32 v11, v16;
	v16 =	vpop (erf)  }
0x99: {  	v0 =	vmul.f32 v22, v0;
	v22 =	vshll.u32 v9, $0x10;
	v3 =	vmul.f32 v16, v3  }
0x9a: {  	v8 =	vmul.f32 v13, v8;
	v4 =	vshll.u32 v17, $0x10;
	v23 =	vld.idx.msk [tilespmem:v21+s3+$0x0], $0xffff;
	v13 =	vmul.f32 v22, v17  }
0x9b: {  	v4 =	vmul.f32 v4, v9;
	v9 =	vld.idx.msk [tilespmem:v20+s3+$0x0], $0xffff;
	v17 =	vadd.f32 v0, v11;
	v16 =	vpop (erf);
	[tilespmem:s4+$0x80] =	vst v3  }
0x9c: {  	v3 =	vmul.f32 v16, v8;
	v16 =	vld.idx.msk [tilespmem:v15+s20+$0x0], $0xffff  }
0x9d: {  	(erf) = vrcp.f32 v17;
	v17 =	vld.idx.msk [tilespmem:v14+s20+$0x0], $0xffff  }
0x9e: {  	v12 =	vld.idx.msk [tilespmem:v18+s21+$0x0], $0xffff  }
0x9f: {  	v22 =	vld.idx.msk [tilespmem:v19+s21+$0x0], $0xffff;
	v8 =	vadd.f32 v13, v4  }
0xa0: {  	v24 =	vshll.u32 v23, $0x10  }
0xa1: {  	[tilespmem:s2+$0x180] =	vst v3;
	(erf) = vrcp.f32 v8;
	v25 =	vshll.u32 v9, $0x10;
	v9 =	vmul.f32 v24, v9  }
0xa2: {  	v26 =	vld.idx.msk [tilespmem:v7+s22+$0x0], $0xffff;
	v23 =	vmul.f32 v25, v23;
	v24 =	vshll.u32 v16, $0x10;
	v25 =	vshll.u32 v17, $0x10  }
0xa3: {  	v8 =	vshll.u32 v12, $0x10;
	v3 =	vld.idx.msk [tilespmem:v10+s22+$0x0], $0xffff;
	v16 =	vmul.f32 v25, v16;
	v17 =	vmul.f32 v24, v17  }
0xa4: {  	v27 =	vshll.u32 v22, $0x10;
	v8 =	vmul.f32 v8, v22;
	v22 =	vadd.f32 v23, v9  }
0xa5: {  	v25 =	vadd.f32 v16, v17  }
0xa6: {  	(erf) = vrcp.f32 v22  }
0xa7: {  	v0 =	vmul.f32 v0, v11;
	v24 =	vshll.u32 v26, $0x10  }
0xa8: {  	v12 =	vmul.f32 v27, v12;
	v22 =	vshll.u32 v3, $0x10;
	v3 =	vmul.f32 v24, v3  }
0xa9: {  	v22 =	vmul.f32 v22, v26;
	(erf) = vrcp.f32 v25;
	v25 =	vpop (erf)  }
0xaa: {  	v24 =	vadd.f32 v12, v8;
	v0 =	vmul.f32 v25, v0  }
0xab: {  	v11 =	vadd.f32 v3, v22  }
0xac: {  	(erf) = vrcp.f32 v24  }
0xad: {  	(erf) = vrcp.f32 v11;
	[tilespmem:s0+$0x80] =	vst v0  }
0xae: {  	v9 =	vmul.f32 v23, v9;
	v11 =	vld.idx.msk [tilespmem:v5+s20+$0x0], $0xffff;
	v0 =	vpop (erf)  }
0xaf: {  	s16 =	simm.s32 $0x200;
	v23 =	vld.idx.msk [tilespmem:v6+s20+$0x0], $0xffff;
	v24 =	vpop (erf)  }
0xb0: {  	s9 =	sand.u32 $0x3C00, s16;
	v9 =	vmul.f32 v24, v9  }
0xb1: {  	s9 =	sor.u32 $0x14280, s9;
	v16 =	vmul.f32 v16, v17  }
0xb2: {  	s1 =	sor.u32 s15, s9  }
0xb3: {  	[tilespmem:s1+$0x0] =	vst v9;
	v17 =	vshll.u32 v11, $0x10  }
0xb4: {  	v3 =	vmul.f32 v3, v22;
	v22 =	vshll.u32 v23, $0x10;
	v24 =	vld.idx.msk [tilespmem:v21+s19+$0x0], $0xffff;
	v17 =	vmul.f32 v17, v23;
	v9 =	vpop (erf)  }
0xb5: {  	v23 =	vld.idx.msk [tilespmem:v20+s19+$0x0], $0xffff;
	v11 =	vmul.f32 v22, v11;
	v9 =	vmul.f32 v9, v16;
	v16 =	vpop (erf)  }
0xb6: {  	s17 =	simm.s32 $0x138E0;
	v25 =	vpop (erf)  }
0xb7: {  	v4 =	vmul.f32 v13, v4;
	v26 =	vld [tilespmem:s17+$0x0];
	v13 =	vadd.f32 v11, v17;
	[tilespmem:s4+$0x100] =	vst v9;
	v3 =	vmul.f32 v25, v3  }
0xb8: {  	v9 =	vld.idx.msk [tilespmem:v15+s21+$0x0], $0xffff  }
0xb9: {  	(erf) = vrcp.f32 v13;
	v22 =	vld.idx.msk [tilespmem:v14+s21+$0x0], $0xffff;
	[tilespmem:s2+$0x200] =	vst v3  }
0xba: {  	v13 =	vshll.u32 v23, $0x10;
	v3 =	vmul.f32 v0, v4;
	v0 =	vshll.u32 v24, $0x10;
	v4 =	vld.idx.msk [tilespmem:v10+s23+$0x0], $0xffff  }
0xbb: {  	s18 =	simm.s32 $0x60;
	v24 =	vmul.f32 v13, v24;
	v25 =	vld.idx.msk [tilespmem:v7+s23+$0x0], $0xffff;
	v23 =	vmul.f32 v0, v23  }
0xbc: {  	s26 =	sand.u32 $0x60, s18;
	s11 =	sor.u32 s14, s9;
	v8 =	vmul.f32 v12, v8;
	v0 =	vshrl.u32 v26, $0x10  }
0xbd: {  	s7 =	sor.u32 $0x10, s26;
	s10 =	sand.u32 $0x780, s18;
	[tilespmem:s11+$0x0] =	vst v3;
	v3 =	vand.u32 $0xFFFF, v26;
	v12 =	vadd.f32 v24, v23  }
0xbe: {  	s10 =	sor.u32 s7, s10;
	v11 =	vmul.f32 v11, v17;
	v8 =	vmul.f32 v16, v8;
	v28 =	vld.idx.msk [tilespmem:v2+s19+$0x0], $0xffff;
	v27 =	vshll.u32 v22, $0x10  }
0xbf: {  	v13 =	vshll.u32 v9, $0x10;
	v9 =	vmul.f32 v27, v9;
	(erf) = vrcp.f32 v12;
	v12 =	vld [tilespmem:s10+$0x13880]  }
0xc0: {  	v26 =	vld.idx.msk [tilespmem:v1+s19+$0x0], $0xffff;
	v22 =	vmul.f32 v13, v22;
	v13 =	vshll.u32 v4, $0x10;
	v27 =	vshll.u32 v25, $0x10  }
0xc1: {  	v16 =	vld.idx.msk [tilespmem:v0+s3+$0x0], $0xffff;
	v4 =	vmul.f32 v27, v4;
	v25 =	vmul.f32 v13, v25  }
0xc2: {  	[tilespmem:s5+$0x180] =	vst v8;
	v29 =	vadd.f32 v9, v22;
	v17 =	vld.idx.msk [tilespmem:v3+s3+$0x0], $0xffff;
	v8 =	vpop (erf)  }
0xc3: {  	v23 =	vmul.f32 v24, v23;
	v27 =	vld.idx.msk [tilespmem:v18+s22+$0x0], $0xffff;
	v11 =	vmul.f32 v8, v11;
	v13 =	vadd.f32 v4, v25  }
0xc4: {  	v31 =	vld.idx.msk [tilespmem:v19+s22+$0x0], $0xffff;
	v30 =	vshll.u32 v28, $0x10;
	(erf) = vrcp.f32 v29;
	v8 =	vand.u32 $0xFFFF, v12  }
0xc5: {  	v29 =	vshll.u32 v26, $0x10;
	(erf) = vrcp.f32 v13;
	v13 =	vshrl.u32 v12, $0x10  }
0xc6: {  	[tilespmem:s0+$0x100] =	vst v11;
	v12 =	vmul.f32 v30, v26;
	v26 =	vmul.f32 v29, v28;
	v11 =	vshll.u32 v16, $0x10  }
0xc7: {  	v9 =	vmul.f32 v9, v22;
	v24 =	vshll.u32 v17, $0x10;
	v11 =	vmul.f32 v11, v17  }
0xc8: {  	v17 =	vadd.f32 v12, v26;
	v16 =	vmul.f32 v24, v16;
	v24 =	vshll.u32 v27, $0x10;
	v29 =	vpop (erf)  }
0xc9: {  	v22 =	vmul.f32 v24, v31;
	v32 =	vld.idx.msk [tilespmem:v8+s3+$0x0], $0xffff;
	v23 =	vmul.f32 v29, v23;
	v29 =	vshll.u32 v31, $0x10  }
0xca: {  	(erf) = vrcp.f32 v17;
	v17 =	vld.idx.msk [tilespmem:v13+s3+$0x0], $0xffff;
	v24 =	vmul.f32 v29, v27  }
0xcb: {  	v28 =	vld.idx.msk [tilespmem:v5+s21+$0x0], $0xffff;
	[tilespmem:s1+$0x80] =	vst v23;
	v23 =	vadd.f32 v11, v16  }
0xcc: {  	v4 =	vmul.f32 v4, v25;
	v30 =	vld.idx.msk [tilespmem:v6+s21+$0x0], $0xffff;
	v25 =	vadd.f32 v24, v22  }
0xcd: {  	v12 =	vmul.f32 v12, v26;
	v27 =	vpop (erf);
	(erf) = vrcp.f32 v23  }
0xce: {  	v29 =	vld.idx.msk [tilespmem:v21+s20+$0x0], $0xffff;
	v9 =	vmul.f32 v27, v9;
	v27 =	vpop (erf);
	(erf) = vrcp.f32 v25  }
0xcf: {  	v26 =	vld.idx.msk [tilespmem:v20+s20+$0x0], $0xffff;
	v4 =	vmul.f32 v27, v4;
	v27 =	vshll.u32 v32, $0x10;
	v31 =	vshll.u32 v17, $0x10  }
0xd0: {  	v23 =	vshll.u32 v28, $0x10;
	v31 =	vmul.f32 v31, v32;
	v17 =	vmul.f32 v27, v17  }
0xd1: {  	[tilespmem:s4+$0x180] =	vst v9;
	v9 =	vmul.f32 v23, v30;
	v30 =	vshll.u32 v30, $0x10  }
0xd2: {  	v25 =	vmul.f32 v30, v28;
	v28 =	vadd.f32 v31, v17  }
0xd3: {  	v23 =	vld.idx.msk [tilespmem:v15+s22+$0x0], $0xffff  }
0xd4: {  	v33 =	vld.idx.msk [tilespmem:v14+s22+$0x0], $0xffff;
	[tilespmem:s2+$0x280] =	vst v4;
	v30 =	vshll.u32 v29, $0x10;
	v36 =	vshll.u32 v26, $0x10;
	(erf) = vrcp.f32 v28  }
0xd5: {  	v4 =	vld.idx.msk [tilespmem:v10+s24+$0x0], $0xffff;
	v29 =	vmul.f32 v36, v29;
	v26 =	vmul.f32 v30, v26  }
0xd6: {  	v27 =	vld.idx.msk [tilespmem:v7+s24+$0x0], $0xffff;
	v34 =	vpop (erf)  }
0xd7: {  	v22 =	vmul.f32 v24, v22;
	v28 =	vadd.f32 v29, v26;
	v24 =	vpop (erf)  }
0xd8: {  	v12 =	vmul.f32 v34, v12;
	v30 =	vshll.u32 v23, $0x10;
	v40 =	vpop (erf)  }
0xd9: {  	v37 =	vshll.u32 v33, $0x10;
	(erf) = vrcp.f32 v28;
	v22 =	vmul.f32 v40, v22  }
0xda: {  	[tilespmem:s11+$0x80] =	vst v12;
	v23 =	vmul.f32 v37, v23;
	v30 =	vmul.f32 v30, v33;
	v12 =	vshll.u32 v4, $0x10  }
0xdb: {  	v35 =	vadd.f32 v25, v9;
	v28 =	vshll.u32 v27, $0x10;
	v12 =	vmul.f32 v12, v27;
	v27 =	vld.idx.msk [tilespmem:v2+s20+$0x0], $0xffff  }
0xdc: {  	v17 =	vmul.f32 v31, v17;
	v39 =	vld.idx.msk [tilespmem:v1+s20+$0x0], $0xffff;
	v33 =	vadd.f32 v23, v30;
	v28 =	vmul.f32 v28, v4  }
0xdd: {  	(erf) = vrcp.f32 v35;
	[tilespmem:s5+$0x200] =	vst v22;
	v22 =	vpop (erf)  }
0xde: {  	s13 =	simm.s32 $0x300;
	(erf) = vrcp.f32 v33;
	v41 =	vadd.f32 v28, v12;
	v17 =	vmul.f32 v22, v17  }
0xdf: {  	s12 =	sand.u32 $0x3C00, s13  }
0xe0: {  	s14 =	sor.u32 $0x14280, s12;
	v11 =	vmul.f32 v11, v16;
	(erf) = vrcp.f32 v41;
	v31 =	vshll.u32 v27, $0x10  }
0xe1: {  	s2 =	sor.u32 s7, s14;
	v26 =	vmul.f32 v29, v26;
	v16 =	vshll.u32 v39, $0x10;
	v22 =	vmul.f32 v31, v39;
	v31 =	vld.idx.msk [tilespmem:v19+s23+$0x0], $0xffff  }
0xe2: {  	s10 =	simm.s32 $0x13900;
	v16 =	vmul.f32 v16, v27;
	v27 =	vld.idx.msk [tilespmem:v18+s23+$0x0], $0xffff;
	[tilespmem:s2+$0x0] =	vst v17;
	v17 =	vpop (erf)  }
0xe3: {  	v38 =	vld [tilespmem:s10+$0x0];
	v11 =	vmul.f32 v24, v11;
	v17 =	vmul.f32 v17, v26  }
0xe4: {  	s10 =	sor.u32 s26, s14;
	v29 =	vadd.f32 v22, v16;
	v42 =	vld.idx.msk [tilespmem:v8+s19+$0x0], $0xffff  }
0xe5: {  	v25 =	vmul.f32 v25, v9;
	[tilespmem:s10+$0x0] =	vst v11;
	v11 =	vld.idx.msk [tilespmem:v13+s19+$0x0], $0xffff  }
0xe6: {  	v9 =	vmul.f32 v23, v30;
	(erf) = vrcp.f32 v29;
	v23 =	vpop (erf);
	v29 =	vshll.u32 v31, $0x10;
	[tilespmem:s1+$0x100] =	vst v17  }
0xe7: {  	s6 =	sand.u32 $0x3, s6;
	v12 =	vmul.f32 v28, v12;
	v16 =	vmul.f32 v22, v16;
	v22 =	vshll.u32 v27, $0x10;
	v30 =	vld.idx.msk [tilespmem:v21+s21+$0x0], $0xffff;
	v17 =	vpop (erf)  }
0xe8: {  	s6 =	sshll.u32 s6, $0x5;
	v22 =	vmul.f32 v22, v31;
	v28 =	vld.idx.msk [tilespmem:v20+s21+$0x0], $0xffff;
	v17 =	vmul.f32 v17, v9  }
0xe9: {  	s17 =	sadd.s32 $0x0, s6;
	v4 =	vand.u32 $0xFFFF, v38;
	v27 =	vmul.f32 v29, v27;
	v23 =	vmul.f32 v23, v25;
	v25 =	vld.idx.msk [tilespmem:v0+s19+$0x0], $0xffff;
	v29 =	vpop (erf)  }
0xea: {  	s18 =	sadd.s32 $0x10, s17;
	v26 =	vld.idx.msk [tilespmem:v3+s19+$0x0], $0xffff;
	v31 =	vshll.u32 v42, $0x10;
	v43 =	vshll.u32 v11, $0x10;
	v12 =	vmul.f32 v29, v12;
	[tilespmem:s4+$0x200] =	vst v17  }
0xeb: {  	s15 =	sor.u32 $0x300, s18;
	v31 =	vmul.f32 v31, v11;
	v9 =	vshrl.u32 v38, $0x10;
	v29 =	vadd.f32 v27, v22;
	v17 =	vld.idx.msk [tilespmem:v15+s23+$0x0], $0xffff  }
0xec: {  	v22 =	vmul.f32 v27, v22;
	v44 =	vld.idx.msk [tilespmem:v14+s23+$0x0], $0xffff;
	[tilespmem:s15+$0x14280] =	vst v12;
	v12 =	vmul.f32 v43, v42  }
0xed: {  	s16 =	simm.s32 $0x80;
	(erf) = vrcp.f32 v29;
	v27 =	vshll.u32 v30, $0x10;
	v29 =	vshll.u32 v28, $0x10;
	v10 =	vld.idx.msk [tilespmem:v10+s25+$0x0], $0xffff  }
0xee: {  	s26 =	sand.u32 $0x60, s16;
	v45 =	vshll.u32 v25, $0x10;
	v7 =	vld.idx.msk [tilespmem:v7+s25+$0x0], $0xffff;
	v29 =	vmul.f32 v29, v30;
	v27 =	vmul.f32 v27, v28  }
0xef: {  	s9 =	sand.u32 $0x780, s16;
	s7 =	sor.u32 $0x10, s26;
	v24 =	vld.idx.msk [tilespmem:v4+s3+$0x0], $0xffff;
	v32 =	vmul.f32 v45, v26;
	v26 =	vshll.u32 v26, $0x10;
	v11 =	vadd.f32 v12, v31  }
0xf0: {  	s9 =	sor.u32 s7, s9;
	v49 =	vpop (erf);
	v25 =	vmul.f32 v26, v25;
	v28 =	vld.idx.msk [tilespmem:v9+s3+$0x0], $0xffff;
	v46 =	vadd.f32 v29, v27  }
0xf1: {  	v16 =	vmul.f32 v49, v16;
	(erf) = vrcp.f32 v11;
	v11 =	vld [tilespmem:s9+$0x13880];
	v36 =	vshll.u32 v44, $0x10  }
0xf2: {  	[tilespmem:s0+$0x180] =	vst v23;
	v47 =	vshll.u32 v17, $0x10;
	(erf) = vrcp.f32 v46;
	v17 =	vmul.f32 v36, v17  }
0xf3: {  	v50 =	vld.idx.msk [tilespmem:v5+s22+$0x0], $0xffff;
	v34 =	vmul.f32 v47, v44;
	v23 =	vshll.u32 v10, $0x10;
	v48 =	vshll.u32 v7, $0x10  }
0xf4: {  	v38 =	vld.idx.msk [tilespmem:v6+s22+$0x0], $0xffff;
	v30 =	vshll.u32 v24, $0x10;
	v33 =	vmul.f32 v48, v10;
	v7 =	vmul.f32 v23, v7  }
0xf5: {  	v12 =	vmul.f32 v12, v31;
	v23 =	vshll.u32 v28, $0x10;
	v37 =	vadd.f32 v17, v34  }
0xf6: {  	v10 =	vand.u32 $0xFFFF, v11;
	v26 =	vadd.f32 v33, v7;
	v11 =	vshrl.u32 v11, $0x10  }
0xf7: {  	v23 =	vmul.f32 v23, v24;
	v24 =	vadd.f32 v32, v25;
	(erf) = vrcp.f32 v37  }
0xf8: {  	[tilespmem:s11+$0x100] =	vst v16;
	v16 =	vshll.u32 v50, $0x10;
	v27 =	vmul.f32 v29, v27;
	(erf) = vrcp.f32 v26  }
0xf9: {  	(erf) = vrcp.f32 v24;
	v24 =	vmul.f32 v32, v25;
	v25 =	vshll.u32 v38, $0x10  }
0xfa: {  	v16 =	vmul.f32 v16, v38;
	v26 =	vpop (erf);
	v25 =	vmul.f32 v25, v50  }
0xfb: {  	v28 =	vmul.f32 v30, v28;
	v31 =	vpop (erf);
	v22 =	vmul.f32 v26, v22;
	v26 =	vld.idx.msk [tilespmem:v11+s3+$0x0], $0xffff  }
0xfc: {  	v53 =	vld.idx.msk [tilespmem:v10+s3+$0x0], $0xffff;
	v12 =	vmul.f32 v31, v12;
	v31 =	vmul.f32 v25, v16;
	v16 =	vadd.f32 v25, v16  }
0xfd: {  	v51 =	vld.idx.msk [tilespmem:v2+s21+$0x0], $0xffff;
	v52 =	vadd.f32 v23, v28;
	v29 =	vpop (erf)  }
0xfe: {  	v30 =	vld.idx.msk [tilespmem:v1+s21+$0x0], $0xffff;
	v27 =	vmul.f32 v29, v27;
	[tilespmem:s2+$0x80] =	vst v12  }
0xff: {  	v17 =	vmul.f32 v17, v34;
	(erf) = vrcp.f32 v52;
	v29 =	vld.idx.msk [tilespmem:v13+s20+$0x0], $0xffff  }
0x100: {  	v7 =	vmul.f32 v33, v7;
	(erf) = vrcp.f32 v16;
	v12 =	vld.idx.msk [tilespmem:v8+s20+$0x0], $0xffff;
	v16 =	vpop (erf);
	v54 =	vshll.u32 v26, $0x10  }
0x101: {  	[tilespmem:s1+$0x180] =	vst v27;
	v16 =	vmul.f32 v16, v17;
	v17 =	vmul.f32 v23, v28;
	v28 =	vshll.u32 v53, $0x10  }
0x102: {  	v32 =	vshll.u32 v51, $0x10;
	v56 =	vld.idx.msk [tilespmem:v20+s22+$0x0], $0xffff;
	v27 =	vpop (erf);
	v33 =	vmul.f32 v54, v53;
	v26 =	vmul.f32 v28, v26  }
0x103: {  	v25 =	vshll.u32 v30, $0x10;
	v23 =	vld.idx.msk [tilespmem:v21+s22+$0x0], $0xffff;
	v55 =	vpop (erf);
	v28 =	vmul.f32 v32, v30;
	[tilespmem:s4+$0x280] =	vst v16  }
0x104: {  	v16 =	vmul.f32 v55, v24;
	v24 =	vld.idx.msk [tilespmem:v14+s24+$0x0], $0xffff;
	v30 =	vadd.f32 v33, v26;
	v58 =	vshll.u32 v29, $0x10  }
0x105: {  	v57 =	vshll.u32 v12, $0x10;
	v59 =	vld.idx.msk [tilespmem:v15+s24+$0x0], $0xffff;
	v34 =	vmul.f32 v58, v12  }
0x106: {  	v29 =	vmul.f32 v57, v29;
	(erf) = vrcp.f32 v30  }
0x107: {  	v25 =	vmul.f32 v25, v51;
	[tilespmem:s5+$0x280] =	vst v22;
	v22 =	vmul.f32 v27, v7  }
0x108: {  	v40 =	vld.idx.msk [tilespmem:v18+s24+$0x0], $0xffff;
	[tilespmem:s10+$0x80] =	vst v16;
	v16 =	vshll.u32 v23, $0x10;
	v30 =	vshll.u32 v56, $0x10;
	v7 =	vadd.f32 v34, v29  }
0x109: {  	v27 =	vld.idx.msk [tilespmem:v19+s24+$0x0], $0xffff;
	v23 =	vmul.f32 v30, v23;
	v16 =	vmul.f32 v16, v56;
	v30 =	vadd.f32 v28, v25  }
0x10a: {  	v60 =	vld.idx.msk [tilespmem:v3+s20+$0x0], $0xffff;
	(erf) = vrcp.f32 v7;
	v7 =	vshll.u32 v24, $0x10;
	v63 =	vshll.u32 v59, $0x10  }
0x10b: {  	s16 =	simm.s32 $0x400;
	s9 =	simm.s32 $0x13920;
	v61 =	vld.idx.msk [tilespmem:v0+s20+$0x0], $0xffff;
	v39 =	vadd.f32 v23, v16;
	v36 =	vmul.f32 v7, v59;
	v24 =	vmul.f32 v63, v24  }
0x10c: {  	s12 =	sand.u32 $0x3C00, s16;
	v62 =	vpop (erf);
	v26 =	vmul.f32 v33, v26;
	v12 =	vld [tilespmem:s9+$0x0];
	(erf) = vrcp.f32 v30  }
0x10d: {  	s4 =	sor.u32 $0x14280, s12;
	v17 =	vmul.f32 v62, v17;
	v41 =	vpop (erf);
	(erf) = vrcp.f32 v39;
	v38 =	vadd.f32 v36, v24  }
0x10e: {  	v44 =	vshll.u32 v40, $0x10;
	s12 =	sor.u32 s26, s4;
	v25 =	vmul.f32 v28, v25;
	v30 =	vmul.f32 v41, v31  }
0x10f: {  	v28 =	vshll.u32 v27, $0x10;
	v27 =	vmul.f32 v44, v27;
	[tilespmem:s12+$0x0] =	vst v17;
	(erf) = vrcp.f32 v38;
	v45 =	vpop (erf)  }
0x110: {  	v51 =	vld.idx.msk [tilespmem:v9+s19+$0x0], $0xffff;
	v31 =	vshll.u32 v60, $0x10;
	[tilespmem:s0+$0x200] =	vst v30;
	v30 =	vshll.u32 v61, $0x10;
	v26 =	vmul.f32 v45, v26  }
0x111: {  	s5 =	sor.u32 s7, s4;
	v7 =	vand.u32 $0xFFFF, v12;
	v31 =	vmul.f32 v31, v61;
	v43 =	vld.idx.msk [tilespmem:v5+s23+$0x0], $0xffff;
	v30 =	vmul.f32 v30, v60  }
0x112: {  	v29 =	vmul.f32 v34, v29;
	v28 =	vmul.f32 v28, v40;
	v12 =	vshrl.u32 v12, $0x10;
	v46 =	vld.idx.msk [tilespmem:v6+s23+$0x0], $0xffff;
	[tilespmem:s5+$0x0] =	vst v26  }
0x113: {  	v49 =	vmul.f32 v30, v31;
	v30 =	vadd.f32 v30, v31;
	v50 =	vld.idx.msk [tilespmem:v10+s19+$0x0], $0xffff  }
0x114: {  	v16 =	vmul.f32 v23, v16;
	v31 =	vmul.f32 v28, v27;
	v27 =	vadd.f32 v28, v27;
	v17 =	vld.idx.msk [tilespmem:v11+s19+$0x0], $0xffff;
	v26 =	vpop (erf)  }
0x115: {  	(erf) = vrcp.f32 v30;
	v30 =	vld.idx.msk [tilespmem:v4+s19+$0x0], $0xffff;
	v26 =	vmul.f32 v26, v29;
	v23 =	vpop (erf)  }
0x116: {  	s14 =	simm.s32 $0x1;
	v24 =	vmul.f32 v36, v24;
	v47 =	vld.idx.msk [tilespmem:v7+s3+$0x0], $0xffff;
	v28 =	vshll.u32 v43, $0x10;
	v29 =	vpop (erf)  }
0x117: {  	s4 =	sand.u32 $0x3, s14;
	v59 =	vshll.u32 v51, $0x10;
	v48 =	vld.idx.msk [tilespmem:v12+s3+$0x0], $0xffff;
	v28 =	vmul.f32 v28, v46;
	[tilespmem:s2+$0x100] =	vst v26;
	v16 =	vmul.f32 v29, v16  }
0x118: {  	s4 =	sshll.u32 s4, $0x5;
	(erf) = vrcp.f32 v27;
	v23 =	vmul.f32 v23, v25;
	v26 =	vshll.u32 v46, $0x10;
	v27 =	vpop (erf);
	v29 =	vld.idx.msk [tilespmem:v8+s21+$0x0], $0xffff  }
0x119: {  	s9 =	sadd.s32 $0x100, s4;
	v26 =	vmul.f32 v26, v43;
	v25 =	vld.idx.msk [tilespmem:v13+s21+$0x0], $0xffff;
	v52 =	vshll.u32 v17, $0x10;
	[tilespmem:s1+$0x200] =	vst v16;
	v16 =	vmul.f32 v27, v24  }
0x11a: {  	s14 =	sadd.s32 $0x10, s9;
	[tilespmem:s11+$0x180] =	vst v23;
	v33 =	vmul.f32 v52, v50;
	v23 =	vshll.u32 v30, $0x10;
	v30 =	vmul.f32 v59, v30;
	v27 =	vld.idx.msk [tilespmem:v21+s23+$0x0], $0xffff  }
0x11b: {  	s15 =	sor.u32 $0x300, s14;
	v24 =	vmul.f32 v26, v28;
	v26 =	vadd.f32 v26, v28;
	v28 =	vshll.u32 v50, $0x10;
	v54 =	vld.idx.msk [tilespmem:v20+s23+$0x0], $0xffff  }
0x11c: {  	s26 =	simm.s32 $0xA0;
	v53 =	vshll.u32 v48, $0x10;
	v23 =	vmul.f32 v23, v51;
	[tilespmem:s15+$0x14280] =	vst v16;
	v17 =	vmul.f32 v28, v17  }
0x11d: {  	s4 =	sand.u32 $0x60, s26;
	v28 =	vmul.f32 v53, v47;
	(erf) = vrcp.f32 v26;
	v14 =	vld.idx.msk [tilespmem:v14+s25+$0x0], $0xffff  }
0x11e: {  	s8 =	sand.u32 $0x780, s26;
	s6 =	sor.u32 $0x10, s4;
	v15 =	vld.idx.msk [tilespmem:v15+s25+$0x0], $0xffff;
	v16 =	vadd.f32 v33, v17;
	v26 =	vshll.u32 v29, $0x10;
	v55 =	vshll.u32 v25, $0x10  }
0x11f: {  	s8 =	sor.u32 s6, s8;
	v35 =	vshll.u32 v47, $0x10;
	v29 =	vmul.f32 v55, v29;
	v25 =	vmul.f32 v26, v25  }
0x120: {  	v60 =	vld [tilespmem:s8+$0x13880];
	(erf) = vrcp.f32 v16;
	v57 =	vshll.u32 v27, $0x10;
	v58 =	vshll.u32 v54, $0x10  }
0x121: {  	v56 =	vld.idx.msk [tilespmem:v1+s22+$0x0], $0xffff;
	v16 =	vadd.f32 v29, v25;
	v27 =	vmul.f32 v58, v27;
	v36 =	vmul.f32 v57, v54  }
0x122: {  	v62 =	vld.idx.msk [tilespmem:v2+s22+$0x0], $0xffff;
	v26 =	vmul.f32 v35, v48;
	v48 =	vmul.f32 v30, v23;
	v61 =	vshll.u32 v14, $0x10  }
0x123: {  	(erf) = vrcp.f32 v16;
	v16 =	vshll.u32 v15, $0x10;
	v63 =	vadd.f32 v27, v36  }
0x124: {  	v23 =	vadd.f32 v30, v23;
	v37 =	vmul.f32 v61, v15;
	v15 =	vpop (erf);
	v14 =	vmul.f32 v16, v14  }
0x125: {  	v44 =	vmul.f32 v15, v49;
	v16 =	vand.u32 $0xFFFF, v60;
	(erf) = vrcp.f32 v63  }
0x126: {  	v46 =	vshll.u32 v56, $0x10;
	v15 =	vshrl.u32 v60, $0x10;
	v45 =	vadd.f32 v37, v14  }
0x127: {  	v17 =	vmul.f32 v33, v17;
	v38 =	vmul.f32 v46, v62;
	v47 =	vpop (erf);
	[tilespmem:s10+$0x100] =	vst v44  }
0x128: {  	v27 =	vmul.f32 v27, v36;
	v49 =	vshll.u32 v62, $0x10;
	v30 =	vpop (erf);
	v32 =	vld.idx.msk [tilespmem:v3+s21+$0x0], $0xffff;
	(erf) = vrcp.f32 v45  }
0x129: {  	v50 =	vld.idx.msk [tilespmem:v0+s21+$0x0], $0xffff;
	v24 =	vmul.f32 v30, v24;
	v30 =	vadd.f32 v28, v26;
	(erf) = vrcp.f32 v23;
	v23 =	vpop (erf)  }
0x12a: {  	v34 =	vmul.f32 v49, v56;
	v51 =	vld.idx.msk [tilespmem:v16+s3+$0x0], $0xffff;
	v17 =	vmul.f32 v23, v17  }
0x12b: {  	v23 =	vmul.f32 v29, v25;
	v25 =	vld.idx.msk [tilespmem:v15+s3+$0x0], $0xffff;
	(erf) = vrcp.f32 v30  }
0x12c: {  	v31 =	vmul.f32 v47, v31;
	v39 =	vmul.f32 v34, v38;
	v34 =	vadd.f32 v34, v38;
	v29 =	vpop (erf);
	[tilespmem:s5+$0x80] =	vst v17  }
0x12d: {  	v14 =	vmul.f32 v37, v14;
	v23 =	vmul.f32 v29, v23;
	v29 =	vld.idx.msk [tilespmem:v10+s20+$0x0], $0xffff  }
0x12e: {  	s7 =	simm.s32 $0x13940;
	v26 =	vmul.f32 v28, v26;
	v17 =	vshll.u32 v32, $0x10;
	(erf) = vrcp.f32 v34;
	v52 =	vld.idx.msk [tilespmem:v11+s20+$0x0], $0xffff;
	v30 =	vpop (erf)  }
0x12f: {  	v33 =	vshll.u32 v50, $0x10;
	v17 =	vmul.f32 v17, v50;
	v27 =	vmul.f32 v30, v27;
	v30 =	vld [tilespmem:s7+$0x0];
	[tilespmem:s2+$0x180] =	vst v23  }
0x130: {  	v28 =	vmul.f32 v33, v32;
	v54 =	vshll.u32 v51, $0x10;
	v55 =	vshll.u32 v25, $0x10;
	v53 =	vld.idx.msk [tilespmem:v8+s22+$0x0], $0xffff  }
0x131: {  	v25 =	vmul.f32 v54, v25;
	v56 =	vld.idx.msk [tilespmem:v13+s22+$0x0], $0xffff;
	v23 =	vpop (erf);
	[tilespmem:s1+$0x280] =	vst v27;
	v27 =	vmul.f32 v55, v51  }
0x132: {  	v35 =	vmul.f32 v28, v17;
	v23 =	vmul.f32 v23, v14;
	v14 =	vpop (erf);
	v57 =	vld.idx.msk [tilespmem:v21+s24+$0x0], $0xffff;
	v58 =	vshll.u32 v29, $0x10  }
0x133: {  	[tilespmem:s0+$0x280] =	vst v24;
	v24 =	vld.idx.msk [tilespmem:v20+s24+$0x0], $0xffff;
	v59 =	vshll.u32 v52, $0x10;
	v14 =	vmul.f32 v14, v48;
	v36 =	vadd.f32 v27, v25  }
0x134: {  	v60 =	vld.idx.msk [tilespmem:v5+s24+$0x0], $0xffff;
	v28 =	vadd.f32 v28, v17;
	v17 =	vpop (erf);
	v29 =	vmul.f32 v59, v29;
	v34 =	vmul.f32 v58, v52  }
0x135: {  	v26 =	vmul.f32 v17, v26;
	v17 =	vshrl.u32 v30, $0x10;
	(erf) = vrcp.f32 v36  }
0x136: {  	v61 =	vld.idx.msk [tilespmem:v6+s24+$0x0], $0xffff;
	[tilespmem:s12+$0x80] =	vst v14;
	v40 =	vadd.f32 v29, v34;
	v42 =	vshll.u32 v53, $0x10;
	v43 =	vshll.u32 v56, $0x10  }
0x137: {  	s15 =	sor.u32 $0x300, s17;
	v14 =	vand.u32 $0xFFFF, v30;
	v62 =	vld.idx.msk [tilespmem:v4+s20+$0x0], $0xffff;
	v30 =	vmul.f32 v43, v53;
	v63 =	vmul.f32 v42, v56  }
0x138: {  	[tilespmem:s15+$0x14280] =	vst v31;
	v44 =	vld.idx.msk [tilespmem:v9+s20+$0x0], $0xffff;
	(erf) = vrcp.f32 v40;
	v31 =	vshll.u32 v57, $0x10;
	v46 =	vshll.u32 v24, $0x10  }
0x139: {  	v18 =	vld.idx.msk [tilespmem:v18+s25+$0x0], $0xffff;
	v50 =	vshll.u32 v60, $0x10;
	v47 =	vpop (erf);
	v33 =	vmul.f32 v46, v57;
	v24 =	vmul.f32 v31, v24  }
0x13a: {  	v19 =	vld.idx.msk [tilespmem:v19+s25+$0x0], $0xffff;
	v42 =	vadd.f32 v30, v63;
	(erf) = vrcp.f32 v28;
	v28 =	vmul.f32 v47, v39  }
0x13b: {  	v38 =	vmul.f32 v50, v61;
	v25 =	vmul.f32 v27, v25  }
0x13c: {  	v31 =	vshll.u32 v61, $0x10;
	(erf) = vrcp.f32 v42;
	v49 =	vadd.f32 v33, v24;
	[tilespmem:s11+$0x200] =	vst v28  }
0x13d: {  	v28 =	vmul.f32 v31, v60;
	v48 =	vshll.u32 v62, $0x10;
	v31 =	vshll.u32 v44, $0x10;
	v27 =	vld.idx.msk [tilespmem:v1+s23+$0x0], $0xffff  }
0x13e: {  	v54 =	vshll.u32 v18, $0x10;
	s1 =	simm.s32 $0x500;
	v52 =	vld.idx.msk [tilespmem:v2+s23+$0x0], $0xffff;
	v37 =	vmul.f32 v48, v44;
	v31 =	vmul.f32 v31, v62  }
0x13f: {  	s26 =	sand.u32 $0x3C00, s1;
	v29 =	vmul.f32 v29, v34;
	v53 =	vshll.u32 v19, $0x10;
	(erf) = vrcp.f32 v49;
	v51 =	vpop (erf)  }
0x140: {  	s7 =	sor.u32 $0x14280, s26;
	v40 =	vmul.f32 v31, v37;
	v31 =	vadd.f32 v31, v37;
	v25 =	vmul.f32 v51, v25  }
0x141: {  	s0 =	sor.u32 s6, s7;
	s6 =	sor.u32 s4, s7;
	v19 =	vmul.f32 v54, v19;
	v44 =	vmul.f32 v28, v38;
	v28 =	vadd.f32 v28, v38  }
0x142: {  	[tilespmem:s6+$0x0] =	vst v26;
	v18 =	vmul.f32 v53, v18;
	v56 =	vld.idx.msk [tilespmem:v17+s3+$0x0], $0xffff;
	(erf) = vrcp.f32 v31  }
0x143: {  	v55 =	vld.idx.msk [tilespmem:v14+s3+$0x0], $0xffff;
	v31 =	vshll.u32 v27, $0x10;
	v59 =	vshll.u32 v52, $0x10;
	[tilespmem:s0+$0x0] =	vst v25;
	(erf) = vrcp.f32 v28  }
0x144: {  	v60 =	vadd.f32 v18, v19;
	v31 =	vmul.f32 v31, v52;
	v27 =	vmul.f32 v59, v27;
	v26 =	vld.idx.msk [tilespmem:v15+s19+$0x0], $0xffff;
	v25 =	vpop (erf)  }
0x145: {  	v57 =	vld.idx.msk [tilespmem:v16+s19+$0x0], $0xffff;
	v25 =	vmul.f32 v25, v29;
	v29 =	vmul.f32 v30, v63;
	v30 =	vpop (erf)  }
0x146: {  	s26 =	simm.s32 $0x2;
	(erf) = vrcp.f32 v60;
	v63 =	vld.idx.msk [tilespmem:v12+s19+$0x0], $0xffff;
	v30 =	vmul.f32 v30, v35;
	v58 =	vpop (erf)  }
0x147: {  	s8 =	sand.u32 $0x3, s26;
	v28 =	vld.idx.msk [tilespmem:v7+s19+$0x0], $0xffff;
	[tilespmem:s5+$0x100] =	vst v25;
	v25 =	vmul.f32 v58, v29;
	v29 =	vmul.f32 v33, v24  }
0x148: {  	s4 =	sshll.u32 s8, $0x5;
	v49 =	vshll.u32 v55, $0x10;
	v36 =	vmul.f32 v27, v31;
	v62 =	vpop (erf);
	v24 =	vmul.f32 v18, v19;
	v61 =	vld.idx.msk [tilespmem:v10+s21+$0x0], $0xffff;
	[tilespmem:s10+$0x180] =	vst v30  }
0x149: {  	s28 =	sadd.s32 $0x200, s4;
	v18 =	vld.idx.msk [tilespmem:v11+s21+$0x0], $0xffff;
	v48 =	vshll.u32 v26, $0x10;
	v19 =	vmul.f32 v62, v29;
	[tilespmem:s2+$0x200] =	vst v25;
	v25 =	vshll.u32 v56, $0x10  }
0x14a: {  	s4 =	sadd.s32 $0x10, s28;
	v29 =	vadd.f32 v27, v31;
	v27 =	vshll.u32 v57, $0x10;
	v53 =	vld.idx.msk [tilespmem:v3+s22+$0x0], $0xffff;
	v25 =	vmul.f32 v25, v55  }
0x14b: {  	s15 =	sor.u32 $0x300, s4;
	v31 =	vld.idx.msk [tilespmem:v8+s23+$0x0], $0xffff;
	v51 =	vmul.f32 v27, v26;
	v27 =	vmul.f32 v49, v56;
	v30 =	vshll.u32 v63, $0x10  }
0x14c: {  	v50 =	vld.idx.msk [tilespmem:v13+s23+$0x0], $0xffff;
	v56 =	vshll.u32 v28, $0x10;
	[tilespmem:s15+$0x14280] =	vst v19;
	v19 =	vmul.f32 v48, v57;
	(erf) = vrcp.f32 v29  }
0x14d: {  	s29 =	simm.s32 $0xC0;
	v30 =	vmul.f32 v30, v28;
	v57 =	vld.idx.msk [tilespmem:v0+s22+$0x0], $0xffff;
	v32 =	vmul.f32 v56, v63  }
0x14e: {  	s15 =	sand.u32 $0x60, s29;
	v21 =	vld.idx.msk [tilespmem:v21+s25+$0x0], $0xffff;
	v26 =	vadd.f32 v19, v51;
	v29 =	vshll.u32 v61, $0x10;
	v52 =	vshll.u32 v18, $0x10  }
0x14f: {  	s30 =	sand.u32 $0x780, s29;
	v20 =	vld.idx.msk [tilespmem:v20+s25+$0x0], $0xffff;
	s8 =	sor.u32 $0x10, s15;
	v45 =	vmul.f32 v52, v61;
	v18 =	vmul.f32 v29, v18  }
0x150: {  	s30 =	sor.u32 s8, s30;
	v19 =	vmul.f32 v19, v51;
	(erf) = vrcp.f32 v26  }
0x151: {  	v26 =	vld [tilespmem:s30+$0x13880];
	v54 =	vshll.u32 v31, $0x10;
	v55 =	vshll.u32 v50, $0x10;
	v29 =	vadd.f32 v45, v18  }
0x152: {  	v59 =	vshll.u32 v53, $0x10;
	v33 =	vmul.f32 v55, v31;
	v34 =	vmul.f32 v54, v50  }
0x153: {  	v61 =	vmul.f32 v59, v57;
	(erf) = vrcp.f32 v29  }
0x154: {  	v31 =	vpop (erf);
	v62 =	vshll.u32 v57, $0x10;
	v28 =	vshll.u32 v20, $0x10;
	v29 =	vshll.u32 v21, $0x10  }
0x155: {  	v46 =	vpop (erf);
	v38 =	vadd.f32 v33, v34;
	v28 =	vmul.f32 v28, v21;
	v29 =	vmul.f32 v29, v20  }
0x156: {  	s18 =	sor.u32 $0x380, s18;
	v58 =	vmul.f32 v31, v40;
	v20 =	vand.u32 $0xFFFF, v26;
	v21 =	vshrl.u32 v26, $0x10;
	v26 =	vpop (erf)  }
0x157: {  	[tilespmem:s18+$0x14280] =	vst v22;
	v31 =	vmul.f32 v30, v32;
	(erf) = vrcp.f32 v38;
	v60 =	vadd.f32 v28, v29;
	v22 =	vpop (erf)  }
0x158: {  	v30 =	vadd.f32 v30, v32;
	v63 =	vmul.f32 v62, v53;
	[tilespmem:s12+$0x100] =	vst v58;
	v39 =	vmul.f32 v22, v36  }
0x159: {  	s14 =	sor.u32 $0x380, s14;
	v42 =	vadd.f32 v25, v27;
	v35 =	vld.idx.msk [tilespmem:v4+s21+$0x0], $0xffff;
	v36 =	vmul.f32 v46, v44;
	(erf) = vrcp.f32 v60  }
0x15a: {  	[tilespmem:s14+$0x14280] =	vst v23;
	s14 =	sor.u32 $0x300, s9;
	v41 =	vadd.f32 v63, v61;
	v37 =	vld.idx.msk [tilespmem:v9+s21+$0x0], $0xffff;
	v44 =	vmul.f32 v45, v18;
	(erf) = vrcp.f32 v30  }
0x15b: {  	s31 =	sor.u32 $0x300, s28;
	s18 =	sor.u32 $0x380, s28;
	s28 =	simm.s32 $0x500;
	v18 =	vmov v12;
	v22 =	vmov v9;
	v23 =	vpop (erf);
	v30 =	vmul.f32 v63, v61;
	v38 =	vld.idx.msk [tilespmem:v20+s3+$0x0], $0xffff  }
0x15c: {  	s30 =	sor.u32 $0x380, s17;
	s17 =	sor.u32 $0x380, s9;
	s9 =	simm.s32 $0x13960;
	v43 =	vmul.f32 v23, v19;
	v40 =	vld.idx.msk [tilespmem:v21+s3+$0x0], $0xffff;
	v19 =	vmov v17;
	v23 =	vmov v0;
	v45 =	vpop (erf)  }
.LBB2_3:
0x15d: {  	v32 =	vmov v9;
	v9 =	vmov v12;
	v12 =	vmov v17  }
0x15e: {  	v24 =	vmul.f32 v26, v24;
	v17 =	vld [tilespmem:s9+$0x0];
	(erf) = vrcp.f32 v42;
	[tilespmem:s0+$0x80] =	vst v43  }
0x15f: {  	v33 =	vmul.f32 v33, v34;
	v42 =	vshll.u32 v35, $0x10;
	v43 =	vmul.f32 v45, v44;
	v26 =	vld.idx.msk [tilespmem:v16+s20+$0x0], $0xffff;
	[tilespmem:s11+$0x280] =	vst v39;
	s11 =	smov.u32 s10;
	s10 =	smov.u32 s12;
	s12 =	smov.u32 s6  }
0x160: {  	v39 =	vshll.u32 v37, $0x10;
	v37 =	vmul.f32 v42, v37;
	v34 =	vld.idx.msk [tilespmem:v15+s20+$0x0], $0xffff;
	(erf) = vrcp.f32 v41;
	v41 =	vpop (erf);
	[tilespmem:s14+$0x14280] =	vst v36;
	s14 =	smov.u32 s31  }
0x161: {  	v28 =	vmul.f32 v28, v29;
	[tilespmem:s5+$0x180] =	vst v43;
	v33 =	vmul.f32 v41, v33;
	v36 =	vld.idx.msk [tilespmem:v1+s24+$0x0], $0xffff  }
0x162: {  	v25 =	vmul.f32 v25, v27;
	v27 =	vmul.f32 v39, v35;
	v29 =	vld.idx.msk [tilespmem:v10+s22+$0x0], $0xffff;
	v35 =	vpop (erf);
	[tilespmem:s30+$0x14280] =	vst v24;
	s30 =	smov.u32 s17;
	s17 =	smov.u32 s18  }
0x163: {  	v39 =	vshll.u32 v40, $0x10;
	v24 =	vshll.u32 v38, $0x10;
	v41 =	vpop (erf);
	v42 =	vld.idx.msk [tilespmem:v11+s22+$0x0], $0xffff;
	[tilespmem:s2+$0x280] =	vst v33;
	v28 =	vmul.f32 v35, v28;
	s2 =	smov.u32 s5;
	s5 =	smov.u32 s0  }
0x164: {  	v33 =	vmul.f32 v39, v38;
	v24 =	vmul.f32 v24, v40;
	v35 =	vadd.f32 v27, v37;
	s0 =	sor.u32 $0x380, s4;
	v38 =	vld.idx.msk [tilespmem:v8+s24+$0x0], $0xffff  }
0x165: {  	v27 =	vmul.f32 v27, v37;
	v31 =	vmul.f32 v41, v31;
	v37 =	vld.idx.msk [tilespmem:v13+s24+$0x0], $0xffff;
	[tilespmem:s0+$0x14280] =	vst v28  }
0x166: {  	v39 =	vshll.u32 v26, $0x10;
	v28 =	vadd.f32 v33, v24;
	v40 =	vshll.u32 v34, $0x10;
	v41 =	vld.idx.msk [tilespmem:v2+s24+$0x0], $0xffff  }
0x167: {  	v26 =	vmul.f32 v40, v26;
	v43 =	vpop (erf);
	[tilespmem:s12+$0x80] =	vst v31;
	v31 =	vmul.f32 v39, v34;
	v34 =	vshll.u32 v36, $0x10;
	v39 =	vld.idx.msk [tilespmem:v5+s25+$0x0], $0xffff  }
0x168: {  	v40 =	vand.u32 $0xFFFF, v17;
	v5 =	vmovc v1;
	v1 =	vmovc v3;
	v25 =	vmul.f32 v43, v25;
	(erf) = vrcp.f32 v28;
	v28 =	vld.idx.msk [tilespmem:v7+s20+$0x0], $0xffff  }
0x169: {  	v47 =	vshll.u32 v29, $0x10;
	v45 =	vshll.u32 v42, $0x10;
	v43 =	vld.idx.msk [tilespmem:v18+s20+$0x0], $0xffff;
	v44 =	vadd.f32 v26, v31;
	v46 =	vpop (erf)  }
0x16a: {  	v17 =	vshrl.u32 v17, $0x10;
	v3 =	vmovc v4;
	v42 =	vmul.f32 v47, v42;
	v29 =	vmul.f32 v45, v29;
	v45 =	vld.idx.msk [tilespmem:v6+s25+$0x0], $0xffff  }
0x16b: {  	v4 =	vmovc v7;
	v7 =	vmovc v14;
	v48 =	vshll.u32 v38, $0x10;
	(erf) = vrcp.f32 v44;
	v44 =	vshll.u32 v37, $0x10  }
0x16c: {  	v14 =	vmovc v40;
	v47 =	vadd.f32 v29, v42;
	v37 =	vmul.f32 v48, v37;
	v38 =	vmul.f32 v44, v38  }
0x16d: {  	v30 =	vmul.f32 v46, v30;
	v6 =	vmovc v2;
	v2 =	vmovc v0;
	(erf) = vrcp.f32 v35;
	v35 =	vshll.u32 v41, $0x10  }
0x16e: {  	v0 =	vmovc v22;
	v22 =	vmovc v18;
	v40 =	vshll.u32 v28, $0x10;
	(erf) = vrcp.f32 v47;
	v44 =	vadd.f32 v38, v37  }
0x16f: {  	v18 =	vmovc v19;
	v46 =	vshll.u32 v43, $0x10;
	v40 =	vmul.f32 v40, v43;
	v35 =	vmul.f32 v35, v36;
	[tilespmem:s11+$0x200] =	vst v30  }
0x170: {  	s1 =	sadd.s32 $0x100, s1;
	v24 =	vmul.f32 v33, v24;
	v19 =	vmovc v17;
	v36 =	vshll.u32 v39, $0x10;
	v33 =	vld.idx.msk [tilespmem:v1+s23+$0x0], $0xffff;
	(erf) = vrcp.f32 v44  }
0x171: {  	s0 =	sand.u32 $0x3C00, s1;
	v34 =	vmul.f32 v34, v41;
	v28 =	vmul.f32 v46, v28;
	v44 =	vshll.u32 v45, $0x10;
	v30 =	vpop (erf);
	v43 =	vld.idx.msk [tilespmem:v23+s23+$0x0], $0xffff  }
0x172: {  	s0 =	sor.u32 $0x14280, s0;
	v39 =	vmul.f32 v44, v39;
	v23 =	vmov v32;
	v41 =	vld.idx.msk [tilespmem:v14+s3+$0x0], $0xffff;
	v30 =	vmul.f32 v30, v24  }
0x173: {  	s6 =	sor.u32 s15, s0;
	s0 =	sor.u32 s8, s0;
	v26 =	vmul.f32 v26, v31;
	v44 =	vmul.f32 v28, v40;
	v40 =	vadd.f32 v28, v40;
	v32 =	vld.idx.msk [tilespmem:v17+s3+$0x0], $0xffff  }
0x174: {  	v31 =	vadd.f32 v35, v34;
	[tilespmem:s0+$0x0] =	vst v30;
	v24 =	vpop (erf);
	v30 =	vmul.f32 v35, v34;
	v34 =	vmul.f32 v36, v45  }
0x175: {  	[tilespmem:s6+$0x0] =	vst v25;
	v35 =	vld.idx.msk [tilespmem:v20+s19+$0x0], $0xffff;
	v24 =	vmul.f32 v24, v26;
	(erf) = vrcp.f32 v40  }
0x176: {  	s26 =	sadd.s32 $0x1, s26;
	v25 =	vmul.f32 v29, v42;
	v29 =	vshll.u32 v33, $0x10;
	v26 =	vld.idx.msk [tilespmem:v21+s19+$0x0], $0xffff;
	v28 =	vpop (erf);
	(erf) = vrcp.f32 v31  }
0x177: {  	s4 =	sand.u32 $0x3, s26;
	v29 =	vmul.f32 v29, v43;
	v31 =	vld.idx.msk [tilespmem:v7+s19+$0x0], $0xffff;
	[tilespmem:s5+$0x100] =	vst v24;
	v24 =	vmul.f32 v28, v27;
	v27 =	vpop (erf);
	v28 =	vshll.u32 v43, $0x10  }
0x178: {  	s4 =	sshll.u32 s4, $0x5;
	v36 =	vld.idx.msk [tilespmem:v16+s21+$0x0], $0xffff;
	v25 =	vmul.f32 v27, v25;
	v27 =	vmul.f32 v38, v37;
	v37 =	vadd.f32 v39, v34  }
0x179: {  	s4 =	sadd.s32 s4, s13;
	s13 =	smov.u32 s16;
	s16 =	smov.u32 s28;
	v28 =	vmul.f32 v28, v33;
	v38 =	vld.idx.msk [tilespmem:v15+s21+$0x0], $0xffff;
	[tilespmem:s10+$0x180] =	vst v24;
	v33 =	vpop (erf);
	v24 =	vmul.f32 v39, v34  }
0x17a: {  	s31 =	sor.u32 $0x300, s4;
	s18 =	sor.u32 $0x380, s4;
	s4 =	sadd.s32 $0x10, s4;
	v34 =	vshll.u32 v41, $0x10;
	v39 =	vld.idx.msk [tilespmem:v18+s19+$0x0], $0xffff;
	[tilespmem:s2+$0x200] =	vst v25;
	v27 =	vmul.f32 v33, v27;
	(erf) = vrcp.f32 v37  }
0x17b: {  	s28 =	smov.u32 s1;
	s8 =	sor.u32 $0x300, s4;
	v25 =	vshll.u32 v32, $0x10;
	v40 =	vmul.f32 v28, v29;
	v28 =	vadd.f32 v28, v29;
	v33 =	vld.idx.msk [tilespmem:v10+s23+$0x0], $0xffff  }
0x17c: {  	v29 =	vshll.u32 v35, $0x10;
	v25 =	vmul.f32 v25, v41;
	v37 =	vshll.u32 v26, $0x10;
	v41 =	vld.idx.msk [tilespmem:v11+s23+$0x0], $0xffff;
	[tilespmem:s8+$0x14280] =	vst v27  }
0x17d: {  	v43 =	vmul.f32 v29, v26;
	v42 =	vshll.u32 v31, $0x10;
	v37 =	vmul.f32 v37, v35;
	v29 =	vld.idx.msk [tilespmem:v8+s25+$0x0], $0xffff;
	v8 =	vmovc v10  }
0x17e: {  	s29 =	sadd.s32 $0x20, s29;
	v27 =	vmul.f32 v34, v32;
	v10 =	vmov v16;
	v32 =	vpop (erf);
	v35 =	vld.idx.msk [tilespmem:v13+s25+$0x0], $0xffff;
	(erf) = vrcp.f32 v28  }
0x17f: {  	p1 =	slt.u32 s29, $0x4E0;
	s15 =	sand.u32 $0x60, s29;
	v34 =	vshll.u32 v36, $0x10;
	v49 =	vadd.f32 v37, v43;
	v26 =	vshll.u32 v38, $0x10;
	v45 =	vld.idx.msk [tilespmem:v3+s22+$0x0], $0xffff;
	v46 =	vpop (erf)  }
0x180: {  	s7 =	sand.u32 $0x780, s29;
	s8 =	sor.u32 $0x10, s15;
	v16 =	vmovc v20;
	v48 =	vmul.f32 v34, v38;
	v28 =	vshll.u32 v39, $0x10;
	v47 =	vmul.f32 v26, v36;
	v36 =	vld.idx.msk [tilespmem:v0+s22+$0x0], $0xffff  }
0x181: {  	s7 =	sor.u32 s8, s7;
	v13 =	vmovc v11;
	v11 =	vmovc v15;
	v15 =	vmov v21;
	v38 =	vmul.f32 v28, v31;
	(erf) = vrcp.f32 v49  }
0x182: {  	v31 =	vshll.u32 v33, $0x10;
	v20 =	vadd.f32 v47, v48;
	v28 =	vshll.u32 v41, $0x10;
	v21 =	vld [tilespmem:s7+$0x13880]  }
0x183: {  	v34 =	vmul.f32 v31, v41;
	v33 =	vmul.f32 v28, v33;
	v26 =	vpop (erf)  }
0x184: {  	v28 =	vshll.u32 v35, $0x10;
	(erf) = vrcp.f32 v20;
	v20 =	vshll.u32 v29, $0x10  }
0x185: {  	v31 =	vadd.f32 v33, v34;
	v28 =	vmul.f32 v28, v29;
	v29 =	vmul.f32 v20, v35  }
0x186: {  	v32 =	vmul.f32 v32, v44;
	v35 =	vmul.f32 v42, v39;
	v39 =	vshll.u32 v45, $0x10  }
0x187: {  	v20 =	vand.u32 $0xFFFF, v21;
	(erf) = vrcp.f32 v31;
	v44 =	vadd.f32 v28, v29;
	v42 =	vpop (erf)  }
0x188: {  	v21 =	vshrl.u32 v21, $0x10;
	v31 =	vmul.f32 v38, v35;
	v38 =	vadd.f32 v38, v35;
	[tilespmem:s12+$0x100] =	vst v32  }
.Ltmp0:
0x189: {  	v49 =	vmul.f32 v39, v36;
	v32 =	vshll.u32 v36, $0x10;
	v35 =	vld.idx.msk [tilespmem:v4+s21+$0x0], $0xffff;
	(erf) = vrcp.f32 v44;
	(pc) =	sbr.rel @p1 .LBB2_3-.Ltmp0, $4  }
0x18a: {  	v36 =	vmul.f32 v37, v43;
	(erf) = vrcp.f32 v38;
	v41 =	vpop (erf);
	v37 =	vld.idx.msk [tilespmem:v22+s21+$0x0], $0xffff  }
0x18b: {  	v39 =	vmul.f32 v42, v40;
	v32 =	vmul.f32 v32, v45  }
0x18c: {  	v42 =	vadd.f32 v25, v27;
	v43 =	vmul.f32 v41, v36;
	v36 =	vmul.f32 v46, v30;
	v38 =	vld.idx.msk [tilespmem:v20+s3+$0x0], $0xffff  }
0x18d: {  	s9 =	sadd.s32 $0x20, s9;
	v44 =	vmul.f32 v47, v48;
	v30 =	vmul.f32 v32, v49;
	v41 =	vadd.f32 v32, v49;
	v40 =	vld.idx.msk [tilespmem:v21+s3+$0x0], $0xffff;
	v45 =	vpop (erf)  }
0x18e: {  	_ =	sdelay $0x2  }
0x18f: {  	[tilespmem:s0+$0x80] =	vst v43  }
0x190: {  	v50 =	vld.idx.msk [tilespmem:v15+s20+$0x0], $0xffff;
	v52 =	vmul.f32 v45, v44  }
0x191: {  	v32 =	vmul.f32 v33, v34;
	v51 =	vld.idx.msk [tilespmem:v16+s20+$0x0], $0xffff;
	v54 =	vshll.u32 v38, $0x10;
	v55 =	vshll.u32 v40, $0x10  }
0x192: {  	v53 =	vpop (erf);
	[tilespmem:s5+$0x180] =	vst v52;
	v40 =	vmul.f32 v54, v40;
	v38 =	vmul.f32 v55, v38  }
0x193: {  	(erf) = vrcp.f32 v42;
	v32 =	vmul.f32 v53, v32;
	v56 =	vld.idx.msk [tilespmem:v11+s22+$0x0], $0xffff  }
0x194: {  	v61 =	vshll.u32 v35, $0x10;
	(erf) = vrcp.f32 v41;
	v42 =	vld.idx.msk [tilespmem:v10+s22+$0x0], $0xffff;
	v57 =	vadd.f32 v38, v40  }
0x195: {  	v25 =	vmul.f32 v25, v27;
	v63 =	vmul.f32 v61, v37;
	[tilespmem:s2+$0x280] =	vst v32  }
0x196: {  	v43 =	vpop (erf);
	v58 =	vshll.u32 v50, $0x10;
	v60 =	vshll.u32 v51, $0x10;
	v46 =	vld.idx.msk [tilespmem:v13+s24+$0x0], $0xffff;
	(erf) = vrcp.f32 v57  }
0x197: {  	v62 =	vshll.u32 v37, $0x10;
	v59 =	vld.idx.msk [tilespmem:v8+s24+$0x0], $0xffff;
	v34 =	vmul.f32 v58, v51;
	v33 =	vmul.f32 v60, v50;
	v50 =	vpop (erf)  }
0x198: {  	[tilespmem:s11+$0x280] =	vst v39;
	v27 =	vmul.f32 v62, v35;
	v31 =	vmul.f32 v50, v31  }
0x199: {  	[tilespmem:s14+$0x14280] =	vst v36;
	v51 =	vadd.f32 v34, v33;
	v52 =	vshll.u32 v56, $0x10;
	v53 =	vshll.u32 v42, $0x10  }
0x19a: {  	v5 =	vld.idx.msk [tilespmem:v5+s25+$0x0], $0xffff;
	v55 =	vadd.f32 v27, v63;
	v39 =	vmul.f32 v52, v42;
	v32 =	vmul.f32 v53, v56  }
0x19b: {  	v6 =	vld.idx.msk [tilespmem:v6+s25+$0x0], $0xffff;
	v61 =	vmul.f32 v38, v40;
	[tilespmem:s6+$0x80] =	vst v31;
	(erf) = vrcp.f32 v51;
	v47 =	vshll.u32 v46, $0x10  }
0x19c: {  	v57 =	vpop (erf);
	v31 =	vshll.u32 v59, $0x10;
	v60 =	vld.idx.msk [tilespmem:v18+s20+$0x0], $0xffff;
	v44 =	vmul.f32 v47, v59;
	v59 =	vadd.f32 v39, v32  }
0x19d: {  	v54 =	vld.idx.msk [tilespmem:v1+s24+$0x0], $0xffff;
	v58 =	vpop (erf);
	v31 =	vmul.f32 v31, v46;
	(erf) = vrcp.f32 v55  }
0x19e: {  	s2 =	sadd.s32 $0x100, s1;
	v56 =	vld.idx.msk [tilespmem:v2+s24+$0x0], $0xffff;
	v30 =	vmul.f32 v58, v30;
	(erf) = vrcp.f32 v59  }
0x19f: {  	v28 =	vmul.f32 v28, v29;
	v29 =	vmul.f32 v27, v63;
	s1 =	sand.u32 $0x3C00, s2;
	v48 =	vld.idx.msk [tilespmem:v7+s20+$0x0], $0xffff;
	v27 =	vadd.f32 v44, v31;
	v62 =	vpop (erf)  }
0x1a0: {  	s1 =	sor.u32 $0x14280, s1;
	v63 =	vmul.f32 v57, v25;
	[tilespmem:s10+$0x200] =	vst v30;
	v25 =	vmul.f32 v62, v61  }
0x1a1: {  	s29 =	sor.u32 s8, s1;
	v33 =	vmul.f32 v34, v33;
	v49 =	vld.idx.msk [tilespmem:v3+s23+$0x0], $0xffff;
	(erf) = vrcp.f32 v27;
	v27 =	vshll.u32 v60, $0x10  }
0x1a2: {  	v50 =	vshll.u32 v54, $0x10;
	v52 =	vshll.u32 v5, $0x10;
	v53 =	vshll.u32 v6, $0x10;
	v23 =	vld.idx.msk [tilespmem:v23+s23+$0x0], $0xffff;
	[tilespmem:s29+$0x0] =	vst v25  }
0x1a3: {  	v5 =	vmul.f32 v53, v5;
	v6 =	vmul.f32 v52, v6;
	v30 =	vshll.u32 v56, $0x10;
	v51 =	vld.idx.msk [tilespmem:v20+s19+$0x0], $0xffff  }
0x1a4: {  	v47 =	vshll.u32 v48, $0x10;
	v25 =	vmul.f32 v30, v54;
	v30 =	vmul.f32 v27, v48;
	v27 =	vpop (erf);
	v54 =	vld.idx.msk [tilespmem:v21+s19+$0x0], $0xffff  }
0x1a5: {  	v35 =	vmul.f32 v47, v60;
	v33 =	vmul.f32 v27, v33  }
0x1a6: {  	v32 =	vmul.f32 v39, v32;
	v27 =	vmul.f32 v50, v56;
	v39 =	vpop (erf);
	v56 =	vshll.u32 v49, $0x10  }
0x1a7: {  	v55 =	vadd.f32 v30, v35;
	v58 =	vpop (erf);
	v40 =	vmul.f32 v56, v23;
	v23 =	vshll.u32 v23, $0x10;
	[tilespmem:s0+$0x100] =	vst v33  }
0x1a8: {  	v57 =	vadd.f32 v25, v27;
	v32 =	vmul.f32 v58, v32;
	v23 =	vmul.f32 v23, v49;
	v59 =	vld.idx.msk [tilespmem:v15+s21+$0x0], $0xffff  }
0x1a9: {  	s9 =	sadd.s32 $0x1, s26;
	s26 =	sor.u32 s15, s1;
	(erf) = vrcp.f32 v55;
	v60 =	vld.idx.msk [tilespmem:v16+s21+$0x0], $0xffff;
	v61 =	vshll.u32 v51, $0x10;
	v62 =	vshll.u32 v54, $0x10  }
0x1aa: {  	s14 =	sand.u32 $0x3, s9;
	[tilespmem:s26+$0x0] =	vst v63;
	v63 =	vadd.f32 v5, v6;
	v36 =	vmul.f32 v62, v51;
	v34 =	vmul.f32 v61, v54  }
0x1ab: {  	s1 =	sshll.u32 s14, $0x5;
	v31 =	vmul.f32 v44, v31;
	(erf) = vrcp.f32 v57;
	v50 =	vadd.f32 v23, v40  }
0x1ac: {  	s1 =	sadd.s32 s1, s13;
	v48 =	vpop (erf);
	[tilespmem:s5+$0x200] =	vst v32;
	(erf) = vrcp.f32 v63;
	v52 =	vadd.f32 v36, v34  }
0x1ad: {  	s11 =	sadd.s32 $0x10, s1;
	v31 =	vmul.f32 v48, v31;
	v51 =	vld.idx.msk [tilespmem:v10+s23+$0x0], $0xffff;
	(erf) = vrcp.f32 v50  }
0x1ae: {  	s7 =	sor.u32 $0x300, s11;
	v53 =	vshll.u32 v59, $0x10;
	v42 =	vshll.u32 v60, $0x10;
	(erf) = vrcp.f32 v52  }
0x1af: {  	[tilespmem:s7+$0x14280] =	vst v31;
	v31 =	vld.idx.msk [tilespmem:v11+s23+$0x0], $0xffff;
	v54 =	vmul.f32 v53, v60;
	v41 =	vmul.f32 v42, v59  }
0x1b0: {  	v55 =	vld.idx.msk [tilespmem:v8+s25+$0x0], $0xffff;
	v8 =	vmul.f32 v39, v29  }
0x1b1: {  	v29 =	vld.idx.msk [tilespmem:v13+s25+$0x0], $0xffff;
	v13 =	vadd.f32 v54, v41  }
0x1b2: {  	[tilespmem:s12+$0x180] =	vst v8;
	v8 =	vshll.u32 v51, $0x10  }
0x1b3: {  	v24 =	vmul.f32 v26, v24;
	v49 =	vld.idx.msk [tilespmem:v19+s19+$0x0], $0xffff;
	v57 =	vpop (erf);
	(erf) = vrcp.f32 v13  }
0x1b4: {  	v26 =	vmul.f32 v43, v28;
	v38 =	vld.idx.msk [tilespmem:v14+s19+$0x0], $0xffff;
	v28 =	vmul.f32 v30, v35;
	v42 =	vpop (erf)  }
0x1b5: {  	v30 =	vmul.f32 v23, v40;
	v23 =	vshll.u32 v31, $0x10;
	v31 =	vmul.f32 v8, v31;
	v8 =	vpop (erf)  }
0x1b6: {  	v34 =	vmul.f32 v36, v34;
	v56 =	vld.idx.msk [tilespmem:v4+s22+$0x0], $0xffff;
	v28 =	vmul.f32 v57, v28;
	v61 =	vpop (erf)  }
0x1b7: {  	v58 =	vld.idx.msk [tilespmem:v22+s22+$0x0], $0xffff;
	v32 =	vmul.f32 v54, v41;
	v37 =	vmul.f32 v23, v51;
	v23 =	vshll.u32 v55, $0x10;
	v62 =	vpop (erf)  }
0x1b8: {  	v13 =	vshll.u32 v49, $0x10;
	v23 =	vmul.f32 v23, v29;
	[tilespmem:s6+$0x100] =	vst v28;
	v33 =	vmul.f32 v62, v34  }
0x1b9: {  	[tilespmem:s30+$0x14280] =	vst v24;
	v59 =	vmul.f32 v13, v38;
	v13 =	vshll.u32 v29, $0x10;
	v60 =	vadd.f32 v37, v31;
	v45 =	vld.idx.msk [tilespmem:v7+s21+$0x0], $0xffff  }
0x1ba: {  	s4 =	sor.u32 $0x380, s4;
	v29 =	vshll.u32 v38, $0x10;
	v13 =	vmul.f32 v13, v55;
	v46 =	vld.idx.msk [tilespmem:v18+s21+$0x0], $0xffff;
	v30 =	vmul.f32 v61, v30;
	[tilespmem:s29+$0x80] =	vst v33  }
0x1bb: {  	[tilespmem:s4+$0x14280] =	vst v26;
	v24 =	vmul.f32 v29, v49;
	v29 =	vshll.u32 v56, $0x10;
	(erf) = vrcp.f32 v60;
	v48 =	vld.idx.msk [tilespmem:v20+s20+$0x0], $0xffff  }
0x1bc: {  	v28 =	vshll.u32 v58, $0x10;
	v29 =	vmul.f32 v29, v58;
	v63 =	vadd.f32 v13, v23;
	[tilespmem:s10+$0x280] =	vst v30;
	v26 =	vpop (erf);
	v30 =	vld.idx.msk [tilespmem:v21+s20+$0x0], $0xffff  }
0x1bd: {  	v28 =	vmul.f32 v28, v56;
	v44 =	vadd.f32 v59, v24;
	v26 =	vmul.f32 v26, v32  }
0x1be: {  	v50 =	vmul.f32 v59, v24;
	(erf) = vrcp.f32 v63  }
0x1bf: {  	v47 =	vadd.f32 v28, v29;
	v24 =	vshll.u32 v45, $0x10;
	(erf) = vrcp.f32 v44;
	[tilespmem:s0+$0x180] =	vst v26  }
0x1c0: {  	v25 =	vmul.f32 v25, v27;
	v34 =	vmul.f32 v24, v46;
	v26 =	vld.idx.msk [tilespmem:v16+s22+$0x0], $0xffff  }
0x1c1: {  	(erf) = vrcp.f32 v47;
	v49 =	vld.idx.msk [tilespmem:v15+s22+$0x0], $0xffff;
	v24 =	vshll.u32 v48, $0x10;
	v51 =	vshll.u32 v30, $0x10  }
0x1c2: {  	v36 =	vmul.f32 v51, v48;
	v30 =	vmul.f32 v24, v30  }
0x1c3: {  	v31 =	vmul.f32 v37, v31  }
0x1c4: {  	v25 =	vmul.f32 v42, v25;
	v35 =	vshll.u32 v46, $0x10;
	v52 =	vpop (erf);
	v37 =	vadd.f32 v36, v30  }
0x1c5: {  	v35 =	vmul.f32 v35, v45;
	v31 =	vmul.f32 v52, v31  }
0x1c6: {  	v53 =	vshll.u32 v26, $0x10;
	v54 =	vshll.u32 v49, $0x10;
	(erf) = vrcp.f32 v37  }
0x1c7: {  	[tilespmem:s5+$0x280] =	vst v31;
	v24 =	vpop (erf);
	v26 =	vmul.f32 v54, v26;
	v31 =	vmul.f32 v53, v49  }
0x1c8: {  	v56 =	vadd.f32 v35, v34;
	v27 =	vld.idx.msk [tilespmem:v0+s24+$0x0], $0xffff;
	v55 =	vpop (erf)  }
0x1c9: {  	v28 =	vmul.f32 v28, v29;
	v29 =	vld.idx.msk [tilespmem:v3+s24+$0x0], $0xffff;
	v33 =	vmul.f32 v55, v50;
	v39 =	vadd.f32 v26, v31  }
0x1ca: {  	[tilespmem:s31+$0x14280] =	vst v25;
	v57 =	vld.idx.msk [tilespmem:v11+s24+$0x0], $0xffff;
	v25 =	vpop (erf);
	(erf) = vrcp.f32 v56  }
0x1cb: {  	v58 =	vld.idx.msk [tilespmem:v10+s24+$0x0], $0xffff;
	v25 =	vmul.f32 v25, v28;
	[tilespmem:s26+$0x80] =	vst v33;
	(erf) = vrcp.f32 v39  }
0x1cc: {  	v59 =	vld.idx.msk [tilespmem:v14+s20+$0x0], $0xffff  }
0x1cd: {  	v33 =	vld.idx.msk [tilespmem:v19+s20+$0x0], $0xffff  }
0x1ce: {  	v1 =	vld.idx.msk [tilespmem:v1+s25+$0x0], $0xffff;
	v30 =	vmul.f32 v36, v30;
	v62 =	vshll.u32 v27, $0x10  }
0x1cf: {  	v2 =	vld.idx.msk [tilespmem:v2+s25+$0x0], $0xffff;
	v36 =	vmul.f32 v62, v29;
	v29 =	vshll.u32 v29, $0x10;
	[tilespmem:s12+$0x200] =	vst v25;
	v25 =	vpop (erf)  }
0x1d0: {  	v26 =	vmul.f32 v26, v31;
	v60 =	vshll.u32 v57, $0x10;
	v25 =	vmul.f32 v25, v30  }
0x1d1: {  	v61 =	vshll.u32 v58, $0x10;
	v37 =	vmul.f32 v60, v58;
	v63 =	vld.idx.msk [tilespmem:v4+s23+$0x0], $0xffff;
	v28 =	vshll.u32 v59, $0x10  }
0x1d2: {  	v38 =	vmul.f32 v61, v57;
	v9 =	vld.idx.msk [tilespmem:v9+s23+$0x0], $0xffff;
	v28 =	vmul.f32 v28, v33;
	v33 =	vshll.u32 v33, $0x10  }
0x1d3: {  	v43 =	vshll.u32 v1, $0x10;
	v27 =	vmul.f32 v29, v27;
	v30 =	vmul.f32 v33, v59;
	v31 =	vpop (erf);
	[tilespmem:s29+$0x100] =	vst v25  }
0x1d4: {  	v29 =	vshll.u32 v2, $0x10;
	v2 =	vmul.f32 v43, v2;
	v39 =	vadd.f32 v37, v38;
	v44 =	vld.idx.msk [tilespmem:v20+s21+$0x0], $0xffff;
	v25 =	vpop (erf)  }
0x1d5: {  	v1 =	vmul.f32 v29, v1;
	v33 =	vadd.f32 v30, v28;
	v29 =	vld.idx.msk [tilespmem:v21+s21+$0x0], $0xffff;
	v25 =	vmul.f32 v25, v26  }
0x1d6: {  	(erf) = vrcp.f32 v39;
	v45 =	vshll.u32 v63, $0x10;
	v26 =	vadd.f32 v36, v27  }
0x1d7: {  	v32 =	vmul.f32 v45, v9;
	(erf) = vrcp.f32 v33;
	[tilespmem:s0+$0x200] =	vst v25  }
0x1d8: {  	(erf) = vrcp.f32 v26;
	v25 =	vshll.u32 v9, $0x10;
	v26 =	vadd.f32 v1, v2;
	v9 =	vld.idx.msk [tilespmem:v15+s23+$0x0], $0xffff  }
0x1d9: {  	v46 =	vld.idx.msk [tilespmem:v16+s23+$0x0], $0xffff;
	v25 =	vmul.f32 v25, v63  }
0x1da: {  	v47 =	vshll.u32 v44, $0x10;
	v48 =	vshll.u32 v29, $0x10;
	(erf) = vrcp.f32 v26  }
0x1db: {  	v39 =	vmul.f32 v48, v44;
	v29 =	vmul.f32 v47, v29;
	v26 =	vadd.f32 v25, v32;
	_ =	sdelay $0x1  }
0x1dc: {  	(erf) = vrcp.f32 v26;
	v26 =	vadd.f32 v39, v29;
	v50 =	vshll.u32 v9, $0x10  }
0x1dd: {  	s8 =	sadd.s32 $0x1, s9;
	v49 =	vshll.u32 v46, $0x10;
	v33 =	vmul.f32 v50, v46  }
0x1de: {  	s15 =	sand.u32 $0x3, s8;
	v40 =	vmul.f32 v49, v9;
	(erf) = vrcp.f32 v26  }
0x1df: {  	s4 =	sshll.u32 s15, $0x5;
	v9 =	vmul.f32 v37, v38  }
0x1e0: {  	s4 =	sadd.s32 s4, s16;
	v51 =	vpop (erf);
	v26 =	vadd.f32 v33, v40  }
0x1e1: {  	s5 =	sadd.s32 $0x10, s4;
	v28 =	vmul.f32 v30, v28;
	v9 =	vmul.f32 v51, v9  }
0x1e2: {  	s16 =	sor.u32 $0x300, s5;
	(erf) = vrcp.f32 v26;
	v26 =	vmul.f32 v35, v34  }
0x1e3: {  	v52 =	vpop (erf);
	[tilespmem:s16+$0x14280] =	vst v9  }
0x1e4: {  	v30 =	vpop (erf);
	v11 =	vld.idx.msk [tilespmem:v11+s25+$0x0], $0xffff;
	v26 =	vmul.f32 v31, v26  }
0x1e5: {  	v10 =	vld.idx.msk [tilespmem:v10+s25+$0x0], $0xffff;
	v9 =	vpop (erf)  }
0x1e6: {  	v29 =	vmul.f32 v39, v29;
	[tilespmem:s6+$0x180] =	vst v26;
	v26 =	vmul.f32 v52, v28;
	v28 =	vpop (erf)  }
0x1e7: {  	v31 =	vld.idx.msk [tilespmem:v7+s22+$0x0], $0xffff;
	v53 =	vpop (erf)  }
0x1e8: {  	v54 =	vld.idx.msk [tilespmem:v18+s22+$0x0], $0xffff;
	[tilespmem:s26+$0x100] =	vst v26;
	v26 =	vmul.f32 v53, v29  }
0x1e9: {  	v29 =	vshll.u32 v11, $0x10;
	v55 =	vld.idx.msk [tilespmem:v14+s21+$0x0], $0xffff  }
0x1ea: {  	v33 =	vmul.f32 v33, v40;
	v56 =	vshll.u32 v10, $0x10;
	v10 =	vmul.f32 v29, v10;
	v29 =	vld.idx.msk [tilespmem:v19+s21+$0x0], $0xffff;
	[tilespmem:s29+$0x180] =	vst v26  }
0x1eb: {  	v11 =	vmul.f32 v56, v11;
	v57 =	vpop (erf);
	v59 =	vld.idx.msk [tilespmem:v21+s22+$0x0], $0xffff  }
0x1ec: {  	v25 =	vmul.f32 v25, v32;
	v58 =	vld.idx.msk [tilespmem:v20+s22+$0x0], $0xffff;
	v26 =	vmul.f32 v57, v33  }
0x1ed: {  	v61 =	vadd.f32 v10, v11;
	v60 =	vshll.u32 v31, $0x10;
	v62 =	vshll.u32 v54, $0x10  }
0x1ee: {  	v31 =	vmul.f32 v62, v31;
	[tilespmem:s0+$0x280] =	vst v26;
	v26 =	vmul.f32 v60, v54  }
0x1ef: {  	(erf) = vrcp.f32 v61;
	v44 =	vshll.u32 v55, $0x10;
	v46 =	vshll.u32 v29, $0x10;
	v63 =	vld.idx.msk [tilespmem:v15+s24+$0x0], $0xffff  }
0x1f0: {  	v45 =	vld.idx.msk [tilespmem:v16+s24+$0x0], $0xffff;
	v29 =	vmul.f32 v44, v29;
	v40 =	vadd.f32 v31, v26;
	v48 =	vshll.u32 v59, $0x10  }
0x1f1: {  	v34 =	vmul.f32 v46, v55;
	v47 =	vshll.u32 v58, $0x10;
	v33 =	vmul.f32 v48, v58  }
0x1f2: {  	v37 =	vmul.f32 v47, v59;
	(erf) = vrcp.f32 v40  }
0x1f3: {  	v49 =	vadd.f32 v34, v29  }
0x1f4: {  	v25 =	vmul.f32 v28, v25;
	v52 =	vadd.f32 v33, v37  }
0x1f5: {  	(erf) = vrcp.f32 v49;
	v50 =	vshll.u32 v63, $0x10;
	v51 =	vshll.u32 v45, $0x10  }
0x1f6: {  	v39 =	vmul.f32 v50, v45;
	v35 =	vmul.f32 v51, v63  }
0x1f7: {  	v27 =	vmul.f32 v36, v27;
	(erf) = vrcp.f32 v52  }
0x1f8: {  	v53 =	vadd.f32 v39, v35  }
0x1f9: {  	v27 =	vmul.f32 v30, v27  }
0x1fa: {  	s7 =	sor.u32 $0x300, s1;
	[tilespmem:s12+$0x280] =	vst v25;
	v26 =	vmul.f32 v31, v26;
	v25 =	vpop (erf);
	(erf) = vrcp.f32 v53  }
0x1fb: {  	[tilespmem:s7+$0x14280] =	vst v27;
	v30 =	vpop (erf)  }
0x1fc: {  	v3 =	vld.idx.msk [tilespmem:v3+s25+$0x0], $0xffff;
	v26 =	vmul.f32 v30, v26  }
0x1fd: {  	v28 =	vld.idx.msk [tilespmem:v4+s24+$0x0], $0xffff  }
0x1fe: {  	v27 =	vld.idx.msk [tilespmem:v22+s24+$0x0], $0xffff  }
0x1ff: {  	v30 =	vld.idx.msk [tilespmem:v0+s25+$0x0], $0xffff;
	v0 =	vmul.f32 v33, v37;
	v31 =	vpop (erf)  }
0x200: {  	s9 =	sadd.s32 $0x1, s8;
	[tilespmem:s6+$0x200] =	vst v26;
	v26 =	vpop (erf)  }
0x201: {  	s8 =	sand.u32 $0x3, s9;
	v29 =	vmul.f32 v34, v29;
	v54 =	vld.idx.msk [tilespmem:v7+s23+$0x0], $0xffff;
	v0 =	vmul.f32 v26, v0  }
0x202: {  	v57 =	vshll.u32 v3, $0x10;
	s0 =	sshll.u32 s8, $0x5;
	v56 =	vmul.f32 v39, v35;
	v12 =	vld.idx.msk [tilespmem:v12+s23+$0x0], $0xffff;
	v26 =	vshll.u32 v28, $0x10  }
0x203: {  	v55 =	vshll.u32 v27, $0x10;
	s0 =	sadd.s32 s0, s28;
	v29 =	vmul.f32 v31, v29;
	v26 =	vmul.f32 v26, v27;
	v27 =	vpop (erf);
	[tilespmem:s29+$0x200] =	vst v0  }
0x204: {  	s8 =	sadd.s32 $0x10, s0;
	v28 =	vmul.f32 v55, v28;
	v0 =	vshll.u32 v30, $0x10;
	v27 =	vmul.f32 v27, v56;
	v58 =	vld.idx.msk [tilespmem:v20+s23+$0x0], $0xffff  }
0x205: {  	s10 =	sor.u32 $0x300, s8;
	[tilespmem:s26+$0x180] =	vst v29;
	v0 =	vmul.f32 v0, v3;
	v3 =	vmul.f32 v57, v30;
	v30 =	vld.idx.msk [tilespmem:v21+s23+$0x0], $0xffff  }
0x206: {  	v29 =	vld.idx.msk [tilespmem:v14+s22+$0x0], $0xffff;
	v59 =	vadd.f32 v28, v26;
	v60 =	vshll.u32 v54, $0x10;
	[tilespmem:s10+$0x14280] =	vst v27  }
0x207: {  	v27 =	vshll.u32 v12, $0x10;
	v33 =	vmul.f32 v60, v12;
	v31 =	vadd.f32 v0, v3;
	v15 =	vld.idx.msk [tilespmem:v15+s25+$0x0], $0xffff  }
0x208: {  	(erf) = vrcp.f32 v59;
	v16 =	vld.idx.msk [tilespmem:v16+s25+$0x0], $0xffff;
	v27 =	vmul.f32 v27, v54  }
0x209: {  	(erf) = vrcp.f32 v31;
	v31 =	vld.idx.msk [tilespmem:v19+s22+$0x0], $0xffff  }
0x20a: {  	v12 =	vadd.f32 v27, v33;
	v61 =	vshll.u32 v58, $0x10;
	v62 =	vshll.u32 v30, $0x10  }
0x20b: {  	v34 =	vmul.f32 v62, v58;
	v30 =	vmul.f32 v61, v30  }
0x20c: {  	(erf) = vrcp.f32 v12;
	v12 =	vshll.u32 v15, $0x10  }
0x20d: {  	v63 =	vshll.u32 v16, $0x10;
	v35 =	vadd.f32 v34, v30;
	v12 =	vmul.f32 v12, v16  }
0x20e: {  	v15 =	vmul.f32 v63, v15;
	v16 =	vshll.u32 v29, $0x10;
	v36 =	vshll.u32 v31, $0x10  }
0x20f: {  	v16 =	vmul.f32 v16, v31;
	v29 =	vmul.f32 v36, v29  }
0x210: {  	(erf) = vrcp.f32 v35;
	v31 =	vadd.f32 v12, v15  }
0x211: {  	v32 =	vadd.f32 v29, v16  }
0x212: {  	(erf) = vrcp.f32 v31  }
0x213: {  	(erf) = vrcp.f32 v32;
	_ =	sdelay $0x1  }
0x214: {  	v26 =	vmul.f32 v28, v26  }
0x215: {  	v31 =	vpop (erf)  }
0x216: {  	v27 =	vmul.f32 v27, v33;
	v37 =	vpop (erf);
	v26 =	vmul.f32 v31, v26  }
0x217: {  	s12 =	sor.u32 $0x300, s4;
	v30 =	vmul.f32 v34, v30;
	v38 =	vpop (erf)  }
0x218: {  	v27 =	vmul.f32 v38, v27;
	[tilespmem:s12+$0x14280] =	vst v26;
	v39 =	vpop (erf)  }
0x219: {  	v4 =	vld.idx.msk [tilespmem:v4+s25+$0x0], $0xffff;
	v30 =	vmul.f32 v39, v30  }
0x21a: {  	v16 =	vmul.f32 v29, v16;
	v22 =	vld.idx.msk [tilespmem:v22+s25+$0x0], $0xffff;
	[tilespmem:s6+$0x280] =	vst v27;
	v28 =	vpop (erf)  }
0x21b: {  	v26 =	vld.idx.msk [tilespmem:v18+s24+$0x0], $0xffff;
	[tilespmem:s29+$0x280] =	vst v30;
	v31 =	vpop (erf)  }
0x21c: {  	v29 =	vld.idx.msk [tilespmem:v20+s24+$0x0], $0xffff;
	v16 =	vmul.f32 v31, v16  }
0x21d: {  	v30 =	vld.idx.msk [tilespmem:v21+s24+$0x0], $0xffff  }
0x21e: {  	v27 =	vld.idx.msk [tilespmem:v7+s24+$0x0], $0xffff;
	[tilespmem:s26+$0x200] =	vst v16  }
0x21f: {  	v16 =	vld.idx.msk [tilespmem:v14+s23+$0x0], $0xffff  }
0x220: {  	v43 =	vshll.u32 v22, $0x10;
	v44 =	vshll.u32 v4, $0x10;
	v17 =	vld.idx.msk [tilespmem:v17+s23+$0x0], $0xffff  }
0x221: {  	v4 =	vmul.f32 v43, v4;
	v22 =	vmul.f32 v44, v22  }
0x222: {  	v41 =	vshll.u32 v26, $0x10;
	v31 =	vshll.u32 v29, $0x10;
	v40 =	vshll.u32 v30, $0x10  }
0x223: {  	v29 =	vmul.f32 v40, v29;
	v30 =	vmul.f32 v31, v30;
	v31 =	vshll.u32 v27, $0x10  }
0x224: {  	v27 =	vmul.f32 v41, v27;
	v26 =	vmul.f32 v31, v26  }
0x225: {  	v42 =	vadd.f32 v29, v30;
	v31 =	vshll.u32 v16, $0x10;
	v45 =	vshll.u32 v17, $0x10  }
0x226: {  	v46 =	vadd.f32 v27, v26;
	v17 =	vmul.f32 v31, v17;
	v16 =	vmul.f32 v45, v16  }
0x227: {  	(erf) = vrcp.f32 v42;
	v31 =	vadd.f32 v4, v22  }
0x228: {  	(erf) = vrcp.f32 v46;
	v33 =	vadd.f32 v16, v17  }
0x229: {  	(erf) = vrcp.f32 v31  }
0x22a: {  	(erf) = vrcp.f32 v33;
	_ =	sdelay $0x3  }
0x22b: {  	s13 =	sadd.s32 $0x1, s9  }
0x22c: {  	s6 =	sand.u32 $0x3, s13  }
0x22d: {  	s6 =	sshll.u32 s6, $0x5;
	v29 =	vmul.f32 v29, v30;
	v30 =	vpop (erf)  }
0x22e: {  	s2 =	sadd.s32 s6, s2;
	v31 =	vpop (erf)  }
0x22f: {  	s6 =	sadd.s32 $0x10, s2;
	v16 =	vmul.f32 v16, v17;
	v29 =	vmul.f32 v30, v29;
	v17 =	vpop (erf)  }
0x230: {  	s14 =	sor.u32 $0x300, s6;
	v30 =	vpop (erf)  }
0x231: {  	[tilespmem:s14+$0x14280] =	vst v29;
	v16 =	vmul.f32 v30, v16  }
0x232: {  	v20 =	vld.idx.msk [tilespmem:v20+s25+$0x0], $0xffff  }
0x233: {  	v21 =	vld.idx.msk [tilespmem:v21+s25+$0x0], $0xffff;
	[tilespmem:s26+$0x280] =	vst v16  }
0x234: {  	v16 =	vld.idx.msk [tilespmem:v14+s24+$0x0], $0xffff  }
0x235: {  	v29 =	vld.idx.msk [tilespmem:v19+s24+$0x0], $0xffff;
	_ =	sdelay $0x2  }
0x236: {  	v30 =	vshll.u32 v21, $0x10  }
0x237: {  	v47 =	vshll.u32 v20, $0x10;
	v20 =	vmul.f32 v30, v20  }
0x238: {  	v21 =	vmul.f32 v47, v21;
	v30 =	vshll.u32 v16, $0x10;
	v48 =	vshll.u32 v29, $0x10  }
0x239: {  	v16 =	vmul.f32 v48, v16;
	v29 =	vmul.f32 v30, v29  }
0x23a: {  	v30 =	vadd.f32 v20, v21  }
0x23b: {  	v33 =	vadd.f32 v16, v29  }
0x23c: {  	(erf) = vrcp.f32 v30  }
0x23d: {  	(erf) = vrcp.f32 v33;
	_ =	sdelay $0x5  }
0x23e: {  	v26 =	vmul.f32 v27, v26;
	_ =	sdelay $0x1  }
0x23f: {  	v26 =	vmul.f32 v31, v26;
	v16 =	vmul.f32 v16, v29;
	v27 =	vpop (erf)  }
0x240: {  	s15 =	sor.u32 $0x300, s0;
	v29 =	vpop (erf)  }
0x241: {  	[tilespmem:s15+$0x14280] =	vst v26;
	v16 =	vmul.f32 v29, v16  }
0x242: {  	s16 =	sor.u32 $0x300, s2;
	v7 =	vld.idx.msk [tilespmem:v7+s25+$0x0], $0xffff  }
0x243: {  	v18 =	vld.idx.msk [tilespmem:v18+s25+$0x0], $0xffff;
	[tilespmem:s16+$0x14280] =	vst v16  }
0x244: {  	v14 =	vld.idx.msk [tilespmem:v14+s25+$0x0], $0xffff  }
0x245: {  	v16 =	vld.idx.msk [tilespmem:v19+s25+$0x0], $0xffff;
	_ =	sdelay $0x2  }
0x246: {  	v26 =	vshll.u32 v7, $0x10  }
0x247: {  	v5 =	vmul.f32 v5, v6;
	v19 =	vshll.u32 v18, $0x10;
	v18 =	vmul.f32 v26, v18  }
0x248: {  	v7 =	vmul.f32 v19, v7;
	v19 =	vshll.u32 v14, $0x10;
	v26 =	vshll.u32 v16, $0x10  }
0x249: {  	v14 =	vmul.f32 v26, v14;
	v16 =	vmul.f32 v19, v16  }
0x24a: {  	v6 =	vmul.f32 v13, v23;
	v19 =	vadd.f32 v7, v18  }
0x24b: {  	v5 =	vmul.f32 v8, v5;
	v1 =	vmul.f32 v1, v2;
	v26 =	vadd.f32 v14, v16  }
0x24c: {  	v2 =	vmul.f32 v24, v6;
	(erf) = vrcp.f32 v19  }
0x24d: {  	v6 =	vmul.f32 v10, v11;
	(erf) = vrcp.f32 v26  }
0x24e: {  	[tilespmem:s17+$0x14280] =	vst v5;
	s17 =	sor.u32 $0x380, s11;
	v1 =	vmul.f32 v9, v1;
	v0 =	vmul.f32 v0, v3  }
0x24f: {  	[tilespmem:s17+$0x14280] =	vst v2;
	v2 =	vmul.f32 v25, v6;
	v3 =	vmul.f32 v12, v15  }
0x250: {  	s5 =	sor.u32 $0x380, s5;
	[tilespmem:s18+$0x14280] =	vst v1;
	v0 =	vmul.f32 v37, v0;
	v1 =	vmul.f32 v4, v22  }
0x251: {  	s1 =	sor.u32 $0x380, s1;
	[tilespmem:s5+$0x14280] =	vst v2;
	v2 =	vmul.f32 v28, v3;
	v3 =	vmul.f32 v20, v21  }
0x252: {  	[tilespmem:s1+$0x14280] =	vst v0;
	v0 =	vmul.f32 v17, v1;
	v1 =	vmul.f32 v7, v18;
	_ =	sdelay $0x1  }
0x253: {  	s18 =	sor.u32 $0x380, s8  }
0x254: {  	s4 =	sor.u32 $0x380, s4;
	[tilespmem:s18+$0x14280] =	vst v2;
	v2 =	vmul.f32 v27, v3;
	v4 =	vmul.f32 v14, v16;
	v3 =	vpop (erf)  }
0x255: {  	[tilespmem:s4+$0x14280] =	vst v0;
	s26 =	sor.u32 $0x380, s6;
	v0 =	vmul.f32 v3, v1;
	v1 =	vpop (erf)  }
0x256: {  	s0 =	sor.u32 $0x380, s0;
	[tilespmem:s26+$0x14280] =	vst v2;
	v1 =	vmul.f32 v1, v4  }
0x257: {  	s2 =	sor.u32 $0x380, s2;
	[tilespmem:s0+$0x14280] =	vst v0  }
0x258: {  	[tilespmem:s2+$0x14280] =	vst v1  }
0x259: {  	s0 =	rddreg [dreg:$0xd]  }
0x25a: {  	s4 =	rddreg [dreg:$0x14]  }
0x25b: {  	s5 =	simm.s32 $0x14280;
	s6 =	rddreg [dreg:$0xe];
	s0 =	sadd.s32 s4, s0  }
0x25c: {  	[hbm4b:s0+s3] =	stream.linear.scatter [tilespmem:s5], [sflag:$0x3], $0x2800, $0x38;
	[tilespmem:$0x19280] =	vst v63  }
0x25d: {  	s0 =	sadd.s32 s4, s6  }
0x25e: {  	s7 =	rddreg [dreg:$0x0];
	s0 =	sshrl.u32 s0, $0x3  }
0x25f: {  	s9 =	simm.s32 $0x2;
	s8 =	simm.s32 $0x13880;
	s0 =	sadd.s32 s7, s0  }
0x260: {  	[tilespmem:s8], [sflag:$0x1] =	stream.linear.gather [hbm4b:s0+s3], $0x500, $0x38;
	[tilespmem:$0x19280] =	vst v63  }
0x261: {  	_ =	swait.ge [sflag:s9], $0x500  }
0x262: {  	[sflag:s9] =	ssyncset.done $0x0  }
0x263: {  	s0 =	simm.s32 @!p0 $0x4;
	[sflag:s9] =	ssyncadd.s32 $0xFFFFFB00  }
0x264: {  	_ =	swait.ge @!p0 [sflag:s0], $0x2800  }
0x265: {  	s10 =	simm.s32 $0x0;
	[sflag:s0] =	ssyncset.done @!p0 $0x0  }
0x266: {  	s11 =	simm.s32 $0x13D80;
	s12 =	sand.u32 $0x60, s10;
	[sflag:s0] =	ssyncadd.s32 @!p0 $0xFFFFD800  }
0x267: {  	s1 =	sand.u32 $0x780, s10;
	s13 =	sor.u32 $0x10, s12;
	v0 =	vld [tilespmem:s11+$0x0]  }
0x268: {  	s1 =	sor.u32 s13, s1  }
0x269: {  	v1 =	vld [tilespmem:s1+$0x13D80];
	_ =	sdelay $0x2  }
0x26a: {  	v18 =	vand.u32 $0xFFFF, v0  }
0x26b: {  	v19 =	vshrl.u32 v0, $0x10  }
0x26c: {  	v10 =	vand.u32 $0xFFFF, v1  }
0x26d: {  	v7 =	vshrl.u32 v1, $0x10;
	_ =	sdelay $0x1  }
0x26e: {  	v0 =	vld.idx.msk [tilespmem:v18+s3+$0x0], $0xffff  }
0x26f: {  	v1 =	vld.idx.msk [tilespmem:v19+s3+$0x0], $0xffff  }
0x270: {  	v2 =	vld.idx.msk [tilespmem:v10+s3+$0x0], $0xffff  }
0x271: {  	v3 =	vld.idx.msk [tilespmem:v7+s3+$0x0], $0xffff;
	_ =	sdelay $0x2  }
0x272: {  	v4 =	vshll.u32 v1, $0x10  }
0x273: {  	v5 =	vshll.u32 v0, $0x10;
	v0 =	vmul.f32 v4, v0  }
0x274: {  	v1 =	vmul.f32 v5, v1;
	v4 =	vshll.u32 v2, $0x10;
	v5 =	vshll.u32 v3, $0x10  }
0x275: {  	v2 =	vmul.f32 v5, v2;
	v3 =	vmul.f32 v4, v3  }
0x276: {  	v4 =	vadd.f32 v0, v1  }
0x277: {  	v5 =	vadd.f32 v2, v3  }
0x278: {  	(erf) = vrcp.f32 v4  }
0x279: {  	(erf) = vrcp.f32 v5;
	_ =	sdelay $0x7  }
0x27a: {  	s6 =	simm.s32 $0x0;
	v2 =	vmul.f32 v2, v3;
	v4 =	vpop (erf)  }
0x27b: {  	s14 =	sand.u32 $0x3C00, s6;
	v3 =	vpop (erf)  }
0x27c: {  	s15 =	sadd.s32 $0x16A80, s14;
	v2 =	vmul.f32 v3, v2  }
0x27d: {  	s5 =	sor.u32 s13, s15  }
0x27e: {  	[tilespmem:s5+$0x0] =	vst v2  }
0x27f: {  	v2 =	vld.idx.msk [tilespmem:v10+s19+$0x0], $0xffff  }
0x280: {  	v3 =	vld.idx.msk [tilespmem:v7+s19+$0x0], $0xffff;
	_ =	sdelay $0x4  }
0x281: {  	v5 =	vshll.u32 v2, $0x10;
	v6 =	vshll.u32 v3, $0x10  }
0x282: {  	v2 =	vmul.f32 v6, v2;
	v3 =	vmul.f32 v5, v3  }
0x283: {  	s16 =	simm.s32 $0x20  }
0x284: {  	s17 =	simm.s32 $0x13DA0;
	s18 =	sand.u32 $0x60, s16;
	v5 =	vadd.f32 v2, v3  }
0x285: {  	s26 =	sor.u32 $0x10, s18;
	s7 =	sand.u32 $0x780, s16;
	v6 =	vld [tilespmem:s17+$0x0]  }
0x286: {  	s7 =	sor.u32 s26, s7;
	v0 =	vmul.f32 v0, v1;
	(erf) = vrcp.f32 v5  }
0x287: {  	v1 =	vld [tilespmem:s7+$0x13D80]  }
0x288: {  	v0 =	vmul.f32 v4, v0  }
0x289: {  	s2 =	sor.u32 s12, s15  }
0x28a: {  	[tilespmem:s2+$0x0] =	vst v0;
	v5 =	vand.u32 $0xFFFF, v6;
	v6 =	vshrl.u32 v6, $0x10  }
0x28b: {  	v0 =	vld.idx.msk [tilespmem:v18+s19+$0x0], $0xffff  }
0x28c: {  	v14 =	vshrl.u32 v1, $0x10;
	v4 =	vld.idx.msk [tilespmem:v19+s19+$0x0], $0xffff  }
0x28d: {  	v15 =	vand.u32 $0xFFFF, v1  }
0x28e: {  	v1 =	vmul.f32 v2, v3  }
0x28f: {  	v8 =	vld.idx.msk [tilespmem:v6+s3+$0x0], $0xffff;
	v3 =	vpop (erf)  }
0x290: {  	v2 =	vld.idx.msk [tilespmem:v5+s3+$0x0], $0xffff;
	v1 =	vmul.f32 v3, v1  }
0x291: {  	v12 =	vld.idx.msk [tilespmem:v14+s3+$0x0], $0xffff;
	v9 =	vshll.u32 v0, $0x10;
	v11 =	vshll.u32 v4, $0x10  }
0x292: {  	v0 =	vmul.f32 v11, v0;
	v3 =	vld.idx.msk [tilespmem:v15+s3+$0x0], $0xffff;
	[tilespmem:s5+$0x80] =	vst v1;
	v1 =	vmul.f32 v9, v4;
	_ =	sdelay $0x1  }
0x293: {  	v13 =	vshll.u32 v8, $0x10;
	v4 =	vld.idx.msk [tilespmem:v10+s20+$0x0], $0xffff;
	v16 =	vadd.f32 v0, v1  }
0x294: {  	v11 =	vshll.u32 v2, $0x10;
	v2 =	vmul.f32 v13, v2;
	v9 =	vld.idx.msk [tilespmem:v7+s20+$0x0], $0xffff  }
0x295: {  	v8 =	vmul.f32 v11, v8;
	(erf) = vrcp.f32 v16  }
0x296: {  	v13 =	vshll.u32 v12, $0x10;
	v11 =	vshll.u32 v3, $0x10  }
0x297: {  	v3 =	vmul.f32 v13, v3;
	v11 =	vmul.f32 v11, v12;
	v12 =	vadd.f32 v2, v8  }
0x298: {  	v13 =	vshll.u32 v4, $0x10  }
0x299: {  	v16 =	vshll.u32 v9, $0x10;
	v17 =	vadd.f32 v3, v11;
	(erf) = vrcp.f32 v12  }
0x29a: {  	v4 =	vmul.f32 v16, v4;
	v9 =	vmul.f32 v13, v9  }
0x29b: {  	(erf) = vrcp.f32 v17  }
0x29c: {  	v12 =	vadd.f32 v4, v9  }
0x29d: {  	v0 =	vmul.f32 v0, v1  }
0x29e: {  	(erf) = vrcp.f32 v12;
	v1 =	vpop (erf)  }
0x29f: {  	v0 =	vmul.f32 v1, v0;
	_ =	sdelay $0x2  }
0x2a0: {  	[tilespmem:s2+$0x80] =	vst v0  }
0x2a1: {  	s7 =	simm.s32 $0x100;
	v3 =	vmul.f32 v3, v11;
	v1 =	vld.idx.msk [tilespmem:v18+s20+$0x0], $0xffff;
	v0 =	vpop (erf)  }
0x2a2: {  	s4 =	sand.u32 $0x3C00, s7;
	v11 =	vld.idx.msk [tilespmem:v19+s20+$0x0], $0xffff;
	v12 =	vpop (erf)  }
0x2a3: {  	s8 =	sadd.s32 $0x16A80, s4;
	v3 =	vmul.f32 v12, v3  }
0x2a4: {  	s4 =	sor.u32 s26, s8;
	v4 =	vmul.f32 v4, v9  }
0x2a5: {  	v9 =	vpop (erf);
	[tilespmem:s4+$0x0] =	vst v3  }
0x2a6: {  	v3 =	vmul.f32 v9, v4;
	v4 =	vld.idx.msk [tilespmem:v15+s19+$0x0], $0xffff  }
0x2a7: {  	v9 =	vshll.u32 v1, $0x10;
	v12 =	vshll.u32 v11, $0x10;
	v13 =	vld.idx.msk [tilespmem:v14+s19+$0x0], $0xffff  }
0x2a8: {  	[tilespmem:s5+$0x100] =	vst v3;
	v3 =	vmul.f32 v9, v11;
	v9 =	vmul.f32 v12, v1  }
0x2a9: {  	v1 =	vld.idx.msk [tilespmem:v10+s21+$0x0], $0xffff  }
0x2aa: {  	v11 =	vld.idx.msk [tilespmem:v7+s21+$0x0], $0xffff;
	v12 =	vadd.f32 v9, v3  }
0x2ab: {  	s10 =	simm.s32 $0x13DC0  }
0x2ac: {  	v16 =	vld [tilespmem:s10+$0x0];
	(erf) = vrcp.f32 v12;
	v12 =	vshll.u32 v4, $0x10;
	v17 =	vshll.u32 v13, $0x10  }
0x2ad: {  	v4 =	vmul.f32 v17, v4;
	v12 =	vmul.f32 v12, v13  }
0x2ae: {  	s11 =	simm.s32 $0x40;
	v2 =	vmul.f32 v2, v8  }
0x2af: {  	s12 =	sand.u32 $0x60, s11;
	v8 =	vshll.u32 v1, $0x10;
	v13 =	vshll.u32 v11, $0x10;
	v17 =	vadd.f32 v4, v12  }
0x2b0: {  	s9 =	sand.u32 $0x780, s11;
	s13 =	sor.u32 $0x10, s12;
	v13 =	vmul.f32 v13, v1;
	v8 =	vmul.f32 v8, v11  }
0x2b1: {  	s9 =	sor.u32 s13, s9;
	v0 =	vmul.f32 v0, v2;
	v2 =	vshrl.u32 v16, $0x10;
	(erf) = vrcp.f32 v17  }
0x2b2: {  	s0 =	sor.u32 s18, s8;
	v1 =	vand.u32 $0xFFFF, v16;
	v11 =	vld [tilespmem:s9+$0x13D80];
	v16 =	vadd.f32 v13, v8  }
0x2b3: {  	[tilespmem:s0+$0x0] =	vst v0  }
0x2b4: {  	v0 =	vld.idx.msk [tilespmem:v5+s19+$0x0], $0xffff;
	(erf) = vrcp.f32 v16  }
0x2b5: {  	v3 =	vmul.f32 v9, v3;
	v16 =	vld.idx.msk [tilespmem:v6+s19+$0x0], $0xffff  }
0x2b6: {  	v9 =	vld.idx.msk [tilespmem:v2+s3+$0x0], $0xffff;
	v20 =	vpop (erf)  }
0x2b7: {  	v17 =	vld.idx.msk [tilespmem:v1+s3+$0x0], $0xffff;
	v21 =	vand.u32 $0xFFFF, v11;
	v3 =	vmul.f32 v20, v3  }
0x2b8: {  	v20 =	vshrl.u32 v11, $0x10  }
0x2b9: {  	v11 =	vshll.u32 v0, $0x10;
	[tilespmem:s2+$0x100] =	vst v3;
	v3 =	vmul.f32 v4, v12  }
0x2ba: {  	v22 =	vshll.u32 v16, $0x10;
	v11 =	vmul.f32 v11, v16;
	v16 =	vpop (erf)  }
0x2bb: {  	v0 =	vmul.f32 v22, v0;
	v22 =	vshll.u32 v9, $0x10;
	v3 =	vmul.f32 v16, v3  }
0x2bc: {  	v8 =	vmul.f32 v13, v8;
	v4 =	vshll.u32 v17, $0x10;
	v23 =	vld.idx.msk [tilespmem:v21+s3+$0x0], $0xffff;
	v13 =	vmul.f32 v22, v17  }
0x2bd: {  	v4 =	vmul.f32 v4, v9;
	v9 =	vld.idx.msk [tilespmem:v20+s3+$0x0], $0xffff;
	v17 =	vadd.f32 v0, v11;
	v16 =	vpop (erf);
	[tilespmem:s4+$0x80] =	vst v3  }
0x2be: {  	v3 =	vmul.f32 v16, v8;
	v16 =	vld.idx.msk [tilespmem:v15+s20+$0x0], $0xffff  }
0x2bf: {  	(erf) = vrcp.f32 v17;
	v17 =	vld.idx.msk [tilespmem:v14+s20+$0x0], $0xffff  }
0x2c0: {  	v12 =	vld.idx.msk [tilespmem:v18+s21+$0x0], $0xffff  }
0x2c1: {  	v22 =	vld.idx.msk [tilespmem:v19+s21+$0x0], $0xffff;
	v8 =	vadd.f32 v13, v4  }
0x2c2: {  	v24 =	vshll.u32 v23, $0x10  }
0x2c3: {  	[tilespmem:s5+$0x180] =	vst v3;
	(erf) = vrcp.f32 v8;
	v25 =	vshll.u32 v9, $0x10;
	v9 =	vmul.f32 v24, v9  }
0x2c4: {  	v26 =	vld.idx.msk [tilespmem:v7+s22+$0x0], $0xffff;
	v23 =	vmul.f32 v25, v23;
	v24 =	vshll.u32 v16, $0x10;
	v25 =	vshll.u32 v17, $0x10  }
0x2c5: {  	v8 =	vshll.u32 v12, $0x10;
	v3 =	vld.idx.msk [tilespmem:v10+s22+$0x0], $0xffff;
	v16 =	vmul.f32 v25, v16;
	v17 =	vmul.f32 v24, v17  }
0x2c6: {  	v27 =	vshll.u32 v22, $0x10;
	v8 =	vmul.f32 v8, v22;
	v22 =	vadd.f32 v23, v9  }
0x2c7: {  	v25 =	vadd.f32 v16, v17  }
0x2c8: {  	(erf) = vrcp.f32 v22  }
0x2c9: {  	v0 =	vmul.f32 v0, v11;
	v24 =	vshll.u32 v26, $0x10  }
0x2ca: {  	v12 =	vmul.f32 v27, v12;
	v22 =	vshll.u32 v3, $0x10;
	v3 =	vmul.f32 v24, v3  }
0x2cb: {  	v22 =	vmul.f32 v22, v26;
	(erf) = vrcp.f32 v25;
	v25 =	vpop (erf)  }
0x2cc: {  	v24 =	vadd.f32 v12, v8;
	v0 =	vmul.f32 v25, v0  }
0x2cd: {  	v11 =	vadd.f32 v3, v22  }
0x2ce: {  	(erf) = vrcp.f32 v24  }
0x2cf: {  	(erf) = vrcp.f32 v11;
	[tilespmem:s0+$0x80] =	vst v0  }
0x2d0: {  	v9 =	vmul.f32 v23, v9;
	v11 =	vld.idx.msk [tilespmem:v5+s20+$0x0], $0xffff;
	v0 =	vpop (erf)  }
0x2d1: {  	s14 =	simm.s32 $0x200;
	v23 =	vld.idx.msk [tilespmem:v6+s20+$0x0], $0xffff;
	v24 =	vpop (erf)  }
0x2d2: {  	s7 =	sand.u32 $0x3C00, s14;
	v9 =	vmul.f32 v24, v9  }
0x2d3: {  	s7 =	sadd.s32 $0x16A80, s7;
	v16 =	vmul.f32 v16, v17  }
0x2d4: {  	s1 =	sor.u32 s13, s7  }
0x2d5: {  	[tilespmem:s1+$0x0] =	vst v9;
	v17 =	vshll.u32 v11, $0x10  }
0x2d6: {  	v3 =	vmul.f32 v3, v22;
	v22 =	vshll.u32 v23, $0x10;
	v24 =	vld.idx.msk [tilespmem:v21+s19+$0x0], $0xffff;
	v17 =	vmul.f32 v17, v23;
	v9 =	vpop (erf)  }
0x2d7: {  	v23 =	vld.idx.msk [tilespmem:v20+s19+$0x0], $0xffff;
	v11 =	vmul.f32 v22, v11;
	v9 =	vmul.f32 v9, v16;
	v16 =	vpop (erf)  }
0x2d8: {  	s15 =	simm.s32 $0x13DE0;
	v25 =	vpop (erf)  }
0x2d9: {  	v4 =	vmul.f32 v13, v4;
	v26 =	vld [tilespmem:s15+$0x0];
	v13 =	vadd.f32 v11, v17;
	[tilespmem:s4+$0x100] =	vst v9;
	v3 =	vmul.f32 v25, v3  }
0x2da: {  	v9 =	vld.idx.msk [tilespmem:v15+s21+$0x0], $0xffff  }
0x2db: {  	(erf) = vrcp.f32 v13;
	v22 =	vld.idx.msk [tilespmem:v14+s21+$0x0], $0xffff;
	[tilespmem:s5+$0x200] =	vst v3  }
0x2dc: {  	v13 =	vshll.u32 v23, $0x10;
	v3 =	vmul.f32 v0, v4;
	v0 =	vshll.u32 v24, $0x10;
	v4 =	vld.idx.msk [tilespmem:v10+s23+$0x0], $0xffff  }
0x2dd: {  	s16 =	simm.s32 $0x60;
	v13 =	vmul.f32 v13, v24;
	v25 =	vld.idx.msk [tilespmem:v7+s23+$0x0], $0xffff;
	v23 =	vmul.f32 v0, v23  }
0x2de: {  	s17 =	sand.u32 $0x60, s16;
	s10 =	sor.u32 s12, s7;
	v8 =	vmul.f32 v12, v8;
	v0 =	vshrl.u32 v26, $0x10  }
0x2df: {  	s26 =	sand.u32 $0x780, s16;
	s18 =	sor.u32 $0x10, s17;
	[tilespmem:s10+$0x0] =	vst v3;
	v3 =	vand.u32 $0xFFFF, v26;
	v12 =	vadd.f32 v13, v23  }
0x2e0: {  	s7 =	sor.u32 s18, s26;
	v11 =	vmul.f32 v11, v17;
	v8 =	vmul.f32 v16, v8;
	v28 =	vld.idx.msk [tilespmem:v2+s19+$0x0], $0xffff;
	v27 =	vshll.u32 v22, $0x10  }
0x2e1: {  	v24 =	vshll.u32 v9, $0x10;
	v9 =	vmul.f32 v27, v9;
	(erf) = vrcp.f32 v12;
	v12 =	vld [tilespmem:s7+$0x13D80]  }
0x2e2: {  	v26 =	vld.idx.msk [tilespmem:v1+s19+$0x0], $0xffff;
	v22 =	vmul.f32 v24, v22;
	v24 =	vshll.u32 v4, $0x10;
	v27 =	vshll.u32 v25, $0x10  }
0x2e3: {  	v16 =	vld.idx.msk [tilespmem:v0+s3+$0x0], $0xffff;
	v4 =	vmul.f32 v27, v4;
	v24 =	vmul.f32 v24, v25  }
0x2e4: {  	[tilespmem:s2+$0x180] =	vst v8;
	v29 =	vadd.f32 v9, v22;
	v25 =	vld.idx.msk [tilespmem:v3+s3+$0x0], $0xffff;
	v8 =	vpop (erf)  }
0x2e5: {  	v13 =	vmul.f32 v13, v23;
	v27 =	vld.idx.msk [tilespmem:v18+s22+$0x0], $0xffff;
	v11 =	vmul.f32 v8, v11;
	v17 =	vadd.f32 v4, v24  }
0x2e6: {  	v30 =	vld.idx.msk [tilespmem:v19+s22+$0x0], $0xffff;
	(erf) = vrcp.f32 v29;
	v29 =	vshll.u32 v28, $0x10;
	v8 =	vand.u32 $0xFFFF, v12  }
0x2e7: {  	v12 =	vshrl.u32 v12, $0x10;
	(erf) = vrcp.f32 v17;
	v17 =	vshll.u32 v26, $0x10  }
0x2e8: {  	[tilespmem:s0+$0x100] =	vst v11;
	v26 =	vmul.f32 v29, v26;
	v11 =	vshll.u32 v16, $0x10;
	v17 =	vmul.f32 v17, v28  }
0x2e9: {  	v9 =	vmul.f32 v9, v22;
	v23 =	vshll.u32 v25, $0x10;
	v11 =	vmul.f32 v11, v25  }
0x2ea: {  	v16 =	vmul.f32 v23, v16;
	v23 =	vshll.u32 v27, $0x10;
	v25 =	vadd.f32 v26, v17;
	v29 =	vpop (erf)  }
0x2eb: {  	v22 =	vmul.f32 v23, v30;
	v49 =	vld.idx.msk [tilespmem:v8+s3+$0x0], $0xffff;
	v13 =	vmul.f32 v29, v13;
	v29 =	vshll.u32 v30, $0x10  }
0x2ec: {  	(erf) = vrcp.f32 v25;
	v25 =	vld.idx.msk [tilespmem:v12+s3+$0x0], $0xffff;
	v23 =	vmul.f32 v29, v27  }
0x2ed: {  	v28 =	vld.idx.msk [tilespmem:v5+s21+$0x0], $0xffff;
	[tilespmem:s1+$0x80] =	vst v13;
	v13 =	vadd.f32 v11, v16  }
0x2ee: {  	v4 =	vmul.f32 v4, v24;
	v31 =	vld.idx.msk [tilespmem:v6+s21+$0x0], $0xffff;
	v24 =	vadd.f32 v23, v22  }
0x2ef: {  	v17 =	vmul.f32 v26, v17;
	v27 =	vpop (erf);
	(erf) = vrcp.f32 v13  }
0x2f0: {  	v29 =	vld.idx.msk [tilespmem:v21+s20+$0x0], $0xffff;
	v9 =	vmul.f32 v27, v9;
	v27 =	vpop (erf);
	(erf) = vrcp.f32 v24  }
0x2f1: {  	v26 =	vld.idx.msk [tilespmem:v20+s20+$0x0], $0xffff;
	v4 =	vmul.f32 v27, v4;
	v27 =	vshll.u32 v49, $0x10;
	v30 =	vshll.u32 v25, $0x10  }
0x2f2: {  	v13 =	vshll.u32 v28, $0x10;
	v30 =	vmul.f32 v30, v49;
	v25 =	vmul.f32 v27, v25  }
0x2f3: {  	[tilespmem:s4+$0x180] =	vst v9;
	v9 =	vmul.f32 v13, v31;
	v31 =	vshll.u32 v31, $0x10  }
0x2f4: {  	v24 =	vmul.f32 v31, v28;
	v28 =	vadd.f32 v30, v25  }
0x2f5: {  	v13 =	vld.idx.msk [tilespmem:v15+s22+$0x0], $0xffff  }
0x2f6: {  	v50 =	vld.idx.msk [tilespmem:v14+s22+$0x0], $0xffff;
	[tilespmem:s5+$0x280] =	vst v4;
	v31 =	vshll.u32 v29, $0x10;
	v51 =	vshll.u32 v26, $0x10;
	(erf) = vrcp.f32 v28  }
0x2f7: {  	v4 =	vld.idx.msk [tilespmem:v10+s24+$0x0], $0xffff;
	v29 =	vmul.f32 v51, v29;
	v26 =	vmul.f32 v31, v26  }
0x2f8: {  	v27 =	vld.idx.msk [tilespmem:v7+s24+$0x0], $0xffff;
	v52 =	vpop (erf)  }
0x2f9: {  	v22 =	vmul.f32 v23, v22;
	v28 =	vadd.f32 v29, v26;
	v23 =	vpop (erf)  }
0x2fa: {  	v17 =	vmul.f32 v52, v17;
	v31 =	vshll.u32 v13, $0x10;
	v57 =	vpop (erf)  }
0x2fb: {  	v53 =	vshll.u32 v50, $0x10;
	(erf) = vrcp.f32 v28;
	v22 =	vmul.f32 v57, v22  }
0x2fc: {  	v13 =	vmul.f32 v53, v13;
	v31 =	vmul.f32 v31, v50;
	[tilespmem:s10+$0x80] =	vst v17;
	v17 =	vshll.u32 v4, $0x10  }
0x2fd: {  	v55 =	vadd.f32 v24, v9;
	v28 =	vshll.u32 v27, $0x10;
	v17 =	vmul.f32 v17, v27;
	v27 =	vld.idx.msk [tilespmem:v2+s20+$0x0], $0xffff  }
0x2fe: {  	v25 =	vmul.f32 v30, v25;
	v56 =	vld.idx.msk [tilespmem:v1+s20+$0x0], $0xffff;
	v33 =	vadd.f32 v13, v31;
	v28 =	vmul.f32 v28, v4  }
0x2ff: {  	(erf) = vrcp.f32 v55;
	[tilespmem:s2+$0x200] =	vst v22;
	v22 =	vpop (erf)  }
0x300: {  	s12 =	simm.s32 $0x300;
	(erf) = vrcp.f32 v33;
	v58 =	vadd.f32 v28, v17;
	v22 =	vmul.f32 v22, v25  }
0x301: {  	s11 =	sand.u32 $0x3C00, s12  }
0x302: {  	s13 =	sadd.s32 $0x16A80, s11;
	v11 =	vmul.f32 v11, v16;
	(erf) = vrcp.f32 v58;
	v30 =	vshll.u32 v27, $0x10  }
0x303: {  	s5 =	sor.u32 s18, s13;
	v26 =	vmul.f32 v29, v26;
	v16 =	vshll.u32 v56, $0x10;
	v25 =	vmul.f32 v30, v56;
	v30 =	vld.idx.msk [tilespmem:v19+s23+$0x0], $0xffff  }
0x304: {  	s7 =	simm.s32 $0x13E00;
	v16 =	vmul.f32 v16, v27;
	[tilespmem:s5+$0x0] =	vst v22;
	v22 =	vpop (erf)  }
0x305: {  	v54 =	vld [tilespmem:s7+$0x0];
	v22 =	vmul.f32 v22, v26  }
0x306: {  	v11 =	vmul.f32 v23, v11;
	v27 =	vld.idx.msk [tilespmem:v18+s23+$0x0], $0xffff;
	v29 =	vadd.f32 v25, v16  }
0x307: {  	s9 =	sor.u32 s17, s13;
	v24 =	vmul.f32 v24, v9;
	v59 =	vld.idx.msk [tilespmem:v8+s19+$0x0], $0xffff  }
0x308: {  	v9 =	vmul.f32 v13, v31;
	[tilespmem:s9+$0x0] =	vst v11;
	v11 =	vld.idx.msk [tilespmem:v12+s19+$0x0], $0xffff;
	(erf) = vrcp.f32 v29;
	v13 =	vpop (erf);
	v29 =	vshll.u32 v30, $0x10  }
0x309: {  	s6 =	sand.u32 $0x3, s6;
	v13 =	vmul.f32 v13, v24;
	v24 =	vld.idx.msk [tilespmem:v0+s19+$0x0], $0xffff;
	[tilespmem:s1+$0x100] =	vst v22;
	v22 =	vpop (erf)  }
0x30a: {  	s6 =	sshll.u32 s6, $0x5;
	v4 =	vand.u32 $0xFFFF, v54;
	v17 =	vmul.f32 v28, v17;
	v26 =	vld.idx.msk [tilespmem:v3+s19+$0x0], $0xffff;
	v22 =	vmul.f32 v22, v9  }
0x30b: {  	s16 =	sadd.s32 $0x0, s6;
	v16 =	vmul.f32 v25, v16;
	v25 =	vshll.u32 v27, $0x10;
	v27 =	vmul.f32 v29, v27;
	v31 =	vld.idx.msk [tilespmem:v21+s21+$0x0], $0xffff;
	v29 =	vpop (erf)  }
0x30c: {  	s17 =	sadd.s32 $0x10, s16;
	v25 =	vmul.f32 v25, v30;
	v28 =	vld.idx.msk [tilespmem:v20+s21+$0x0], $0xffff;
	v30 =	vshll.u32 v59, $0x10;
	v17 =	vmul.f32 v29, v17;
	[tilespmem:s4+$0x200] =	vst v22  }
0x30d: {  	s14 =	sor.u32 $0x300, s17;
	v60 =	vshll.u32 v11, $0x10;
	v30 =	vmul.f32 v30, v11;
	v9 =	vshrl.u32 v54, $0x10;
	v22 =	vld.idx.msk [tilespmem:v15+s23+$0x0], $0xffff  }
0x30e: {  	v29 =	vadd.f32 v27, v25;
	v25 =	vmul.f32 v27, v25;
	v62 =	vshll.u32 v24, $0x10;
	v61 =	vld.idx.msk [tilespmem:v14+s23+$0x0], $0xffff;
	[tilespmem:s14+$0x16A80] =	vst v17  }
0x30f: {  	s15 =	simm.s32 $0x80;
	v32 =	vmul.f32 v62, v26;
	v17 =	vmul.f32 v60, v59;
	v10 =	vld.idx.msk [tilespmem:v10+s25+$0x0], $0xffff  }
0x310: {  	s18 =	sand.u32 $0x60, s15;
	v26 =	vshll.u32 v26, $0x10;
	(erf) = vrcp.f32 v29;
	v27 =	vshll.u32 v31, $0x10;
	v7 =	vld.idx.msk [tilespmem:v7+s25+$0x0], $0xffff  }
0x311: {  	s7 =	sand.u32 $0x780, s15;
	s26 =	sor.u32 $0x10, s18;
	v23 =	vld.idx.msk [tilespmem:v4+s3+$0x0], $0xffff;
	v29 =	vshll.u32 v28, $0x10;
	v24 =	vmul.f32 v26, v24;
	v11 =	vadd.f32 v17, v30  }
0x312: {  	s7 =	sor.u32 s26, s7;
	v43 =	vpop (erf);
	v29 =	vmul.f32 v29, v31;
	v27 =	vmul.f32 v27, v28;
	v28 =	vld.idx.msk [tilespmem:v9+s3+$0x0], $0xffff  }
0x313: {  	v16 =	vmul.f32 v43, v16;
	(erf) = vrcp.f32 v11;
	v11 =	vld [tilespmem:s7+$0x13D80];
	v41 =	vshll.u32 v61, $0x10  }
0x314: {  	[tilespmem:s0+$0x180] =	vst v13;
	v63 =	vadd.f32 v29, v27;
	v40 =	vshll.u32 v22, $0x10;
	v22 =	vmul.f32 v41, v22  }
0x315: {  	v44 =	vld.idx.msk [tilespmem:v5+s22+$0x0], $0xffff;
	v34 =	vmul.f32 v40, v61;
	v13 =	vshll.u32 v10, $0x10;
	v42 =	vshll.u32 v7, $0x10  }
0x316: {  	v46 =	vld.idx.msk [tilespmem:v6+s22+$0x0], $0xffff;
	v31 =	vshll.u32 v23, $0x10;
	v33 =	vmul.f32 v42, v10;
	v7 =	vmul.f32 v13, v7  }
0x317: {  	(erf) = vrcp.f32 v63;
	v13 =	vshll.u32 v28, $0x10;
	v45 =	vadd.f32 v22, v34  }
0x318: {  	v10 =	vand.u32 $0xFFFF, v11;
	v26 =	vadd.f32 v33, v7;
	v11 =	vshrl.u32 v11, $0x10  }
0x319: {  	v13 =	vmul.f32 v13, v23;
	v23 =	vadd.f32 v32, v24;
	(erf) = vrcp.f32 v45  }
0x31a: {  	v17 =	vmul.f32 v17, v30;
	[tilespmem:s10+$0x100] =	vst v16;
	v16 =	vshll.u32 v44, $0x10;
	(erf) = vrcp.f32 v26  }
0x31b: {  	(erf) = vrcp.f32 v23;
	v23 =	vmul.f32 v32, v24;
	v24 =	vshll.u32 v46, $0x10  }
0x31c: {  	v16 =	vmul.f32 v16, v46;
	v26 =	vpop (erf);
	v24 =	vmul.f32 v24, v44  }
0x31d: {  	v28 =	vmul.f32 v31, v28;
	v30 =	vpop (erf);
	v25 =	vmul.f32 v26, v25;
	v26 =	vld.idx.msk [tilespmem:v11+s3+$0x0], $0xffff  }
0x31e: {  	v49 =	vld.idx.msk [tilespmem:v10+s3+$0x0], $0xffff;
	v17 =	vmul.f32 v30, v17;
	v30 =	vmul.f32 v24, v16;
	v16 =	vadd.f32 v24, v16  }
0x31f: {  	v27 =	vmul.f32 v29, v27;
	v47 =	vld.idx.msk [tilespmem:v2+s21+$0x0], $0xffff;
	v48 =	vadd.f32 v13, v28  }
0x320: {  	v31 =	vld.idx.msk [tilespmem:v1+s21+$0x0], $0xffff;
	v22 =	vmul.f32 v22, v34;
	v29 =	vpop (erf);
	[tilespmem:s5+$0x80] =	vst v17  }
0x321: {  	(erf) = vrcp.f32 v48;
	v27 =	vmul.f32 v29, v27;
	v29 =	vld.idx.msk [tilespmem:v12+s20+$0x0], $0xffff  }
0x322: {  	v7 =	vmul.f32 v33, v7;
	(erf) = vrcp.f32 v16;
	v17 =	vld.idx.msk [tilespmem:v8+s20+$0x0], $0xffff;
	v16 =	vpop (erf);
	v50 =	vshll.u32 v26, $0x10  }
0x323: {  	[tilespmem:s1+$0x180] =	vst v27;
	v16 =	vmul.f32 v16, v22;
	v22 =	vmul.f32 v13, v28;
	v28 =	vshll.u32 v49, $0x10  }
0x324: {  	v52 =	vld.idx.msk [tilespmem:v20+s22+$0x0], $0xffff;
	v33 =	vmul.f32 v50, v49;
	v26 =	vmul.f32 v28, v26  }
0x325: {  	v32 =	vshll.u32 v47, $0x10;
	v24 =	vshll.u32 v31, $0x10;
	v13 =	vld.idx.msk [tilespmem:v21+s22+$0x0], $0xffff;
	v27 =	vpop (erf)  }
0x326: {  	v51 =	vpop (erf);
	v28 =	vmul.f32 v32, v31;
	[tilespmem:s4+$0x280] =	vst v16;
	v53 =	vadd.f32 v33, v26;
	v54 =	vshll.u32 v29, $0x10  }
0x327: {  	v16 =	vmul.f32 v51, v23;
	v31 =	vld.idx.msk [tilespmem:v14+s24+$0x0], $0xffff;
	v23 =	vshll.u32 v17, $0x10;
	v17 =	vmul.f32 v54, v17  }
0x328: {  	v55 =	vld.idx.msk [tilespmem:v15+s24+$0x0], $0xffff;
	v29 =	vmul.f32 v23, v29;
	(erf) = vrcp.f32 v53  }
0x329: {  	v24 =	vmul.f32 v24, v47;
	v23 =	vmul.f32 v27, v7  }
0x32a: {  	s7 =	simm.s32 $0x13E20;
	[tilespmem:s9+$0x80] =	vst v16;
	v27 =	vshll.u32 v52, $0x10;
	v16 =	vshll.u32 v13, $0x10;
	v7 =	vadd.f32 v17, v29  }
0x32b: {  	v56 =	vld [tilespmem:s7+$0x0];
	[tilespmem:s2+$0x280] =	vst v25;
	v27 =	vmul.f32 v27, v13;
	v16 =	vmul.f32 v16, v52  }
0x32c: {  	v25 =	vld.idx.msk [tilespmem:v19+s24+$0x0], $0xffff;
	v13 =	vadd.f32 v28, v24;
	(erf) = vrcp.f32 v7;
	v7 =	vshll.u32 v31, $0x10  }
0x32d: {  	v62 =	vld.idx.msk [tilespmem:v18+s24+$0x0], $0xffff;
	v59 =	vpop (erf);
	v60 =	vshll.u32 v55, $0x10;
	v61 =	vadd.f32 v27, v16;
	v36 =	vmul.f32 v7, v55  }
0x32e: {  	s13 =	simm.s32 $0x400;
	v57 =	vld.idx.msk [tilespmem:v3+s20+$0x0], $0xffff;
	v63 =	vpop (erf);
	v31 =	vmul.f32 v60, v31;
	(erf) = vrcp.f32 v13  }
0x32f: {  	s11 =	sand.u32 $0x3C00, s13;
	v58 =	vld.idx.msk [tilespmem:v0+s20+$0x0], $0xffff;
	(erf) = vrcp.f32 v61  }
0x330: {  	s14 =	sadd.s32 $0x16A80, s11;
	v26 =	vmul.f32 v33, v26;
	v22 =	vmul.f32 v59, v22;
	v38 =	vadd.f32 v36, v31  }
0x331: {  	s11 =	sor.u32 s18, s14;
	v24 =	vmul.f32 v28, v24;
	v30 =	vmul.f32 v63, v30;
	v13 =	vshrl.u32 v56, $0x10;
	v44 =	vpop (erf)  }
0x332: {  	v28 =	vshll.u32 v25, $0x10;
	[tilespmem:s11+$0x0] =	vst v22;
	(erf) = vrcp.f32 v38;
	v26 =	vmul.f32 v44, v26  }
0x333: {  	v28 =	vmul.f32 v28, v62;
	v49 =	vld.idx.msk [tilespmem:v9+s19+$0x0], $0xffff;
	[tilespmem:s0+$0x200] =	vst v30  }
0x334: {  	v17 =	vmul.f32 v17, v29;
	v41 =	vshll.u32 v57, $0x10;
	v30 =	vshll.u32 v58, $0x10;
	v42 =	vld.idx.msk [tilespmem:v5+s23+$0x0], $0xffff  }
0x335: {  	s2 =	sor.u32 s26, s14;
	v43 =	vshll.u32 v62, $0x10;
	v45 =	vld.idx.msk [tilespmem:v6+s23+$0x0], $0xffff;
	v34 =	vmul.f32 v41, v58;
	v30 =	vmul.f32 v30, v57  }
0x336: {  	v25 =	vmul.f32 v43, v25;
	v16 =	vmul.f32 v27, v16;
	v7 =	vand.u32 $0xFFFF, v56;
	v47 =	vld.idx.msk [tilespmem:v13+s3+$0x0], $0xffff;
	[tilespmem:s2+$0x0] =	vst v26;
	v26 =	vpop (erf)  }
0x337: {  	v29 =	vmul.f32 v30, v34;
	v30 =	vadd.f32 v30, v34;
	v22 =	vld.idx.msk [tilespmem:v11+s19+$0x0], $0xffff;
	v17 =	vmul.f32 v26, v17;
	v26 =	vpop (erf)  }
0x338: {  	s15 =	simm.s32 $0x1;
	v31 =	vmul.f32 v36, v31;
	v34 =	vmul.f32 v28, v25;
	v25 =	vadd.f32 v28, v25;
	v48 =	vld.idx.msk [tilespmem:v10+s19+$0x0], $0xffff;
	v28 =	vpop (erf)  }
0x339: {  	s4 =	sand.u32 $0x3, s15;
	v27 =	vshll.u32 v42, $0x10;
	(erf) = vrcp.f32 v30;
	v30 =	vld.idx.msk [tilespmem:v4+s19+$0x0], $0xffff;
	[tilespmem:s5+$0x100] =	vst v17;
	v16 =	vmul.f32 v28, v16  }
0x33a: {  	s4 =	sshll.u32 s4, $0x5;
	v27 =	vmul.f32 v27, v45;
	(erf) = vrcp.f32 v25;
	v17 =	vshll.u32 v45, $0x10;
	v28 =	vld.idx.msk [tilespmem:v8+s21+$0x0], $0xffff  }
0x33b: {  	s8 =	sadd.s32 $0x100, s4;
	v24 =	vmul.f32 v26, v24;
	v26 =	vpop (erf);
	v17 =	vmul.f32 v17, v42;
	v25 =	vld.idx.msk [tilespmem:v12+s21+$0x0], $0xffff;
	[tilespmem:s1+$0x200] =	vst v16  }
0x33c: {  	s14 =	sadd.s32 $0x10, s8;
	v50 =	vshll.u32 v22, $0x10;
	v16 =	vmul.f32 v26, v31;
	v31 =	vld.idx.msk [tilespmem:v21+s23+$0x0], $0xffff  }
0x33d: {  	s18 =	sor.u32 $0x300, s14;
	v26 =	vmul.f32 v17, v27;
	v17 =	vadd.f32 v17, v27;
	v27 =	vshll.u32 v48, $0x10;
	v52 =	vld.idx.msk [tilespmem:v20+s23+$0x0], $0xffff  }
0x33e: {  	s26 =	simm.s32 $0xA0;
	v57 =	vshll.u32 v49, $0x10;
	v46 =	vld.idx.msk [tilespmem:v7+s3+$0x0], $0xffff;
	v33 =	vmul.f32 v50, v48;
	[tilespmem:s18+$0x16A80] =	vst v16;
	v22 =	vmul.f32 v27, v22  }
0x33f: {  	s4 =	sand.u32 $0x60, s26;
	[tilespmem:s10+$0x180] =	vst v24;
	v24 =	vshll.u32 v30, $0x10;
	v30 =	vmul.f32 v57, v30;
	(erf) = vrcp.f32 v17;
	v14 =	vld.idx.msk [tilespmem:v14+s25+$0x0], $0xffff  }
0x340: {  	s7 =	sand.u32 $0x780, s26;
	s6 =	sor.u32 $0x10, s4;
	v15 =	vld.idx.msk [tilespmem:v15+s25+$0x0], $0xffff;
	v16 =	vadd.f32 v33, v22;
	v17 =	vshll.u32 v28, $0x10;
	v53 =	vshll.u32 v25, $0x10  }
0x341: {  	s7 =	sor.u32 s6, s7;
	v51 =	vshll.u32 v47, $0x10;
	v28 =	vmul.f32 v53, v28;
	v17 =	vmul.f32 v17, v25  }
0x342: {  	v58 =	vld [tilespmem:s7+$0x13D80];
	(erf) = vrcp.f32 v16;
	v55 =	vshll.u32 v31, $0x10;
	v56 =	vshll.u32 v52, $0x10  }
0x343: {  	v16 =	vadd.f32 v28, v17;
	v31 =	vmul.f32 v56, v31;
	v36 =	vmul.f32 v55, v52  }
0x344: {  	v54 =	vld.idx.msk [tilespmem:v1+s22+$0x0], $0xffff;
	v27 =	vmul.f32 v51, v46;
	v24 =	vmul.f32 v24, v49;
	v59 =	vshll.u32 v14, $0x10  }
0x345: {  	v60 =	vld.idx.msk [tilespmem:v2+s22+$0x0], $0xffff;
	(erf) = vrcp.f32 v16;
	v16 =	vshll.u32 v15, $0x10;
	v61 =	vadd.f32 v31, v36  }
0x346: {  	v35 =	vshll.u32 v46, $0x10;
	v37 =	vmul.f32 v59, v15;
	v15 =	vpop (erf);
	v14 =	vmul.f32 v16, v14  }
0x347: {  	v29 =	vmul.f32 v15, v29;
	v15 =	vshrl.u32 v58, $0x10;
	(erf) = vrcp.f32 v61  }
0x348: {  	v45 =	vmul.f32 v30, v24;
	v24 =	vadd.f32 v30, v24;
	v16 =	vand.u32 $0xFFFF, v58  }
0x349: {  	v22 =	vmul.f32 v33, v22;
	v63 =	vshll.u32 v54, $0x10;
	v62 =	vadd.f32 v37, v14;
	[tilespmem:s9+$0x100] =	vst v29  }
0x34a: {  	v25 =	vmul.f32 v35, v47;
	v46 =	vshll.u32 v60, $0x10;
	v38 =	vmul.f32 v63, v60;
	v44 =	vpop (erf);
	v30 =	vld.idx.msk [tilespmem:v3+s21+$0x0], $0xffff  }
0x34b: {  	v32 =	vmul.f32 v46, v54;
	v47 =	vld.idx.msk [tilespmem:v0+s21+$0x0], $0xffff;
	(erf) = vrcp.f32 v62;
	v29 =	vpop (erf)  }
0x34c: {  	v17 =	vmul.f32 v28, v17;
	(erf) = vrcp.f32 v24;
	v24 =	vpop (erf);
	v28 =	vld.idx.msk [tilespmem:v15+s3+$0x0], $0xffff  }
0x34d: {  	v26 =	vmul.f32 v29, v26;
	v29 =	vadd.f32 v27, v25;
	v22 =	vmul.f32 v24, v22;
	v24 =	vld.idx.msk [tilespmem:v16+s3+$0x0], $0xffff  }
0x34e: {  	v39 =	vmul.f32 v32, v38;
	v32 =	vadd.f32 v32, v38;
	v14 =	vmul.f32 v37, v14  }
0x34f: {  	(erf) = vrcp.f32 v29;
	v29 =	vmul.f32 v31, v36;
	v48 =	vpop (erf);
	[tilespmem:s2+$0x80] =	vst v22  }
0x350: {  	(erf) = vrcp.f32 v32;
	v17 =	vmul.f32 v48, v17;
	v50 =	vld.idx.msk [tilespmem:v11+s20+$0x0], $0xffff;
	v49 =	vpop (erf)  }
0x351: {  	[tilespmem:s0+$0x280] =	vst v26;
	v33 =	vshll.u32 v47, $0x10;
	v31 =	vld.idx.msk [tilespmem:v10+s20+$0x0], $0xffff;
	v53 =	vshll.u32 v28, $0x10;
	v29 =	vmul.f32 v49, v29  }
0x352: {  	v57 =	vld.idx.msk [tilespmem:v5+s24+$0x0], $0xffff;
	[tilespmem:s5+$0x180] =	vst v17;
	v17 =	vmul.f32 v27, v25;
	v25 =	vmul.f32 v33, v30;
	v52 =	vshll.u32 v24, $0x10  }
0x353: {  	v22 =	vshll.u32 v30, $0x10;
	v24 =	vmul.f32 v53, v24;
	v30 =	vld.idx.msk [tilespmem:v8+s22+$0x0], $0xffff;
	v28 =	vmul.f32 v52, v28  }
0x354: {  	v34 =	vmul.f32 v44, v34;
	v22 =	vmul.f32 v22, v47;
	v54 =	vld.idx.msk [tilespmem:v12+s22+$0x0], $0xffff;
	v27 =	vpop (erf);
	[tilespmem:s1+$0x280] =	vst v29  }
0x355: {  	v27 =	vmul.f32 v27, v14;
	v14 =	vpop (erf);
	v29 =	vld.idx.msk [tilespmem:v21+s24+$0x0], $0xffff;
	v36 =	vadd.f32 v24, v28;
	v56 =	vshll.u32 v50, $0x10  }
0x356: {  	s15 =	simm.s32 $0x13E40;
	v26 =	vld.idx.msk [tilespmem:v20+s24+$0x0], $0xffff;
	v55 =	vshll.u32 v31, $0x10;
	v14 =	vmul.f32 v14, v45;
	v31 =	vmul.f32 v56, v31  }
0x357: {  	v51 =	vld [tilespmem:s15+$0x0];
	v35 =	vmul.f32 v55, v50;
	(erf) = vrcp.f32 v36  }
0x358: {  	v33 =	vmul.f32 v25, v22;
	v22 =	vadd.f32 v25, v22;
	v24 =	vmul.f32 v24, v28  }
0x359: {  	v58 =	vld.idx.msk [tilespmem:v6+s24+$0x0], $0xffff;
	[tilespmem:s11+$0x80] =	vst v14;
	v40 =	vadd.f32 v31, v35;
	v60 =	vshll.u32 v30, $0x10;
	v61 =	vshll.u32 v54, $0x10  }
0x35a: {  	v52 =	vshll.u32 v57, $0x10;
	v59 =	vld.idx.msk [tilespmem:v4+s20+$0x0], $0xffff;
	v30 =	vmul.f32 v61, v30;
	v63 =	vmul.f32 v60, v54  }
0x35b: {  	s18 =	sor.u32 $0x300, s16;
	v25 =	vpop (erf);
	v62 =	vld.idx.msk [tilespmem:v9+s20+$0x0], $0xffff;
	(erf) = vrcp.f32 v40;
	v46 =	vshll.u32 v29, $0x10;
	v47 =	vshll.u32 v26, $0x10  }
0x35c: {  	[tilespmem:s18+$0x16A80] =	vst v34;
	v14 =	vand.u32 $0xFFFF, v51;
	v48 =	vpop (erf);
	v29 =	vmul.f32 v47, v29;
	v26 =	vmul.f32 v46, v26  }
0x35d: {  	v19 =	vld.idx.msk [tilespmem:v19+s25+$0x0], $0xffff;
	v42 =	vadd.f32 v30, v63;
	(erf) = vrcp.f32 v22;
	v22 =	vmul.f32 v48, v39  }
0x35e: {  	v25 =	vmul.f32 v25, v17;
	v17 =	vshrl.u32 v51, $0x10;
	v51 =	vadd.f32 v29, v26  }
0x35f: {  	v18 =	vld.idx.msk [tilespmem:v18+s25+$0x0], $0xffff;
	s1 =	simm.s32 $0x500;
	v38 =	vmul.f32 v52, v58;
	(erf) = vrcp.f32 v42;
	[tilespmem:s10+$0x200] =	vst v22;
	v50 =	vshll.u32 v59, $0x10  }
0x360: {  	s26 =	sand.u32 $0x3C00, s1;
	v53 =	vshll.u32 v62, $0x10;
	v28 =	vld.idx.msk [tilespmem:v1+s23+$0x0], $0xffff;
	v37 =	vmul.f32 v50, v62;
	(erf) = vrcp.f32 v51;
	v54 =	vpop (erf)  }
0x361: {  	v49 =	vshll.u32 v58, $0x10;
	s0 =	sadd.s32 $0x16A80, s26;
	v55 =	vld.idx.msk [tilespmem:v2+s23+$0x0], $0xffff;
	v34 =	vmul.f32 v53, v59;
	v24 =	vmul.f32 v54, v24  }
0x362: {  	v56 =	vshll.u32 v19, $0x10;
	s18 =	sor.u32 s4, s0;
	v31 =	vmul.f32 v31, v35;
	v30 =	vmul.f32 v30, v63  }
0x363: {  	[tilespmem:s18+$0x0] =	vst v25;
	v22 =	vmul.f32 v49, v57;
	v60 =	vmul.f32 v34, v37;
	v34 =	vadd.f32 v34, v37  }
0x364: {  	s26 =	sor.u32 s6, s0;
	v63 =	vld.idx.msk [tilespmem:v7+s19+$0x0], $0xffff;
	v57 =	vshll.u32 v18, $0x10;
	v18 =	vmul.f32 v56, v18;
	v26 =	vmul.f32 v29, v26  }
0x365: {  	v58 =	vld.idx.msk [tilespmem:v14+s3+$0x0], $0xffff;
	v44 =	vmul.f32 v22, v38;
	v22 =	vadd.f32 v22, v38;
	[tilespmem:s26+$0x0] =	vst v24;
	(erf) = vrcp.f32 v34;
	v24 =	vpop (erf)  }
0x366: {  	v59 =	vld.idx.msk [tilespmem:v17+s3+$0x0], $0xffff;
	v62 =	vshll.u32 v28, $0x10;
	v43 =	vshll.u32 v55, $0x10;
	v24 =	vmul.f32 v24, v31  }
0x367: {  	v61 =	vld.idx.msk [tilespmem:v16+s19+$0x0], $0xffff;
	v32 =	vmul.f32 v62, v55;
	v28 =	vmul.f32 v43, v28  }
0x368: {  	s30 =	simm.s32 $0x2;
	v19 =	vmul.f32 v57, v19;
	v25 =	vld.idx.msk [tilespmem:v15+s19+$0x0], $0xffff;
	(erf) = vrcp.f32 v22;
	v31 =	vpop (erf);
	[tilespmem:s2+$0x100] =	vst v24  }
0x369: {  	s6 =	sand.u32 $0x3, s30;
	v38 =	vmul.f32 v28, v32;
	v31 =	vmul.f32 v31, v33;
	v22 =	vpop (erf);
	v45 =	vld.idx.msk [tilespmem:v10+s21+$0x0], $0xffff  }
0x36a: {  	s0 =	sshll.u32 s6, $0x5;
	v29 =	vadd.f32 v18, v19;
	v24 =	vmul.f32 v22, v30;
	v30 =	vpop (erf);
	v22 =	vmul.f32 v18, v19;
	v18 =	vld.idx.msk [tilespmem:v11+s21+$0x0], $0xffff  }
0x36b: {  	s0 =	sadd.s32 $0x200, s0;
	v53 =	vshll.u32 v63, $0x10;
	v28 =	vadd.f32 v28, v32;
	v19 =	vmul.f32 v30, v26;
	v26 =	vld.idx.msk [tilespmem:v13+s19+$0x0], $0xffff;
	[tilespmem:s9+$0x180] =	vst v31  }
0x36c: {  	s6 =	sadd.s32 $0x10, s0;
	v47 =	vshll.u32 v58, $0x10;
	(erf) = vrcp.f32 v29;
	[tilespmem:s5+$0x200] =	vst v24;
	v24 =	vshll.u32 v59, $0x10  }
0x36d: {  	s7 =	sor.u32 $0x300, s6;
	(erf) = vrcp.f32 v28;
	v30 =	vshll.u32 v25, $0x10;
	v50 =	vld.idx.msk [tilespmem:v3+s22+$0x0], $0xffff;
	v29 =	vmul.f32 v24, v58  }
0x36e: {  	v24 =	vshll.u32 v61, $0x10;
	v48 =	vld.idx.msk [tilespmem:v12+s23+$0x0], $0xffff;
	[tilespmem:s7+$0x16A80] =	vst v19;
	v19 =	vmul.f32 v30, v61;
	v30 =	vmul.f32 v47, v59;
	v55 =	vpop (erf)  }
0x36f: {  	s29 =	simm.s32 $0xC0;
	v46 =	vld.idx.msk [tilespmem:v8+s23+$0x0], $0xffff;
	v49 =	vmul.f32 v24, v25;
	v57 =	vmul.f32 v55, v60;
	v25 =	vshll.u32 v45, $0x10  }
0x370: {  	s4 =	sand.u32 $0x60, s29;
	v21 =	vld.idx.msk [tilespmem:v21+s25+$0x0], $0xffff;
	v28 =	vshll.u32 v18, $0x10;
	v31 =	vshll.u32 v26, $0x10;
	v26 =	vmul.f32 v53, v26  }
0x371: {  	s15 =	sand.u32 $0x780, s29;
	s31 =	sor.u32 $0x10, s4;
	v20 =	vld.idx.msk [tilespmem:v20+s25+$0x0], $0xffff;
	v60 =	vpop (erf);
	v24 =	vadd.f32 v19, v49;
	v28 =	vmul.f32 v28, v45;
	v18 =	vmul.f32 v25, v18  }
0x372: {  	v54 =	vld.idx.msk [tilespmem:v0+s22+$0x0], $0xffff;
	s7 =	sor.u32 s31, s15;
	v19 =	vmul.f32 v19, v49;
	v36 =	vmul.f32 v60, v44  }
0x373: {  	v51 =	vld [tilespmem:s7+$0x13D80];
	(erf) = vrcp.f32 v24;
	v52 =	vshll.u32 v48, $0x10;
	v24 =	vadd.f32 v28, v18  }
0x374: {  	v31 =	vmul.f32 v31, v63;
	v25 =	vshll.u32 v46, $0x10;
	v33 =	vmul.f32 v52, v46  }
0x375: {  	v34 =	vmul.f32 v25, v48;
	(erf) = vrcp.f32 v24  }
0x376: {  	v58 =	vshll.u32 v50, $0x10;
	v25 =	vshll.u32 v21, $0x10;
	v24 =	vshll.u32 v20, $0x10  }
0x377: {  	v25 =	vmul.f32 v25, v20;
	v56 =	vadd.f32 v33, v34;
	v24 =	vmul.f32 v24, v21  }
0x378: {  	v62 =	vshll.u32 v54, $0x10;
	v61 =	vmul.f32 v58, v54;
	v20 =	vand.u32 $0xFFFF, v51  }
0x379: {  	v21 =	vshrl.u32 v51, $0x10;
	(erf) = vrcp.f32 v56;
	v59 =	vadd.f32 v24, v25  }
0x37a: {  	[tilespmem:s11+$0x100] =	vst v57;
	v63 =	vmul.f32 v62, v50;
	v32 =	vmul.f32 v31, v26;
	v31 =	vadd.f32 v31, v26  }
0x37b: {  	s15 =	sor.u32 $0x380, s17;
	v42 =	vadd.f32 v29, v30;
	v35 =	vld.idx.msk [tilespmem:v4+s21+$0x0], $0xffff;
	v44 =	vmul.f32 v28, v18;
	v26 =	vpop (erf);
	(erf) = vrcp.f32 v59  }
0x37c: {  	s16 =	sor.u32 $0x380, s16;
	s17 =	sor.u32 $0x380, s14;
	[tilespmem:s15+$0x16A80] =	vst v23;
	v37 =	vld.idx.msk [tilespmem:v9+s21+$0x0], $0xffff;
	v41 =	vadd.f32 v63, v61;
	v23 =	vpop (erf);
	v18 =	vmov v13;
	(erf) = vrcp.f32 v31  }
0x37d: {  	s28 =	sor.u32 $0x380, s0;
	s14 =	sor.u32 $0x300, s8;
	[tilespmem:s17+$0x16A80] =	vst v27;
	s17 =	sor.u32 $0x380, s8;
	v28 =	vmov v0;
	v40 =	vmul.f32 v23, v38;
	v23 =	vmov v9;
	v38 =	vld.idx.msk [tilespmem:v20+s3+$0x0], $0xffff;
	v27 =	vpop (erf)  }
0x37e: {  	s15 =	sor.u32 $0x300, s0;
	s8 =	simm.s32 $0x13E60;
	s0 =	simm.s32 $0x500;
	v39 =	vld.idx.msk [tilespmem:v21+s3+$0x0], $0xffff;
	v31 =	vmul.f32 v63, v61;
	v43 =	vmul.f32 v27, v19;
	v19 =	vmov v17;
	v45 =	vpop (erf)  }
.LBB2_5:
0x37f: {  	v27 =	vmov v9;
	v9 =	vmov v13;
	v13 =	vmov v17  }
0x380: {  	v22 =	vmul.f32 v26, v22;
	v17 =	vld [tilespmem:s8+$0x0];
	(erf) = vrcp.f32 v42;
	[tilespmem:s26+$0x80] =	vst v43  }
0x381: {  	v33 =	vmul.f32 v33, v34;
	v42 =	vshll.u32 v35, $0x10;
	v43 =	vmul.f32 v45, v44;
	v26 =	vld.idx.msk [tilespmem:v16+s20+$0x0], $0xffff;
	[tilespmem:s10+$0x280] =	vst v40;
	s10 =	smov.u32 s9;
	s9 =	smov.u32 s11;
	s11 =	smov.u32 s18  }
0x382: {  	v40 =	vshll.u32 v37, $0x10;
	v37 =	vmul.f32 v42, v37;
	v34 =	vld.idx.msk [tilespmem:v15+s20+$0x0], $0xffff;
	(erf) = vrcp.f32 v41;
	v41 =	vpop (erf);
	[tilespmem:s14+$0x16A80] =	vst v36;
	s14 =	smov.u32 s15  }
0x383: {  	v24 =	vmul.f32 v24, v25;
	[tilespmem:s2+$0x180] =	vst v43;
	v33 =	vmul.f32 v41, v33;
	v36 =	vld.idx.msk [tilespmem:v1+s24+$0x0], $0xffff  }
0x384: {  	v25 =	vmul.f32 v29, v30;
	v29 =	vmul.f32 v40, v35;
	v30 =	vld.idx.msk [tilespmem:v10+s22+$0x0], $0xffff;
	v35 =	vpop (erf);
	[tilespmem:s16+$0x16A80] =	vst v22;
	s16 =	smov.u32 s17;
	s17 =	smov.u32 s28  }
0x385: {  	v40 =	vshll.u32 v39, $0x10;
	v22 =	vshll.u32 v38, $0x10;
	v41 =	vpop (erf);
	v42 =	vld.idx.msk [tilespmem:v11+s22+$0x0], $0xffff;
	[tilespmem:s5+$0x280] =	vst v33;
	v24 =	vmul.f32 v35, v24;
	s5 =	smov.u32 s2;
	s2 =	smov.u32 s26  }
0x386: {  	s6 =	sor.u32 $0x380, s6;
	v33 =	vmul.f32 v40, v38;
	v22 =	vmul.f32 v22, v39;
	v35 =	vadd.f32 v29, v37;
	v38 =	vld.idx.msk [tilespmem:v8+s24+$0x0], $0xffff  }
0x387: {  	v29 =	vmul.f32 v29, v37;
	v32 =	vmul.f32 v41, v32;
	v37 =	vld.idx.msk [tilespmem:v12+s24+$0x0], $0xffff;
	[tilespmem:s6+$0x16A80] =	vst v24  }
0x388: {  	v39 =	vshll.u32 v26, $0x10;
	v24 =	vadd.f32 v33, v22;
	v40 =	vshll.u32 v34, $0x10;
	v41 =	vld.idx.msk [tilespmem:v2+s24+$0x0], $0xffff  }
0x389: {  	v26 =	vmul.f32 v40, v26;
	v43 =	vpop (erf);
	[tilespmem:s11+$0x80] =	vst v32;
	v32 =	vmul.f32 v39, v34;
	v34 =	vshll.u32 v36, $0x10;
	v39 =	vld.idx.msk [tilespmem:v5+s25+$0x0], $0xffff  }
0x38a: {  	v40 =	vand.u32 $0xFFFF, v17;
	v5 =	vmovc v1;
	v1 =	vmovc v3;
	v25 =	vmul.f32 v43, v25;
	(erf) = vrcp.f32 v24;
	v24 =	vld.idx.msk [tilespmem:v7+s20+$0x0], $0xffff  }
0x38b: {  	v47 =	vshll.u32 v30, $0x10;
	v45 =	vshll.u32 v42, $0x10;
	v43 =	vld.idx.msk [tilespmem:v18+s20+$0x0], $0xffff;
	v44 =	vadd.f32 v26, v32;
	v46 =	vpop (erf)  }
0x38c: {  	v17 =	vshrl.u32 v17, $0x10;
	v3 =	vmovc v4;
	v42 =	vmul.f32 v47, v42;
	v30 =	vmul.f32 v45, v30;
	v45 =	vld.idx.msk [tilespmem:v6+s25+$0x0], $0xffff  }
0x38d: {  	v4 =	vmovc v7;
	v7 =	vmovc v14;
	v48 =	vshll.u32 v38, $0x10;
	(erf) = vrcp.f32 v44;
	v44 =	vshll.u32 v37, $0x10  }
0x38e: {  	v14 =	vmovc v40;
	v47 =	vadd.f32 v30, v42;
	v37 =	vmul.f32 v48, v37;
	v38 =	vmul.f32 v44, v38  }
0x38f: {  	v31 =	vmul.f32 v46, v31;
	v6 =	vmovc v2;
	v2 =	vmovc v0;
	(erf) = vrcp.f32 v35;
	v35 =	vshll.u32 v41, $0x10  }
0x390: {  	v0 =	vmovc v23;
	v23 =	vmovc v18;
	v40 =	vshll.u32 v24, $0x10;
	(erf) = vrcp.f32 v47;
	v44 =	vadd.f32 v38, v37  }
0x391: {  	v18 =	vmovc v19;
	v46 =	vshll.u32 v43, $0x10;
	v40 =	vmul.f32 v40, v43;
	[tilespmem:s10+$0x200] =	vst v31;
	v31 =	vmul.f32 v35, v36  }
0x392: {  	s1 =	sadd.s32 $0x100, s1;
	v22 =	vmul.f32 v33, v22;
	v19 =	vmovc v17;
	v35 =	vshll.u32 v39, $0x10;
	v33 =	vld.idx.msk [tilespmem:v1+s23+$0x0], $0xffff;
	(erf) = vrcp.f32 v44  }
0x393: {  	s6 =	sand.u32 $0x3C00, s1;
	v34 =	vmul.f32 v34, v41;
	v24 =	vmul.f32 v46, v24;
	v44 =	vshll.u32 v45, $0x10;
	v36 =	vpop (erf);
	v43 =	vld.idx.msk [tilespmem:v28+s23+$0x0], $0xffff  }
0x394: {  	s6 =	sadd.s32 $0x16A80, s6;
	v28 =	vmov v27;
	v41 =	vld.idx.msk [tilespmem:v14+s3+$0x0], $0xffff;
	v46 =	vmul.f32 v36, v22;
	v36 =	vmul.f32 v44, v39  }
0x395: {  	s18 =	sor.u32 s4, s6;
	s26 =	sor.u32 s31, s6;
	v26 =	vmul.f32 v26, v32;
	v44 =	vmul.f32 v24, v40;
	v24 =	vadd.f32 v24, v40;
	v39 =	vld.idx.msk [tilespmem:v17+s3+$0x0], $0xffff  }
0x396: {  	v32 =	vmul.f32 v35, v45;
	v27 =	vmul.f32 v31, v34;
	v31 =	vadd.f32 v31, v34;
	[tilespmem:s26+$0x0] =	vst v46;
	v22 =	vpop (erf)  }
0x397: {  	[tilespmem:s18+$0x0] =	vst v25;
	v25 =	vld.idx.msk [tilespmem:v20+s19+$0x0], $0xffff;
	v22 =	vmul.f32 v22, v26;
	(erf) = vrcp.f32 v24  }
0x398: {  	s30 =	sadd.s32 $0x1, s30;
	v26 =	vmul.f32 v30, v42;
	v34 =	vshll.u32 v33, $0x10;
	v24 =	vld.idx.msk [tilespmem:v21+s19+$0x0], $0xffff;
	v30 =	vpop (erf);
	(erf) = vrcp.f32 v31  }
0x399: {  	s4 =	sand.u32 $0x3, s30;
	v34 =	vmul.f32 v34, v43;
	v31 =	vld.idx.msk [tilespmem:v7+s19+$0x0], $0xffff;
	[tilespmem:s2+$0x100] =	vst v22;
	v22 =	vmul.f32 v30, v29;
	v29 =	vpop (erf);
	v30 =	vshll.u32 v43, $0x10  }
0x39a: {  	s4 =	sshll.u32 s4, $0x5;
	v35 =	vld.idx.msk [tilespmem:v16+s21+$0x0], $0xffff;
	v26 =	vmul.f32 v29, v26;
	v29 =	vmul.f32 v38, v37;
	v37 =	vadd.f32 v36, v32  }
0x39b: {  	s4 =	sadd.s32 s4, s12;
	s12 =	smov.u32 s13;
	s13 =	smov.u32 s0;
	v30 =	vmul.f32 v30, v33;
	v38 =	vld.idx.msk [tilespmem:v15+s21+$0x0], $0xffff;
	[tilespmem:s9+$0x180] =	vst v22;
	v33 =	vpop (erf);
	v22 =	vmul.f32 v36, v32  }
0x39c: {  	s15 =	sor.u32 $0x300, s4;
	s28 =	sor.u32 $0x380, s4;
	s6 =	sadd.s32 $0x10, s4;
	v32 =	vshll.u32 v41, $0x10;
	v36 =	vld.idx.msk [tilespmem:v18+s19+$0x0], $0xffff;
	[tilespmem:s5+$0x200] =	vst v26;
	v26 =	vmul.f32 v33, v29;
	(erf) = vrcp.f32 v37  }
0x39d: {  	s0 =	smov.u32 s1;
	s4 =	sor.u32 $0x300, s6;
	v29 =	vshll.u32 v39, $0x10;
	v40 =	vmul.f32 v30, v34;
	v34 =	vadd.f32 v30, v34;
	v33 =	vld.idx.msk [tilespmem:v10+s23+$0x0], $0xffff  }
0x39e: {  	v30 =	vshll.u32 v25, $0x10;
	v29 =	vmul.f32 v29, v41;
	v37 =	vshll.u32 v24, $0x10;
	v41 =	vld.idx.msk [tilespmem:v11+s23+$0x0], $0xffff;
	[tilespmem:s4+$0x16A80] =	vst v26  }
0x39f: {  	v43 =	vmul.f32 v30, v24;
	v42 =	vshll.u32 v31, $0x10;
	v37 =	vmul.f32 v37, v25;
	v24 =	vld.idx.msk [tilespmem:v8+s25+$0x0], $0xffff;
	v8 =	vmovc v10  }
0x3a0: {  	s29 =	sadd.s32 $0x20, s29;
	v30 =	vmul.f32 v32, v39;
	v10 =	vmov v16;
	v32 =	vpop (erf);
	v25 =	vld.idx.msk [tilespmem:v12+s25+$0x0], $0xffff;
	(erf) = vrcp.f32 v34  }
0x3a1: {  	p0 =	slt.u32 s29, $0x4E0;
	s4 =	sand.u32 $0x60, s29;
	v48 =	vshll.u32 v35, $0x10;
	v49 =	vadd.f32 v37, v43;
	v26 =	vshll.u32 v38, $0x10;
	v39 =	vld.idx.msk [tilespmem:v3+s22+$0x0], $0xffff;
	v45 =	vpop (erf)  }
0x3a2: {  	s7 =	sand.u32 $0x780, s29;
	s31 =	sor.u32 $0x10, s4;
	v16 =	vmovc v20;
	v47 =	vmul.f32 v48, v38;
	v34 =	vshll.u32 v36, $0x10;
	v46 =	vmul.f32 v26, v35;
	v38 =	vld.idx.msk [tilespmem:v0+s22+$0x0], $0xffff  }
0x3a3: {  	s7 =	sor.u32 s31, s7;
	v12 =	vmovc v11;
	v11 =	vmovc v15;
	v15 =	vmov v21;
	v31 =	vmul.f32 v34, v31;
	(erf) = vrcp.f32 v49  }
0x3a4: {  	v35 =	vshll.u32 v33, $0x10;
	v20 =	vadd.f32 v46, v47;
	v34 =	vshll.u32 v41, $0x10;
	v21 =	vld [tilespmem:s7+$0x13D80]  }
0x3a5: {  	v33 =	vmul.f32 v34, v33;
	v34 =	vmul.f32 v35, v41;
	v26 =	vpop (erf)  }
0x3a6: {  	v35 =	vshll.u32 v25, $0x10;
	(erf) = vrcp.f32 v20;
	v20 =	vshll.u32 v24, $0x10  }
0x3a7: {  	v41 =	vadd.f32 v33, v34;
	v24 =	vmul.f32 v35, v24;
	v25 =	vmul.f32 v20, v25  }
0x3a8: {  	v35 =	vmul.f32 v42, v36;
	v36 =	vmul.f32 v32, v44;
	v42 =	vshll.u32 v39, $0x10  }
0x3a9: {  	v20 =	vand.u32 $0xFFFF, v21;
	(erf) = vrcp.f32 v41;
	v41 =	vadd.f32 v24, v25;
	v44 =	vpop (erf)  }
0x3aa: {  	v32 =	vmul.f32 v31, v35;
	v49 =	vadd.f32 v31, v35;
	v21 =	vshrl.u32 v21, $0x10;
	[tilespmem:s11+$0x100] =	vst v36  }
.Ltmp1:
0x3ab: {  	v48 =	vmul.f32 v42, v38;
	v36 =	vshll.u32 v38, $0x10;
	v35 =	vld.idx.msk [tilespmem:v4+s21+$0x0], $0xffff;
	(erf) = vrcp.f32 v41;
	(pc) =	sbr.rel @p0 .LBB2_5-.Ltmp1, $4  }
0x3ac: {  	v41 =	vmul.f32 v37, v43;
	(erf) = vrcp.f32 v49;
	v31 =	vpop (erf);
	v37 =	vld.idx.msk [tilespmem:v23+s21+$0x0], $0xffff  }
0x3ad: {  	v40 =	vmul.f32 v44, v40;
	v49 =	vmul.f32 v36, v39  }
0x3ae: {  	v42 =	vadd.f32 v29, v30;
	v36 =	vmul.f32 v45, v27;
	v43 =	vmul.f32 v31, v41;
	v38 =	vld.idx.msk [tilespmem:v20+s3+$0x0], $0xffff  }
0x3af: {  	s8 =	sadd.s32 $0x20, s8;
	v44 =	vmul.f32 v46, v47;
	v31 =	vmul.f32 v49, v48;
	v41 =	vadd.f32 v49, v48;
	v39 =	vld.idx.msk [tilespmem:v21+s3+$0x0], $0xffff;
	v45 =	vpop (erf)  }
0x3b0: {  	_ =	sdelay $0x2  }
0x3b1: {  	[tilespmem:s26+$0x80] =	vst v43  }
0x3b2: {  	v62 =	vld.idx.msk [tilespmem:v16+s20+$0x0], $0xffff  }
0x3b3: {  	v63 =	vld.idx.msk [tilespmem:v15+s20+$0x0], $0xffff;
	_ =	sdelay $0x1  }
0x3b4: {  	(erf) = vrcp.f32 v42;
	v33 =	vmul.f32 v33, v34  }
0x3b5: {  	v27 =	vmul.f32 v45, v44;
	v50 =	vshll.u32 v38, $0x10;
	v51 =	vshll.u32 v39, $0x10  }
0x3b6: {  	v39 =	vmul.f32 v50, v39;
	v38 =	vmul.f32 v51, v38  }
0x3b7: {  	(erf) = vrcp.f32 v41;
	[tilespmem:s2+$0x180] =	vst v27;
	v56 =	vshll.u32 v62, $0x10;
	v46 =	vshll.u32 v63, $0x10  }
0x3b8: {  	v49 =	vpop (erf);
	v53 =	vld.idx.msk [tilespmem:v11+s22+$0x0], $0xffff;
	v43 =	vadd.f32 v38, v39;
	v42 =	vmul.f32 v46, v62;
	v34 =	vmul.f32 v56, v63  }
0x3b9: {  	v33 =	vmul.f32 v49, v33;
	v54 =	vld.idx.msk [tilespmem:v10+s22+$0x0], $0xffff  }
0x3ba: {  	[tilespmem:s10+$0x280] =	vst v40;
	v27 =	vpop (erf);
	(erf) = vrcp.f32 v43;
	v58 =	vadd.f32 v42, v34  }
0x3bb: {  	v47 =	vshll.u32 v35, $0x10;
	v29 =	vmul.f32 v29, v30;
	v40 =	vld.idx.msk [tilespmem:v2+s24+$0x0], $0xffff;
	[tilespmem:s5+$0x280] =	vst v33;
	v52 =	vpop (erf)  }
0x3bc: {  	v57 =	vshll.u32 v37, $0x10;
	v48 =	vld.idx.msk [tilespmem:v12+s24+$0x0], $0xffff;
	v32 =	vmul.f32 v52, v32;
	(erf) = vrcp.f32 v58  }
0x3bd: {  	v37 =	vmul.f32 v47, v37;
	v35 =	vmul.f32 v57, v35;
	v55 =	vld.idx.msk [tilespmem:v8+s24+$0x0], $0xffff  }
0x3be: {  	v49 =	vld.idx.msk [tilespmem:v1+s24+$0x0], $0xffff;
	v38 =	vmul.f32 v38, v39;
	[tilespmem:s18+$0x80] =	vst v32;
	v59 =	vshll.u32 v53, $0x10;
	v60 =	vshll.u32 v54, $0x10  }
0x3bf: {  	v61 =	vadd.f32 v35, v37;
	v62 =	vpop (erf);
	v44 =	vld.idx.msk [tilespmem:v7+s20+$0x0], $0xffff;
	v33 =	vmul.f32 v59, v54;
	v45 =	vmul.f32 v60, v53  }
0x3c0: {  	[tilespmem:s14+$0x16A80] =	vst v36;
	v56 =	vshll.u32 v40, $0x10;
	v63 =	vld.idx.msk [tilespmem:v18+s20+$0x0], $0xffff;
	v29 =	vmul.f32 v62, v29;
	v52 =	vpop (erf);
	v60 =	vmul.f32 v42, v34  }
0x3c1: {  	v6 =	vld.idx.msk [tilespmem:v6+s25+$0x0], $0xffff;
	v51 =	vshll.u32 v48, $0x10;
	v31 =	vmul.f32 v52, v31;
	v53 =	vadd.f32 v33, v45  }
0x3c2: {  	v5 =	vld.idx.msk [tilespmem:v5+s25+$0x0], $0xffff;
	s5 =	sadd.s32 $0x100, s1;
	v50 =	vshll.u32 v55, $0x10;
	v36 =	vmul.f32 v51, v55;
	(erf) = vrcp.f32 v61  }
0x3c3: {  	s1 =	sand.u32 $0x3C00, s5;
	v32 =	vshll.u32 v49, $0x10;
	v46 =	vmul.f32 v50, v48;
	(erf) = vrcp.f32 v53;
	v58 =	vpop (erf)  }
0x3c4: {  	s1 =	sadd.s32 $0x16A80, s1;
	[tilespmem:s9+$0x200] =	vst v31;
	v31 =	vmul.f32 v32, v40;
	v54 =	vshll.u32 v44, $0x10;
	v38 =	vmul.f32 v58, v38  }
0x3c5: {  	s14 =	sor.u32 s31, s1;
	v55 =	vadd.f32 v36, v46;
	v59 =	vld.idx.msk [tilespmem:v3+s23+$0x0], $0xffff;
	v57 =	vshll.u32 v63, $0x10;
	v41 =	vmul.f32 v54, v63;
	v48 =	vpop (erf)  }
0x3c6: {  	v62 =	vshll.u32 v6, $0x10;
	v28 =	vld.idx.msk [tilespmem:v28+s23+$0x0], $0xffff;
	v39 =	vmul.f32 v57, v44;
	[tilespmem:s14+$0x0] =	vst v38;
	v32 =	vmul.f32 v48, v60  }
0x3c7: {  	v30 =	vmul.f32 v56, v49;
	v61 =	vshll.u32 v5, $0x10;
	v5 =	vmul.f32 v62, v5;
	v50 =	vld.idx.msk [tilespmem:v20+s19+$0x0], $0xffff  }
0x3c8: {  	v6 =	vmul.f32 v61, v6;
	(erf) = vrcp.f32 v55;
	v63 =	vadd.f32 v39, v41;
	v51 =	vld.idx.msk [tilespmem:v21+s19+$0x0], $0xffff;
	[tilespmem:s26+$0x100] =	vst v32  }
0x3c9: {  	v33 =	vmul.f32 v33, v45;
	v36 =	vmul.f32 v36, v46;
	v49 =	vadd.f32 v30, v31;
	v55 =	vld.idx.msk [tilespmem:v16+s21+$0x0], $0xffff  }
0x3ca: {  	v56 =	vadd.f32 v5, v6;
	v52 =	vshll.u32 v59, $0x10;
	(erf) = vrcp.f32 v63;
	v57 =	vld.idx.msk [tilespmem:v15+s21+$0x0], $0xffff  }
0x3cb: {  	v54 =	vshll.u32 v28, $0x10;
	v42 =	vmul.f32 v52, v28;
	(erf) = vrcp.f32 v49;
	v38 =	vpop (erf)  }
0x3cc: {  	v40 =	vmul.f32 v54, v59;
	(erf) = vrcp.f32 v56;
	v53 =	vpop (erf)  }
0x3cd: {  	v32 =	vmul.f32 v53, v33;
	v58 =	vshll.u32 v50, $0x10;
	v59 =	vshll.u32 v51, $0x10  }
0x3ce: {  	s8 =	sadd.s32 $0x1, s30;
	s10 =	sor.u32 s4, s1;
	v44 =	vmul.f32 v59, v50;
	v34 =	vmul.f32 v58, v51  }
0x3cf: {  	s30 =	sand.u32 $0x3, s8;
	[tilespmem:s10+$0x0] =	vst v29;
	v43 =	vadd.f32 v40, v42;
	v48 =	vshll.u32 v55, $0x10;
	v49 =	vshll.u32 v57, $0x10  }
0x3d0: {  	s1 =	sshll.u32 s30, $0x5;
	[tilespmem:s2+$0x200] =	vst v32;
	v63 =	vadd.f32 v44, v34;
	v32 =	vmul.f32 v49, v55;
	v33 =	vmul.f32 v48, v57  }
0x3d1: {  	s1 =	sadd.s32 s1, s12;
	v47 =	vld.idx.msk [tilespmem:v19+s19+$0x0], $0xffff;
	(erf) = vrcp.f32 v43;
	v60 =	vpop (erf)  }
0x3d2: {  	s4 =	sadd.s32 $0x10, s1;
	v62 =	vld.idx.msk [tilespmem:v14+s19+$0x0], $0xffff;
	v61 =	vmul.f32 v60, v36;
	(erf) = vrcp.f32 v63;
	v52 =	vadd.f32 v32, v33  }
0x3d3: {  	s7 =	sor.u32 $0x300, s4;
	v54 =	vmul.f32 v35, v37;
	v50 =	vld.idx.msk [tilespmem:v10+s23+$0x0], $0xffff  }
0x3d4: {  	[tilespmem:s7+$0x16A80] =	vst v61;
	v51 =	vld.idx.msk [tilespmem:v11+s23+$0x0], $0xffff;
	(erf) = vrcp.f32 v52  }
0x3d5: {  	v53 =	vld.idx.msk [tilespmem:v8+s25+$0x0], $0xffff;
	v8 =	vmul.f32 v38, v54  }
0x3d6: {  	v56 =	vmul.f32 v39, v41;
	v59 =	vshll.u32 v47, $0x10  }
0x3d7: {  	v30 =	vmul.f32 v30, v31;
	v36 =	vmul.f32 v59, v62;
	v55 =	vld.idx.msk [tilespmem:v12+s25+$0x0], $0xffff;
	v58 =	vpop (erf)  }
0x3d8: {  	v57 =	vshll.u32 v62, $0x10;
	v34 =	vmul.f32 v44, v34;
	v41 =	vpop (erf);
	v38 =	vmul.f32 v58, v56  }
0x3d9: {  	[tilespmem:s11+$0x180] =	vst v8;
	v37 =	vmul.f32 v57, v47;
	v56 =	vmul.f32 v40, v42;
	v8 =	vpop (erf)  }
0x3da: {  	v32 =	vmul.f32 v32, v33;
	v60 =	vshll.u32 v50, $0x10;
	v61 =	vshll.u32 v51, $0x10;
	v48 =	vpop (erf)  }
0x3db: {  	v39 =	vld.idx.msk [tilespmem:v4+s22+$0x0], $0xffff;
	v43 =	vmul.f32 v61, v50;
	v29 =	vmul.f32 v60, v51;
	v54 =	vpop (erf)  }
0x3dc: {  	[tilespmem:s18+$0x100] =	vst v38;
	v62 =	vshll.u32 v53, $0x10;
	v52 =	vld.idx.msk [tilespmem:v23+s22+$0x0], $0xffff;
	v63 =	vshll.u32 v55, $0x10;
	v34 =	vmul.f32 v54, v34  }
0x3dd: {  	v38 =	vld.idx.msk [tilespmem:v7+s21+$0x0], $0xffff;
	v28 =	vmul.f32 v62, v55;
	v12 =	vmul.f32 v63, v53;
	v53 =	vadd.f32 v43, v29;
	v59 =	vpop (erf)  }
0x3de: {  	v30 =	vmul.f32 v41, v30;
	v58 =	vld.idx.msk [tilespmem:v18+s21+$0x0], $0xffff;
	[tilespmem:s14+$0x80] =	vst v34;
	v32 =	vmul.f32 v59, v32  }
0x3df: {  	v57 =	vadd.f32 v36, v37;
	(erf) = vrcp.f32 v53;
	v55 =	vadd.f32 v12, v28;
	v34 =	vld.idx.msk [tilespmem:v20+s20+$0x0], $0xffff  }
0x3e0: {  	v33 =	vmul.f32 v48, v56;
	v63 =	vmul.f32 v36, v37;
	v62 =	vld.idx.msk [tilespmem:v21+s20+$0x0], $0xffff;
	[tilespmem:s26+$0x180] =	vst v32  }
0x3e1: {  	v29 =	vmul.f32 v43, v29;
	v60 =	vshll.u32 v39, $0x10;
	(erf) = vrcp.f32 v55;
	v49 =	vld.idx.msk [tilespmem:v16+s22+$0x0], $0xffff  }
0x3e2: {  	v61 =	vshll.u32 v52, $0x10;
	v35 =	vmul.f32 v60, v52;
	(erf) = vrcp.f32 v57;
	v52 =	vld.idx.msk [tilespmem:v15+s22+$0x0], $0xffff  }
0x3e3: {  	v51 =	vshll.u32 v38, $0x10;
	v42 =	vshll.u32 v58, $0x10;
	v39 =	vmul.f32 v61, v39  }
0x3e4: {  	v43 =	vmul.f32 v51, v58;
	v38 =	vmul.f32 v42, v38  }
0x3e5: {  	v50 =	vadd.f32 v39, v35;
	v53 =	vshll.u32 v34, $0x10;
	v54 =	vshll.u32 v62, $0x10  }
0x3e6: {  	v34 =	vmul.f32 v54, v34;
	v37 =	vmul.f32 v53, v62  }
0x3e7: {  	(erf) = vrcp.f32 v50;
	v58 =	vshll.u32 v49, $0x10;
	v59 =	vshll.u32 v52, $0x10  }
0x3e8: {  	[tilespmem:s9+$0x280] =	vst v33;
	v55 =	vpop (erf);
	v57 =	vadd.f32 v34, v37;
	v36 =	vmul.f32 v59, v49;
	v44 =	vmul.f32 v58, v52  }
0x3e9: {  	[tilespmem:s15+$0x16A80] =	vst v30;
	v51 =	vld.idx.msk [tilespmem:v3+s24+$0x0], $0xffff;
	v61 =	vadd.f32 v38, v43;
	v56 =	vmul.f32 v55, v29  }
0x3ea: {  	v55 =	vld.idx.msk [tilespmem:v1+s25+$0x0], $0xffff;
	v29 =	vpop (erf);
	(erf) = vrcp.f32 v57;
	v48 =	vadd.f32 v36, v44  }
0x3eb: {  	[tilespmem:s2+$0x280] =	vst v56;
	v56 =	vld.idx.msk [tilespmem:v2+s25+$0x0], $0xffff;
	v60 =	vpop (erf);
	(erf) = vrcp.f32 v61  }
0x3ec: {  	v62 =	vld.idx.msk [tilespmem:v11+s24+$0x0], $0xffff;
	v32 =	vmul.f32 v60, v63;
	(erf) = vrcp.f32 v48  }
0x3ed: {  	v63 =	vld.idx.msk [tilespmem:v10+s24+$0x0], $0xffff  }
0x3ee: {  	v49 =	vld.idx.msk [tilespmem:v0+s24+$0x0], $0xffff;
	[tilespmem:s10+$0x80] =	vst v32  }
0x3ef: {  	v35 =	vmul.f32 v39, v35;
	v32 =	vld.idx.msk [tilespmem:v14+s20+$0x0], $0xffff  }
0x3f0: {  	v53 =	vpop (erf);
	v34 =	vmul.f32 v34, v37;
	v50 =	vld.idx.msk [tilespmem:v19+s20+$0x0], $0xffff  }
0x3f1: {  	v30 =	vmul.f32 v53, v35;
	v36 =	vmul.f32 v36, v44  }
0x3f2: {  	v52 =	vshll.u32 v62, $0x10;
	v61 =	vshll.u32 v51, $0x10;
	v48 =	vshll.u32 v56, $0x10  }
0x3f3: {  	v54 =	vshll.u32 v63, $0x10;
	v33 =	vmul.f32 v52, v63;
	v31 =	vmul.f32 v61, v49;
	v59 =	vpop (erf)  }
0x3f4: {  	[tilespmem:s11+$0x200] =	vst v30;
	v1 =	vmul.f32 v48, v55;
	v57 =	vshll.u32 v32, $0x10;
	v30 =	vmul.f32 v59, v34;
	v39 =	vpop (erf)  }
0x3f5: {  	v60 =	vld.idx.msk [tilespmem:v4+s23+$0x0], $0xffff;
	v40 =	vmul.f32 v54, v62;
	v41 =	vshll.u32 v50, $0x10;
	v35 =	vmul.f32 v57, v50;
	v63 =	vpop (erf)  }
0x3f6: {  	v9 =	vld.idx.msk [tilespmem:v9+s23+$0x0], $0xffff;
	v58 =	vshll.u32 v49, $0x10;
	v32 =	vmul.f32 v41, v32;
	[tilespmem:s14+$0x100] =	vst v30;
	v30 =	vmul.f32 v63, v36  }
0x3f7: {  	v37 =	vmul.f32 v58, v51;
	v62 =	vshll.u32 v55, $0x10;
	v42 =	vadd.f32 v33, v40;
	v50 =	vld.idx.msk [tilespmem:v20+s21+$0x0], $0xffff  }
0x3f8: {  	v2 =	vmul.f32 v62, v56;
	v49 =	vadd.f32 v32, v35;
	v52 =	vld.idx.msk [tilespmem:v21+s21+$0x0], $0xffff;
	[tilespmem:s26+$0x200] =	vst v30  }
0x3f9: {  	v51 =	vadd.f32 v37, v31;
	(erf) = vrcp.f32 v42;
	v56 =	vld.idx.msk [tilespmem:v16+s23+$0x0], $0xffff  }
0x3fa: {  	v55 =	vadd.f32 v1, v2;
	(erf) = vrcp.f32 v49;
	v57 =	vld.idx.msk [tilespmem:v15+s23+$0x0], $0xffff  }
0x3fb: {  	v53 =	vshll.u32 v60, $0x10;
	(erf) = vrcp.f32 v51  }
0x3fc: {  	v54 =	vshll.u32 v9, $0x10;
	v41 =	vmul.f32 v53, v9;
	(erf) = vrcp.f32 v55  }
0x3fd: {  	v30 =	vmul.f32 v54, v60;
	v59 =	vshll.u32 v50, $0x10;
	v60 =	vshll.u32 v52, $0x10  }
0x3fe: {  	v44 =	vmul.f32 v60, v50;
	v36 =	vmul.f32 v59, v52  }
0x3ff: {  	v58 =	vadd.f32 v30, v41;
	v62 =	vshll.u32 v56, $0x10;
	v63 =	vshll.u32 v57, $0x10  }
0x400: {  	v61 =	vadd.f32 v44, v36;
	v42 =	vmul.f32 v63, v56;
	v45 =	vmul.f32 v62, v57  }
0x401: {  	s31 =	sadd.s32 $0x1, s8;
	(erf) = vrcp.f32 v58  }
0x402: {  	s8 =	sand.u32 $0x3, s31;
	v49 =	vmul.f32 v38, v43;
	(erf) = vrcp.f32 v61;
	v47 =	vadd.f32 v42, v45  }
0x403: {  	s2 =	sshll.u32 s8, $0x5;
	v46 =	vmul.f32 v33, v40  }
0x404: {  	s2 =	sadd.s32 s2, s13;
	v33 =	vmul.f32 v39, v49;
	v48 =	vpop (erf);
	(erf) = vrcp.f32 v47  }
0x405: {  	s8 =	sadd.s32 $0x10, s2;
	v9 =	vmul.f32 v48, v46  }
0x406: {  	s12 =	sor.u32 $0x300, s8;
	v32 =	vmul.f32 v32, v35;
	[tilespmem:s18+$0x180] =	vst v33  }
0x407: {  	v55 =	vld.idx.msk [tilespmem:v18+s22+$0x0], $0xffff;
	[tilespmem:s12+$0x16A80] =	vst v9;
	v50 =	vpop (erf)  }
0x408: {  	v51 =	vld.idx.msk [tilespmem:v11+s25+$0x0], $0xffff;
	v35 =	vpop (erf);
	v32 =	vmul.f32 v50, v32  }
0x409: {  	v52 =	vld.idx.msk [tilespmem:v10+s25+$0x0], $0xffff;
	v9 =	vpop (erf)  }
0x40a: {  	v53 =	vmul.f32 v44, v36;
	v36 =	vld.idx.msk [tilespmem:v7+s22+$0x0], $0xffff;
	[tilespmem:s10+$0x100] =	vst v32;
	v33 =	vpop (erf)  }
0x40b: {  	v58 =	vld.idx.msk [tilespmem:v14+s21+$0x0], $0xffff;
	v54 =	vpop (erf)  }
0x40c: {  	v59 =	vmul.f32 v42, v45;
	v61 =	vld.idx.msk [tilespmem:v19+s21+$0x0], $0xffff;
	v56 =	vmul.f32 v54, v53  }
0x40d: {  	v62 =	vpop (erf)  }
0x40e: {  	v57 =	vshll.u32 v51, $0x10;
	[tilespmem:s14+$0x180] =	vst v56;
	v63 =	vmul.f32 v62, v59  }
0x40f: {  	v60 =	vshll.u32 v52, $0x10;
	v10 =	vmul.f32 v57, v52;
	v52 =	vshll.u32 v55, $0x10;
	v48 =	vld.idx.msk [tilespmem:v20+s22+$0x0], $0xffff  }
0x410: {  	v50 =	vshll.u32 v36, $0x10;
	v11 =	vmul.f32 v60, v51;
	v36 =	vmul.f32 v52, v36;
	v49 =	vld.idx.msk [tilespmem:v21+s22+$0x0], $0xffff;
	[tilespmem:s26+$0x280] =	vst v63  }
0x411: {  	v57 =	vshll.u32 v61, $0x10;
	v53 =	vmul.f32 v50, v55;
	v55 =	vshll.u32 v58, $0x10;
	v54 =	vld.idx.msk [tilespmem:v15+s24+$0x0], $0xffff  }
0x412: {  	v51 =	vadd.f32 v10, v11;
	v38 =	vmul.f32 v57, v58;
	v34 =	vmul.f32 v55, v61;
	v56 =	vld.idx.msk [tilespmem:v16+s24+$0x0], $0xffff  }
0x413: {  	v45 =	vadd.f32 v36, v53  }
0x414: {  	v30 =	vmul.f32 v30, v41;
	(erf) = vrcp.f32 v51;
	v60 =	vadd.f32 v38, v34  }
0x415: {  	(erf) = vrcp.f32 v45;
	v58 =	vshll.u32 v48, $0x10;
	v59 =	vshll.u32 v49, $0x10  }
0x416: {  	v40 =	vmul.f32 v59, v48;
	v42 =	vmul.f32 v58, v49  }
0x417: {  	(erf) = vrcp.f32 v60;
	v61 =	vshll.u32 v54, $0x10;
	v62 =	vshll.u32 v56, $0x10  }
0x418: {  	v44 =	vmul.f32 v61, v56;
	v63 =	vadd.f32 v40, v42;
	v39 =	vmul.f32 v62, v54;
	_ =	sdelay $0x1  }
0x419: {  	v30 =	vmul.f32 v33, v30;
	(erf) = vrcp.f32 v63;
	v46 =	vadd.f32 v44, v39;
	_ =	sdelay $0x1  }
0x41a: {  	v31 =	vmul.f32 v37, v31;
	(erf) = vrcp.f32 v46  }
0x41b: {  	[tilespmem:s11+$0x280] =	vst v30  }
0x41c: {  	v31 =	vmul.f32 v35, v31;
	v47 =	vld.idx.msk [tilespmem:v4+s24+$0x0], $0xffff;
	v32 =	vmul.f32 v36, v53;
	v30 =	vpop (erf)  }
0x41d: {  	s13 =	sor.u32 $0x300, s1;
	v48 =	vld.idx.msk [tilespmem:v23+s24+$0x0], $0xffff;
	v49 =	vpop (erf)  }
0x41e: {  	[tilespmem:s13+$0x16A80] =	vst v31;
	v34 =	vmul.f32 v38, v34;
	v32 =	vmul.f32 v49, v32  }
0x41f: {  	v51 =	vld.idx.msk [tilespmem:v0+s25+$0x0], $0xffff;
	v53 =	vpop (erf)  }
0x420: {  	s15 =	sadd.s32 $0x1, s31;
	v50 =	vld.idx.msk [tilespmem:v3+s25+$0x0], $0xffff;
	v52 =	vmul.f32 v40, v42;
	v34 =	vmul.f32 v53, v34;
	[tilespmem:s18+$0x200] =	vst v32  }
0x421: {  	s26 =	sand.u32 $0x3, s15;
	v56 =	vshll.u32 v47, $0x10;
	v55 =	vld.idx.msk [tilespmem:v7+s23+$0x0], $0xffff;
	v54 =	vpop (erf)  }
0x422: {  	s7 =	sshll.u32 s26, $0x5;
	v39 =	vmul.f32 v44, v39;
	v57 =	vshll.u32 v48, $0x10;
	v13 =	vld.idx.msk [tilespmem:v13+s23+$0x0], $0xffff;
	[tilespmem:s10+$0x180] =	vst v34;
	v0 =	vmul.f32 v54, v52  }
0x423: {  	s0 =	sadd.s32 s7, s0;
	v31 =	vmul.f32 v56, v48;
	v33 =	vmul.f32 v57, v47;
	v47 =	vld.idx.msk [tilespmem:v14+s22+$0x0], $0xffff;
	v58 =	vpop (erf)  }
0x424: {  	s29 =	sadd.s32 $0x10, s0;
	v48 =	vld.idx.msk [tilespmem:v19+s22+$0x0], $0xffff;
	[tilespmem:s14+$0x200] =	vst v0;
	v32 =	vmul.f32 v58, v39  }
0x425: {  	v60 =	vshll.u32 v51, $0x10;
	s30 =	sor.u32 $0x300, s29;
	v59 =	vshll.u32 v50, $0x10;
	v62 =	vadd.f32 v33, v31;
	v61 =	vld.idx.msk [tilespmem:v20+s23+$0x0], $0xffff  }
0x426: {  	v3 =	vmul.f32 v59, v51;
	v0 =	vmul.f32 v60, v50;
	v63 =	vld.idx.msk [tilespmem:v21+s23+$0x0], $0xffff;
	[tilespmem:s30+$0x16A80] =	vst v32  }
0x427: {  	(erf) = vrcp.f32 v62;
	v44 =	vld.idx.msk [tilespmem:v16+s25+$0x0], $0xffff  }
0x428: {  	v42 =	vshll.u32 v55, $0x10;
	v43 =	vshll.u32 v13, $0x10;
	v38 =	vadd.f32 v0, v3;
	v46 =	vld.idx.msk [tilespmem:v15+s25+$0x0], $0xffff  }
0x429: {  	v45 =	vmul.f32 v43, v55;
	v32 =	vmul.f32 v42, v13  }
0x42a: {  	v53 =	vshll.u32 v47, $0x10;
	(erf) = vrcp.f32 v38  }
0x42b: {  	v13 =	vadd.f32 v45, v32;
	v49 =	vshll.u32 v61, $0x10;
	v50 =	vshll.u32 v63, $0x10  }
0x42c: {  	v54 =	vshll.u32 v48, $0x10;
	v39 =	vmul.f32 v50, v61;
	v35 =	vmul.f32 v49, v63  }
0x42d: {  	(erf) = vrcp.f32 v13;
	v51 =	vshll.u32 v44, $0x10;
	v52 =	vshll.u32 v46, $0x10  }
0x42e: {  	v40 =	vadd.f32 v39, v35;
	v13 =	vmul.f32 v52, v44;
	v15 =	vmul.f32 v51, v46  }
0x42f: {  	v36 =	vmul.f32 v54, v47;
	v16 =	vmul.f32 v53, v48  }
0x430: {  	(erf) = vrcp.f32 v40;
	v55 =	vadd.f32 v13, v15  }
0x431: {  	v38 =	vadd.f32 v36, v16  }
0x432: {  	(erf) = vrcp.f32 v55  }
0x433: {  	(erf) = vrcp.f32 v38;
	_ =	sdelay $0x1  }
0x434: {  	v31 =	vmul.f32 v33, v31  }
0x435: {  	v56 =	vpop (erf)  }
0x436: {  	v32 =	vmul.f32 v45, v32;
	v31 =	vmul.f32 v56, v31;
	v34 =	vpop (erf)  }
0x437: {  	s31 =	sor.u32 $0x300, s2;
	v35 =	vmul.f32 v39, v35;
	v57 =	vpop (erf)  }
0x438: {  	[tilespmem:s31+$0x16A80] =	vst v31;
	v32 =	vmul.f32 v57, v32;
	v58 =	vpop (erf)  }
0x439: {  	v62 =	vld.idx.msk [tilespmem:v4+s25+$0x0], $0xffff;
	v35 =	vmul.f32 v58, v35  }
0x43a: {  	v16 =	vmul.f32 v36, v16;
	v63 =	vld.idx.msk [tilespmem:v23+s25+$0x0], $0xffff;
	[tilespmem:s18+$0x280] =	vst v32;
	v33 =	vpop (erf)  }
0x43b: {  	v32 =	vld.idx.msk [tilespmem:v7+s24+$0x0], $0xffff;
	[tilespmem:s14+$0x280] =	vst v35;
	v60 =	vpop (erf)  }
0x43c: {  	v35 =	vld.idx.msk [tilespmem:v20+s24+$0x0], $0xffff;
	v16 =	vmul.f32 v60, v16  }
0x43d: {  	v59 =	vld.idx.msk [tilespmem:v21+s24+$0x0], $0xffff  }
0x43e: {  	v61 =	vld.idx.msk [tilespmem:v18+s24+$0x0], $0xffff;
	[tilespmem:s10+$0x200] =	vst v16  }
0x43f: {  	v16 =	vld.idx.msk [tilespmem:v14+s23+$0x0], $0xffff  }
0x440: {  	v47 =	vshll.u32 v63, $0x10;
	v48 =	vshll.u32 v62, $0x10;
	v17 =	vld.idx.msk [tilespmem:v17+s23+$0x0], $0xffff  }
0x441: {  	v4 =	vmul.f32 v47, v62;
	v23 =	vmul.f32 v48, v63  }
0x442: {  	v44 =	vshll.u32 v32, $0x10;
	v42 =	vshll.u32 v35, $0x10;
	v43 =	vshll.u32 v59, $0x10  }
0x443: {  	v45 =	vshll.u32 v61, $0x10;
	v35 =	vmul.f32 v43, v35;
	v36 =	vmul.f32 v42, v59  }
0x444: {  	v32 =	vmul.f32 v45, v32;
	v31 =	vmul.f32 v44, v61  }
0x445: {  	v46 =	vadd.f32 v35, v36;
	v49 =	vshll.u32 v16, $0x10;
	v50 =	vshll.u32 v17, $0x10  }
0x446: {  	v51 =	vadd.f32 v32, v31;
	v17 =	vmul.f32 v49, v17;
	v16 =	vmul.f32 v50, v16  }
0x447: {  	v52 =	vadd.f32 v4, v23;
	(erf) = vrcp.f32 v46  }
0x448: {  	(erf) = vrcp.f32 v51;
	v38 =	vadd.f32 v16, v17  }
0x449: {  	(erf) = vrcp.f32 v52  }
0x44a: {  	(erf) = vrcp.f32 v38;
	_ =	sdelay $0x3  }
0x44b: {  	s11 =	sadd.s32 $0x1, s15  }
0x44c: {  	s7 =	sand.u32 $0x3, s11  }
0x44d: {  	s7 =	sshll.u32 s7, $0x5;
	v35 =	vmul.f32 v35, v36;
	v53 =	vpop (erf)  }
0x44e: {  	s5 =	sadd.s32 s7, s5;
	v54 =	vpop (erf)  }
0x44f: {  	s12 =	sadd.s32 $0x10, s5;
	v16 =	vmul.f32 v16, v17;
	v35 =	vmul.f32 v53, v35;
	v17 =	vpop (erf)  }
0x450: {  	s13 =	sor.u32 $0x300, s12;
	v55 =	vpop (erf)  }
0x451: {  	[tilespmem:s13+$0x16A80] =	vst v35;
	v16 =	vmul.f32 v55, v16  }
0x452: {  	v56 =	vld.idx.msk [tilespmem:v20+s25+$0x0], $0xffff  }
0x453: {  	v57 =	vld.idx.msk [tilespmem:v21+s25+$0x0], $0xffff;
	[tilespmem:s10+$0x280] =	vst v16  }
0x454: {  	v16 =	vld.idx.msk [tilespmem:v14+s24+$0x0], $0xffff  }
0x455: {  	v58 =	vld.idx.msk [tilespmem:v19+s24+$0x0], $0xffff;
	_ =	sdelay $0x2  }
0x456: {  	v59 =	vshll.u32 v57, $0x10  }
0x457: {  	v60 =	vshll.u32 v56, $0x10;
	v20 =	vmul.f32 v59, v56  }
0x458: {  	v21 =	vmul.f32 v60, v57;
	v61 =	vshll.u32 v16, $0x10;
	v62 =	vshll.u32 v58, $0x10  }
0x459: {  	v16 =	vmul.f32 v62, v16;
	v35 =	vmul.f32 v61, v58  }
0x45a: {  	v63 =	vadd.f32 v20, v21  }
0x45b: {  	v38 =	vadd.f32 v16, v35  }
0x45c: {  	(erf) = vrcp.f32 v63  }
0x45d: {  	(erf) = vrcp.f32 v38;
	_ =	sdelay $0x5  }
0x45e: {  	v31 =	vmul.f32 v32, v31;
	_ =	sdelay $0x1  }
0x45f: {  	v31 =	vmul.f32 v54, v31;
	v16 =	vmul.f32 v16, v35;
	v38 =	vpop (erf)  }
0x460: {  	s14 =	sor.u32 $0x300, s0;
	v39 =	vpop (erf)  }
0x461: {  	[tilespmem:s14+$0x16A80] =	vst v31;
	v16 =	vmul.f32 v39, v16  }
0x462: {  	s15 =	sor.u32 $0x300, s5;
	v40 =	vld.idx.msk [tilespmem:v7+s25+$0x0], $0xffff  }
0x463: {  	v41 =	vld.idx.msk [tilespmem:v18+s25+$0x0], $0xffff;
	[tilespmem:s15+$0x16A80] =	vst v16  }
0x464: {  	v42 =	vld.idx.msk [tilespmem:v14+s25+$0x0], $0xffff  }
0x465: {  	v43 =	vld.idx.msk [tilespmem:v19+s25+$0x0], $0xffff;
	_ =	sdelay $0x2  }
0x466: {  	v44 =	vshll.u32 v41, $0x10  }
0x467: {  	v24 =	vmul.f32 v24, v25;
	v45 =	vshll.u32 v40, $0x10;
	v7 =	vmul.f32 v44, v40  }
0x468: {  	v16 =	vmul.f32 v45, v41;
	v46 =	vshll.u32 v42, $0x10;
	v47 =	vshll.u32 v43, $0x10  }
0x469: {  	v14 =	vmul.f32 v47, v42;
	v18 =	vmul.f32 v46, v43  }
0x46a: {  	v48 =	vadd.f32 v7, v16  }
0x46b: {  	v22 =	vmul.f32 v26, v22;
	v24 =	vmul.f32 v27, v24;
	v25 =	vadd.f32 v14, v18  }
0x46c: {  	v5 =	vmul.f32 v5, v6;
	(erf) = vrcp.f32 v48  }
0x46d: {  	v1 =	vmul.f32 v1, v2;
	(erf) = vrcp.f32 v25  }
0x46e: {  	s6 =	sor.u32 $0x380, s6;
	[tilespmem:s16+$0x16A80] =	vst v22;
	v5 =	vmul.f32 v8, v5;
	v0 =	vmul.f32 v0, v3  }
0x46f: {  	[tilespmem:s6+$0x16A80] =	vst v24;
	v1 =	vmul.f32 v9, v1;
	v49 =	vmul.f32 v12, v28  }
0x470: {  	[tilespmem:s17+$0x16A80] =	vst v5;
	v0 =	vmul.f32 v34, v0;
	v51 =	vmul.f32 v10, v11  }
0x471: {  	s1 =	sor.u32 $0x380, s1;
	[tilespmem:s28+$0x16A80] =	vst v1;
	v50 =	vmul.f32 v29, v49;
	v53 =	vmul.f32 v13, v15  }
0x472: {  	s4 =	sor.u32 $0x380, s4;
	[tilespmem:s1+$0x16A80] =	vst v0;
	v52 =	vmul.f32 v30, v51;
	v54 =	vmul.f32 v4, v23  }
0x473: {  	s17 =	sor.u32 $0x380, s8;
	[tilespmem:s4+$0x16A80] =	vst v50;
	v55 =	vmul.f32 v33, v53;
	v56 =	vmul.f32 v20, v21  }
0x474: {  	s18 =	sor.u32 $0x380, s29;
	[tilespmem:s17+$0x16A80] =	vst v52;
	v57 =	vmul.f32 v17, v54;
	v58 =	vmul.f32 v7, v16  }
0x475: {  	s26 =	sor.u32 $0x380, s2;
	[tilespmem:s18+$0x16A80] =	vst v55;
	v59 =	vmul.f32 v38, v56;
	v61 =	vmul.f32 v14, v18;
	v60 =	vpop (erf)  }
0x476: {  	s28 =	sor.u32 $0x380, s12;
	[tilespmem:s26+$0x16A80] =	vst v57;
	v62 =	vmul.f32 v60, v58;
	v63 =	vpop (erf)  }
0x477: {  	s0 =	sor.u32 $0x380, s0;
	[tilespmem:s28+$0x16A80] =	vst v59;
	v1 =	vmul.f32 v63, v61  }
0x478: {  	s29 =	sor.u32 $0x380, s5;
	[tilespmem:s0+$0x16A80] =	vst v62  }
0x479: {  	[tilespmem:s29+$0x16A80] =	vst v1  }
0x47a: {  	s31 =	rddreg [dreg:$0x12]  }
0x47b: {  	s2 =	sadd.s32 $0x1, s31  }
0x47c: {  	p0 =	sne.s32 s2, $0x3E  }
.Ltmp2:
0x47d: {  	_ = 	snop;
	(pc) =	sbr.rel @p0 .LBB2_2-.Ltmp2, $4  }
0x47e: {  	s0 =	rddreg [dreg:$0xd]  }
0x47f: {  	s1 =	rddreg [dreg:$0x13]  }
0x480: {  	s30 =	simm.s32 $0x16A80;
	s0 =	sadd.s32 s1, s0  }
0x481: {  	[hbm4b:s0+s3] =	stream.linear.scatter [tilespmem:s30], [sflag:$0x4], $0x2800, $0x38;
	[tilespmem:$0x19280] =	vst v63  }
0x482: {  	s0 =	simm.s32 $0x1  }
0x483: {  	_ =	swait.ge [sflag:s0], $0x500  }
0x484: {  	[sflag:s0] =	ssyncset.done $0x0  }
0x485: {  	s1 =	simm.s32 $0x3;
	[sflag:s0] =	ssyncadd.s32 $0xFFFFFB00  }
0x486: {  	_ =	swait.ge [sflag:s1], $0x2800  }
0x487: {  	s10 =	simm.s32 $0x0;
	[sflag:s1] =	ssyncset.done $0x0  }
0x488: {  	s11 =	simm.s32 $0x13880;
	s2 =	sand.u32 $0x60, s10;
	[sflag:s1] =	ssyncadd.s32 $0xFFFFD800  }
0x489: {  	s12 =	sor.u32 $0x10, s2;
	s0 =	sand.u32 $0x780, s10;
	v0 =	vld [tilespmem:s11+$0x0]  }
0x48a: {  	s0 =	sor.u32 s12, s0  }
0x48b: {  	v1 =	vld [tilespmem:s0+$0x13880];
	_ =	sdelay $0x2  }
0x48c: {  	v18 =	vand.u32 $0xFFFF, v0  }
0x48d: {  	v19 =	vshrl.u32 v0, $0x10  }
0x48e: {  	v10 =	vand.u32 $0xFFFF, v1  }
0x48f: {  	v7 =	vshrl.u32 v1, $0x10;
	_ =	sdelay $0x1  }
0x490: {  	v0 =	vld.idx.msk [tilespmem:v18+s3+$0x0], $0xffff  }
0x491: {  	v1 =	vld.idx.msk [tilespmem:v19+s3+$0x0], $0xffff  }
0x492: {  	v2 =	vld.idx.msk [tilespmem:v10+s3+$0x0], $0xffff  }
0x493: {  	v3 =	vld.idx.msk [tilespmem:v7+s3+$0x0], $0xffff;
	_ =	sdelay $0x2  }
0x494: {  	v4 =	vshll.u32 v1, $0x10  }
0x495: {  	v5 =	vshll.u32 v0, $0x10;
	v0 =	vmul.f32 v4, v0  }
0x496: {  	v1 =	vmul.f32 v5, v1;
	v4 =	vshll.u32 v2, $0x10;
	v5 =	vshll.u32 v3, $0x10  }
0x497: {  	v2 =	vmul.f32 v5, v2;
	v3 =	vmul.f32 v4, v3  }
0x498: {  	v4 =	vadd.f32 v0, v1  }
0x499: {  	v5 =	vadd.f32 v2, v3  }
0x49a: {  	(erf) = vrcp.f32 v4  }
0x49b: {  	(erf) = vrcp.f32 v5;
	_ =	sdelay $0x7  }
0x49c: {  	s6 =	simm.s32 $0x0;
	v2 =	vmul.f32 v2, v3;
	v4 =	vpop (erf)  }
0x49d: {  	s13 =	sand.u32 $0x3C00, s6;
	v3 =	vpop (erf)  }
0x49e: {  	s4 =	sor.u32 $0x14280, s13;
	v2 =	vmul.f32 v3, v2  }
0x49f: {  	s5 =	sor.u32 s12, s4  }
0x4a0: {  	[tilespmem:s5+$0x0] =	vst v2  }
0x4a1: {  	v2 =	vld.idx.msk [tilespmem:v10+s19+$0x0], $0xffff  }
0x4a2: {  	v3 =	vld.idx.msk [tilespmem:v7+s19+$0x0], $0xffff;
	_ =	sdelay $0x4  }
0x4a3: {  	v5 =	vshll.u32 v2, $0x10;
	v6 =	vshll.u32 v3, $0x10  }
0x4a4: {  	v2 =	vmul.f32 v6, v2;
	v3 =	vmul.f32 v5, v3  }
0x4a5: {  	s7 =	simm.s32 $0x20  }
0x4a6: {  	s14 =	simm.s32 $0x138A0;
	s15 =	sand.u32 $0x60, s7;
	v5 =	vadd.f32 v2, v3  }
0x4a7: {  	s7 =	sand.u32 $0x780, s7;
	s16 =	sor.u32 $0x10, s15;
	v6 =	vld [tilespmem:s14+$0x0]  }
0x4a8: {  	s7 =	sor.u32 s16, s7;
	v0 =	vmul.f32 v0, v1;
	(erf) = vrcp.f32 v5  }
0x4a9: {  	v1 =	vld [tilespmem:s7+$0x13880]  }
0x4aa: {  	v0 =	vmul.f32 v4, v0  }
0x4ab: {  	s2 =	sor.u32 s2, s4  }
0x4ac: {  	[tilespmem:s2+$0x0] =	vst v0;
	v5 =	vand.u32 $0xFFFF, v6;
	v6 =	vshrl.u32 v6, $0x10  }
0x4ad: {  	v0 =	vld.idx.msk [tilespmem:v18+s19+$0x0], $0xffff  }
0x4ae: {  	v14 =	vshrl.u32 v1, $0x10;
	v4 =	vld.idx.msk [tilespmem:v19+s19+$0x0], $0xffff  }
0x4af: {  	v15 =	vand.u32 $0xFFFF, v1  }
0x4b0: {  	v1 =	vmul.f32 v2, v3  }
0x4b1: {  	v8 =	vld.idx.msk [tilespmem:v6+s3+$0x0], $0xffff;
	v3 =	vpop (erf)  }
0x4b2: {  	v2 =	vld.idx.msk [tilespmem:v5+s3+$0x0], $0xffff;
	v1 =	vmul.f32 v3, v1  }
0x4b3: {  	v12 =	vld.idx.msk [tilespmem:v14+s3+$0x0], $0xffff;
	v9 =	vshll.u32 v0, $0x10;
	v11 =	vshll.u32 v4, $0x10  }
0x4b4: {  	v0 =	vmul.f32 v11, v0;
	v3 =	vld.idx.msk [tilespmem:v15+s3+$0x0], $0xffff;
	[tilespmem:s5+$0x80] =	vst v1;
	v1 =	vmul.f32 v9, v4;
	_ =	sdelay $0x1  }
0x4b5: {  	v13 =	vshll.u32 v8, $0x10;
	v4 =	vld.idx.msk [tilespmem:v10+s20+$0x0], $0xffff;
	v16 =	vadd.f32 v0, v1  }
0x4b6: {  	v11 =	vshll.u32 v2, $0x10;
	v2 =	vmul.f32 v13, v2;
	v9 =	vld.idx.msk [tilespmem:v7+s20+$0x0], $0xffff  }
0x4b7: {  	v8 =	vmul.f32 v11, v8;
	(erf) = vrcp.f32 v16  }
0x4b8: {  	v13 =	vshll.u32 v12, $0x10;
	v11 =	vshll.u32 v3, $0x10  }
0x4b9: {  	v3 =	vmul.f32 v13, v3;
	v11 =	vmul.f32 v11, v12;
	v12 =	vadd.f32 v2, v8  }
0x4ba: {  	v13 =	vshll.u32 v4, $0x10  }
0x4bb: {  	v16 =	vshll.u32 v9, $0x10;
	v17 =	vadd.f32 v3, v11;
	(erf) = vrcp.f32 v12  }
0x4bc: {  	v4 =	vmul.f32 v16, v4;
	v9 =	vmul.f32 v13, v9  }
0x4bd: {  	(erf) = vrcp.f32 v17  }
0x4be: {  	v12 =	vadd.f32 v4, v9  }
0x4bf: {  	v0 =	vmul.f32 v0, v1  }
0x4c0: {  	(erf) = vrcp.f32 v12;
	v1 =	vpop (erf)  }
0x4c1: {  	v0 =	vmul.f32 v1, v0;
	_ =	sdelay $0x2  }
0x4c2: {  	[tilespmem:s2+$0x80] =	vst v0  }
0x4c3: {  	s17 =	simm.s32 $0x100;
	v3 =	vmul.f32 v3, v11;
	v1 =	vld.idx.msk [tilespmem:v18+s20+$0x0], $0xffff;
	v0 =	vpop (erf)  }
0x4c4: {  	s4 =	sand.u32 $0x3C00, s17;
	v11 =	vld.idx.msk [tilespmem:v19+s20+$0x0], $0xffff;
	v12 =	vpop (erf)  }
0x4c5: {  	s8 =	sor.u32 $0x14280, s4;
	v3 =	vmul.f32 v12, v3  }
0x4c6: {  	s4 =	sor.u32 s16, s8;
	v4 =	vmul.f32 v4, v9  }
0x4c7: {  	v9 =	vpop (erf);
	[tilespmem:s4+$0x0] =	vst v3  }
0x4c8: {  	v3 =	vmul.f32 v9, v4;
	v4 =	vld.idx.msk [tilespmem:v15+s19+$0x0], $0xffff  }
0x4c9: {  	v9 =	vshll.u32 v1, $0x10;
	v12 =	vshll.u32 v11, $0x10;
	v13 =	vld.idx.msk [tilespmem:v14+s19+$0x0], $0xffff  }
0x4ca: {  	[tilespmem:s5+$0x100] =	vst v3;
	v3 =	vmul.f32 v9, v11;
	v9 =	vmul.f32 v12, v1  }
0x4cb: {  	v1 =	vld.idx.msk [tilespmem:v10+s21+$0x0], $0xffff  }
0x4cc: {  	v11 =	vld.idx.msk [tilespmem:v7+s21+$0x0], $0xffff;
	v12 =	vadd.f32 v9, v3  }
0x4cd: {  	s18 =	simm.s32 $0x138C0  }
0x4ce: {  	v16 =	vld [tilespmem:s18+$0x0];
	(erf) = vrcp.f32 v12;
	v12 =	vshll.u32 v4, $0x10;
	v17 =	vshll.u32 v13, $0x10  }
0x4cf: {  	v4 =	vmul.f32 v17, v4;
	v12 =	vmul.f32 v12, v13  }
0x4d0: {  	s9 =	simm.s32 $0x40;
	v2 =	vmul.f32 v2, v8  }
0x4d1: {  	s26 =	sand.u32 $0x60, s9;
	v8 =	vshll.u32 v1, $0x10;
	v13 =	vshll.u32 v11, $0x10;
	v17 =	vadd.f32 v4, v12  }
0x4d2: {  	s9 =	sand.u32 $0x780, s9;
	s31 =	sor.u32 $0x10, s26;
	v13 =	vmul.f32 v13, v1;
	v8 =	vmul.f32 v8, v11  }
0x4d3: {  	s9 =	sor.u32 s31, s9;
	v0 =	vmul.f32 v0, v2;
	v2 =	vshrl.u32 v16, $0x10;
	(erf) = vrcp.f32 v17  }
0x4d4: {  	s0 =	sor.u32 s15, s8;
	v1 =	vand.u32 $0xFFFF, v16;
	v11 =	vld [tilespmem:s9+$0x13880];
	v16 =	vadd.f32 v13, v8  }
0x4d5: {  	[tilespmem:s0+$0x0] =	vst v0  }
0x4d6: {  	v0 =	vld.idx.msk [tilespmem:v5+s19+$0x0], $0xffff;
	(erf) = vrcp.f32 v16  }
0x4d7: {  	v3 =	vmul.f32 v9, v3;
	v16 =	vld.idx.msk [tilespmem:v6+s19+$0x0], $0xffff  }
0x4d8: {  	v9 =	vld.idx.msk [tilespmem:v2+s3+$0x0], $0xffff;
	v20 =	vpop (erf)  }
0x4d9: {  	v17 =	vld.idx.msk [tilespmem:v1+s3+$0x0], $0xffff;
	v21 =	vand.u32 $0xFFFF, v11;
	v3 =	vmul.f32 v20, v3  }
0x4da: {  	v20 =	vshrl.u32 v11, $0x10  }
0x4db: {  	v11 =	vshll.u32 v0, $0x10;
	[tilespmem:s2+$0x100] =	vst v3;
	v3 =	vmul.f32 v4, v12  }
0x4dc: {  	v22 =	vshll.u32 v16, $0x10;
	v11 =	vmul.f32 v11, v16;
	v16 =	vpop (erf)  }
0x4dd: {  	v0 =	vmul.f32 v22, v0;
	v22 =	vshll.u32 v9, $0x10;
	v3 =	vmul.f32 v16, v3  }
0x4de: {  	v8 =	vmul.f32 v13, v8;
	v4 =	vshll.u32 v17, $0x10;
	v23 =	vld.idx.msk [tilespmem:v21+s3+$0x0], $0xffff;
	v13 =	vmul.f32 v22, v17  }
0x4df: {  	v4 =	vmul.f32 v4, v9;
	v9 =	vld.idx.msk [tilespmem:v20+s3+$0x0], $0xffff;
	v17 =	vadd.f32 v0, v11;
	v16 =	vpop (erf);
	[tilespmem:s4+$0x80] =	vst v3  }
0x4e0: {  	v3 =	vmul.f32 v16, v8;
	v16 =	vld.idx.msk [tilespmem:v15+s20+$0x0], $0xffff  }
0x4e1: {  	(erf) = vrcp.f32 v17;
	v17 =	vld.idx.msk [tilespmem:v14+s20+$0x0], $0xffff  }
0x4e2: {  	v12 =	vld.idx.msk [tilespmem:v18+s21+$0x0], $0xffff  }
0x4e3: {  	v22 =	vld.idx.msk [tilespmem:v19+s21+$0x0], $0xffff;
	v8 =	vadd.f32 v13, v4  }
0x4e4: {  	v24 =	vshll.u32 v23, $0x10  }
0x4e5: {  	[tilespmem:s5+$0x180] =	vst v3;
	(erf) = vrcp.f32 v8;
	v25 =	vshll.u32 v9, $0x10;
	v9 =	vmul.f32 v24, v9  }
0x4e6: {  	v26 =	vld.idx.msk [tilespmem:v7+s22+$0x0], $0xffff;
	v23 =	vmul.f32 v25, v23;
	v24 =	vshll.u32 v16, $0x10;
	v25 =	vshll.u32 v17, $0x10  }
0x4e7: {  	v8 =	vshll.u32 v12, $0x10;
	v3 =	vld.idx.msk [tilespmem:v10+s22+$0x0], $0xffff;
	v16 =	vmul.f32 v25, v16;
	v17 =	vmul.f32 v24, v17  }
0x4e8: {  	v27 =	vshll.u32 v22, $0x10;
	v8 =	vmul.f32 v8, v22;
	v22 =	vadd.f32 v23, v9  }
0x4e9: {  	v25 =	vadd.f32 v16, v17  }
0x4ea: {  	(erf) = vrcp.f32 v22  }
0x4eb: {  	v0 =	vmul.f32 v0, v11;
	v24 =	vshll.u32 v26, $0x10  }
0x4ec: {  	v12 =	vmul.f32 v27, v12;
	v22 =	vshll.u32 v3, $0x10;
	v3 =	vmul.f32 v24, v3  }
0x4ed: {  	v22 =	vmul.f32 v22, v26;
	(erf) = vrcp.f32 v25;
	v25 =	vpop (erf)  }
0x4ee: {  	v24 =	vadd.f32 v12, v8;
	v0 =	vmul.f32 v25, v0  }
0x4ef: {  	v11 =	vadd.f32 v3, v22  }
0x4f0: {  	(erf) = vrcp.f32 v24  }
0x4f1: {  	(erf) = vrcp.f32 v11;
	[tilespmem:s0+$0x80] =	vst v0  }
0x4f2: {  	v9 =	vmul.f32 v23, v9;
	v11 =	vld.idx.msk [tilespmem:v5+s20+$0x0], $0xffff;
	v0 =	vpop (erf)  }
0x4f3: {  	s10 =	simm.s32 $0x200;
	v23 =	vld.idx.msk [tilespmem:v6+s20+$0x0], $0xffff;
	v24 =	vpop (erf)  }
0x4f4: {  	s8 =	sand.u32 $0x3C00, s10;
	v9 =	vmul.f32 v24, v9  }
0x4f5: {  	s8 =	sor.u32 $0x14280, s8;
	v16 =	vmul.f32 v16, v17  }
0x4f6: {  	s1 =	sor.u32 s31, s8  }
0x4f7: {  	[tilespmem:s1+$0x0] =	vst v9;
	v17 =	vshll.u32 v11, $0x10  }
0x4f8: {  	v3 =	vmul.f32 v3, v22;
	v22 =	vshll.u32 v23, $0x10;
	v24 =	vld.idx.msk [tilespmem:v21+s19+$0x0], $0xffff;
	v17 =	vmul.f32 v17, v23;
	v9 =	vpop (erf)  }
0x4f9: {  	v23 =	vld.idx.msk [tilespmem:v20+s19+$0x0], $0xffff;
	v11 =	vmul.f32 v22, v11;
	v9 =	vmul.f32 v9, v16;
	v16 =	vpop (erf)  }
0x4fa: {  	s11 =	simm.s32 $0x138E0;
	v25 =	vpop (erf)  }
0x4fb: {  	v4 =	vmul.f32 v13, v4;
	v26 =	vld [tilespmem:s11+$0x0];
	v13 =	vadd.f32 v11, v17;
	[tilespmem:s4+$0x100] =	vst v9;
	v3 =	vmul.f32 v25, v3  }
0x4fc: {  	v9 =	vld.idx.msk [tilespmem:v15+s21+$0x0], $0xffff  }
0x4fd: {  	(erf) = vrcp.f32 v13;
	v22 =	vld.idx.msk [tilespmem:v14+s21+$0x0], $0xffff;
	[tilespmem:s5+$0x200] =	vst v3  }
0x4fe: {  	v13 =	vshll.u32 v23, $0x10;
	v3 =	vmul.f32 v0, v4;
	v0 =	vshll.u32 v24, $0x10;
	v4 =	vld.idx.msk [tilespmem:v10+s23+$0x0], $0xffff  }
0x4ff: {  	s10 =	simm.s32 $0x60;
	v13 =	vmul.f32 v13, v24;
	v25 =	vld.idx.msk [tilespmem:v7+s23+$0x0], $0xffff;
	v23 =	vmul.f32 v0, v23  }
0x500: {  	s12 =	sand.u32 $0x60, s10;
	s8 =	sor.u32 s26, s8;
	v8 =	vmul.f32 v12, v8;
	v0 =	vshrl.u32 v26, $0x10  }
0x501: {  	s10 =	sand.u32 $0x780, s10;
	s13 =	sor.u32 $0x10, s12;
	[tilespmem:s8+$0x0] =	vst v3;
	v3 =	vand.u32 $0xFFFF, v26;
	v12 =	vadd.f32 v13, v23  }
0x502: {  	s10 =	sor.u32 s13, s10;
	v11 =	vmul.f32 v11, v17;
	v8 =	vmul.f32 v16, v8;
	v28 =	vld.idx.msk [tilespmem:v2+s19+$0x0], $0xffff;
	v27 =	vshll.u32 v22, $0x10  }
0x503: {  	v24 =	vshll.u32 v9, $0x10;
	v9 =	vmul.f32 v27, v9;
	(erf) = vrcp.f32 v12;
	v12 =	vld [tilespmem:s10+$0x13880]  }
0x504: {  	v26 =	vld.idx.msk [tilespmem:v1+s19+$0x0], $0xffff;
	v22 =	vmul.f32 v24, v22;
	v24 =	vshll.u32 v4, $0x10;
	v27 =	vshll.u32 v25, $0x10  }
0x505: {  	v16 =	vld.idx.msk [tilespmem:v0+s3+$0x0], $0xffff;
	v4 =	vmul.f32 v27, v4;
	v24 =	vmul.f32 v24, v25  }
0x506: {  	[tilespmem:s2+$0x180] =	vst v8;
	v29 =	vadd.f32 v9, v22;
	v25 =	vld.idx.msk [tilespmem:v3+s3+$0x0], $0xffff;
	v8 =	vpop (erf)  }
0x507: {  	v13 =	vmul.f32 v13, v23;
	v27 =	vld.idx.msk [tilespmem:v18+s22+$0x0], $0xffff;
	v11 =	vmul.f32 v8, v11;
	v17 =	vadd.f32 v4, v24  }
0x508: {  	v30 =	vld.idx.msk [tilespmem:v19+s22+$0x0], $0xffff;
	(erf) = vrcp.f32 v29;
	v29 =	vshll.u32 v28, $0x10;
	v8 =	vand.u32 $0xFFFF, v12  }
0x509: {  	v12 =	vshrl.u32 v12, $0x10;
	(erf) = vrcp.f32 v17;
	v17 =	vshll.u32 v26, $0x10  }
0x50a: {  	[tilespmem:s0+$0x100] =	vst v11;
	v26 =	vmul.f32 v29, v26;
	v11 =	vshll.u32 v16, $0x10;
	v17 =	vmul.f32 v17, v28  }
0x50b: {  	v9 =	vmul.f32 v9, v22;
	v23 =	vshll.u32 v25, $0x10;
	v11 =	vmul.f32 v11, v25  }
0x50c: {  	v16 =	vmul.f32 v23, v16;
	v23 =	vshll.u32 v27, $0x10;
	v25 =	vadd.f32 v26, v17;
	v29 =	vpop (erf)  }
0x50d: {  	v22 =	vmul.f32 v23, v30;
	v32 =	vld.idx.msk [tilespmem:v8+s3+$0x0], $0xffff;
	v13 =	vmul.f32 v29, v13;
	v29 =	vshll.u32 v30, $0x10  }
0x50e: {  	(erf) = vrcp.f32 v25;
	v25 =	vld.idx.msk [tilespmem:v12+s3+$0x0], $0xffff;
	v23 =	vmul.f32 v29, v27  }
0x50f: {  	v28 =	vld.idx.msk [tilespmem:v5+s21+$0x0], $0xffff;
	[tilespmem:s1+$0x80] =	vst v13;
	v13 =	vadd.f32 v11, v16  }
0x510: {  	v4 =	vmul.f32 v4, v24;
	v31 =	vld.idx.msk [tilespmem:v6+s21+$0x0], $0xffff;
	v24 =	vadd.f32 v23, v22  }
0x511: {  	v17 =	vmul.f32 v26, v17;
	v27 =	vpop (erf);
	(erf) = vrcp.f32 v13  }
0x512: {  	v29 =	vld.idx.msk [tilespmem:v21+s20+$0x0], $0xffff;
	v9 =	vmul.f32 v27, v9;
	v27 =	vpop (erf);
	(erf) = vrcp.f32 v24  }
0x513: {  	v26 =	vld.idx.msk [tilespmem:v20+s20+$0x0], $0xffff;
	v4 =	vmul.f32 v27, v4;
	v27 =	vshll.u32 v32, $0x10;
	v30 =	vshll.u32 v25, $0x10  }
0x514: {  	v13 =	vshll.u32 v28, $0x10;
	v30 =	vmul.f32 v30, v32;
	v25 =	vmul.f32 v27, v25  }
0x515: {  	[tilespmem:s4+$0x180] =	vst v9;
	v9 =	vmul.f32 v13, v31;
	v31 =	vshll.u32 v31, $0x10  }
0x516: {  	v24 =	vmul.f32 v31, v28;
	v28 =	vadd.f32 v30, v25  }
0x517: {  	v13 =	vld.idx.msk [tilespmem:v15+s22+$0x0], $0xffff  }
0x518: {  	v33 =	vld.idx.msk [tilespmem:v14+s22+$0x0], $0xffff;
	[tilespmem:s5+$0x280] =	vst v4;
	v31 =	vshll.u32 v29, $0x10;
	v36 =	vshll.u32 v26, $0x10;
	(erf) = vrcp.f32 v28  }
0x519: {  	v4 =	vld.idx.msk [tilespmem:v10+s24+$0x0], $0xffff;
	v29 =	vmul.f32 v36, v29;
	v26 =	vmul.f32 v31, v26  }
0x51a: {  	v27 =	vld.idx.msk [tilespmem:v7+s24+$0x0], $0xffff;
	v34 =	vpop (erf)  }
0x51b: {  	v22 =	vmul.f32 v23, v22;
	v28 =	vadd.f32 v29, v26;
	v23 =	vpop (erf)  }
0x51c: {  	v17 =	vmul.f32 v34, v17;
	v31 =	vshll.u32 v13, $0x10;
	v40 =	vpop (erf)  }
0x51d: {  	v37 =	vshll.u32 v33, $0x10;
	(erf) = vrcp.f32 v28;
	v22 =	vmul.f32 v40, v22  }
0x51e: {  	v13 =	vmul.f32 v37, v13;
	v31 =	vmul.f32 v31, v33;
	[tilespmem:s8+$0x80] =	vst v17;
	v17 =	vshll.u32 v4, $0x10  }
0x51f: {  	v35 =	vadd.f32 v24, v9;
	v28 =	vshll.u32 v27, $0x10;
	v17 =	vmul.f32 v17, v27;
	v27 =	vld.idx.msk [tilespmem:v2+s20+$0x0], $0xffff  }
0x520: {  	v25 =	vmul.f32 v30, v25;
	v39 =	vld.idx.msk [tilespmem:v1+s20+$0x0], $0xffff;
	v33 =	vadd.f32 v13, v31;
	v28 =	vmul.f32 v28, v4  }
0x521: {  	(erf) = vrcp.f32 v35;
	[tilespmem:s2+$0x200] =	vst v22;
	v22 =	vpop (erf)  }
0x522: {  	s10 =	simm.s32 $0x300;
	(erf) = vrcp.f32 v33;
	v41 =	vadd.f32 v28, v17;
	v22 =	vmul.f32 v22, v25  }
0x523: {  	s15 =	sand.u32 $0x3C00, s10  }
0x524: {  	s11 =	sor.u32 $0x14280, s15;
	v11 =	vmul.f32 v11, v16;
	(erf) = vrcp.f32 v41;
	v30 =	vshll.u32 v27, $0x10  }
0x525: {  	s5 =	sor.u32 s13, s11;
	v26 =	vmul.f32 v29, v26;
	v16 =	vshll.u32 v39, $0x10;
	v25 =	vmul.f32 v30, v39;
	v30 =	vld.idx.msk [tilespmem:v19+s23+$0x0], $0xffff  }
0x526: {  	s14 =	simm.s32 $0x13900;
	v16 =	vmul.f32 v16, v27;
	[tilespmem:s5+$0x0] =	vst v22;
	v22 =	vpop (erf)  }
0x527: {  	v38 =	vld [tilespmem:s14+$0x0];
	v22 =	vmul.f32 v22, v26  }
0x528: {  	v11 =	vmul.f32 v23, v11;
	v27 =	vld.idx.msk [tilespmem:v18+s23+$0x0], $0xffff;
	v29 =	vadd.f32 v25, v16  }
0x529: {  	s7 =	sor.u32 s12, s11;
	v24 =	vmul.f32 v24, v9;
	v42 =	vld.idx.msk [tilespmem:v8+s19+$0x0], $0xffff  }
0x52a: {  	v9 =	vmul.f32 v13, v31;
	[tilespmem:s7+$0x0] =	vst v11;
	v11 =	vld.idx.msk [tilespmem:v12+s19+$0x0], $0xffff;
	(erf) = vrcp.f32 v29;
	v13 =	vpop (erf);
	v29 =	vshll.u32 v30, $0x10  }
0x52b: {  	s6 =	sand.u32 $0x3, s6;
	v13 =	vmul.f32 v13, v24;
	v24 =	vld.idx.msk [tilespmem:v0+s19+$0x0], $0xffff;
	[tilespmem:s1+$0x100] =	vst v22;
	v22 =	vpop (erf)  }
0x52c: {  	s6 =	sshll.u32 s6, $0x5;
	v4 =	vand.u32 $0xFFFF, v38;
	v17 =	vmul.f32 v28, v17;
	v26 =	vld.idx.msk [tilespmem:v3+s19+$0x0], $0xffff;
	v22 =	vmul.f32 v22, v9  }
0x52d: {  	s12 =	sadd.s32 $0x0, s6;
	v16 =	vmul.f32 v25, v16;
	v25 =	vshll.u32 v27, $0x10;
	v27 =	vmul.f32 v29, v27;
	v31 =	vld.idx.msk [tilespmem:v21+s21+$0x0], $0xffff;
	v29 =	vpop (erf)  }
0x52e: {  	s13 =	sadd.s32 $0x10, s12;
	v25 =	vmul.f32 v25, v30;
	v28 =	vld.idx.msk [tilespmem:v20+s21+$0x0], $0xffff;
	v30 =	vshll.u32 v42, $0x10;
	v17 =	vmul.f32 v29, v17;
	[tilespmem:s4+$0x200] =	vst v22  }
0x52f: {  	s16 =	sor.u32 $0x300, s13;
	v43 =	vshll.u32 v11, $0x10;
	v30 =	vmul.f32 v30, v11;
	v9 =	vshrl.u32 v38, $0x10;
	v22 =	vld.idx.msk [tilespmem:v15+s23+$0x0], $0xffff  }
0x530: {  	v29 =	vadd.f32 v27, v25;
	v25 =	vmul.f32 v27, v25;
	v45 =	vshll.u32 v24, $0x10;
	v44 =	vld.idx.msk [tilespmem:v14+s23+$0x0], $0xffff;
	[tilespmem:s16+$0x14280] =	vst v17  }
0x531: {  	s17 =	simm.s32 $0x80;
	v32 =	vmul.f32 v45, v26;
	v17 =	vmul.f32 v43, v42;
	v10 =	vld.idx.msk [tilespmem:v10+s25+$0x0], $0xffff  }
0x532: {  	s18 =	sand.u32 $0x60, s17;
	v26 =	vshll.u32 v26, $0x10;
	(erf) = vrcp.f32 v29;
	v27 =	vshll.u32 v31, $0x10;
	v7 =	vld.idx.msk [tilespmem:v7+s25+$0x0], $0xffff  }
0x533: {  	s26 =	sor.u32 $0x10, s18;
	s11 =	sand.u32 $0x780, s17;
	v23 =	vld.idx.msk [tilespmem:v4+s3+$0x0], $0xffff;
	v29 =	vshll.u32 v28, $0x10;
	v24 =	vmul.f32 v26, v24;
	v11 =	vadd.f32 v17, v30  }
0x534: {  	s11 =	sor.u32 s26, s11;
	v49 =	vpop (erf);
	v29 =	vmul.f32 v29, v31;
	v27 =	vmul.f32 v27, v28;
	v28 =	vld.idx.msk [tilespmem:v9+s3+$0x0], $0xffff  }
0x535: {  	v16 =	vmul.f32 v49, v16;
	(erf) = vrcp.f32 v11;
	v11 =	vld [tilespmem:s11+$0x13880];
	v36 =	vshll.u32 v44, $0x10  }
0x536: {  	[tilespmem:s0+$0x180] =	vst v13;
	v46 =	vadd.f32 v29, v27;
	v47 =	vshll.u32 v22, $0x10;
	v22 =	vmul.f32 v36, v22  }
0x537: {  	v50 =	vld.idx.msk [tilespmem:v5+s22+$0x0], $0xffff;
	v34 =	vmul.f32 v47, v44;
	v13 =	vshll.u32 v10, $0x10;
	v48 =	vshll.u32 v7, $0x10  }
0x538: {  	v38 =	vld.idx.msk [tilespmem:v6+s22+$0x0], $0xffff;
	v31 =	vshll.u32 v23, $0x10;
	v33 =	vmul.f32 v48, v10;
	v7 =	vmul.f32 v13, v7  }
0x539: {  	(erf) = vrcp.f32 v46;
	v13 =	vshll.u32 v28, $0x10;
	v37 =	vadd.f32 v22, v34  }
0x53a: {  	v10 =	vand.u32 $0xFFFF, v11;
	v26 =	vadd.f32 v33, v7;
	v11 =	vshrl.u32 v11, $0x10  }
0x53b: {  	v13 =	vmul.f32 v13, v23;
	v23 =	vadd.f32 v32, v24;
	(erf) = vrcp.f32 v37  }
0x53c: {  	v17 =	vmul.f32 v17, v30;
	[tilespmem:s8+$0x100] =	vst v16;
	v16 =	vshll.u32 v50, $0x10;
	(erf) = vrcp.f32 v26  }
0x53d: {  	(erf) = vrcp.f32 v23;
	v23 =	vmul.f32 v32, v24;
	v24 =	vshll.u32 v38, $0x10  }
0x53e: {  	v16 =	vmul.f32 v16, v38;
	v26 =	vpop (erf);
	v24 =	vmul.f32 v24, v50  }
0x53f: {  	v28 =	vmul.f32 v31, v28;
	v30 =	vpop (erf);
	v25 =	vmul.f32 v26, v25;
	v26 =	vld.idx.msk [tilespmem:v11+s3+$0x0], $0xffff  }
0x540: {  	v53 =	vld.idx.msk [tilespmem:v10+s3+$0x0], $0xffff;
	v17 =	vmul.f32 v30, v17;
	v30 =	vmul.f32 v24, v16;
	v16 =	vadd.f32 v24, v16  }
0x541: {  	v27 =	vmul.f32 v29, v27;
	v52 =	vadd.f32 v13, v28  }
0x542: {  	v31 =	vld.idx.msk [tilespmem:v1+s21+$0x0], $0xffff;
	v22 =	vmul.f32 v22, v34;
	v29 =	vpop (erf)  }
0x543: {  	v51 =	vld.idx.msk [tilespmem:v2+s21+$0x0], $0xffff;
	(erf) = vrcp.f32 v52;
	v27 =	vmul.f32 v29, v27;
	[tilespmem:s5+$0x80] =	vst v17  }
0x544: {  	v7 =	vmul.f32 v33, v7;
	(erf) = vrcp.f32 v16;
	v17 =	vld.idx.msk [tilespmem:v8+s20+$0x0], $0xffff;
	v16 =	vpop (erf);
	v54 =	vshll.u32 v26, $0x10  }
0x545: {  	v29 =	vld.idx.msk [tilespmem:v12+s20+$0x0], $0xffff;
	v16 =	vmul.f32 v16, v22;
	v22 =	vmul.f32 v13, v28;
	v28 =	vshll.u32 v53, $0x10  }
0x546: {  	[tilespmem:s1+$0x180] =	vst v27;
	v33 =	vmul.f32 v54, v53;
	v26 =	vmul.f32 v28, v26  }
0x547: {  	v24 =	vshll.u32 v31, $0x10;
	v56 =	vld.idx.msk [tilespmem:v20+s22+$0x0], $0xffff;
	v27 =	vpop (erf)  }
0x548: {  	v32 =	vshll.u32 v51, $0x10;
	v24 =	vmul.f32 v24, v51;
	v13 =	vld.idx.msk [tilespmem:v21+s22+$0x0], $0xffff;
	v55 =	vpop (erf);
	[tilespmem:s4+$0x280] =	vst v16;
	v57 =	vadd.f32 v33, v26  }
0x549: {  	v28 =	vmul.f32 v32, v31;
	v16 =	vmul.f32 v55, v23;
	v31 =	vld.idx.msk [tilespmem:v14+s24+$0x0], $0xffff  }
0x54a: {  	v23 =	vshll.u32 v17, $0x10;
	v58 =	vshll.u32 v29, $0x10;
	v59 =	vld.idx.msk [tilespmem:v15+s24+$0x0], $0xffff;
	(erf) = vrcp.f32 v57  }
0x54b: {  	v17 =	vmul.f32 v58, v17;
	v29 =	vmul.f32 v23, v29  }
0x54c: {  	s31 =	simm.s32 $0x13920;
	[tilespmem:s2+$0x280] =	vst v25;
	v63 =	vpop (erf);
	v26 =	vmul.f32 v33, v26;
	v23 =	vmul.f32 v27, v7;
	v27 =	vshll.u32 v56, $0x10  }
0x54d: {  	v60 =	vld [tilespmem:s31+$0x0];
	[tilespmem:s7+$0x80] =	vst v16;
	v22 =	vmul.f32 v63, v22;
	v16 =	vshll.u32 v13, $0x10;
	v7 =	vadd.f32 v17, v29  }
0x54e: {  	v40 =	vld.idx.msk [tilespmem:v18+s24+$0x0], $0xffff;
	v27 =	vmul.f32 v27, v13;
	v13 =	vadd.f32 v28, v24;
	v16 =	vmul.f32 v16, v56  }
0x54f: {  	s11 =	simm.s32 $0x400;
	v25 =	vld.idx.msk [tilespmem:v19+s24+$0x0], $0xffff;
	(erf) = vrcp.f32 v7;
	v7 =	vshll.u32 v31, $0x10;
	v44 =	vshll.u32 v59, $0x10  }
0x550: {  	s4 =	sand.u32 $0x3C00, s11;
	v61 =	vld.idx.msk [tilespmem:v3+s20+$0x0], $0xffff;
	v41 =	vpop (erf);
	v39 =	vadd.f32 v27, v16;
	v36 =	vmul.f32 v7, v59;
	v31 =	vmul.f32 v44, v31  }
0x551: {  	s14 =	sor.u32 $0x14280, s4;
	v62 =	vld.idx.msk [tilespmem:v0+s20+$0x0], $0xffff;
	v30 =	vmul.f32 v41, v30;
	(erf) = vrcp.f32 v13  }
0x552: {  	s9 =	sor.u32 s18, s14;
	v13 =	vshrl.u32 v60, $0x10;
	(erf) = vrcp.f32 v39;
	v38 =	vadd.f32 v36, v31  }
0x553: {  	v47 =	vshll.u32 v40, $0x10;
	v24 =	vmul.f32 v28, v24;
	[tilespmem:s9+$0x0] =	vst v22;
	v48 =	vpop (erf)  }
0x554: {  	v28 =	vshll.u32 v25, $0x10;
	v53 =	vld.idx.msk [tilespmem:v9+s19+$0x0], $0xffff;
	[tilespmem:s0+$0x200] =	vst v30;
	(erf) = vrcp.f32 v38;
	v26 =	vmul.f32 v48, v26  }
0x555: {  	v25 =	vmul.f32 v47, v25;
	v28 =	vmul.f32 v28, v40;
	v7 =	vand.u32 $0xFFFF, v60;
	v46 =	vld.idx.msk [tilespmem:v5+s23+$0x0], $0xffff  }
0x556: {  	s2 =	sor.u32 s26, s14;
	v17 =	vmul.f32 v17, v29;
	v45 =	vshll.u32 v61, $0x10;
	v30 =	vshll.u32 v62, $0x10;
	v49 =	vld.idx.msk [tilespmem:v6+s23+$0x0], $0xffff  }
0x557: {  	v34 =	vmul.f32 v45, v62;
	v30 =	vmul.f32 v30, v61;
	v51 =	vld.idx.msk [tilespmem:v13+s3+$0x0], $0xffff;
	[tilespmem:s2+$0x0] =	vst v26  }
0x558: {  	v16 =	vmul.f32 v27, v16;
	v31 =	vmul.f32 v36, v31;
	v22 =	vld.idx.msk [tilespmem:v11+s19+$0x0], $0xffff;
	v26 =	vpop (erf)  }
0x559: {  	v29 =	vmul.f32 v30, v34;
	v30 =	vadd.f32 v30, v34;
	v52 =	vld.idx.msk [tilespmem:v10+s19+$0x0], $0xffff;
	v17 =	vmul.f32 v26, v17  }
0x55a: {  	v34 =	vmul.f32 v28, v25;
	v25 =	vadd.f32 v28, v25;
	v50 =	vld.idx.msk [tilespmem:v7+s3+$0x0], $0xffff;
	v27 =	vshll.u32 v46, $0x10;
	v26 =	vpop (erf)  }
0x55b: {  	s15 =	simm.s32 $0x1;
	v61 =	vshll.u32 v53, $0x10;
	v27 =	vmul.f32 v27, v49;
	(erf) = vrcp.f32 v30;
	v30 =	vld.idx.msk [tilespmem:v4+s19+$0x0], $0xffff;
	v28 =	vpop (erf);
	[tilespmem:s5+$0x100] =	vst v17  }
0x55c: {  	s4 =	sand.u32 $0x3, s15;
	(erf) = vrcp.f32 v25;
	v17 =	vshll.u32 v49, $0x10;
	v16 =	vmul.f32 v28, v16;
	v28 =	vld.idx.msk [tilespmem:v8+s21+$0x0], $0xffff  }
0x55d: {  	s4 =	sshll.u32 s4, $0x5;
	v24 =	vmul.f32 v26, v24;
	v26 =	vpop (erf);
	v17 =	vmul.f32 v17, v46;
	v25 =	vld.idx.msk [tilespmem:v12+s21+$0x0], $0xffff;
	v54 =	vshll.u32 v22, $0x10  }
0x55e: {  	s15 =	sadd.s32 $0x100, s4;
	v55 =	vshll.u32 v51, $0x10;
	[tilespmem:s1+$0x200] =	vst v16;
	v16 =	vmul.f32 v26, v31;
	v33 =	vmul.f32 v54, v52  }
0x55f: {  	s14 =	sadd.s32 $0x10, s15;
	v26 =	vmul.f32 v17, v27;
	v31 =	vld.idx.msk [tilespmem:v21+s23+$0x0], $0xffff;
	v17 =	vadd.f32 v17, v27;
	v27 =	vshll.u32 v52, $0x10  }
0x560: {  	s16 =	sor.u32 $0x300, s14;
	[tilespmem:s8+$0x180] =	vst v24;
	v56 =	vld.idx.msk [tilespmem:v20+s23+$0x0], $0xffff;
	v24 =	vshll.u32 v30, $0x10;
	v30 =	vmul.f32 v61, v30;
	v22 =	vmul.f32 v27, v22  }
0x561: {  	[tilespmem:s16+$0x14280] =	vst v16;
	v27 =	vmul.f32 v55, v50;
	s16 =	simm.s32 $0xA0;
	(erf) = vrcp.f32 v17  }
0x562: {  	v14 =	vld.idx.msk [tilespmem:v14+s25+$0x0], $0xffff;
	s4 =	sand.u32 $0x60, s16;
	v16 =	vadd.f32 v33, v22;
	v17 =	vshll.u32 v28, $0x10;
	v57 =	vshll.u32 v25, $0x10  }
0x563: {  	v15 =	vld.idx.msk [tilespmem:v15+s25+$0x0], $0xffff;
	s16 =	sand.u32 $0x780, s16;
	s17 =	sor.u32 $0x10, s4;
	v28 =	vmul.f32 v57, v28;
	v17 =	vmul.f32 v17, v25  }
0x564: {  	v24 =	vmul.f32 v24, v53;
	s16 =	sor.u32 s17, s16;
	(erf) = vrcp.f32 v16  }
0x565: {  	v59 =	vshll.u32 v31, $0x10;
	v60 =	vshll.u32 v56, $0x10;
	v62 =	vld [tilespmem:s16+$0x13880];
	v16 =	vadd.f32 v28, v17  }
0x566: {  	v35 =	vshll.u32 v50, $0x10;
	v58 =	vld.idx.msk [tilespmem:v1+s22+$0x0], $0xffff;
	v31 =	vmul.f32 v60, v31;
	v36 =	vmul.f32 v59, v56  }
0x567: {  	v44 =	vld.idx.msk [tilespmem:v2+s22+$0x0], $0xffff;
	v49 =	vmul.f32 v30, v24;
	v63 =	vshll.u32 v14, $0x10;
	(erf) = vrcp.f32 v16  }
0x568: {  	v16 =	vshll.u32 v15, $0x10;
	v45 =	vadd.f32 v31, v36;
	v37 =	vmul.f32 v63, v15;
	v15 =	vpop (erf)  }
0x569: {  	v24 =	vadd.f32 v30, v24;
	v14 =	vmul.f32 v16, v14;
	v29 =	vmul.f32 v15, v29  }
0x56a: {  	v22 =	vmul.f32 v33, v22;
	(erf) = vrcp.f32 v45;
	v16 =	vand.u32 $0xFFFF, v62  }
0x56b: {  	v47 =	vshll.u32 v58, $0x10;
	v15 =	vshrl.u32 v62, $0x10;
	v46 =	vadd.f32 v37, v14  }
0x56c: {  	v25 =	vmul.f32 v35, v51;
	v50 =	vshll.u32 v44, $0x10;
	v38 =	vmul.f32 v47, v44;
	v48 =	vpop (erf);
	[tilespmem:s7+$0x100] =	vst v29  }
0x56d: {  	v32 =	vmul.f32 v50, v58;
	v30 =	vld.idx.msk [tilespmem:v3+s21+$0x0], $0xffff;
	(erf) = vrcp.f32 v46;
	v29 =	vpop (erf)  }
0x56e: {  	v34 =	vmul.f32 v48, v34;
	v51 =	vld.idx.msk [tilespmem:v0+s21+$0x0], $0xffff;
	(erf) = vrcp.f32 v24;
	v24 =	vpop (erf)  }
0x56f: {  	v26 =	vmul.f32 v29, v26;
	v29 =	vadd.f32 v27, v25;
	v22 =	vmul.f32 v24, v22;
	v24 =	vld.idx.msk [tilespmem:v16+s3+$0x0], $0xffff  }
0x570: {  	s26 =	sor.u32 $0x300, s12;
	v17 =	vmul.f32 v28, v17;
	v39 =	vmul.f32 v32, v38;
	v28 =	vld.idx.msk [tilespmem:v15+s3+$0x0], $0xffff  }
0x571: {  	v32 =	vadd.f32 v32, v38;
	v14 =	vmul.f32 v37, v14;
	[tilespmem:s26+$0x14280] =	vst v34;
	(erf) = vrcp.f32 v29;
	v52 =	vpop (erf)  }
0x572: {  	v19 =	vld.idx.msk [tilespmem:v19+s25+$0x0], $0xffff;
	v29 =	vmul.f32 v31, v36;
	[tilespmem:s2+$0x80] =	vst v22;
	v22 =	vshll.u32 v30, $0x10;
	v17 =	vmul.f32 v52, v17  }
0x573: {  	(erf) = vrcp.f32 v32;
	v22 =	vmul.f32 v22, v51;
	v54 =	vld.idx.msk [tilespmem:v11+s20+$0x0], $0xffff;
	v53 =	vpop (erf)  }
0x574: {  	v33 =	vshll.u32 v51, $0x10;
	v31 =	vld.idx.msk [tilespmem:v10+s20+$0x0], $0xffff;
	v29 =	vmul.f32 v53, v29;
	[tilespmem:s5+$0x180] =	vst v17;
	v17 =	vmul.f32 v27, v25  }
0x575: {  	v18 =	vld.idx.msk [tilespmem:v18+s25+$0x0], $0xffff;
	v25 =	vmul.f32 v33, v30;
	v56 =	vshll.u32 v24, $0x10;
	v57 =	vshll.u32 v28, $0x10  }
0x576: {  	v30 =	vld.idx.msk [tilespmem:v8+s22+$0x0], $0xffff;
	v24 =	vmul.f32 v57, v24;
	v28 =	vmul.f32 v56, v28  }
0x577: {  	v58 =	vld.idx.msk [tilespmem:v12+s22+$0x0], $0xffff;
	v27 =	vpop (erf);
	[tilespmem:s1+$0x280] =	vst v29;
	v33 =	vmul.f32 v25, v22  }
0x578: {  	v27 =	vmul.f32 v27, v14;
	v14 =	vpop (erf);
	v29 =	vld.idx.msk [tilespmem:v21+s24+$0x0], $0xffff;
	v36 =	vadd.f32 v24, v28;
	v60 =	vshll.u32 v54, $0x10  }
0x579: {  	[tilespmem:s0+$0x280] =	vst v26;
	v26 =	vld.idx.msk [tilespmem:v20+s24+$0x0], $0xffff;
	v59 =	vshll.u32 v31, $0x10;
	v14 =	vmul.f32 v14, v49;
	v31 =	vmul.f32 v60, v31  }
0x57a: {  	v35 =	vmul.f32 v59, v54;
	v59 =	vshll.u32 v19, $0x10;
	(erf) = vrcp.f32 v36  }
0x57b: {  	s18 =	simm.s32 $0x13940;
	v24 =	vmul.f32 v24, v28;
	v60 =	vshll.u32 v18, $0x10;
	v18 =	vmul.f32 v59, v18  }
0x57c: {  	v55 =	vld [tilespmem:s18+$0x0];
	[tilespmem:s9+$0x80] =	vst v14;
	v40 =	vadd.f32 v31, v35;
	v42 =	vshll.u32 v30, $0x10;
	v43 =	vshll.u32 v58, $0x10  }
0x57d: {  	v22 =	vadd.f32 v25, v22;
	v63 =	vld.idx.msk [tilespmem:v4+s20+$0x0], $0xffff;
	v30 =	vmul.f32 v43, v30;
	v48 =	vmul.f32 v42, v58  }
0x57e: {  	v25 =	vpop (erf);
	v44 =	vld.idx.msk [tilespmem:v9+s20+$0x0], $0xffff;
	(erf) = vrcp.f32 v40;
	v49 =	vshll.u32 v29, $0x10;
	v50 =	vshll.u32 v26, $0x10  }
0x57f: {  	v61 =	vld.idx.msk [tilespmem:v5+s24+$0x0], $0xffff;
	v51 =	vpop (erf);
	v29 =	vmul.f32 v50, v29;
	v26 =	vmul.f32 v49, v26  }
0x580: {  	v62 =	vld.idx.msk [tilespmem:v6+s24+$0x0], $0xffff;
	v42 =	vadd.f32 v30, v48;
	(erf) = vrcp.f32 v22;
	v22 =	vmul.f32 v51, v39  }
0x581: {  	v14 =	vand.u32 $0xFFFF, v55;
	v25 =	vmul.f32 v25, v17;
	v54 =	vadd.f32 v29, v26  }
0x582: {  	s1 =	simm.s32 $0x500;
	v17 =	vshrl.u32 v55, $0x10;
	(erf) = vrcp.f32 v42;
	[tilespmem:s8+$0x200] =	vst v22;
	v53 =	vshll.u32 v63, $0x10  }
0x583: {  	s31 =	sand.u32 $0x3C00, s1;
	v56 =	vshll.u32 v44, $0x10;
	v28 =	vld.idx.msk [tilespmem:v1+s23+$0x0], $0xffff;
	v37 =	vmul.f32 v53, v44;
	(erf) = vrcp.f32 v54;
	v57 =	vpop (erf)  }
0x584: {  	s0 =	sor.u32 $0x14280, s31;
	v55 =	vshll.u32 v61, $0x10;
	v58 =	vld.idx.msk [tilespmem:v2+s23+$0x0], $0xffff;
	v34 =	vmul.f32 v56, v63;
	v24 =	vmul.f32 v57, v24  }
0x585: {  	v52 =	vshll.u32 v62, $0x10;
	v19 =	vmul.f32 v60, v19;
	s16 =	sor.u32 s4, s0;
	v38 =	vmul.f32 v55, v62  }
0x586: {  	[tilespmem:s16+$0x0] =	vst v25;
	v22 =	vmul.f32 v52, v61;
	v63 =	vmul.f32 v34, v37;
	v34 =	vadd.f32 v34, v37  }
0x587: {  	s18 =	sor.u32 s17, s0;
	v31 =	vmul.f32 v31, v35;
	v30 =	vmul.f32 v30, v48;
	v45 =	vld.idx.msk [tilespmem:v7+s19+$0x0], $0xffff  }
0x588: {  	v61 =	vld.idx.msk [tilespmem:v14+s3+$0x0], $0xffff;
	v44 =	vmul.f32 v22, v38;
	v22 =	vadd.f32 v22, v38;
	[tilespmem:s18+$0x0] =	vst v24;
	(erf) = vrcp.f32 v34;
	v24 =	vpop (erf)  }
0x589: {  	v62 =	vld.idx.msk [tilespmem:v17+s3+$0x0], $0xffff;
	v43 =	vshll.u32 v28, $0x10;
	v46 =	vshll.u32 v58, $0x10;
	v24 =	vmul.f32 v24, v31  }
0x58a: {  	v41 =	vld.idx.msk [tilespmem:v16+s19+$0x0], $0xffff;
	v32 =	vmul.f32 v43, v58;
	v28 =	vmul.f32 v46, v28  }
0x58b: {  	s26 =	simm.s32 $0x2;
	v26 =	vmul.f32 v29, v26;
	v25 =	vld.idx.msk [tilespmem:v15+s19+$0x0], $0xffff;
	(erf) = vrcp.f32 v22;
	v31 =	vpop (erf);
	[tilespmem:s2+$0x100] =	vst v24  }
0x58c: {  	s6 =	sand.u32 $0x3, s26;
	v38 =	vmul.f32 v28, v32;
	v31 =	vmul.f32 v31, v33;
	v22 =	vpop (erf);
	v47 =	vld.idx.msk [tilespmem:v10+s21+$0x0], $0xffff  }
0x58d: {  	s0 =	sshll.u32 s6, $0x5;
	v29 =	vadd.f32 v18, v19;
	v24 =	vmul.f32 v22, v30;
	v30 =	vpop (erf);
	v22 =	vmul.f32 v18, v19;
	v18 =	vld.idx.msk [tilespmem:v11+s21+$0x0], $0xffff  }
0x58e: {  	s0 =	sadd.s32 $0x200, s0;
	v28 =	vadd.f32 v28, v32;
	v19 =	vmul.f32 v30, v26;
	v26 =	vld.idx.msk [tilespmem:v13+s19+$0x0], $0xffff;
	[tilespmem:s7+$0x180] =	vst v31  }
0x58f: {  	s6 =	sadd.s32 $0x10, s0;
	v49 =	vshll.u32 v61, $0x10;
	(erf) = vrcp.f32 v29;
	v52 =	vld.idx.msk [tilespmem:v3+s22+$0x0], $0xffff  }
0x590: {  	s17 =	sor.u32 $0x300, s6;
	(erf) = vrcp.f32 v28;
	v30 =	vshll.u32 v25, $0x10;
	[tilespmem:s5+$0x200] =	vst v24;
	v24 =	vshll.u32 v62, $0x10;
	v56 =	vld.idx.msk [tilespmem:v0+s22+$0x0], $0xffff  }
0x591: {  	v29 =	vmul.f32 v24, v61;
	v24 =	vshll.u32 v41, $0x10;
	v50 =	vld.idx.msk [tilespmem:v12+s23+$0x0], $0xffff;
	[tilespmem:s17+$0x14280] =	vst v19;
	v19 =	vmul.f32 v30, v41  }
0x592: {  	s28 =	simm.s32 $0xC0;
	v55 =	vshll.u32 v45, $0x10;
	v48 =	vld.idx.msk [tilespmem:v8+s23+$0x0], $0xffff;
	v30 =	vmul.f32 v49, v62;
	v51 =	vmul.f32 v24, v25;
	v57 =	vpop (erf)  }
0x593: {  	s4 =	sand.u32 $0x60, s28;
	v21 =	vld.idx.msk [tilespmem:v21+s25+$0x0], $0xffff;
	v59 =	vmul.f32 v57, v63;
	v25 =	vshll.u32 v47, $0x10;
	v28 =	vshll.u32 v18, $0x10  }
0x594: {  	s29 =	sor.u32 $0x10, s4;
	s17 =	sand.u32 $0x780, s28;
	v20 =	vld.idx.msk [tilespmem:v20+s25+$0x0], $0xffff;
	v24 =	vadd.f32 v19, v51;
	v28 =	vmul.f32 v28, v47;
	v18 =	vmul.f32 v25, v18  }
0x595: {  	s17 =	sor.u32 s29, s17;
	v31 =	vshll.u32 v26, $0x10;
	v26 =	vmul.f32 v55, v26;
	v19 =	vmul.f32 v19, v51  }
0x596: {  	v53 =	vld [tilespmem:s17+$0x13880];
	(erf) = vrcp.f32 v24;
	v54 =	vshll.u32 v50, $0x10;
	v24 =	vadd.f32 v28, v18  }
0x597: {  	v31 =	vmul.f32 v31, v45;
	v25 =	vshll.u32 v48, $0x10;
	v33 =	vmul.f32 v54, v48  }
0x598: {  	v60 =	vshll.u32 v52, $0x10;
	v34 =	vmul.f32 v25, v50;
	(erf) = vrcp.f32 v24  }
0x599: {  	v62 =	vshll.u32 v56, $0x10;
	v25 =	vshll.u32 v21, $0x10;
	v24 =	vshll.u32 v20, $0x10  }
0x59a: {  	v25 =	vmul.f32 v25, v20;
	v58 =	vadd.f32 v33, v34;
	v24 =	vmul.f32 v24, v21  }
0x59b: {  	v46 =	vmul.f32 v60, v56;
	v63 =	vmul.f32 v62, v52;
	v20 =	vand.u32 $0xFFFF, v53  }
0x59c: {  	v45 =	vpop (erf);
	v21 =	vshrl.u32 v53, $0x10;
	(erf) = vrcp.f32 v58;
	v61 =	vadd.f32 v24, v25  }
0x59d: {  	[tilespmem:s9+$0x100] =	vst v59;
	v36 =	vmul.f32 v45, v44;
	v32 =	vmul.f32 v31, v26;
	v31 =	vadd.f32 v31, v26  }
0x59e: {  	s13 =	sor.u32 $0x380, s13;
	v42 =	vadd.f32 v29, v30;
	v35 =	vld.idx.msk [tilespmem:v4+s21+$0x0], $0xffff;
	v44 =	vmul.f32 v28, v18;
	v26 =	vpop (erf);
	(erf) = vrcp.f32 v61  }
0x59f: {  	s30 =	simm.s32 $0x13960;
	[tilespmem:s13+$0x14280] =	vst v23;
	s31 =	sor.u32 $0x380, s14;
	v37 =	vld.idx.msk [tilespmem:v9+s21+$0x0], $0xffff;
	v41 =	vadd.f32 v63, v46;
	v23 =	vpop (erf);
	v18 =	vmov v13;
	(erf) = vrcp.f32 v31  }
0x5a0: {  	s12 =	sor.u32 $0x380, s12;
	s13 =	sor.u32 $0x380, s15;
	s14 =	sor.u32 $0x300, s15;
	[tilespmem:s31+$0x14280] =	vst v27;
	v28 =	vmov v0;
	v40 =	vmul.f32 v23, v38;
	v23 =	vmov v9;
	v38 =	vld.idx.msk [tilespmem:v20+s3+$0x0], $0xffff;
	v27 =	vpop (erf)  }
0x5a1: {  	s15 =	sor.u32 $0x300, s0;
	s17 =	sor.u32 $0x380, s0;
	s0 =	simm.s32 $0x500;
	v39 =	vld.idx.msk [tilespmem:v21+s3+$0x0], $0xffff;
	v31 =	vmul.f32 v63, v46;
	v43 =	vmul.f32 v27, v19;
	v19 =	vmov v17;
	v45 =	vpop (erf)  }
.LBB2_8:
0x5a2: {  	v27 =	vmov v9;
	v9 =	vmov v13;
	v13 =	vmov v17  }
0x5a3: {  	v22 =	vmul.f32 v26, v22;
	v17 =	vld [tilespmem:s30+$0x0];
	(erf) = vrcp.f32 v42;
	[tilespmem:s18+$0x80] =	vst v43  }
0x5a4: {  	v33 =	vmul.f32 v33, v34;
	v42 =	vshll.u32 v35, $0x10;
	v43 =	vmul.f32 v45, v44;
	v26 =	vld.idx.msk [tilespmem:v16+s20+$0x0], $0xffff;
	[tilespmem:s8+$0x280] =	vst v40;
	s8 =	smov.u32 s7;
	s7 =	smov.u32 s9;
	s9 =	smov.u32 s16  }
0x5a5: {  	v40 =	vshll.u32 v37, $0x10;
	v37 =	vmul.f32 v42, v37;
	v34 =	vld.idx.msk [tilespmem:v15+s20+$0x0], $0xffff;
	(erf) = vrcp.f32 v41;
	v41 =	vpop (erf);
	[tilespmem:s14+$0x14280] =	vst v36;
	s14 =	smov.u32 s15  }
0x5a6: {  	v24 =	vmul.f32 v24, v25;
	[tilespmem:s2+$0x180] =	vst v43;
	v33 =	vmul.f32 v41, v33;
	v36 =	vld.idx.msk [tilespmem:v1+s24+$0x0], $0xffff  }
0x5a7: {  	v25 =	vmul.f32 v29, v30;
	v29 =	vmul.f32 v40, v35;
	v30 =	vld.idx.msk [tilespmem:v10+s22+$0x0], $0xffff;
	v35 =	vpop (erf);
	[tilespmem:s12+$0x14280] =	vst v22;
	s12 =	smov.u32 s13;
	s13 =	smov.u32 s17  }
0x5a8: {  	v40 =	vshll.u32 v39, $0x10;
	v22 =	vshll.u32 v38, $0x10;
	v41 =	vpop (erf);
	v42 =	vld.idx.msk [tilespmem:v11+s22+$0x0], $0xffff;
	[tilespmem:s5+$0x280] =	vst v33;
	v24 =	vmul.f32 v35, v24;
	s5 =	smov.u32 s2;
	s2 =	smov.u32 s18  }
0x5a9: {  	s6 =	sor.u32 $0x380, s6;
	v33 =	vmul.f32 v40, v38;
	v22 =	vmul.f32 v22, v39;
	v35 =	vadd.f32 v29, v37;
	v38 =	vld.idx.msk [tilespmem:v8+s24+$0x0], $0xffff  }
0x5aa: {  	v29 =	vmul.f32 v29, v37;
	v32 =	vmul.f32 v41, v32;
	v37 =	vld.idx.msk [tilespmem:v12+s24+$0x0], $0xffff;
	[tilespmem:s6+$0x14280] =	vst v24  }
0x5ab: {  	v39 =	vshll.u32 v26, $0x10;
	v24 =	vadd.f32 v33, v22;
	v40 =	vshll.u32 v34, $0x10;
	v41 =	vld.idx.msk [tilespmem:v2+s24+$0x0], $0xffff  }
0x5ac: {  	v26 =	vmul.f32 v40, v26;
	v43 =	vpop (erf);
	[tilespmem:s9+$0x80] =	vst v32;
	v32 =	vmul.f32 v39, v34;
	v34 =	vshll.u32 v36, $0x10;
	v39 =	vld.idx.msk [tilespmem:v5+s25+$0x0], $0xffff  }
0x5ad: {  	v40 =	vand.u32 $0xFFFF, v17;
	v5 =	vmovc v1;
	v1 =	vmovc v3;
	v25 =	vmul.f32 v43, v25;
	(erf) = vrcp.f32 v24;
	v24 =	vld.idx.msk [tilespmem:v7+s20+$0x0], $0xffff  }
0x5ae: {  	v47 =	vshll.u32 v30, $0x10;
	v45 =	vshll.u32 v42, $0x10;
	v43 =	vld.idx.msk [tilespmem:v18+s20+$0x0], $0xffff;
	v44 =	vadd.f32 v26, v32;
	v46 =	vpop (erf)  }
0x5af: {  	v17 =	vshrl.u32 v17, $0x10;
	v3 =	vmovc v4;
	v42 =	vmul.f32 v47, v42;
	v30 =	vmul.f32 v45, v30;
	v45 =	vld.idx.msk [tilespmem:v6+s25+$0x0], $0xffff  }
0x5b0: {  	v4 =	vmovc v7;
	v7 =	vmovc v14;
	v48 =	vshll.u32 v38, $0x10;
	(erf) = vrcp.f32 v44;
	v44 =	vshll.u32 v37, $0x10  }
0x5b1: {  	v14 =	vmovc v40;
	v47 =	vadd.f32 v30, v42;
	v37 =	vmul.f32 v48, v37;
	v38 =	vmul.f32 v44, v38  }
0x5b2: {  	v31 =	vmul.f32 v46, v31;
	v6 =	vmovc v2;
	v2 =	vmovc v0;
	(erf) = vrcp.f32 v35;
	v35 =	vshll.u32 v41, $0x10  }
0x5b3: {  	v0 =	vmovc v23;
	v23 =	vmovc v18;
	v40 =	vshll.u32 v24, $0x10;
	(erf) = vrcp.f32 v47;
	v44 =	vadd.f32 v38, v37  }
0x5b4: {  	v18 =	vmovc v19;
	v46 =	vshll.u32 v43, $0x10;
	v40 =	vmul.f32 v40, v43;
	[tilespmem:s8+$0x200] =	vst v31;
	v31 =	vmul.f32 v35, v36  }
0x5b5: {  	s1 =	sadd.s32 $0x100, s1;
	v22 =	vmul.f32 v33, v22;
	v19 =	vmovc v17;
	v35 =	vshll.u32 v39, $0x10;
	v33 =	vld.idx.msk [tilespmem:v1+s23+$0x0], $0xffff;
	(erf) = vrcp.f32 v44  }
0x5b6: {  	s6 =	sand.u32 $0x3C00, s1;
	v34 =	vmul.f32 v34, v41;
	v24 =	vmul.f32 v46, v24;
	v44 =	vshll.u32 v45, $0x10;
	v36 =	vpop (erf);
	v43 =	vld.idx.msk [tilespmem:v28+s23+$0x0], $0xffff  }
0x5b7: {  	s6 =	sor.u32 $0x14280, s6;
	v28 =	vmov v27;
	v41 =	vld.idx.msk [tilespmem:v14+s3+$0x0], $0xffff;
	v46 =	vmul.f32 v36, v22;
	v36 =	vmul.f32 v44, v39  }
0x5b8: {  	s16 =	sor.u32 s4, s6;
	s18 =	sor.u32 s29, s6;
	v26 =	vmul.f32 v26, v32;
	v44 =	vmul.f32 v24, v40;
	v24 =	vadd.f32 v24, v40;
	v39 =	vld.idx.msk [tilespmem:v17+s3+$0x0], $0xffff  }
0x5b9: {  	v32 =	vmul.f32 v35, v45;
	v27 =	vmul.f32 v31, v34;
	v31 =	vadd.f32 v31, v34;
	[tilespmem:s18+$0x0] =	vst v46;
	v22 =	vpop (erf)  }
0x5ba: {  	[tilespmem:s16+$0x0] =	vst v25;
	v25 =	vld.idx.msk [tilespmem:v20+s19+$0x0], $0xffff;
	v22 =	vmul.f32 v22, v26;
	(erf) = vrcp.f32 v24  }
0x5bb: {  	s26 =	sadd.s32 $0x1, s26;
	v26 =	vmul.f32 v30, v42;
	v34 =	vshll.u32 v33, $0x10;
	v24 =	vld.idx.msk [tilespmem:v21+s19+$0x0], $0xffff;
	v30 =	vpop (erf);
	(erf) = vrcp.f32 v31  }
0x5bc: {  	s4 =	sand.u32 $0x3, s26;
	v34 =	vmul.f32 v34, v43;
	v31 =	vld.idx.msk [tilespmem:v7+s19+$0x0], $0xffff;
	[tilespmem:s2+$0x100] =	vst v22;
	v22 =	vmul.f32 v30, v29;
	v29 =	vpop (erf);
	v30 =	vshll.u32 v43, $0x10  }
0x5bd: {  	s4 =	sshll.u32 s4, $0x5;
	v35 =	vld.idx.msk [tilespmem:v16+s21+$0x0], $0xffff;
	v26 =	vmul.f32 v29, v26;
	v29 =	vmul.f32 v38, v37;
	v37 =	vadd.f32 v36, v32  }
0x5be: {  	s4 =	sadd.s32 s4, s10;
	s10 =	smov.u32 s11;
	s11 =	smov.u32 s0;
	v30 =	vmul.f32 v30, v33;
	v38 =	vld.idx.msk [tilespmem:v15+s21+$0x0], $0xffff;
	[tilespmem:s7+$0x180] =	vst v22;
	v33 =	vpop (erf);
	v22 =	vmul.f32 v36, v32  }
0x5bf: {  	s15 =	sor.u32 $0x300, s4;
	s17 =	sor.u32 $0x380, s4;
	s6 =	sadd.s32 $0x10, s4;
	v32 =	vshll.u32 v41, $0x10;
	v36 =	vld.idx.msk [tilespmem:v18+s19+$0x0], $0xffff;
	[tilespmem:s5+$0x200] =	vst v26;
	v26 =	vmul.f32 v33, v29;
	(erf) = vrcp.f32 v37  }
0x5c0: {  	s0 =	smov.u32 s1;
	s4 =	sor.u32 $0x300, s6;
	v29 =	vshll.u32 v39, $0x10;
	v40 =	vmul.f32 v30, v34;
	v34 =	vadd.f32 v30, v34;
	v33 =	vld.idx.msk [tilespmem:v10+s23+$0x0], $0xffff  }
0x5c1: {  	v30 =	vshll.u32 v25, $0x10;
	v29 =	vmul.f32 v29, v41;
	v37 =	vshll.u32 v24, $0x10;
	v41 =	vld.idx.msk [tilespmem:v11+s23+$0x0], $0xffff;
	[tilespmem:s4+$0x14280] =	vst v26  }
0x5c2: {  	v43 =	vmul.f32 v30, v24;
	v42 =	vshll.u32 v31, $0x10;
	v37 =	vmul.f32 v37, v25;
	v24 =	vld.idx.msk [tilespmem:v8+s25+$0x0], $0xffff;
	v8 =	vmovc v10  }
0x5c3: {  	s28 =	sadd.s32 $0x20, s28;
	v30 =	vmul.f32 v32, v39;
	v10 =	vmov v16;
	v32 =	vpop (erf);
	v25 =	vld.idx.msk [tilespmem:v12+s25+$0x0], $0xffff;
	(erf) = vrcp.f32 v34  }
0x5c4: {  	p0 =	slt.u32 s28, $0x4E0;
	s4 =	sand.u32 $0x60, s28;
	v48 =	vshll.u32 v35, $0x10;
	v49 =	vadd.f32 v37, v43;
	v26 =	vshll.u32 v38, $0x10;
	v39 =	vld.idx.msk [tilespmem:v3+s22+$0x0], $0xffff;
	v45 =	vpop (erf)  }
0x5c5: {  	s31 =	sand.u32 $0x780, s28;
	s29 =	sor.u32 $0x10, s4;
	v16 =	vmovc v20;
	v47 =	vmul.f32 v48, v38;
	v34 =	vshll.u32 v36, $0x10;
	v46 =	vmul.f32 v26, v35;
	v38 =	vld.idx.msk [tilespmem:v0+s22+$0x0], $0xffff  }
0x5c6: {  	s31 =	sor.u32 s29, s31;
	v12 =	vmovc v11;
	v11 =	vmovc v15;
	v15 =	vmov v21;
	v31 =	vmul.f32 v34, v31;
	(erf) = vrcp.f32 v49  }
0x5c7: {  	v35 =	vshll.u32 v33, $0x10;
	v20 =	vadd.f32 v46, v47;
	v34 =	vshll.u32 v41, $0x10;
	v21 =	vld [tilespmem:s31+$0x13880]  }
0x5c8: {  	v33 =	vmul.f32 v34, v33;
	v34 =	vmul.f32 v35, v41;
	v26 =	vpop (erf)  }
0x5c9: {  	v35 =	vshll.u32 v25, $0x10;
	(erf) = vrcp.f32 v20;
	v20 =	vshll.u32 v24, $0x10  }
0x5ca: {  	v41 =	vadd.f32 v33, v34;
	v24 =	vmul.f32 v35, v24;
	v25 =	vmul.f32 v20, v25  }
0x5cb: {  	v35 =	vmul.f32 v42, v36;
	v36 =	vmul.f32 v32, v44;
	v42 =	vshll.u32 v39, $0x10  }
0x5cc: {  	v20 =	vand.u32 $0xFFFF, v21;
	(erf) = vrcp.f32 v41;
	v41 =	vadd.f32 v24, v25;
	v44 =	vpop (erf)  }
0x5cd: {  	v32 =	vmul.f32 v31, v35;
	v49 =	vadd.f32 v31, v35;
	v21 =	vshrl.u32 v21, $0x10;
	[tilespmem:s9+$0x100] =	vst v36  }
.Ltmp3:
0x5ce: {  	v48 =	vmul.f32 v42, v38;
	v36 =	vshll.u32 v38, $0x10;
	v35 =	vld.idx.msk [tilespmem:v4+s21+$0x0], $0xffff;
	(erf) = vrcp.f32 v41;
	(pc) =	sbr.rel @p0 .LBB2_8-.Ltmp3, $4  }
0x5cf: {  	v41 =	vmul.f32 v37, v43;
	(erf) = vrcp.f32 v49;
	v31 =	vpop (erf);
	v37 =	vld.idx.msk [tilespmem:v23+s21+$0x0], $0xffff  }
0x5d0: {  	v40 =	vmul.f32 v44, v40;
	v49 =	vmul.f32 v36, v39  }
0x5d1: {  	v42 =	vadd.f32 v29, v30;
	v36 =	vmul.f32 v45, v27;
	v43 =	vmul.f32 v31, v41;
	v38 =	vld.idx.msk [tilespmem:v20+s3+$0x0], $0xffff  }
0x5d2: {  	s30 =	sadd.s32 $0x20, s30;
	v44 =	vmul.f32 v46, v47;
	v31 =	vmul.f32 v49, v48;
	v41 =	vadd.f32 v49, v48;
	v39 =	vld.idx.msk [tilespmem:v21+s3+$0x0], $0xffff;
	v45 =	vpop (erf)  }
0x5d3: {  	_ =	sdelay $0x2  }
0x5d4: {  	[tilespmem:s18+$0x80] =	vst v43  }
0x5d5: {  	v62 =	vld.idx.msk [tilespmem:v16+s20+$0x0], $0xffff  }
0x5d6: {  	v63 =	vld.idx.msk [tilespmem:v15+s20+$0x0], $0xffff;
	_ =	sdelay $0x1  }
0x5d7: {  	(erf) = vrcp.f32 v42;
	v33 =	vmul.f32 v33, v34  }
0x5d8: {  	v27 =	vmul.f32 v45, v44;
	v50 =	vshll.u32 v38, $0x10;
	v51 =	vshll.u32 v39, $0x10  }
0x5d9: {  	v39 =	vmul.f32 v50, v39;
	v38 =	vmul.f32 v51, v38  }
0x5da: {  	(erf) = vrcp.f32 v41;
	[tilespmem:s2+$0x180] =	vst v27;
	v56 =	vshll.u32 v62, $0x10;
	v46 =	vshll.u32 v63, $0x10  }
0x5db: {  	v49 =	vpop (erf);
	v53 =	vld.idx.msk [tilespmem:v11+s22+$0x0], $0xffff;
	v43 =	vadd.f32 v38, v39;
	v42 =	vmul.f32 v46, v62;
	v34 =	vmul.f32 v56, v63  }
0x5dc: {  	v33 =	vmul.f32 v49, v33;
	v54 =	vld.idx.msk [tilespmem:v10+s22+$0x0], $0xffff  }
0x5dd: {  	[tilespmem:s8+$0x280] =	vst v40;
	v27 =	vpop (erf);
	(erf) = vrcp.f32 v43;
	v58 =	vadd.f32 v42, v34  }
0x5de: {  	v47 =	vshll.u32 v35, $0x10;
	v29 =	vmul.f32 v29, v30;
	v40 =	vld.idx.msk [tilespmem:v2+s24+$0x0], $0xffff;
	[tilespmem:s5+$0x280] =	vst v33;
	v52 =	vpop (erf)  }
0x5df: {  	v57 =	vshll.u32 v37, $0x10;
	v48 =	vld.idx.msk [tilespmem:v12+s24+$0x0], $0xffff;
	v32 =	vmul.f32 v52, v32;
	(erf) = vrcp.f32 v58  }
0x5e0: {  	v37 =	vmul.f32 v47, v37;
	v35 =	vmul.f32 v57, v35;
	v55 =	vld.idx.msk [tilespmem:v8+s24+$0x0], $0xffff  }
0x5e1: {  	v49 =	vld.idx.msk [tilespmem:v1+s24+$0x0], $0xffff;
	v38 =	vmul.f32 v38, v39;
	[tilespmem:s16+$0x80] =	vst v32;
	v59 =	vshll.u32 v53, $0x10;
	v60 =	vshll.u32 v54, $0x10  }
0x5e2: {  	v61 =	vadd.f32 v35, v37;
	v62 =	vpop (erf);
	v44 =	vld.idx.msk [tilespmem:v7+s20+$0x0], $0xffff;
	v33 =	vmul.f32 v59, v54;
	v45 =	vmul.f32 v60, v53  }
0x5e3: {  	[tilespmem:s14+$0x14280] =	vst v36;
	v56 =	vshll.u32 v40, $0x10;
	v63 =	vld.idx.msk [tilespmem:v18+s20+$0x0], $0xffff;
	v29 =	vmul.f32 v62, v29;
	v52 =	vpop (erf);
	v60 =	vmul.f32 v42, v34  }
0x5e4: {  	v6 =	vld.idx.msk [tilespmem:v6+s25+$0x0], $0xffff;
	v51 =	vshll.u32 v48, $0x10;
	v31 =	vmul.f32 v52, v31;
	v53 =	vadd.f32 v33, v45  }
0x5e5: {  	v5 =	vld.idx.msk [tilespmem:v5+s25+$0x0], $0xffff;
	s5 =	sadd.s32 $0x100, s1;
	v50 =	vshll.u32 v55, $0x10;
	v36 =	vmul.f32 v51, v55;
	(erf) = vrcp.f32 v61  }
0x5e6: {  	s1 =	sand.u32 $0x3C00, s5;
	v32 =	vshll.u32 v49, $0x10;
	v46 =	vmul.f32 v50, v48;
	(erf) = vrcp.f32 v53;
	v58 =	vpop (erf)  }
0x5e7: {  	s1 =	sor.u32 $0x14280, s1;
	[tilespmem:s7+$0x200] =	vst v31;
	v31 =	vmul.f32 v32, v40;
	v54 =	vshll.u32 v44, $0x10;
	v38 =	vmul.f32 v58, v38  }
0x5e8: {  	s14 =	sor.u32 s29, s1;
	v55 =	vadd.f32 v36, v46;
	v59 =	vld.idx.msk [tilespmem:v3+s23+$0x0], $0xffff;
	v57 =	vshll.u32 v63, $0x10;
	v41 =	vmul.f32 v54, v63;
	v48 =	vpop (erf)  }
0x5e9: {  	v62 =	vshll.u32 v6, $0x10;
	v28 =	vld.idx.msk [tilespmem:v28+s23+$0x0], $0xffff;
	v39 =	vmul.f32 v57, v44;
	[tilespmem:s14+$0x0] =	vst v38;
	v32 =	vmul.f32 v48, v60  }
0x5ea: {  	v30 =	vmul.f32 v56, v49;
	v61 =	vshll.u32 v5, $0x10;
	v5 =	vmul.f32 v62, v5;
	v50 =	vld.idx.msk [tilespmem:v20+s19+$0x0], $0xffff  }
0x5eb: {  	v6 =	vmul.f32 v61, v6;
	(erf) = vrcp.f32 v55;
	v63 =	vadd.f32 v39, v41;
	v51 =	vld.idx.msk [tilespmem:v21+s19+$0x0], $0xffff;
	[tilespmem:s18+$0x100] =	vst v32  }
0x5ec: {  	v33 =	vmul.f32 v33, v45;
	v36 =	vmul.f32 v36, v46;
	v49 =	vadd.f32 v30, v31;
	v55 =	vld.idx.msk [tilespmem:v16+s21+$0x0], $0xffff  }
0x5ed: {  	v56 =	vadd.f32 v5, v6;
	v52 =	vshll.u32 v59, $0x10;
	(erf) = vrcp.f32 v63;
	v57 =	vld.idx.msk [tilespmem:v15+s21+$0x0], $0xffff  }
0x5ee: {  	v54 =	vshll.u32 v28, $0x10;
	v42 =	vmul.f32 v52, v28;
	(erf) = vrcp.f32 v49;
	v38 =	vpop (erf)  }
0x5ef: {  	v40 =	vmul.f32 v54, v59;
	(erf) = vrcp.f32 v56;
	v53 =	vpop (erf)  }
0x5f0: {  	v32 =	vmul.f32 v53, v33;
	v58 =	vshll.u32 v50, $0x10;
	v59 =	vshll.u32 v51, $0x10  }
0x5f1: {  	s26 =	sadd.s32 $0x1, s26;
	s8 =	sor.u32 s4, s1;
	v44 =	vmul.f32 v59, v50;
	v34 =	vmul.f32 v58, v51  }
0x5f2: {  	s29 =	sand.u32 $0x3, s26;
	[tilespmem:s8+$0x0] =	vst v29;
	v43 =	vadd.f32 v40, v42;
	v48 =	vshll.u32 v55, $0x10;
	v49 =	vshll.u32 v57, $0x10  }
0x5f3: {  	s1 =	sshll.u32 s29, $0x5;
	[tilespmem:s2+$0x200] =	vst v32;
	v63 =	vadd.f32 v44, v34;
	v32 =	vmul.f32 v49, v55;
	v33 =	vmul.f32 v48, v57  }
0x5f4: {  	s1 =	sadd.s32 s1, s10;
	v47 =	vld.idx.msk [tilespmem:v19+s19+$0x0], $0xffff;
	(erf) = vrcp.f32 v43;
	v60 =	vpop (erf)  }
0x5f5: {  	s4 =	sadd.s32 $0x10, s1;
	v62 =	vld.idx.msk [tilespmem:v14+s19+$0x0], $0xffff;
	v61 =	vmul.f32 v60, v36;
	(erf) = vrcp.f32 v63;
	v52 =	vadd.f32 v32, v33  }
0x5f6: {  	s30 =	sor.u32 $0x300, s4;
	v54 =	vmul.f32 v35, v37;
	v50 =	vld.idx.msk [tilespmem:v10+s23+$0x0], $0xffff  }
0x5f7: {  	[tilespmem:s30+$0x14280] =	vst v61;
	v51 =	vld.idx.msk [tilespmem:v11+s23+$0x0], $0xffff;
	(erf) = vrcp.f32 v52  }
0x5f8: {  	v53 =	vld.idx.msk [tilespmem:v8+s25+$0x0], $0xffff;
	v8 =	vmul.f32 v38, v54  }
0x5f9: {  	v56 =	vmul.f32 v39, v41;
	v59 =	vshll.u32 v47, $0x10  }
0x5fa: {  	v30 =	vmul.f32 v30, v31;
	v36 =	vmul.f32 v59, v62;
	v55 =	vld.idx.msk [tilespmem:v12+s25+$0x0], $0xffff;
	v58 =	vpop (erf)  }
0x5fb: {  	v57 =	vshll.u32 v62, $0x10;
	v34 =	vmul.f32 v44, v34;
	v41 =	vpop (erf);
	v38 =	vmul.f32 v58, v56  }
0x5fc: {  	[tilespmem:s9+$0x180] =	vst v8;
	v37 =	vmul.f32 v57, v47;
	v56 =	vmul.f32 v40, v42;
	v8 =	vpop (erf)  }
0x5fd: {  	v32 =	vmul.f32 v32, v33;
	v60 =	vshll.u32 v50, $0x10;
	v61 =	vshll.u32 v51, $0x10;
	v48 =	vpop (erf)  }
0x5fe: {  	v39 =	vld.idx.msk [tilespmem:v4+s22+$0x0], $0xffff;
	v43 =	vmul.f32 v61, v50;
	v29 =	vmul.f32 v60, v51;
	v54 =	vpop (erf)  }
0x5ff: {  	[tilespmem:s16+$0x100] =	vst v38;
	v62 =	vshll.u32 v53, $0x10;
	v52 =	vld.idx.msk [tilespmem:v23+s22+$0x0], $0xffff;
	v63 =	vshll.u32 v55, $0x10;
	v34 =	vmul.f32 v54, v34  }
0x600: {  	v38 =	vld.idx.msk [tilespmem:v7+s21+$0x0], $0xffff;
	v28 =	vmul.f32 v62, v55;
	v12 =	vmul.f32 v63, v53;
	v53 =	vadd.f32 v43, v29;
	v59 =	vpop (erf)  }
0x601: {  	v30 =	vmul.f32 v41, v30;
	v58 =	vld.idx.msk [tilespmem:v18+s21+$0x0], $0xffff;
	[tilespmem:s14+$0x80] =	vst v34;
	v32 =	vmul.f32 v59, v32  }
0x602: {  	v57 =	vadd.f32 v36, v37;
	(erf) = vrcp.f32 v53;
	v55 =	vadd.f32 v12, v28;
	v34 =	vld.idx.msk [tilespmem:v20+s20+$0x0], $0xffff  }
0x603: {  	v33 =	vmul.f32 v48, v56;
	v63 =	vmul.f32 v36, v37;
	v62 =	vld.idx.msk [tilespmem:v21+s20+$0x0], $0xffff;
	[tilespmem:s18+$0x180] =	vst v32  }
0x604: {  	v29 =	vmul.f32 v43, v29;
	v60 =	vshll.u32 v39, $0x10;
	(erf) = vrcp.f32 v55;
	v49 =	vld.idx.msk [tilespmem:v16+s22+$0x0], $0xffff  }
0x605: {  	v61 =	vshll.u32 v52, $0x10;
	v35 =	vmul.f32 v60, v52;
	(erf) = vrcp.f32 v57;
	v52 =	vld.idx.msk [tilespmem:v15+s22+$0x0], $0xffff  }
0x606: {  	v51 =	vshll.u32 v38, $0x10;
	v42 =	vshll.u32 v58, $0x10;
	v39 =	vmul.f32 v61, v39  }
0x607: {  	v43 =	vmul.f32 v51, v58;
	v38 =	vmul.f32 v42, v38  }
0x608: {  	v50 =	vadd.f32 v39, v35;
	v53 =	vshll.u32 v34, $0x10;
	v54 =	vshll.u32 v62, $0x10  }
0x609: {  	v34 =	vmul.f32 v54, v34;
	v37 =	vmul.f32 v53, v62  }
0x60a: {  	(erf) = vrcp.f32 v50;
	v58 =	vshll.u32 v49, $0x10;
	v59 =	vshll.u32 v52, $0x10  }
0x60b: {  	[tilespmem:s7+$0x280] =	vst v33;
	v55 =	vpop (erf);
	v57 =	vadd.f32 v34, v37;
	v36 =	vmul.f32 v59, v49;
	v44 =	vmul.f32 v58, v52  }
0x60c: {  	[tilespmem:s15+$0x14280] =	vst v30;
	v51 =	vld.idx.msk [tilespmem:v3+s24+$0x0], $0xffff;
	v61 =	vadd.f32 v38, v43;
	v56 =	vmul.f32 v55, v29  }
0x60d: {  	v55 =	vld.idx.msk [tilespmem:v1+s25+$0x0], $0xffff;
	v29 =	vpop (erf);
	(erf) = vrcp.f32 v57;
	v48 =	vadd.f32 v36, v44  }
0x60e: {  	[tilespmem:s2+$0x280] =	vst v56;
	v56 =	vld.idx.msk [tilespmem:v2+s25+$0x0], $0xffff;
	v60 =	vpop (erf);
	(erf) = vrcp.f32 v61  }
0x60f: {  	v62 =	vld.idx.msk [tilespmem:v11+s24+$0x0], $0xffff;
	v32 =	vmul.f32 v60, v63;
	(erf) = vrcp.f32 v48  }
0x610: {  	v63 =	vld.idx.msk [tilespmem:v10+s24+$0x0], $0xffff  }
0x611: {  	v49 =	vld.idx.msk [tilespmem:v0+s24+$0x0], $0xffff;
	[tilespmem:s8+$0x80] =	vst v32  }
0x612: {  	v35 =	vmul.f32 v39, v35;
	v32 =	vld.idx.msk [tilespmem:v14+s20+$0x0], $0xffff  }
0x613: {  	v53 =	vpop (erf);
	v34 =	vmul.f32 v34, v37;
	v50 =	vld.idx.msk [tilespmem:v19+s20+$0x0], $0xffff  }
0x614: {  	v30 =	vmul.f32 v53, v35;
	v36 =	vmul.f32 v36, v44  }
0x615: {  	v52 =	vshll.u32 v62, $0x10;
	v61 =	vshll.u32 v51, $0x10;
	v48 =	vshll.u32 v56, $0x10  }
0x616: {  	v54 =	vshll.u32 v63, $0x10;
	v33 =	vmul.f32 v52, v63;
	v31 =	vmul.f32 v61, v49;
	v59 =	vpop (erf)  }
0x617: {  	[tilespmem:s9+$0x200] =	vst v30;
	v1 =	vmul.f32 v48, v55;
	v57 =	vshll.u32 v32, $0x10;
	v30 =	vmul.f32 v59, v34;
	v39 =	vpop (erf)  }
0x618: {  	v60 =	vld.idx.msk [tilespmem:v4+s23+$0x0], $0xffff;
	v40 =	vmul.f32 v54, v62;
	v41 =	vshll.u32 v50, $0x10;
	v35 =	vmul.f32 v57, v50;
	v63 =	vpop (erf)  }
0x619: {  	v9 =	vld.idx.msk [tilespmem:v9+s23+$0x0], $0xffff;
	v58 =	vshll.u32 v49, $0x10;
	v32 =	vmul.f32 v41, v32;
	[tilespmem:s14+$0x100] =	vst v30;
	v30 =	vmul.f32 v63, v36  }
0x61a: {  	v37 =	vmul.f32 v58, v51;
	v62 =	vshll.u32 v55, $0x10;
	v42 =	vadd.f32 v33, v40;
	v50 =	vld.idx.msk [tilespmem:v20+s21+$0x0], $0xffff  }
0x61b: {  	v2 =	vmul.f32 v62, v56;
	v49 =	vadd.f32 v32, v35;
	v52 =	vld.idx.msk [tilespmem:v21+s21+$0x0], $0xffff;
	[tilespmem:s18+$0x200] =	vst v30  }
0x61c: {  	v51 =	vadd.f32 v37, v31;
	(erf) = vrcp.f32 v42;
	v56 =	vld.idx.msk [tilespmem:v16+s23+$0x0], $0xffff  }
0x61d: {  	v55 =	vadd.f32 v1, v2;
	(erf) = vrcp.f32 v49;
	v57 =	vld.idx.msk [tilespmem:v15+s23+$0x0], $0xffff  }
0x61e: {  	v53 =	vshll.u32 v60, $0x10;
	(erf) = vrcp.f32 v51  }
0x61f: {  	v54 =	vshll.u32 v9, $0x10;
	v41 =	vmul.f32 v53, v9;
	(erf) = vrcp.f32 v55  }
0x620: {  	v30 =	vmul.f32 v54, v60;
	v59 =	vshll.u32 v50, $0x10;
	v60 =	vshll.u32 v52, $0x10  }
0x621: {  	v44 =	vmul.f32 v60, v50;
	v36 =	vmul.f32 v59, v52  }
0x622: {  	v58 =	vadd.f32 v30, v41;
	v62 =	vshll.u32 v56, $0x10;
	v63 =	vshll.u32 v57, $0x10  }
0x623: {  	v61 =	vadd.f32 v44, v36;
	v42 =	vmul.f32 v63, v56;
	v45 =	vmul.f32 v62, v57  }
0x624: {  	s31 =	sadd.s32 $0x1, s26;
	(erf) = vrcp.f32 v58  }
0x625: {  	s7 =	sand.u32 $0x3, s31;
	v49 =	vmul.f32 v38, v43;
	(erf) = vrcp.f32 v61;
	v47 =	vadd.f32 v42, v45  }
0x626: {  	s2 =	sshll.u32 s7, $0x5;
	v46 =	vmul.f32 v33, v40  }
0x627: {  	s2 =	sadd.s32 s2, s11;
	v33 =	vmul.f32 v39, v49;
	v48 =	vpop (erf);
	(erf) = vrcp.f32 v47  }
0x628: {  	s7 =	sadd.s32 $0x10, s2;
	v9 =	vmul.f32 v48, v46  }
0x629: {  	s15 =	sor.u32 $0x300, s7;
	v32 =	vmul.f32 v32, v35;
	[tilespmem:s16+$0x180] =	vst v33  }
0x62a: {  	v55 =	vld.idx.msk [tilespmem:v18+s22+$0x0], $0xffff;
	[tilespmem:s15+$0x14280] =	vst v9;
	v50 =	vpop (erf)  }
0x62b: {  	v51 =	vld.idx.msk [tilespmem:v11+s25+$0x0], $0xffff;
	v35 =	vpop (erf);
	v32 =	vmul.f32 v50, v32  }
0x62c: {  	v52 =	vld.idx.msk [tilespmem:v10+s25+$0x0], $0xffff;
	v9 =	vpop (erf)  }
0x62d: {  	v53 =	vmul.f32 v44, v36;
	v36 =	vld.idx.msk [tilespmem:v7+s22+$0x0], $0xffff;
	[tilespmem:s8+$0x100] =	vst v32;
	v33 =	vpop (erf)  }
0x62e: {  	v58 =	vld.idx.msk [tilespmem:v14+s21+$0x0], $0xffff;
	v54 =	vpop (erf)  }
0x62f: {  	v59 =	vmul.f32 v42, v45;
	v61 =	vld.idx.msk [tilespmem:v19+s21+$0x0], $0xffff;
	v56 =	vmul.f32 v54, v53  }
0x630: {  	v62 =	vpop (erf)  }
0x631: {  	v57 =	vshll.u32 v51, $0x10;
	[tilespmem:s14+$0x180] =	vst v56;
	v63 =	vmul.f32 v62, v59  }
0x632: {  	v60 =	vshll.u32 v52, $0x10;
	v10 =	vmul.f32 v57, v52;
	v52 =	vshll.u32 v55, $0x10;
	v48 =	vld.idx.msk [tilespmem:v20+s22+$0x0], $0xffff  }
0x633: {  	v50 =	vshll.u32 v36, $0x10;
	v11 =	vmul.f32 v60, v51;
	v36 =	vmul.f32 v52, v36;
	v49 =	vld.idx.msk [tilespmem:v21+s22+$0x0], $0xffff;
	[tilespmem:s18+$0x280] =	vst v63  }
0x634: {  	v57 =	vshll.u32 v61, $0x10;
	v53 =	vmul.f32 v50, v55;
	v55 =	vshll.u32 v58, $0x10;
	v54 =	vld.idx.msk [tilespmem:v15+s24+$0x0], $0xffff  }
0x635: {  	v51 =	vadd.f32 v10, v11;
	v38 =	vmul.f32 v57, v58;
	v34 =	vmul.f32 v55, v61;
	v56 =	vld.idx.msk [tilespmem:v16+s24+$0x0], $0xffff  }
0x636: {  	v45 =	vadd.f32 v36, v53  }
0x637: {  	v30 =	vmul.f32 v30, v41;
	(erf) = vrcp.f32 v51;
	v60 =	vadd.f32 v38, v34  }
0x638: {  	(erf) = vrcp.f32 v45;
	v58 =	vshll.u32 v48, $0x10;
	v59 =	vshll.u32 v49, $0x10  }
0x639: {  	v40 =	vmul.f32 v59, v48;
	v42 =	vmul.f32 v58, v49  }
0x63a: {  	(erf) = vrcp.f32 v60;
	v61 =	vshll.u32 v54, $0x10;
	v62 =	vshll.u32 v56, $0x10  }
0x63b: {  	v44 =	vmul.f32 v61, v56;
	v63 =	vadd.f32 v40, v42;
	v39 =	vmul.f32 v62, v54;
	_ =	sdelay $0x1  }
0x63c: {  	v30 =	vmul.f32 v33, v30;
	(erf) = vrcp.f32 v63;
	v46 =	vadd.f32 v44, v39;
	_ =	sdelay $0x1  }
0x63d: {  	v31 =	vmul.f32 v37, v31;
	(erf) = vrcp.f32 v46  }
0x63e: {  	[tilespmem:s9+$0x280] =	vst v30  }
0x63f: {  	v31 =	vmul.f32 v35, v31;
	v47 =	vld.idx.msk [tilespmem:v4+s24+$0x0], $0xffff;
	v32 =	vmul.f32 v36, v53;
	v30 =	vpop (erf)  }
0x640: {  	s18 =	sor.u32 $0x300, s1;
	v48 =	vld.idx.msk [tilespmem:v23+s24+$0x0], $0xffff;
	v49 =	vpop (erf)  }
0x641: {  	v34 =	vmul.f32 v38, v34;
	[tilespmem:s18+$0x14280] =	vst v31;
	v32 =	vmul.f32 v49, v32  }
0x642: {  	v50 =	vld.idx.msk [tilespmem:v3+s25+$0x0], $0xffff;
	v53 =	vpop (erf)  }
0x643: {  	s10 =	sadd.s32 $0x1, s31;
	v51 =	vld.idx.msk [tilespmem:v0+s25+$0x0], $0xffff;
	v52 =	vmul.f32 v40, v42;
	v34 =	vmul.f32 v53, v34;
	[tilespmem:s16+$0x200] =	vst v32  }
0x644: {  	s26 =	sand.u32 $0x3, s10;
	v56 =	vshll.u32 v47, $0x10;
	v55 =	vld.idx.msk [tilespmem:v7+s23+$0x0], $0xffff;
	v54 =	vpop (erf)  }
0x645: {  	s9 =	sshll.u32 s26, $0x5;
	v39 =	vmul.f32 v44, v39;
	v57 =	vshll.u32 v48, $0x10;
	v13 =	vld.idx.msk [tilespmem:v13+s23+$0x0], $0xffff;
	[tilespmem:s8+$0x180] =	vst v34;
	v0 =	vmul.f32 v54, v52  }
0x646: {  	s0 =	sadd.s32 s9, s0;
	v31 =	vmul.f32 v56, v48;
	v33 =	vmul.f32 v57, v47;
	v47 =	vld.idx.msk [tilespmem:v14+s22+$0x0], $0xffff;
	v58 =	vpop (erf)  }
0x647: {  	s9 =	sadd.s32 $0x10, s0;
	v48 =	vld.idx.msk [tilespmem:v19+s22+$0x0], $0xffff;
	[tilespmem:s14+$0x200] =	vst v0;
	v32 =	vmul.f32 v58, v39  }
0x648: {  	s28 =	sor.u32 $0x300, s9;
	v59 =	vshll.u32 v50, $0x10;
	v60 =	vshll.u32 v51, $0x10;
	v62 =	vadd.f32 v33, v31;
	v61 =	vld.idx.msk [tilespmem:v20+s23+$0x0], $0xffff  }
0x649: {  	v3 =	vmul.f32 v59, v51;
	v0 =	vmul.f32 v60, v50;
	v63 =	vld.idx.msk [tilespmem:v21+s23+$0x0], $0xffff;
	[tilespmem:s28+$0x14280] =	vst v32  }
0x64a: {  	(erf) = vrcp.f32 v62;
	v44 =	vld.idx.msk [tilespmem:v16+s25+$0x0], $0xffff  }
0x64b: {  	v42 =	vshll.u32 v55, $0x10;
	v43 =	vshll.u32 v13, $0x10;
	v38 =	vadd.f32 v0, v3;
	v46 =	vld.idx.msk [tilespmem:v15+s25+$0x0], $0xffff  }
0x64c: {  	v45 =	vmul.f32 v43, v55;
	v32 =	vmul.f32 v42, v13  }
0x64d: {  	v53 =	vshll.u32 v47, $0x10;
	(erf) = vrcp.f32 v38  }
0x64e: {  	v13 =	vadd.f32 v45, v32;
	v49 =	vshll.u32 v61, $0x10;
	v50 =	vshll.u32 v63, $0x10  }
0x64f: {  	v54 =	vshll.u32 v48, $0x10;
	v39 =	vmul.f32 v50, v61;
	v35 =	vmul.f32 v49, v63  }
0x650: {  	(erf) = vrcp.f32 v13;
	v51 =	vshll.u32 v44, $0x10;
	v52 =	vshll.u32 v46, $0x10  }
0x651: {  	v40 =	vadd.f32 v39, v35;
	v13 =	vmul.f32 v52, v44;
	v15 =	vmul.f32 v51, v46  }
0x652: {  	v36 =	vmul.f32 v54, v47;
	v16 =	vmul.f32 v53, v48  }
0x653: {  	(erf) = vrcp.f32 v40;
	v55 =	vadd.f32 v13, v15  }
0x654: {  	v38 =	vadd.f32 v36, v16  }
0x655: {  	(erf) = vrcp.f32 v55  }
0x656: {  	(erf) = vrcp.f32 v38;
	_ =	sdelay $0x1  }
0x657: {  	v31 =	vmul.f32 v33, v31  }
0x658: {  	v56 =	vpop (erf)  }
0x659: {  	v32 =	vmul.f32 v45, v32;
	v31 =	vmul.f32 v56, v31;
	v34 =	vpop (erf)  }
0x65a: {  	s29 =	sor.u32 $0x300, s2;
	v35 =	vmul.f32 v39, v35;
	v57 =	vpop (erf)  }
0x65b: {  	[tilespmem:s29+$0x14280] =	vst v31;
	v32 =	vmul.f32 v57, v32;
	v58 =	vpop (erf)  }
0x65c: {  	v62 =	vld.idx.msk [tilespmem:v4+s25+$0x0], $0xffff;
	v35 =	vmul.f32 v58, v35  }
0x65d: {  	v16 =	vmul.f32 v36, v16;
	v63 =	vld.idx.msk [tilespmem:v23+s25+$0x0], $0xffff;
	[tilespmem:s16+$0x280] =	vst v32;
	v33 =	vpop (erf)  }
0x65e: {  	v32 =	vld.idx.msk [tilespmem:v7+s24+$0x0], $0xffff;
	[tilespmem:s14+$0x280] =	vst v35;
	v60 =	vpop (erf)  }
0x65f: {  	v35 =	vld.idx.msk [tilespmem:v20+s24+$0x0], $0xffff;
	v16 =	vmul.f32 v60, v16  }
0x660: {  	v59 =	vld.idx.msk [tilespmem:v21+s24+$0x0], $0xffff  }
0x661: {  	v61 =	vld.idx.msk [tilespmem:v18+s24+$0x0], $0xffff;
	[tilespmem:s8+$0x200] =	vst v16  }
0x662: {  	v16 =	vld.idx.msk [tilespmem:v14+s23+$0x0], $0xffff  }
0x663: {  	v47 =	vshll.u32 v63, $0x10;
	v48 =	vshll.u32 v62, $0x10;
	v17 =	vld.idx.msk [tilespmem:v17+s23+$0x0], $0xffff  }
0x664: {  	v4 =	vmul.f32 v47, v62;
	v23 =	vmul.f32 v48, v63  }
0x665: {  	v44 =	vshll.u32 v32, $0x10;
	v42 =	vshll.u32 v35, $0x10;
	v43 =	vshll.u32 v59, $0x10  }
0x666: {  	v45 =	vshll.u32 v61, $0x10;
	v35 =	vmul.f32 v43, v35;
	v36 =	vmul.f32 v42, v59  }
0x667: {  	v32 =	vmul.f32 v45, v32;
	v31 =	vmul.f32 v44, v61  }
0x668: {  	v46 =	vadd.f32 v35, v36;
	v49 =	vshll.u32 v16, $0x10;
	v50 =	vshll.u32 v17, $0x10  }
0x669: {  	v51 =	vadd.f32 v32, v31;
	v17 =	vmul.f32 v49, v17;
	v16 =	vmul.f32 v50, v16  }
0x66a: {  	v52 =	vadd.f32 v4, v23;
	(erf) = vrcp.f32 v46  }
0x66b: {  	(erf) = vrcp.f32 v51;
	v38 =	vadd.f32 v16, v17  }
0x66c: {  	(erf) = vrcp.f32 v52  }
0x66d: {  	(erf) = vrcp.f32 v38;
	_ =	sdelay $0x3  }
0x66e: {  	s10 =	sadd.s32 $0x1, s10  }
0x66f: {  	s10 =	sand.u32 $0x3, s10  }
0x670: {  	s10 =	sshll.u32 s10, $0x5;
	v35 =	vmul.f32 v35, v36;
	v53 =	vpop (erf)  }
0x671: {  	s5 =	sadd.s32 s10, s5;
	v54 =	vpop (erf)  }
0x672: {  	s10 =	sadd.s32 $0x10, s5;
	v16 =	vmul.f32 v16, v17;
	v35 =	vmul.f32 v53, v35;
	v17 =	vpop (erf)  }
0x673: {  	s30 =	sor.u32 $0x300, s10;
	v55 =	vpop (erf)  }
0x674: {  	[tilespmem:s30+$0x14280] =	vst v35;
	v16 =	vmul.f32 v55, v16  }
0x675: {  	v56 =	vld.idx.msk [tilespmem:v20+s25+$0x0], $0xffff  }
0x676: {  	v57 =	vld.idx.msk [tilespmem:v21+s25+$0x0], $0xffff;
	[tilespmem:s8+$0x280] =	vst v16  }
0x677: {  	v16 =	vld.idx.msk [tilespmem:v14+s24+$0x0], $0xffff  }
0x678: {  	v58 =	vld.idx.msk [tilespmem:v19+s24+$0x0], $0xffff;
	_ =	sdelay $0x2  }
0x679: {  	v59 =	vshll.u32 v57, $0x10  }
0x67a: {  	v60 =	vshll.u32 v56, $0x10;
	v20 =	vmul.f32 v59, v56  }
0x67b: {  	v21 =	vmul.f32 v60, v57;
	v61 =	vshll.u32 v16, $0x10;
	v62 =	vshll.u32 v58, $0x10  }
0x67c: {  	v16 =	vmul.f32 v62, v16;
	v35 =	vmul.f32 v61, v58  }
0x67d: {  	v63 =	vadd.f32 v20, v21  }
0x67e: {  	v38 =	vadd.f32 v16, v35  }
0x67f: {  	(erf) = vrcp.f32 v63  }
0x680: {  	(erf) = vrcp.f32 v38;
	_ =	sdelay $0x5  }
0x681: {  	v31 =	vmul.f32 v32, v31;
	_ =	sdelay $0x1  }
0x682: {  	v31 =	vmul.f32 v54, v31;
	v16 =	vmul.f32 v16, v35;
	v38 =	vpop (erf)  }
0x683: {  	s31 =	sor.u32 $0x300, s0;
	v39 =	vpop (erf)  }
0x684: {  	[tilespmem:s31+$0x14280] =	vst v31;
	v16 =	vmul.f32 v39, v16  }
0x685: {  	s11 =	sor.u32 $0x300, s5;
	v40 =	vld.idx.msk [tilespmem:v7+s25+$0x0], $0xffff  }
0x686: {  	v41 =	vld.idx.msk [tilespmem:v18+s25+$0x0], $0xffff;
	[tilespmem:s11+$0x14280] =	vst v16  }
0x687: {  	v42 =	vld.idx.msk [tilespmem:v14+s25+$0x0], $0xffff  }
0x688: {  	v43 =	vld.idx.msk [tilespmem:v19+s25+$0x0], $0xffff;
	_ =	sdelay $0x2  }
0x689: {  	v44 =	vshll.u32 v41, $0x10  }
0x68a: {  	v24 =	vmul.f32 v24, v25;
	v45 =	vshll.u32 v40, $0x10;
	v7 =	vmul.f32 v44, v40  }
0x68b: {  	v16 =	vmul.f32 v45, v41;
	v46 =	vshll.u32 v42, $0x10;
	v47 =	vshll.u32 v43, $0x10  }
0x68c: {  	v14 =	vmul.f32 v47, v42;
	v18 =	vmul.f32 v46, v43  }
0x68d: {  	v48 =	vadd.f32 v7, v16  }
0x68e: {  	v22 =	vmul.f32 v26, v22;
	v24 =	vmul.f32 v27, v24;
	v25 =	vadd.f32 v14, v18  }
0x68f: {  	v5 =	vmul.f32 v5, v6;
	(erf) = vrcp.f32 v48  }
0x690: {  	v1 =	vmul.f32 v1, v2;
	(erf) = vrcp.f32 v25  }
0x691: {  	s6 =	sor.u32 $0x380, s6;
	[tilespmem:s12+$0x14280] =	vst v22;
	v5 =	vmul.f32 v8, v5;
	v0 =	vmul.f32 v0, v3  }
0x692: {  	[tilespmem:s6+$0x14280] =	vst v24;
	v1 =	vmul.f32 v9, v1;
	v49 =	vmul.f32 v12, v28  }
0x693: {  	[tilespmem:s13+$0x14280] =	vst v5;
	v0 =	vmul.f32 v34, v0;
	v51 =	vmul.f32 v10, v11  }
0x694: {  	[tilespmem:s17+$0x14280] =	vst v1;
	s1 =	sor.u32 $0x380, s1;
	v50 =	vmul.f32 v29, v49;
	v53 =	vmul.f32 v13, v15  }
0x695: {  	s4 =	sor.u32 $0x380, s4;
	[tilespmem:s1+$0x14280] =	vst v0;
	v52 =	vmul.f32 v30, v51;
	v54 =	vmul.f32 v4, v23  }
0x696: {  	s14 =	sor.u32 $0x380, s7;
	[tilespmem:s4+$0x14280] =	vst v50;
	v55 =	vmul.f32 v33, v53;
	v56 =	vmul.f32 v20, v21  }
0x697: {  	s15 =	sor.u32 $0x380, s9;
	[tilespmem:s14+$0x14280] =	vst v52;
	v57 =	vmul.f32 v17, v54;
	v58 =	vmul.f32 v7, v16  }
0x698: {  	s16 =	sor.u32 $0x380, s2;
	[tilespmem:s15+$0x14280] =	vst v55;
	v59 =	vmul.f32 v38, v56;
	v61 =	vmul.f32 v14, v18;
	v60 =	vpop (erf)  }
0x699: {  	s17 =	sor.u32 $0x380, s10;
	[tilespmem:s16+$0x14280] =	vst v57;
	v62 =	vmul.f32 v60, v58;
	v63 =	vpop (erf)  }
0x69a: {  	s0 =	sor.u32 $0x380, s0;
	[tilespmem:s17+$0x14280] =	vst v59;
	v1 =	vmul.f32 v63, v61  }
0x69b: {  	s18 =	sor.u32 $0x380, s5;
	[tilespmem:s0+$0x14280] =	vst v62  }
0x69c: {  	[tilespmem:s18+$0x14280] =	vst v1  }
0x69d: {  	s26 =	simm.s32 $0x14280;
	s28 =	simm.s32 $0x3;
	s0 =	rddreg [dreg:$0xf]  }
0x69e: {  	[hbm4b:s0+s3] =	stream.linear.scatter [tilespmem:s26], [sflag:$0x3], $0x2800, $0x38;
	[tilespmem:$0x19280] =	vst v63  }
0x69f: {  	_ =	swait.ge [sflag:s28], $0x2800  }
0x6a0: {  	[sflag:s28] =	ssyncset.done $0x0  }
0x6a1: {  	s29 =	simm.s32 $0x4;
	[sflag:s28] =	ssyncadd.s32 $0xFFFFD800  }
0x6a2: {  	_ =	swait.ge [sflag:s29], $0x2800  }
0x6a3: {  	s30 =	rddreg [dreg:$0x11]  }
0x6a4: {  	s31 =	rddreg [dreg:$0x10];
	s2 =	sadd.s32 $0x1, s30  }
0x6a5: {  	p0 =	sne.s32 s2, s31  }
.Ltmp4:
0x6a6: {  	_ = 	snop;
	(pc) =	sbr.rel @p0 .LBB2_1-.Ltmp4, $3  }
0x6a7: {  	_ =	sdelay $0x1  }
0x6a8: {  	[sflag:s29] =	ssyncset.done $0x0  }
0x6a9: {  	[sflag:s29] =	ssyncadd.s32 $0xFFFFD800  }
0x6aa: {  	_ =	sfence.sel $0x180000  }
0x6ab: {  	[bflag:$0x0] =	sbarrier.arrive $0xFFFF  }
0x6ac: {  	_ =	strace $0x90000047  }
0x6ad: {  	s0 =	stileid.u32;
	[bflag:$0x2] =	sbarrier.arrive $0xFFFF  }
0x6ae: {  	p0 =	sne.s32 s0, $0x0;
	s0 =	rddreg [dreg:$0x2]  }
0x6af: {  	s0 =	sadd.s32 @!p0 $0x100000, s0  }
0x6b0: {  	[sflag:s0] =	ssyncadd.tile.s32 @!p0 $0x1;
	_ =	shalt  }
.Lfunc_end2:
_tile_overlayer_lowered:
.L_overlay_start_2:
0x6b1: {  	(tag) =	ssettag $0x2  }
0x6b2: {  	s0 =	rddreg [dreg:$0x0];
	s2 =	stileid.u32  }
0x6b3: {  	s1 =	rddreg [dreg:$0x1];
	p0 =	sne.s32 s2, $0x0  }
0x6b4: {  	s3 =	rddreg [dreg:$0x2];
	[bflag:$0x3] =	sbarrier.arrive $0xFFFF;
	s2 =	simm.s32 @!p0 $0x1C05  }
0x6b5: {  	[timem:s3], [sflag:s2] =	dma.local @!p0 [hbm:s0], s1  }
0x6b6: {  	s0 =	simm.s32 @!p0 $0x5  }
0x6b7: {  	_ =	swait.ge @!p0 [sflag:s0], s1  }
0x6b8: {  	s1 =	ssub.s32 @!p0 $0x0, s1;
	[sflag:s0] =	ssyncset.done @!p0 $0x0  }
0x6b9: {  	[sflag:s0] =	ssyncadd.s32 @!p0 s1  }
0x6ba: {  	[bflag:$0x3] =	sbarrier.arrive $0xFFFF  }
0x6bb: {  	_ =	shalt  }

</sc_bundles>
